<compile_context>
chip_gen: v7x
topology: tpu7x:2x2x1
jax: 0.10.2.dev20260603
libtpu: 0.0.44.dev20260713+nightly
codegen_flags: <defaults>
</compile_context>

<pallas_src>
import functools

import jax
import jax.numpy as jnp
from jax import lax
from jax.experimental import pallas as pl
from jax.experimental.pallas import tpu as pltpu
from jax.experimental.pallas import tpu_sc as plsc

_F32 = jnp.float32


def _proj_body(x_ref, wv_ref, wsc_ref, xo_ref, so_ref):
    xb = x_ref[...]
    xo_ref[...] = jnp.dot(xb, wv_ref[...], preferred_element_type=_F32)
    so_ref[...] = jnp.dot(xb, wsc_ref[...], preferred_element_type=_F32)


def _project(Xf, value, wsc, blk):
    rows = Xf.shape[0]
    C = Xf.shape[1]
    grid = rows // blk
    return pl.pallas_call(
        _proj_body,
        grid=(grid,),
        in_specs=[
            pl.BlockSpec((blk, C), lambda i: (i, 0)),
            pl.BlockSpec((C, C), lambda i: (0, 0)),
            pl.BlockSpec((C, 8), lambda i: (0, 0)),
        ],
        out_specs=[
            pl.BlockSpec((blk, C), lambda i: (i, 0)),
            pl.BlockSpec((blk, 8), lambda i: (i, 0)),
        ],
        out_shape=[
            jax.ShapeDtypeStruct((rows, C), _F32),
            jax.ShapeDtypeStruct((rows, 8), _F32),
        ],
    )(Xf, value, wsc)


def _gate_body(ew_ref, we_ref, g_ref):
    t = ew_ref[...] * we_ref[...]
    g_ref[...] = 1.0 / (1.0 + jnp.exp(-t))


def _gate(ew_bc, we_row, blk):
    Ep, C = ew_bc.shape
    return pl.pallas_call(
        _gate_body,
        grid=(Ep // blk,),
        in_specs=[
            pl.BlockSpec((blk, C), lambda i: (i, 0)),
            pl.BlockSpec((1, C), lambda i: (0, 0)),
        ],
        out_specs=pl.BlockSpec((blk, C), lambda i: (i, 0)),
        out_shape=jax.ShapeDtypeStruct((Ep, C), _F32),
    )(ew_bc, we_row)


def _update_body(x_ref, a_ref, w1_ref, w2_ref, cb_ref, g_ref, b_ref, o_ref):
    xb = x_ref[...]
    h = (jnp.dot(xb, w1_ref[...], preferred_element_type=_F32)
         + jnp.dot(a_ref[...], w2_ref[...], preferred_element_type=_F32)
         + cb_ref[...])
    mu = jnp.mean(h, axis=-1, keepdims=True)
    var = jnp.mean((h - mu) * (h - mu), axis=-1, keepdims=True)
    hn = (h - mu) * lax.rsqrt(var + 1e-5) * g_ref[...] + b_ref[...]
    o_ref[...] = xb + jnp.maximum(hn, 0.0)


def _update(xf, aggr, w1, w2, cat_b, ln_g, ln_b, blk):
    rows, C = xf.shape
    grid = rows // blk
    vec = lambda i: (0, 0)
    return pl.pallas_call(
        _update_body,
        grid=(grid,),
        in_specs=[
            pl.BlockSpec((blk, C), lambda i: (i, 0)),
            pl.BlockSpec((blk, C), lambda i: (i, 0)),
            pl.BlockSpec((C, C), vec),
            pl.BlockSpec((C, C), vec),
            pl.BlockSpec((1, C), vec),
            pl.BlockSpec((1, C), vec),
            pl.BlockSpec((1, C), vec),
        ],
        out_specs=pl.BlockSpec((blk, C), lambda i: (i, 0)),
        out_shape=jax.ShapeDtypeStruct((rows, C), _F32),
    )(xf, aggr, w1, w2, cat_b, ln_g, ln_b)


def _make_sc_aggregate(N, C, E_pad, K, n_tiles):
    chunks = E_pad // (n_tiles * K)
    wb = 80
    nburst = N // wb
    max_b = -(-nburst // n_tiles)
    mesh = plsc.VectorSubcoreMesh(core_axis_name="c", subcore_axis_name="s")

    @functools.partial(
        pl.kernel,
        mesh=mesh,
        compiler_params=pltpu.CompilerParams(needs_layout_passes=False),
        out_type=jax.ShapeDtypeStruct((2 * N, C), _F32),
        scratch_types=[
            pltpu.VMEM((N,), _F32),
            pltpu.VMEM((N,), _F32),
            pltpu.VMEM((K,), jnp.int32),
            pltpu.VMEM((K,), jnp.int32),
            pltpu.VMEM((K,), _F32),
            pltpu.VMEM((K,), jnp.int32),
            pltpu.VMEM((K, C), _F32),
            pltpu.VMEM((K, C), _F32),
            pltpu.VMEM_SHARED((N, C), _F32),
            pltpu.SemaphoreType.DMA,
        ],
    )
    def sc_aggregate(x_hbm, asrc_hbm, adst_hbm, src_hbm, dst_hbm,
                     ewe_hbm, gate_hbm, out_hbm,
                     asrc_v, adst_v, src_v, dst_v, ewe_v,
                     soff_v, g_v, rows_v, agg_sh, sem):
        c = lax.axis_index("c")
        s = lax.axis_index("s")
        cN = c * N

        pltpu.sync_copy(asrc_hbm.at[pl.ds(cN, N)], asrc_v)
        pltpu.sync_copy(adst_hbm.at[pl.ds(cN, N)], adst_v)
        e0 = s * chunks * K

        def _zrow(e, _):
            for j in range(C // 16):
                rows_v[e, pl.ds(j * 16, 16)] = jnp.zeros((16,), _F32)
            return 0
        lax.fori_loop(0, wb, _zrow, 0)
        for r in range(max_b):
            b = s + r * n_tiles

            @pl.when(b < nburst)
            def _init_burst(b=b):
                pltpu.sync_copy(rows_v.at[pl.ds(0, wb)],
                                agg_sh.at[pl.ds(b * wb, wb)])
        plsc.subcore_barrier()

        def _chunk(i, _):
            base_e = e0 + i * K
            pltpu.sync_copy(src_hbm.at[pl.ds(base_e, K)], src_v)
            pltpu.sync_copy(dst_hbm.at[pl.ds(base_e, K)], dst_v)
            pltpu.sync_copy(ewe_hbm.at[pl.ds(base_e, K)], ewe_v)
            for g in range(K // 16):
                sl = pl.ds(g * 16, 16)
                soff_v[sl] = src_v[sl] + cN
            gather = pltpu.async_copy(x_hbm.at[soff_v], rows_v, sem)
            pltpu.sync_copy(gate_hbm.at[pl.ds(base_e, K)], g_v)
            gather.wait()

            def _group(g, _):
                sl = pl.ds(g * 16, 16)
                isrc = src_v[sl]
                idst = dst_v[sl]
                a_s = plsc.load_gather(asrc_v, [isrc])
                a_d = plsc.load_gather(adst_v, [idst])
                att16 = 1.0 / (1.0 + jnp.exp(-(a_s + a_d + ewe_v[sl])))
                base = g * 16
                for l in range(16):
                    att_e = att16[l]
                    for j in range(C // 16):
                        slj = pl.ds(j * 16, 16)
                        rows_v[base + l, slj] = (att_e * g_v[base + l, slj]
                                                 * rows_v[base + l, slj])
                return 0
            lax.fori_loop(0, K // 16, _group, 0)

            pltpu.sync_copy(rows_v, agg_sh.at[dst_v], add=True)
            return 0
        lax.fori_loop(0, chunks, _chunk, 0)

        plsc.subcore_barrier()
        for r in range(max_b):
            b = s + r * n_tiles

            @pl.when(b < nburst)
            def _write_burst(b=b):
                pltpu.sync_copy(agg_sh.at[pl.ds(b * wb, wb)],
                                rows_v.at[pl.ds(0, wb)])
                pltpu.sync_copy(rows_v.at[pl.ds(0, wb)],
                                out_hbm.at[pl.ds(cN + b * wb, wb)])

    return sc_aggregate


def kernel(X, edge_index, edge_weight, value, key_w, query_w, weight_e,
           att_W, att_b, cat_W, cat_b, ln_g, ln_b):
    B, N, C = X.shape
    E = edge_index.shape[1]
    n_tiles = 16
    K = 96
    per_tile = -(-E // n_tiles)
    per_tile = -(-per_tile // K) * K
    E_pad = per_tile * n_tiles

    vk = value @ (key_w @ att_W[:C, 0])
    vq = value @ (query_w @ att_W[C:2 * C, 0])
    ce = weight_e[0] @ att_W[2 * C:, 0]
    wsc = jnp.zeros((C, 8), _F32).at[:, 0].set(vq).at[:, 1].set(vk)

    src = edge_index[0].astype(jnp.int32)
    dst = edge_index[1].astype(jnp.int32)
    ew = edge_weight.astype(_F32)
    ew_eff = ew * ce + att_b[0]
    pad = E_pad - E
    if pad:
        iz = jnp.zeros((pad,), jnp.int32)
        src = jnp.concatenate([src, iz])
        dst = jnp.concatenate([dst, iz])
        ew = jnp.concatenate([ew, jnp.zeros((pad,), _F32)])
        ew_eff = jnp.concatenate([ew_eff, jnp.full((pad,), -1e30, _F32)])
    Xf = X.reshape(B * N, C)
    xf, sc2 = _project(Xf, value, wsc, blk=1000)
    asrc = sc2[:, 0]
    adst = sc2[:, 1]

    ew_bc = jnp.broadcast_to(ew[:, None], (E_pad, C))
    gate = _gate(ew_bc, weight_e[0].reshape(1, C), blk=1280)

    sc_fn = _make_sc_aggregate(N, C, E_pad, K, n_tiles)
    aggr = sc_fn(xf, asrc, adst, src, dst, ew_eff, gate)

    out = _update(xf, aggr, cat_W[:C], cat_W[C:], cat_b.reshape(1, C),
                  ln_g.reshape(1, C), ln_b.reshape(1, C), blk=1000)
    return out.reshape(B, N, C)

# --- scband reference (transcript-rebuilt; emitter-appended) ---
"""Pipeline reference for scband-my-egnnnet-21071109554393 (READ-ONLY COPY).

The authoritative reference and input builder live on the scoring server;
editing this copy changes nothing except your own understanding.
"""

import jax, jax.numpy as jnp
import numpy as np


def _xavier(k, shape):
    fan_in, fan_out = shape[0], shape[1]
    lim = float(np.sqrt(6.0 / (fan_in + fan_out)))
    return jax.random.uniform(k, shape, jnp.float32, -lim, lim)


def setup_inputs(seed: int = 0):
    key = jax.random.key(seed)
    ks = jax.random.split(key, 12)
    B, N, E, C = 2, 10000, 160000, 128
    X = jax.random.normal(ks[0], (B, N, C), dtype=jnp.float32)
    edge_index = jax.random.randint(ks[1], (2, E), 0, N, dtype=jnp.int64) if jax.config.jax_enable_x64 else jax.random.randint(ks[1], (2, E), 0, N)
    edge_weight = jax.random.normal(ks[2], (E,), dtype=jnp.float32)
    value = _xavier(ks[3], (C, C))
    key_w = _xavier(ks[4], (C, C))
    query_w = _xavier(ks[5], (C, C))
    weight_e = _xavier(ks[6], (1, C))
    att_W = _xavier(ks[7], (3 * C, 1))
    att_b = jnp.zeros((1,), jnp.float32)
    cat_W = _xavier(ks[8], (2 * C, C))
    cat_b = jnp.zeros((C,), jnp.float32)
    ln_g = jnp.ones((C,), jnp.float32)
    ln_b = jnp.zeros((C,), jnp.float32)
    return {"X": X, "edge_index": edge_index, "edge_weight": edge_weight, "value": value, "key_w": key_w, "query_w": query_w, "weight_e": weight_e, "att_W": att_W, "att_b": att_b, "cat_W": cat_W, "cat_b": cat_b, "ln_g": ln_g, "ln_b": ln_b}


def reference(X, edge_index, edge_weight, value, key_w, query_w, weight_e, att_W, att_b, cat_W, cat_b, ln_g, ln_b):
    N = X.shape[1]
    # x = X @ value  (node value projection)
    x = jnp.matmul(X, value)  # [B, N, C]
    # edge_feature = edge_weight.unsqueeze(-1); edge_emb = edge_feature @ weight_e
    edge_feature = edge_weight[:, None]  # [E, 1]
    edge_emb = jnp.matmul(edge_feature, weight_e)  # [E, C]
    src = edge_index[0]
    dst = edge_index[1]
    # gather along node_dim=1
    x_j = jnp.take(x, src, axis=1)  # [B, E, C]
    x_i = jnp.take(x, dst, axis=1)  # [B, E, C]
    q = jnp.matmul(x_j, query_w)
    kk = jnp.matmul(x_i, key_w)
    # edge_emb.repeat(B, 1, 1)
    ee = jnp.broadcast_to(edge_emb[None, :, :], (x_j.shape[0], edge_emb.shape[0], edge_emb.shape[1]))
    att_feature = jnp.concatenate([kk, q, ee], axis=-1)  # [B, E, 3C]
    att = jax.nn.sigmoid(jnp.matmul(att_feature, att_W) + att_b)  # [B, E, 1]
    gate = jax.nn.sigmoid(ee)
    msg = att * x_j * gate  # [B, E, C]
    # scatter-add aggregation along node_dim=1 by dst
    msg_t = jnp.swapaxes(msg, 0, 1)  # [E, B, C]
    aggr = jax.ops.segment_sum(msg_t, dst, num_segments=N)  # [N, B, C]
    aggr = jnp.swapaxes(aggr, 0, 1)  # [B, N, C]
    # update: linear_concat, layer_norm, residual relu
    h = jnp.matmul(jnp.concatenate([x, aggr], axis=-1), cat_W) + cat_b
    mu = jnp.mean(h, axis=-1, keepdims=True)
    var = jnp.var(h, axis=-1, keepdims=True)
    hn = (h - mu) / jnp.sqrt(var + 1e-5) * ln_g + ln_b
    return x + jax.nn.relu(hn)

if __name__ == "__main__":
    import jax
    _d = setup_inputs()
    print(jax.jit(kernel)(*tuple(_d.values())))

</pallas_src>

<mosaic_0001>
#map = affine_map<(d0, d1) -> (0, 0)>
#map1 = affine_map<(d0, d1) -> (0)>
module attributes {stable_mosaic.version = 14 : i64} {
  func.func @sc_aggregate(%arg0: i32, %arg1: i32, %arg2: memref<20000x128xf32, #tpu.memory_space<hbm>>, %arg3: memref<20000xf32, #tpu.memory_space<hbm>>, %arg4: memref<20000xf32, #tpu.memory_space<hbm>>, %arg5: memref<161280xi32, #tpu.memory_space<hbm>>, %arg6: memref<161280xi32, #tpu.memory_space<hbm>>, %arg7: memref<161280xf32, #tpu.memory_space<hbm>>, %arg8: memref<161280x128xf32, #tpu.memory_space<hbm>>, %arg9: memref<20000x128xf32, #tpu.memory_space<hbm>>, %arg10: memref<10000xf32, #tpu.memory_space<vmem>>, %arg11: memref<10000xf32, #tpu.memory_space<vmem>>, %arg12: memref<96xi32, #tpu.memory_space<vmem>>, %arg13: memref<96xi32, #tpu.memory_space<vmem>>, %arg14: memref<96xf32, #tpu.memory_space<vmem>>, %arg15: memref<96xi32, #tpu.memory_space<vmem>>, %arg16: memref<96x128xf32, #tpu.memory_space<vmem>>, %arg17: memref<96x128xf32, #tpu.memory_space<vmem>>, %arg18: memref<10000x128xf32, #tpu.memory_space<vmem_shared>>, %arg19: memref<!tpu.dma_semaphore, #tpu.memory_space<semaphore_mem>>) attributes {dimension_semantics = [#tpu.dimension_semantics<core_parallel>, #tpu.dimension_semantics<subcore_parallel>], iteration_bounds = array<i64: 2, 16>, scalar_prefetch = 0 : i64, scratch_operands = 10 : i64, tpu.core_type = #tpu.core_type<sc_vector_subcore>, window_params = [{transform_indices = #map}, {transform_indices = #map1}, {transform_indices = #map1}, {transform_indices = #map1}, {transform_indices = #map1}, {transform_indices = #map1}, {transform_indices = #map}, {transform_indices = #map}]} {
    %mul3A = arith.constant 10000 : i32
    %mul3A_0 = arith.muli %arg0, %mul3A : i32
    "tpu.region"() ({
      %run_scoped3A = tpu.sem_alloc : memref<!tpu.dma_semaphore, #tpu.memory_space<semaphore_mem>>
      %dma_start3A = tpu.memref_slice %arg3[%mul3A_0] : memref<20000xf32, #tpu.memory_space<hbm>> -> memref<10000xf32, #tpu.memory_space<hbm>>
      %dma_start3A_127 = tpu.memref_slice %arg3[%mul3A_0] : memref<20000xf32, #tpu.memory_space<hbm>> -> memref<10000xf32, #tpu.memory_space<hbm>>
      tpu.enqueue_dma source(%dma_start3A_127 : memref<10000xf32, #tpu.memory_space<hbm>>) target(%arg10 : memref<10000xf32, #tpu.memory_space<vmem>>) target_semaphore(%run_scoped3A : memref<!tpu.dma_semaphore, #tpu.memory_space<semaphore_mem>>)
      %dma_wait3A = tpu.memref_slice %arg3[%mul3A_0] : memref<20000xf32, #tpu.memory_space<hbm>> -> memref<10000xf32, #tpu.memory_space<hbm>>
      %dma_wait3A_128 = tpu.memref_slice %arg3[%mul3A_0] : memref<20000xf32, #tpu.memory_space<hbm>> -> memref<10000xf32, #tpu.memory_space<hbm>>
      tpu.wait_dma2 semaphore(%run_scoped3A : memref<!tpu.dma_semaphore, #tpu.memory_space<semaphore_mem>>) src(%dma_wait3A_128 : memref<10000xf32, #tpu.memory_space<hbm>>) dst(%arg10 : memref<10000xf32, #tpu.memory_space<vmem>>)
      tpu.yield
    }) : () -> ()
    "tpu.region"() ({
      %run_scoped3A = tpu.sem_alloc : memref<!tpu.dma_semaphore, #tpu.memory_space<semaphore_mem>>
      %dma_start3A = tpu.memref_slice %arg4[%mul3A_0] : memref<20000xf32, #tpu.memory_space<hbm>> -> memref<10000xf32, #tpu.memory_space<hbm>>
      %dma_start3A_127 = tpu.memref_slice %arg4[%mul3A_0] : memref<20000xf32, #tpu.memory_space<hbm>> -> memref<10000xf32, #tpu.memory_space<hbm>>
      tpu.enqueue_dma source(%dma_start3A_127 : memref<10000xf32, #tpu.memory_space<hbm>>) target(%arg11 : memref<10000xf32, #tpu.memory_space<vmem>>) target_semaphore(%run_scoped3A : memref<!tpu.dma_semaphore, #tpu.memory_space<semaphore_mem>>)
      %dma_wait3A = tpu.memref_slice %arg4[%mul3A_0] : memref<20000xf32, #tpu.memory_space<hbm>> -> memref<10000xf32, #tpu.memory_space<hbm>>
      %dma_wait3A_128 = tpu.memref_slice %arg4[%mul3A_0] : memref<20000xf32, #tpu.memory_space<hbm>> -> memref<10000xf32, #tpu.memory_space<hbm>>
      tpu.wait_dma2 semaphore(%run_scoped3A : memref<!tpu.dma_semaphore, #tpu.memory_space<semaphore_mem>>) src(%dma_wait3A_128 : memref<10000xf32, #tpu.memory_space<hbm>>) dst(%arg11 : memref<10000xf32, #tpu.memory_space<vmem>>)
      tpu.yield
    }) : () -> ()
    %mul3A_1 = arith.constant 105 : i32
    %mul3A_2 = arith.muli %arg1, %mul3A_1 : i32
    %mul3A_3 = arith.constant 96 : i32
    %mul3A_4 = arith.muli %mul3A_2, %mul3A_3 : i32
    %scan3A = arith.constant 0 : i32
    %scan3A_5 = arith.constant 0 : i32
    %scan3A_6 = arith.constant 80 : i32
    %scan3A_7 = arith.addi %scan3A_5, %scan3A_6 : i32
    %scan3A_8 = arith.constant 1 : i32
    %scan3A_9 = scf.for %scan3A_127 = %scan3A_5 to %scan3A_7 step %scan3A_8 iter_args(%scan3A_128 = %scan3A) -> (i32)  : i32 {
      %broadcast_in_dim3A = arith.constant 0.000000e+00 : f32
      %broadcast_in_dim3A_129 = vector.broadcast %broadcast_in_dim3A : f32 to vector<16xf32>
      %swap3A = arith.index_cast %scan3A_127 : i32 to index
      %swap3A_130 = arith.constant 0 : index
      %swap3A_131 = tpu.vector_load %arg17[%swap3A, %swap3A_130] {strides = array<i32>} : memref<96x128xf32, #tpu.memory_space<vmem>>, vector<16xf32>,
      tpu.vector_store %arg17[%swap3A, %swap3A_130], %broadcast_in_dim3A_129 {strides = array<i32>} : memref<96x128xf32, #tpu.memory_space<vmem>>, vector<16xf32>,
      %broadcast_in_dim3A_132 = arith.constant 0.000000e+00 : f32
      %broadcast_in_dim3A_133 = vector.broadcast %broadcast_in_dim3A_132 : f32 to vector<16xf32>
      %swap3A_134 = arith.index_cast %scan3A_127 : i32 to index
      %swap3A_135 = arith.constant 16 : index
      %swap3A_136 = tpu.vector_load %arg17[%swap3A_134, %swap3A_135] {strides = array<i32>} : memref<96x128xf32, #tpu.memory_space<vmem>>, vector<16xf32>,
      tpu.vector_store %arg17[%swap3A_134, %swap3A_135], %broadcast_in_dim3A_133 {strides = array<i32>} : memref<96x128xf32, #tpu.memory_space<vmem>>, vector<16xf32>,
      %broadcast_in_dim3A_137 = arith.constant 0.000000e+00 : f32
      %broadcast_in_dim3A_138 = vector.broadcast %broadcast_in_dim3A_137 : f32 to vector<16xf32>
      %swap3A_139 = arith.index_cast %scan3A_127 : i32 to index
      %swap3A_140 = arith.constant 32 : index
      %swap3A_141 = tpu.vector_load %arg17[%swap3A_139, %swap3A_140] {strides = array<i32>} : memref<96x128xf32, #tpu.memory_space<vmem>>, vector<16xf32>,
      tpu.vector_store %arg17[%swap3A_139, %swap3A_140], %broadcast_in_dim3A_138 {strides = array<i32>} : memref<96x128xf32, #tpu.memory_space<vmem>>, vector<16xf32>,
      %broadcast_in_dim3A_142 = arith.constant 0.000000e+00 : f32
      %broadcast_in_dim3A_143 = vector.broadcast %broadcast_in_dim3A_142 : f32 to vector<16xf32>
      %swap3A_144 = arith.index_cast %scan3A_127 : i32 to index
      %swap3A_145 = arith.constant 48 : index
      %swap3A_146 = tpu.vector_load %arg17[%swap3A_144, %swap3A_145] {strides = array<i32>} : memref<96x128xf32, #tpu.memory_space<vmem>>, vector<16xf32>,
      tpu.vector_store %arg17[%swap3A_144, %swap3A_145], %broadcast_in_dim3A_143 {strides = array<i32>} : memref<96x128xf32, #tpu.memory_space<vmem>>, vector<16xf32>,
      %broadcast_in_dim3A_147 = arith.constant 0.000000e+00 : f32
      %broadcast_in_dim3A_148 = vector.broadcast %broadcast_in_dim3A_147 : f32 to vector<16xf32>
      %swap3A_149 = arith.index_cast %scan3A_127 : i32 to index
      %swap3A_150 = arith.constant 64 : index
      %swap3A_151 = tpu.vector_load %arg17[%swap3A_149, %swap3A_150] {strides = array<i32>} : memref<96x128xf32, #tpu.memory_space<vmem>>, vector<16xf32>,
      tpu.vector_store %arg17[%swap3A_149, %swap3A_150], %broadcast_in_dim3A_148 {strides = array<i32>} : memref<96x128xf32, #tpu.memory_space<vmem>>, vector<16xf32>,
      %broadcast_in_dim3A_152 = arith.constant 0.000000e+00 : f32
      %broadcast_in_dim3A_153 = vector.broadcast %broadcast_in_dim3A_152 : f32 to vector<16xf32>
      %swap3A_154 = arith.index_cast %scan3A_127 : i32 to index
      %swap3A_155 = arith.constant 80 : index
      %swap3A_156 = tpu.vector_load %arg17[%swap3A_154, %swap3A_155] {strides = array<i32>} : memref<96x128xf32, #tpu.memory_space<vmem>>, vector<16xf32>,
      tpu.vector_store %arg17[%swap3A_154, %swap3A_155], %broadcast_in_dim3A_153 {strides = array<i32>} : memref<96x128xf32, #tpu.memory_space<vmem>>, vector<16xf32>,
      %broadcast_in_dim3A_157 = arith.constant 0.000000e+00 : f32
      %broadcast_in_dim3A_158 = vector.broadcast %broadcast_in_dim3A_157 : f32 to vector<16xf32>
      %swap3A_159 = arith.index_cast %scan3A_127 : i32 to index
      %swap3A_160 = arith.constant 96 : index
      %swap3A_161 = tpu.vector_load %arg17[%swap3A_159, %swap3A_160] {strides = array<i32>} : memref<96x128xf32, #tpu.memory_space<vmem>>, vector<16xf32>,
      tpu.vector_store %arg17[%swap3A_159, %swap3A_160], %broadcast_in_dim3A_158 {strides = array<i32>} : memref<96x128xf32, #tpu.memory_space<vmem>>, vector<16xf32>,
      %broadcast_in_dim3A_162 = arith.constant 0.000000e+00 : f32
      %broadcast_in_dim3A_163 = vector.broadcast %broadcast_in_dim3A_162 : f32 to vector<16xf32>
      %swap3A_164 = arith.index_cast %scan3A_127 : i32 to index
      %swap3A_165 = arith.constant 112 : index
      %swap3A_166 = tpu.vector_load %arg17[%swap3A_164, %swap3A_165] {strides = array<i32>} : memref<96x128xf32, #tpu.memory_space<vmem>>, vector<16xf32>,
      tpu.vector_store %arg17[%swap3A_164, %swap3A_165], %broadcast_in_dim3A_163 {strides = array<i32>} : memref<96x128xf32, #tpu.memory_space<vmem>>, vector<16xf32>,
      %scan3A_167 = arith.constant 0 : i32
      scf.yield %scan3A_167 : i32
    }
    %scan3A_10 = arith.constant 80 : i32
    %add3A = arith.constant 0 : i32
    %add3A_11 = arith.addi %arg1, %add3A : i32
    %lt3A = arith.constant 125 : i32
    %lt3A_12 = arith.cmpi slt, %add3A_11, %lt3A : i32
    %convert_element_type3A = arith.extui %lt3A_12 : i1 to i32
    %cond3A = arith.constant 0 : i32
    %cond3A_13 = arith.cmpi ne, %convert_element_type3A, %cond3A : i32
    scf.if %cond3A_13 {
      %mul3A_127 = arith.constant 80 : i32
      %mul3A_128 = arith.muli %add3A_11, %mul3A_127 : i32
      "tpu.region"() ({
        %run_scoped3A = tpu.sem_alloc : memref<!tpu.dma_semaphore, #tpu.memory_space<semaphore_mem>>
        %dma_start3A = arith.constant 0 : i32
        %dma_start3A_129 = arith.constant 0 : i32
        %dma_start3A_130 = tpu.memref_slice %arg17[%dma_start3A, %dma_start3A_129] : memref<96x128xf32, #tpu.memory_space<vmem>> -> memref<80x128xf32, #tpu.memory_space<vmem>>
        %dma_start3A_131 = arith.constant 0 : i32
        %dma_start3A_132 = tpu.memref_slice %arg18[%mul3A_128, %dma_start3A_131] : memref<10000x128xf32, #tpu.memory_space<vmem_shared>> -> memref<80x128xf32, #tpu.memory_space<vmem_shared>>
        %dma_start3A_133 = arith.constant 0 : i32
        %dma_start3A_134 = tpu.memref_slice %arg18[%mul3A_128, %dma_start3A_133] : memref<10000x128xf32, #tpu.memory_space<vmem_shared>> -> memref<80x128xf32, #tpu.memory_space<vmem_shared>>
        %dma_start3A_135 = arith.constant 0 : i32
        %dma_start3A_136 = arith.constant 0 : i32
        %dma_start3A_137 = tpu.memref_slice %arg17[%dma_start3A_135, %dma_start3A_136] : memref<96x128xf32, #tpu.memory_space<vmem>> -> memref<80x128xf32, #tpu.memory_space<vmem>>
        tpu.enqueue_dma source(%dma_start3A_137 : memref<80x128xf32, #tpu.memory_space<vmem>>) target(%dma_start3A_134 : memref<80x128xf32, #tpu.memory_space<vmem_shared>>) target_semaphore(%run_scoped3A : memref<!tpu.dma_semaphore, #tpu.memory_space<semaphore_mem>>)
        %dma_wait3A = arith.constant 0 : i32
        %dma_wait3A_138 = arith.constant 0 : i32
        %dma_wait3A_139 = tpu.memref_slice %arg17[%dma_wait3A, %dma_wait3A_138] : memref<96x128xf32, #tpu.memory_space<vmem>> -> memref<80x128xf32, #tpu.memory_space<vmem>>
        %dma_wait3A_140 = arith.constant 0 : i32
        %dma_wait3A_141 = tpu.memref_slice %arg18[%mul3A_128, %dma_wait3A_140] : memref<10000x128xf32, #tpu.memory_space<vmem_shared>> -> memref<80x128xf32, #tpu.memory_space<vmem_shared>>
        %dma_wait3A_142 = arith.constant 0 : i32
        %dma_wait3A_143 = tpu.memref_slice %arg18[%mul3A_128, %dma_wait3A_142] : memref<10000x128xf32, #tpu.memory_space<vmem_shared>> -> memref<80x128xf32, #tpu.memory_space<vmem_shared>>
        %dma_wait3A_144 = arith.constant 0 : i32
        %dma_wait3A_145 = arith.constant 0 : i32
        %dma_wait3A_146 = tpu.memref_slice %arg17[%dma_wait3A_144, %dma_wait3A_145] : memref<96x128xf32, #tpu.memory_space<vmem>> -> memref<80x128xf32, #tpu.memory_space<vmem>>
        tpu.wait_dma2 semaphore(%run_scoped3A : memref<!tpu.dma_semaphore, #tpu.memory_space<semaphore_mem>>) src(%dma_wait3A_146 : memref<80x128xf32, #tpu.memory_space<vmem>>) dst(%dma_wait3A_143 : memref<80x128xf32, #tpu.memory_space<vmem_shared>>)
        tpu.yield
      }) : () -> ()
    } else {
    }
    %add3A_14 = arith.constant 16 : i32
    %add3A_15 = arith.addi %arg1, %add3A_14 : i32
    %lt3A_16 = arith.constant 125 : i32
    %lt3A_17 = arith.cmpi slt, %add3A_15, %lt3A_16 : i32
    %convert_element_type3A_18 = arith.extui %lt3A_17 : i1 to i32
    %cond3A_19 = arith.constant 0 : i32
    %cond3A_20 = arith.cmpi ne, %convert_element_type3A_18, %cond3A_19 : i32
    scf.if %cond3A_20 {
      %mul3A_127 = arith.constant 80 : i32
      %mul3A_128 = arith.muli %add3A_15, %mul3A_127 : i32
      "tpu.region"() ({
        %run_scoped3A = tpu.sem_alloc : memref<!tpu.dma_semaphore, #tpu.memory_space<semaphore_mem>>
        %dma_start3A = arith.constant 0 : i32
        %dma_start3A_129 = arith.constant 0 : i32
        %dma_start3A_130 = tpu.memref_slice %arg17[%dma_start3A, %dma_start3A_129] : memref<96x128xf32, #tpu.memory_space<vmem>> -> memref<80x128xf32, #tpu.memory_space<vmem>>
        %dma_start3A_131 = arith.constant 0 : i32
        %dma_start3A_132 = tpu.memref_slice %arg18[%mul3A_128, %dma_start3A_131] : memref<10000x128xf32, #tpu.memory_space<vmem_shared>> -> memref<80x128xf32, #tpu.memory_space<vmem_shared>>
        %dma_start3A_133 = arith.constant 0 : i32
        %dma_start3A_134 = tpu.memref_slice %arg18[%mul3A_128, %dma_start3A_133] : memref<10000x128xf32, #tpu.memory_space<vmem_shared>> -> memref<80x128xf32, #tpu.memory_space<vmem_shared>>
        %dma_start3A_135 = arith.constant 0 : i32
        %dma_start3A_136 = arith.constant 0 : i32
        %dma_start3A_137 = tpu.memref_slice %arg17[%dma_start3A_135, %dma_start3A_136] : memref<96x128xf32, #tpu.memory_space<vmem>> -> memref<80x128xf32, #tpu.memory_space<vmem>>
        tpu.enqueue_dma source(%dma_start3A_137 : memref<80x128xf32, #tpu.memory_space<vmem>>) target(%dma_start3A_134 : memref<80x128xf32, #tpu.memory_space<vmem_shared>>) target_semaphore(%run_scoped3A : memref<!tpu.dma_semaphore, #tpu.memory_space<semaphore_mem>>)
        %dma_wait3A = arith.constant 0 : i32
        %dma_wait3A_138 = arith.constant 0 : i32
        %dma_wait3A_139 = tpu.memref_slice %arg17[%dma_wait3A, %dma_wait3A_138] : memref<96x128xf32, #tpu.memory_space<vmem>> -> memref<80x128xf32, #tpu.memory_space<vmem>>
        %dma_wait3A_140 = arith.constant 0 : i32
        %dma_wait3A_141 = tpu.memref_slice %arg18[%mul3A_128, %dma_wait3A_140] : memref<10000x128xf32, #tpu.memory_space<vmem_shared>> -> memref<80x128xf32, #tpu.memory_space<vmem_shared>>
        %dma_wait3A_142 = arith.constant 0 : i32
        %dma_wait3A_143 = tpu.memref_slice %arg18[%mul3A_128, %dma_wait3A_142] : memref<10000x128xf32, #tpu.memory_space<vmem_shared>> -> memref<80x128xf32, #tpu.memory_space<vmem_shared>>
        %dma_wait3A_144 = arith.constant 0 : i32
        %dma_wait3A_145 = arith.constant 0 : i32
        %dma_wait3A_146 = tpu.memref_slice %arg17[%dma_wait3A_144, %dma_wait3A_145] : memref<96x128xf32, #tpu.memory_space<vmem>> -> memref<80x128xf32, #tpu.memory_space<vmem>>
        tpu.wait_dma2 semaphore(%run_scoped3A : memref<!tpu.dma_semaphore, #tpu.memory_space<semaphore_mem>>) src(%dma_wait3A_146 : memref<80x128xf32, #tpu.memory_space<vmem>>) dst(%dma_wait3A_143 : memref<80x128xf32, #tpu.memory_space<vmem_shared>>)
        tpu.yield
      }) : () -> ()
    } else {
    }
    %add3A_21 = arith.constant 32 : i32
    %add3A_22 = arith.addi %arg1, %add3A_21 : i32
    %lt3A_23 = arith.constant 125 : i32
    %lt3A_24 = arith.cmpi slt, %add3A_22, %lt3A_23 : i32
    %convert_element_type3A_25 = arith.extui %lt3A_24 : i1 to i32
    %cond3A_26 = arith.constant 0 : i32
    %cond3A_27 = arith.cmpi ne, %convert_element_type3A_25, %cond3A_26 : i32
    scf.if %cond3A_27 {
      %mul3A_127 = arith.constant 80 : i32
      %mul3A_128 = arith.muli %add3A_22, %mul3A_127 : i32
      "tpu.region"() ({
        %run_scoped3A = tpu.sem_alloc : memref<!tpu.dma_semaphore, #tpu.memory_space<semaphore_mem>>
        %dma_start3A = arith.constant 0 : i32
        %dma_start3A_129 = arith.constant 0 : i32
        %dma_start3A_130 = tpu.memref_slice %arg17[%dma_start3A, %dma_start3A_129] : memref<96x128xf32, #tpu.memory_space<vmem>> -> memref<80x128xf32, #tpu.memory_space<vmem>>
        %dma_start3A_131 = arith.constant 0 : i32
        %dma_start3A_132 = tpu.memref_slice %arg18[%mul3A_128, %dma_start3A_131] : memref<10000x128xf32, #tpu.memory_space<vmem_shared>> -> memref<80x128xf32, #tpu.memory_space<vmem_shared>>
        %dma_start3A_133 = arith.constant 0 : i32
        %dma_start3A_134 = tpu.memref_slice %arg18[%mul3A_128, %dma_start3A_133] : memref<10000x128xf32, #tpu.memory_space<vmem_shared>> -> memref<80x128xf32, #tpu.memory_space<vmem_shared>>
        %dma_start3A_135 = arith.constant 0 : i32
        %dma_start3A_136 = arith.constant 0 : i32
        %dma_start3A_137 = tpu.memref_slice %arg17[%dma_start3A_135, %dma_start3A_136] : memref<96x128xf32, #tpu.memory_space<vmem>> -> memref<80x128xf32, #tpu.memory_space<vmem>>
        tpu.enqueue_dma source(%dma_start3A_137 : memref<80x128xf32, #tpu.memory_space<vmem>>) target(%dma_start3A_134 : memref<80x128xf32, #tpu.memory_space<vmem_shared>>) target_semaphore(%run_scoped3A : memref<!tpu.dma_semaphore, #tpu.memory_space<semaphore_mem>>)
        %dma_wait3A = arith.constant 0 : i32
        %dma_wait3A_138 = arith.constant 0 : i32
        %dma_wait3A_139 = tpu.memref_slice %arg17[%dma_wait3A, %dma_wait3A_138] : memref<96x128xf32, #tpu.memory_space<vmem>> -> memref<80x128xf32, #tpu.memory_space<vmem>>
        %dma_wait3A_140 = arith.constant 0 : i32
        %dma_wait3A_141 = tpu.memref_slice %arg18[%mul3A_128, %dma_wait3A_140] : memref<10000x128xf32, #tpu.memory_space<vmem_shared>> -> memref<80x128xf32, #tpu.memory_space<vmem_shared>>
        %dma_wait3A_142 = arith.constant 0 : i32
        %dma_wait3A_143 = tpu.memref_slice %arg18[%mul3A_128, %dma_wait3A_142] : memref<10000x128xf32, #tpu.memory_space<vmem_shared>> -> memref<80x128xf32, #tpu.memory_space<vmem_shared>>
        %dma_wait3A_144 = arith.constant 0 : i32
        %dma_wait3A_145 = arith.constant 0 : i32
        %dma_wait3A_146 = tpu.memref_slice %arg17[%dma_wait3A_144, %dma_wait3A_145] : memref<96x128xf32, #tpu.memory_space<vmem>> -> memref<80x128xf32, #tpu.memory_space<vmem>>
        tpu.wait_dma2 semaphore(%run_scoped3A : memref<!tpu.dma_semaphore, #tpu.memory_space<semaphore_mem>>) src(%dma_wait3A_146 : memref<80x128xf32, #tpu.memory_space<vmem>>) dst(%dma_wait3A_143 : memref<80x128xf32, #tpu.memory_space<vmem_shared>>)
        tpu.yield
      }) : () -> ()
    } else {
    }
    %add3A_28 = arith.constant 48 : i32
    %add3A_29 = arith.addi %arg1, %add3A_28 : i32
    %lt3A_30 = arith.constant 125 : i32
    %lt3A_31 = arith.cmpi slt, %add3A_29, %lt3A_30 : i32
    %convert_element_type3A_32 = arith.extui %lt3A_31 : i1 to i32
    %cond3A_33 = arith.constant 0 : i32
    %cond3A_34 = arith.cmpi ne, %convert_element_type3A_32, %cond3A_33 : i32
    scf.if %cond3A_34 {
      %mul3A_127 = arith.constant 80 : i32
      %mul3A_128 = arith.muli %add3A_29, %mul3A_127 : i32
      "tpu.region"() ({
        %run_scoped3A = tpu.sem_alloc : memref<!tpu.dma_semaphore, #tpu.memory_space<semaphore_mem>>
        %dma_start3A = arith.constant 0 : i32
        %dma_start3A_129 = arith.constant 0 : i32
        %dma_start3A_130 = tpu.memref_slice %arg17[%dma_start3A, %dma_start3A_129] : memref<96x128xf32, #tpu.memory_space<vmem>> -> memref<80x128xf32, #tpu.memory_space<vmem>>
        %dma_start3A_131 = arith.constant 0 : i32
        %dma_start3A_132 = tpu.memref_slice %arg18[%mul3A_128, %dma_start3A_131] : memref<10000x128xf32, #tpu.memory_space<vmem_shared>> -> memref<80x128xf32, #tpu.memory_space<vmem_shared>>
        %dma_start3A_133 = arith.constant 0 : i32
        %dma_start3A_134 = tpu.memref_slice %arg18[%mul3A_128, %dma_start3A_133] : memref<10000x128xf32, #tpu.memory_space<vmem_shared>> -> memref<80x128xf32, #tpu.memory_space<vmem_shared>>
        %dma_start3A_135 = arith.constant 0 : i32
        %dma_start3A_136 = arith.constant 0 : i32
        %dma_start3A_137 = tpu.memref_slice %arg17[%dma_start3A_135, %dma_start3A_136] : memref<96x128xf32, #tpu.memory_space<vmem>> -> memref<80x128xf32, #tpu.memory_space<vmem>>
        tpu.enqueue_dma source(%dma_start3A_137 : memref<80x128xf32, #tpu.memory_space<vmem>>) target(%dma_start3A_134 : memref<80x128xf32, #tpu.memory_space<vmem_shared>>) target_semaphore(%run_scoped3A : memref<!tpu.dma_semaphore, #tpu.memory_space<semaphore_mem>>)
        %dma_wait3A = arith.constant 0 : i32
        %dma_wait3A_138 = arith.constant 0 : i32
        %dma_wait3A_139 = tpu.memref_slice %arg17[%dma_wait3A, %dma_wait3A_138] : memref<96x128xf32, #tpu.memory_space<vmem>> -> memref<80x128xf32, #tpu.memory_space<vmem>>
        %dma_wait3A_140 = arith.constant 0 : i32
        %dma_wait3A_141 = tpu.memref_slice %arg18[%mul3A_128, %dma_wait3A_140] : memref<10000x128xf32, #tpu.memory_space<vmem_shared>> -> memref<80x128xf32, #tpu.memory_space<vmem_shared>>
        %dma_wait3A_142 = arith.constant 0 : i32
        %dma_wait3A_143 = tpu.memref_slice %arg18[%mul3A_128, %dma_wait3A_142] : memref<10000x128xf32, #tpu.memory_space<vmem_shared>> -> memref<80x128xf32, #tpu.memory_space<vmem_shared>>
        %dma_wait3A_144 = arith.constant 0 : i32
        %dma_wait3A_145 = arith.constant 0 : i32
        %dma_wait3A_146 = tpu.memref_slice %arg17[%dma_wait3A_144, %dma_wait3A_145] : memref<96x128xf32, #tpu.memory_space<vmem>> -> memref<80x128xf32, #tpu.memory_space<vmem>>
        tpu.wait_dma2 semaphore(%run_scoped3A : memref<!tpu.dma_semaphore, #tpu.memory_space<semaphore_mem>>) src(%dma_wait3A_146 : memref<80x128xf32, #tpu.memory_space<vmem>>) dst(%dma_wait3A_143 : memref<80x128xf32, #tpu.memory_space<vmem_shared>>)
        tpu.yield
      }) : () -> ()
    } else {
    }
    %add3A_35 = arith.constant 64 : i32
    %add3A_36 = arith.addi %arg1, %add3A_35 : i32
    %lt3A_37 = arith.constant 125 : i32
    %lt3A_38 = arith.cmpi slt, %add3A_36, %lt3A_37 : i32
    %convert_element_type3A_39 = arith.extui %lt3A_38 : i1 to i32
    %cond3A_40 = arith.constant 0 : i32
    %cond3A_41 = arith.cmpi ne, %convert_element_type3A_39, %cond3A_40 : i32
    scf.if %cond3A_41 {
      %mul3A_127 = arith.constant 80 : i32
      %mul3A_128 = arith.muli %add3A_36, %mul3A_127 : i32
      "tpu.region"() ({
        %run_scoped3A = tpu.sem_alloc : memref<!tpu.dma_semaphore, #tpu.memory_space<semaphore_mem>>
        %dma_start3A = arith.constant 0 : i32
        %dma_start3A_129 = arith.constant 0 : i32
        %dma_start3A_130 = tpu.memref_slice %arg17[%dma_start3A, %dma_start3A_129] : memref<96x128xf32, #tpu.memory_space<vmem>> -> memref<80x128xf32, #tpu.memory_space<vmem>>
        %dma_start3A_131 = arith.constant 0 : i32
        %dma_start3A_132 = tpu.memref_slice %arg18[%mul3A_128, %dma_start3A_131] : memref<10000x128xf32, #tpu.memory_space<vmem_shared>> -> memref<80x128xf32, #tpu.memory_space<vmem_shared>>
        %dma_start3A_133 = arith.constant 0 : i32
        %dma_start3A_134 = tpu.memref_slice %arg18[%mul3A_128, %dma_start3A_133] : memref<10000x128xf32, #tpu.memory_space<vmem_shared>> -> memref<80x128xf32, #tpu.memory_space<vmem_shared>>
        %dma_start3A_135 = arith.constant 0 : i32
        %dma_start3A_136 = arith.constant 0 : i32
        %dma_start3A_137 = tpu.memref_slice %arg17[%dma_start3A_135, %dma_start3A_136] : memref<96x128xf32, #tpu.memory_space<vmem>> -> memref<80x128xf32, #tpu.memory_space<vmem>>
        tpu.enqueue_dma source(%dma_start3A_137 : memref<80x128xf32, #tpu.memory_space<vmem>>) target(%dma_start3A_134 : memref<80x128xf32, #tpu.memory_space<vmem_shared>>) target_semaphore(%run_scoped3A : memref<!tpu.dma_semaphore, #tpu.memory_space<semaphore_mem>>)
        %dma_wait3A = arith.constant 0 : i32
        %dma_wait3A_138 = arith.constant 0 : i32
        %dma_wait3A_139 = tpu.memref_slice %arg17[%dma_wait3A, %dma_wait3A_138] : memref<96x128xf32, #tpu.memory_space<vmem>> -> memref<80x128xf32, #tpu.memory_space<vmem>>
        %dma_wait3A_140 = arith.constant 0 : i32
        %dma_wait3A_141 = tpu.memref_slice %arg18[%mul3A_128, %dma_wait3A_140] : memref<10000x128xf32, #tpu.memory_space<vmem_shared>> -> memref<80x128xf32, #tpu.memory_space<vmem_shared>>
        %dma_wait3A_142 = arith.constant 0 : i32
        %dma_wait3A_143 = tpu.memref_slice %arg18[%mul3A_128, %dma_wait3A_142] : memref<10000x128xf32, #tpu.memory_space<vmem_shared>> -> memref<80x128xf32, #tpu.memory_space<vmem_shared>>
        %dma_wait3A_144 = arith.constant 0 : i32
        %dma_wait3A_145 = arith.constant 0 : i32
        %dma_wait3A_146 = tpu.memref_slice %arg17[%dma_wait3A_144, %dma_wait3A_145] : memref<96x128xf32, #tpu.memory_space<vmem>> -> memref<80x128xf32, #tpu.memory_space<vmem>>
        tpu.wait_dma2 semaphore(%run_scoped3A : memref<!tpu.dma_semaphore, #tpu.memory_space<semaphore_mem>>) src(%dma_wait3A_146 : memref<80x128xf32, #tpu.memory_space<vmem>>) dst(%dma_wait3A_143 : memref<80x128xf32, #tpu.memory_space<vmem_shared>>)
        tpu.yield
      }) : () -> ()
    } else {
    }
    %add3A_42 = arith.constant 80 : i32
    %add3A_43 = arith.addi %arg1, %add3A_42 : i32
    %lt3A_44 = arith.constant 125 : i32
    %lt3A_45 = arith.cmpi slt, %add3A_43, %lt3A_44 : i32
    %convert_element_type3A_46 = arith.extui %lt3A_45 : i1 to i32
    %cond3A_47 = arith.constant 0 : i32
    %cond3A_48 = arith.cmpi ne, %convert_element_type3A_46, %cond3A_47 : i32
    scf.if %cond3A_48 {
      %mul3A_127 = arith.constant 80 : i32
      %mul3A_128 = arith.muli %add3A_43, %mul3A_127 : i32
      "tpu.region"() ({
        %run_scoped3A = tpu.sem_alloc : memref<!tpu.dma_semaphore, #tpu.memory_space<semaphore_mem>>
        %dma_start3A = arith.constant 0 : i32
        %dma_start3A_129 = arith.constant 0 : i32
        %dma_start3A_130 = tpu.memref_slice %arg17[%dma_start3A, %dma_start3A_129] : memref<96x128xf32, #tpu.memory_space<vmem>> -> memref<80x128xf32, #tpu.memory_space<vmem>>
        %dma_start3A_131 = arith.constant 0 : i32
        %dma_start3A_132 = tpu.memref_slice %arg18[%mul3A_128, %dma_start3A_131] : memref<10000x128xf32, #tpu.memory_space<vmem_shared>> -> memref<80x128xf32, #tpu.memory_space<vmem_shared>>
        %dma_start3A_133 = arith.constant 0 : i32
        %dma_start3A_134 = tpu.memref_slice %arg18[%mul3A_128, %dma_start3A_133] : memref<10000x128xf32, #tpu.memory_space<vmem_shared>> -> memref<80x128xf32, #tpu.memory_space<vmem_shared>>
        %dma_start3A_135 = arith.constant 0 : i32
        %dma_start3A_136 = arith.constant 0 : i32
        %dma_start3A_137 = tpu.memref_slice %arg17[%dma_start3A_135, %dma_start3A_136] : memref<96x128xf32, #tpu.memory_space<vmem>> -> memref<80x128xf32, #tpu.memory_space<vmem>>
        tpu.enqueue_dma source(%dma_start3A_137 : memref<80x128xf32, #tpu.memory_space<vmem>>) target(%dma_start3A_134 : memref<80x128xf32, #tpu.memory_space<vmem_shared>>) target_semaphore(%run_scoped3A : memref<!tpu.dma_semaphore, #tpu.memory_space<semaphore_mem>>)
        %dma_wait3A = arith.constant 0 : i32
        %dma_wait3A_138 = arith.constant 0 : i32
        %dma_wait3A_139 = tpu.memref_slice %arg17[%dma_wait3A, %dma_wait3A_138] : memref<96x128xf32, #tpu.memory_space<vmem>> -> memref<80x128xf32, #tpu.memory_space<vmem>>
        %dma_wait3A_140 = arith.constant 0 : i32
        %dma_wait3A_141 = tpu.memref_slice %arg18[%mul3A_128, %dma_wait3A_140] : memref<10000x128xf32, #tpu.memory_space<vmem_shared>> -> memref<80x128xf32, #tpu.memory_space<vmem_shared>>
        %dma_wait3A_142 = arith.constant 0 : i32
        %dma_wait3A_143 = tpu.memref_slice %arg18[%mul3A_128, %dma_wait3A_142] : memref<10000x128xf32, #tpu.memory_space<vmem_shared>> -> memref<80x128xf32, #tpu.memory_space<vmem_shared>>
        %dma_wait3A_144 = arith.constant 0 : i32
        %dma_wait3A_145 = arith.constant 0 : i32
        %dma_wait3A_146 = tpu.memref_slice %arg17[%dma_wait3A_144, %dma_wait3A_145] : memref<96x128xf32, #tpu.memory_space<vmem>> -> memref<80x128xf32, #tpu.memory_space<vmem>>
        tpu.wait_dma2 semaphore(%run_scoped3A : memref<!tpu.dma_semaphore, #tpu.memory_space<semaphore_mem>>) src(%dma_wait3A_146 : memref<80x128xf32, #tpu.memory_space<vmem>>) dst(%dma_wait3A_143 : memref<80x128xf32, #tpu.memory_space<vmem_shared>>)
        tpu.yield
      }) : () -> ()
    } else {
    }
    %add3A_49 = arith.constant 96 : i32
    %add3A_50 = arith.addi %arg1, %add3A_49 : i32
    %lt3A_51 = arith.constant 125 : i32
    %lt3A_52 = arith.cmpi slt, %add3A_50, %lt3A_51 : i32
    %convert_element_type3A_53 = arith.extui %lt3A_52 : i1 to i32
    %cond3A_54 = arith.constant 0 : i32
    %cond3A_55 = arith.cmpi ne, %convert_element_type3A_53, %cond3A_54 : i32
    scf.if %cond3A_55 {
      %mul3A_127 = arith.constant 80 : i32
      %mul3A_128 = arith.muli %add3A_50, %mul3A_127 : i32
      "tpu.region"() ({
        %run_scoped3A = tpu.sem_alloc : memref<!tpu.dma_semaphore, #tpu.memory_space<semaphore_mem>>
        %dma_start3A = arith.constant 0 : i32
        %dma_start3A_129 = arith.constant 0 : i32
        %dma_start3A_130 = tpu.memref_slice %arg17[%dma_start3A, %dma_start3A_129] : memref<96x128xf32, #tpu.memory_space<vmem>> -> memref<80x128xf32, #tpu.memory_space<vmem>>
        %dma_start3A_131 = arith.constant 0 : i32
        %dma_start3A_132 = tpu.memref_slice %arg18[%mul3A_128, %dma_start3A_131] : memref<10000x128xf32, #tpu.memory_space<vmem_shared>> -> memref<80x128xf32, #tpu.memory_space<vmem_shared>>
        %dma_start3A_133 = arith.constant 0 : i32
        %dma_start3A_134 = tpu.memref_slice %arg18[%mul3A_128, %dma_start3A_133] : memref<10000x128xf32, #tpu.memory_space<vmem_shared>> -> memref<80x128xf32, #tpu.memory_space<vmem_shared>>
        %dma_start3A_135 = arith.constant 0 : i32
        %dma_start3A_136 = arith.constant 0 : i32
        %dma_start3A_137 = tpu.memref_slice %arg17[%dma_start3A_135, %dma_start3A_136] : memref<96x128xf32, #tpu.memory_space<vmem>> -> memref<80x128xf32, #tpu.memory_space<vmem>>
        tpu.enqueue_dma source(%dma_start3A_137 : memref<80x128xf32, #tpu.memory_space<vmem>>) target(%dma_start3A_134 : memref<80x128xf32, #tpu.memory_space<vmem_shared>>) target_semaphore(%run_scoped3A : memref<!tpu.dma_semaphore, #tpu.memory_space<semaphore_mem>>)
        %dma_wait3A = arith.constant 0 : i32
        %dma_wait3A_138 = arith.constant 0 : i32
        %dma_wait3A_139 = tpu.memref_slice %arg17[%dma_wait3A, %dma_wait3A_138] : memref<96x128xf32, #tpu.memory_space<vmem>> -> memref<80x128xf32, #tpu.memory_space<vmem>>
        %dma_wait3A_140 = arith.constant 0 : i32
        %dma_wait3A_141 = tpu.memref_slice %arg18[%mul3A_128, %dma_wait3A_140] : memref<10000x128xf32, #tpu.memory_space<vmem_shared>> -> memref<80x128xf32, #tpu.memory_space<vmem_shared>>
        %dma_wait3A_142 = arith.constant 0 : i32
        %dma_wait3A_143 = tpu.memref_slice %arg18[%mul3A_128, %dma_wait3A_142] : memref<10000x128xf32, #tpu.memory_space<vmem_shared>> -> memref<80x128xf32, #tpu.memory_space<vmem_shared>>
        %dma_wait3A_144 = arith.constant 0 : i32
        %dma_wait3A_145 = arith.constant 0 : i32
        %dma_wait3A_146 = tpu.memref_slice %arg17[%dma_wait3A_144, %dma_wait3A_145] : memref<96x128xf32, #tpu.memory_space<vmem>> -> memref<80x128xf32, #tpu.memory_space<vmem>>
        tpu.wait_dma2 semaphore(%run_scoped3A : memref<!tpu.dma_semaphore, #tpu.memory_space<semaphore_mem>>) src(%dma_wait3A_146 : memref<80x128xf32, #tpu.memory_space<vmem>>) dst(%dma_wait3A_143 : memref<80x128xf32, #tpu.memory_space<vmem_shared>>)
        tpu.yield
      }) : () -> ()
    } else {
    }
    %add3A_56 = arith.constant 112 : i32
    %add3A_57 = arith.addi %arg1, %add3A_56 : i32
    %lt3A_58 = arith.constant 125 : i32
    %lt3A_59 = arith.cmpi slt, %add3A_57, %lt3A_58 : i32
    %convert_element_type3A_60 = arith.extui %lt3A_59 : i1 to i32
    %cond3A_61 = arith.constant 0 : i32
    %cond3A_62 = arith.cmpi ne, %convert_element_type3A_60, %cond3A_61 : i32
    scf.if %cond3A_62 {
      %mul3A_127 = arith.constant 80 : i32
      %mul3A_128 = arith.muli %add3A_57, %mul3A_127 : i32
      "tpu.region"() ({
        %run_scoped3A = tpu.sem_alloc : memref<!tpu.dma_semaphore, #tpu.memory_space<semaphore_mem>>
        %dma_start3A = arith.constant 0 : i32
        %dma_start3A_129 = arith.constant 0 : i32
        %dma_start3A_130 = tpu.memref_slice %arg17[%dma_start3A, %dma_start3A_129] : memref<96x128xf32, #tpu.memory_space<vmem>> -> memref<80x128xf32, #tpu.memory_space<vmem>>
        %dma_start3A_131 = arith.constant 0 : i32
        %dma_start3A_132 = tpu.memref_slice %arg18[%mul3A_128, %dma_start3A_131] : memref<10000x128xf32, #tpu.memory_space<vmem_shared>> -> memref<80x128xf32, #tpu.memory_space<vmem_shared>>
        %dma_start3A_133 = arith.constant 0 : i32
        %dma_start3A_134 = tpu.memref_slice %arg18[%mul3A_128, %dma_start3A_133] : memref<10000x128xf32, #tpu.memory_space<vmem_shared>> -> memref<80x128xf32, #tpu.memory_space<vmem_shared>>
        %dma_start3A_135 = arith.constant 0 : i32
        %dma_start3A_136 = arith.constant 0 : i32
        %dma_start3A_137 = tpu.memref_slice %arg17[%dma_start3A_135, %dma_start3A_136] : memref<96x128xf32, #tpu.memory_space<vmem>> -> memref<80x128xf32, #tpu.memory_space<vmem>>
        tpu.enqueue_dma source(%dma_start3A_137 : memref<80x128xf32, #tpu.memory_space<vmem>>) target(%dma_start3A_134 : memref<80x128xf32, #tpu.memory_space<vmem_shared>>) target_semaphore(%run_scoped3A : memref<!tpu.dma_semaphore, #tpu.memory_space<semaphore_mem>>)
        %dma_wait3A = arith.constant 0 : i32
        %dma_wait3A_138 = arith.constant 0 : i32
        %dma_wait3A_139 = tpu.memref_slice %arg17[%dma_wait3A, %dma_wait3A_138] : memref<96x128xf32, #tpu.memory_space<vmem>> -> memref<80x128xf32, #tpu.memory_space<vmem>>
        %dma_wait3A_140 = arith.constant 0 : i32
        %dma_wait3A_141 = tpu.memref_slice %arg18[%mul3A_128, %dma_wait3A_140] : memref<10000x128xf32, #tpu.memory_space<vmem_shared>> -> memref<80x128xf32, #tpu.memory_space<vmem_shared>>
        %dma_wait3A_142 = arith.constant 0 : i32
        %dma_wait3A_143 = tpu.memref_slice %arg18[%mul3A_128, %dma_wait3A_142] : memref<10000x128xf32, #tpu.memory_space<vmem_shared>> -> memref<80x128xf32, #tpu.memory_space<vmem_shared>>
        %dma_wait3A_144 = arith.constant 0 : i32
        %dma_wait3A_145 = arith.constant 0 : i32
        %dma_wait3A_146 = tpu.memref_slice %arg17[%dma_wait3A_144, %dma_wait3A_145] : memref<96x128xf32, #tpu.memory_space<vmem>> -> memref<80x128xf32, #tpu.memory_space<vmem>>
        tpu.wait_dma2 semaphore(%run_scoped3A : memref<!tpu.dma_semaphore, #tpu.memory_space<semaphore_mem>>) src(%dma_wait3A_146 : memref<80x128xf32, #tpu.memory_space<vmem>>) dst(%dma_wait3A_143 : memref<80x128xf32, #tpu.memory_space<vmem_shared>>)
        tpu.yield
      }) : () -> ()
    } else {
    }
    %barrier3A = arith.constant 0 : index
    tpu.barrier barrier_id(%barrier3A)
    %scan3A_63 = arith.constant 0 : i32
    %scan3A_64 = arith.constant 0 : i32
    %scan3A_65 = arith.constant 105 : i32
    %scan3A_66 = arith.addi %scan3A_64, %scan3A_65 : i32
    %scan3A_67 = arith.constant 1 : i32
    %scan3A_68 = scf.for %scan3A_127 = %scan3A_64 to %scan3A_66 step %scan3A_67 iter_args(%scan3A_128 = %scan3A_63) -> (i32)  : i32 {
      %mul3A_129 = arith.constant 96 : i32
      %mul3A_130 = arith.muli %scan3A_127, %mul3A_129 : i32
      %add3A_131 = arith.addi %mul3A_4, %mul3A_130 : i32
      "tpu.region"() ({
        %run_scoped3A = tpu.sem_alloc : memref<!tpu.dma_semaphore, #tpu.memory_space<semaphore_mem>>
        %dma_start3A_178 = tpu.memref_slice %arg5[%add3A_131] : memref<161280xi32, #tpu.memory_space<hbm>> -> memref<96xi32, #tpu.memory_space<hbm>>
        %dma_start3A_179 = tpu.memref_slice %arg5[%add3A_131] : memref<161280xi32, #tpu.memory_space<hbm>> -> memref<96xi32, #tpu.memory_space<hbm>>
        tpu.enqueue_dma source(%dma_start3A_179 : memref<96xi32, #tpu.memory_space<hbm>>) target(%arg12 : memref<96xi32, #tpu.memory_space<vmem>>) target_semaphore(%run_scoped3A : memref<!tpu.dma_semaphore, #tpu.memory_space<semaphore_mem>>)
        %dma_wait3A_180 = tpu.memref_slice %arg5[%add3A_131] : memref<161280xi32, #tpu.memory_space<hbm>> -> memref<96xi32, #tpu.memory_space<hbm>>
        %dma_wait3A_181 = tpu.memref_slice %arg5[%add3A_131] : memref<161280xi32, #tpu.memory_space<hbm>> -> memref<96xi32, #tpu.memory_space<hbm>>
        tpu.wait_dma2 semaphore(%run_scoped3A : memref<!tpu.dma_semaphore, #tpu.memory_space<semaphore_mem>>) src(%dma_wait3A_181 : memref<96xi32, #tpu.memory_space<hbm>>) dst(%arg12 : memref<96xi32, #tpu.memory_space<vmem>>)
        tpu.yield
      }) : () -> ()
      "tpu.region"() ({
        %run_scoped3A = tpu.sem_alloc : memref<!tpu.dma_semaphore, #tpu.memory_space<semaphore_mem>>
        %dma_start3A_178 = tpu.memref_slice %arg6[%add3A_131] : memref<161280xi32, #tpu.memory_space<hbm>> -> memref<96xi32, #tpu.memory_space<hbm>>
        %dma_start3A_179 = tpu.memref_slice %arg6[%add3A_131] : memref<161280xi32, #tpu.memory_space<hbm>> -> memref<96xi32, #tpu.memory_space<hbm>>
        tpu.enqueue_dma source(%dma_start3A_179 : memref<96xi32, #tpu.memory_space<hbm>>) target(%arg13 : memref<96xi32, #tpu.memory_space<vmem>>) target_semaphore(%run_scoped3A : memref<!tpu.dma_semaphore, #tpu.memory_space<semaphore_mem>>)
        %dma_wait3A_180 = tpu.memref_slice %arg6[%add3A_131] : memref<161280xi32, #tpu.memory_space<hbm>> -> memref<96xi32, #tpu.memory_space<hbm>>
        %dma_wait3A_181 = tpu.memref_slice %arg6[%add3A_131] : memref<161280xi32, #tpu.memory_space<hbm>> -> memref<96xi32, #tpu.memory_space<hbm>>
        tpu.wait_dma2 semaphore(%run_scoped3A : memref<!tpu.dma_semaphore, #tpu.memory_space<semaphore_mem>>) src(%dma_wait3A_181 : memref<96xi32, #tpu.memory_space<hbm>>) dst(%arg13 : memref<96xi32, #tpu.memory_space<vmem>>)
        tpu.yield
      }) : () -> ()
      "tpu.region"() ({
        %run_scoped3A = tpu.sem_alloc : memref<!tpu.dma_semaphore, #tpu.memory_space<semaphore_mem>>
        %dma_start3A_178 = tpu.memref_slice %arg7[%add3A_131] : memref<161280xf32, #tpu.memory_space<hbm>> -> memref<96xf32, #tpu.memory_space<hbm>>
        %dma_start3A_179 = tpu.memref_slice %arg7[%add3A_131] : memref<161280xf32, #tpu.memory_space<hbm>> -> memref<96xf32, #tpu.memory_space<hbm>>
        tpu.enqueue_dma source(%dma_start3A_179 : memref<96xf32, #tpu.memory_space<hbm>>) target(%arg14 : memref<96xf32, #tpu.memory_space<vmem>>) target_semaphore(%run_scoped3A : memref<!tpu.dma_semaphore, #tpu.memory_space<semaphore_mem>>)
        %dma_wait3A_180 = tpu.memref_slice %arg7[%add3A_131] : memref<161280xf32, #tpu.memory_space<hbm>> -> memref<96xf32, #tpu.memory_space<hbm>>
        %dma_wait3A_181 = tpu.memref_slice %arg7[%add3A_131] : memref<161280xf32, #tpu.memory_space<hbm>> -> memref<96xf32, #tpu.memory_space<hbm>>
        tpu.wait_dma2 semaphore(%run_scoped3A : memref<!tpu.dma_semaphore, #tpu.memory_space<semaphore_mem>>) src(%dma_wait3A_181 : memref<96xf32, #tpu.memory_space<hbm>>) dst(%arg14 : memref<96xf32, #tpu.memory_space<vmem>>)
        tpu.yield
      }) : () -> ()
      %get3A = arith.constant 0 : index
      %get3A_132 = tpu.vector_load %arg12[%get3A] {strides = array<i32>} : memref<96xi32, #tpu.memory_space<vmem>>, vector<16xi32>,
      %add3A_133 = vector.broadcast %mul3A_0 : i32 to vector<16xi32>
      %add3A_134 = arith.addi %get3A_132, %add3A_133 : vector<16xi32>
      %swap3A = arith.constant 0 : index
      %swap3A_135 = tpu.vector_load %arg15[%swap3A] {strides = array<i32>} : memref<96xi32, #tpu.memory_space<vmem>>, vector<16xi32>,
      tpu.vector_store %arg15[%swap3A], %add3A_134 {strides = array<i32>} : memref<96xi32, #tpu.memory_space<vmem>>, vector<16xi32>,
      %get3A_136 = arith.constant 16 : index
      %get3A_137 = tpu.vector_load %arg12[%get3A_136] {strides = array<i32>} : memref<96xi32, #tpu.memory_space<vmem>>, vector<16xi32>,
      %add3A_138 = vector.broadcast %mul3A_0 : i32 to vector<16xi32>
      %add3A_139 = arith.addi %get3A_137, %add3A_138 : vector<16xi32>
      %swap3A_140 = arith.constant 16 : index
      %swap3A_141 = tpu.vector_load %arg15[%swap3A_140] {strides = array<i32>} : memref<96xi32, #tpu.memory_space<vmem>>, vector<16xi32>,
      tpu.vector_store %arg15[%swap3A_140], %add3A_139 {strides = array<i32>} : memref<96xi32, #tpu.memory_space<vmem>>, vector<16xi32>,
      %get3A_142 = arith.constant 32 : index
      %get3A_143 = tpu.vector_load %arg12[%get3A_142] {strides = array<i32>} : memref<96xi32, #tpu.memory_space<vmem>>, vector<16xi32>,
      %add3A_144 = vector.broadcast %mul3A_0 : i32 to vector<16xi32>
      %add3A_145 = arith.addi %get3A_143, %add3A_144 : vector<16xi32>
      %swap3A_146 = arith.constant 32 : index
      %swap3A_147 = tpu.vector_load %arg15[%swap3A_146] {strides = array<i32>} : memref<96xi32, #tpu.memory_space<vmem>>, vector<16xi32>,
      tpu.vector_store %arg15[%swap3A_146], %add3A_145 {strides = array<i32>} : memref<96xi32, #tpu.memory_space<vmem>>, vector<16xi32>,
      %get3A_148 = arith.constant 48 : index
      %get3A_149 = tpu.vector_load %arg12[%get3A_148] {strides = array<i32>} : memref<96xi32, #tpu.memory_space<vmem>>, vector<16xi32>,
      %add3A_150 = vector.broadcast %mul3A_0 : i32 to vector<16xi32>
      %add3A_151 = arith.addi %get3A_149, %add3A_150 : vector<16xi32>
      %swap3A_152 = arith.constant 48 : index
      %swap3A_153 = tpu.vector_load %arg15[%swap3A_152] {strides = array<i32>} : memref<96xi32, #tpu.memory_space<vmem>>, vector<16xi32>,
      tpu.vector_store %arg15[%swap3A_152], %add3A_151 {strides = array<i32>} : memref<96xi32, #tpu.memory_space<vmem>>, vector<16xi32>,
      %get3A_154 = arith.constant 64 : index
      %get3A_155 = tpu.vector_load %arg12[%get3A_154] {strides = array<i32>} : memref<96xi32, #tpu.memory_space<vmem>>, vector<16xi32>,
      %add3A_156 = vector.broadcast %mul3A_0 : i32 to vector<16xi32>
      %add3A_157 = arith.addi %get3A_155, %add3A_156 : vector<16xi32>
      %swap3A_158 = arith.constant 64 : index
      %swap3A_159 = tpu.vector_load %arg15[%swap3A_158] {strides = array<i32>} : memref<96xi32, #tpu.memory_space<vmem>>, vector<16xi32>,
      tpu.vector_store %arg15[%swap3A_158], %add3A_157 {strides = array<i32>} : memref<96xi32, #tpu.memory_space<vmem>>, vector<16xi32>,
      %get3A_160 = arith.constant 80 : index
      %get3A_161 = tpu.vector_load %arg12[%get3A_160] {strides = array<i32>} : memref<96xi32, #tpu.memory_space<vmem>>, vector<16xi32>,
      %add3A_162 = vector.broadcast %mul3A_0 : i32 to vector<16xi32>
      %add3A_163 = arith.addi %get3A_161, %add3A_162 : vector<16xi32>
      %swap3A_164 = arith.constant 80 : index
      %swap3A_165 = tpu.vector_load %arg15[%swap3A_164] {strides = array<i32>} : memref<96xi32, #tpu.memory_space<vmem>>, vector<16xi32>,
      tpu.vector_store %arg15[%swap3A_164], %add3A_163 {strides = array<i32>} : memref<96xi32, #tpu.memory_space<vmem>>, vector<16xi32>,
      %dma_start3A = arith.constant 0 : i32
      %dma_start3A_166 = arith.constant 0 : i32
      %dma_start3A_167 = tpu.memref_slice %arg2[%dma_start3A, %dma_start3A_166] : memref<20000x128xf32, #tpu.memory_space<hbm>> -> memref<20000x128xf32, #tpu.memory_space<hbm>>
      tpu.enqueue_indirect_dma source(%dma_start3A_167 : memref<20000x128xf32, #tpu.memory_space<hbm>>) target(%arg17 : memref<96x128xf32, #tpu.memory_space<vmem>>) offsets(%arg15 : memref<96xi32, #tpu.memory_space<vmem>>) semaphore(%arg19 : memref<!tpu.dma_semaphore, #tpu.memory_space<semaphore_mem>>)
      "tpu.region"() ({
        %run_scoped3A = tpu.sem_alloc : memref<!tpu.dma_semaphore, #tpu.memory_space<semaphore_mem>>
        %dma_start3A_178 = arith.constant 0 : i32
        %dma_start3A_179 = tpu.memref_slice %arg8[%add3A_131, %dma_start3A_178] : memref<161280x128xf32, #tpu.memory_space<hbm>> -> memref<96x128xf32, #tpu.memory_space<hbm>>
        %dma_start3A_180 = arith.constant 0 : i32
        %dma_start3A_181 = tpu.memref_slice %arg8[%add3A_131, %dma_start3A_180] : memref<161280x128xf32, #tpu.memory_space<hbm>> -> memref<96x128xf32, #tpu.memory_space<hbm>>
        tpu.enqueue_dma source(%dma_start3A_181 : memref<96x128xf32, #tpu.memory_space<hbm>>) target(%arg16 : memref<96x128xf32, #tpu.memory_space<vmem>>) target_semaphore(%run_scoped3A : memref<!tpu.dma_semaphore, #tpu.memory_space<semaphore_mem>>)
        %dma_wait3A_182 = arith.constant 0 : i32
        %dma_wait3A_183 = tpu.memref_slice %arg8[%add3A_131, %dma_wait3A_182] : memref<161280x128xf32, #tpu.memory_space<hbm>> -> memref<96x128xf32, #tpu.memory_space<hbm>>
        %dma_wait3A_184 = arith.constant 0 : i32
        %dma_wait3A_185 = tpu.memref_slice %arg8[%add3A_131, %dma_wait3A_184] : memref<161280x128xf32, #tpu.memory_space<hbm>> -> memref<96x128xf32, #tpu.memory_space<hbm>>
        tpu.wait_dma2 semaphore(%run_scoped3A : memref<!tpu.dma_semaphore, #tpu.memory_space<semaphore_mem>>) src(%dma_wait3A_185 : memref<96x128xf32, #tpu.memory_space<hbm>>) dst(%arg16 : memref<96x128xf32, #tpu.memory_space<vmem>>)
        tpu.yield
      }) : () -> ()
      %dma_wait3A = arith.constant 0 : i32
      %dma_wait3A_168 = arith.constant 0 : i32
      %dma_wait3A_169 = tpu.memref_slice %arg2[%dma_wait3A, %dma_wait3A_168] : memref<20000x128xf32, #tpu.memory_space<hbm>> -> memref<20000x128xf32, #tpu.memory_space<hbm>>
      tpu.wait_indirect_dma semaphore(%arg19 : memref<!tpu.dma_semaphore, #tpu.memory_space<semaphore_mem>>) src(%dma_wait3A_169 : memref<20000x128xf32, #tpu.memory_space<hbm>>) dst(%arg17 : memref<96x128xf32, #tpu.memory_space<vmem>>)
      %scan3A_170 = arith.constant 0 : i32
      %scan3A_171 = arith.constant 0 : i32
      %scan3A_172 = arith.constant 6 : i32
      %scan3A_173 = arith.addi %scan3A_171, %scan3A_172 : i32
      %scan3A_174 = arith.constant 1 : i32
      %scan3A_175 = scf.for %scan3A_178 = %scan3A_171 to %scan3A_173 step %scan3A_174 iter_args(%scan3A_179 = %scan3A_170) -> (i32)  : i32 {
        %mul3A_180 = arith.constant 16 : i32
        %mul3A_181 = arith.muli %scan3A_178, %mul3A_180 : i32
        %get3A_182 = arith.index_cast %mul3A_181 : i32 to index
        %get3A_183 = tpu.vector_load %arg12[%get3A_182] {strides = array<i32>} : memref<96xi32, #tpu.memory_space<vmem>>, vector<16xi32>,
        %get3A_184 = arith.index_cast %mul3A_181 : i32 to index
        %get3A_185 = tpu.vector_load %arg13[%get3A_184] {strides = array<i32>} : memref<96xi32, #tpu.memory_space<vmem>>, vector<16xi32>,
        %gather3A = tpu.vector_load_idx %arg10[%get3A_183] : memref<10000xf32, #tpu.memory_space<vmem>>[vector<16xi32>], vector<16xf32>,
        %gather3A_186 = tpu.vector_load_idx %arg11[%get3A_185] : memref<10000xf32, #tpu.memory_space<vmem>>[vector<16xi32>], vector<16xf32>,
        %add3A_187 = arith.addf %gather3A, %gather3A_186 : vector<16xf32>
        %get3A_188 = arith.index_cast %mul3A_181 : i32 to index
        %get3A_189 = tpu.vector_load %arg14[%get3A_188] {strides = array<i32>} : memref<96xf32, #tpu.memory_space<vmem>>, vector<16xf32>,
        %add3A_190 = arith.addf %add3A_187, %get3A_189 : vector<16xf32>
        %neg3A = arith.constant 0.000000e+00 : f32
        %neg3A_191 = vector.broadcast %neg3A : f32 to vector<16xf32>
        %neg3A_192 = arith.subf %neg3A_191, %add3A_190 : vector<16xf32>
        %exp3A = math.exp %neg3A_192 : vector<16xf32>
        %add3A_193 = arith.constant 1.000000e+00 : f32
        %add3A_194 = vector.broadcast %add3A_193 : f32 to vector<16xf32>
        %add3A_195 = arith.addf %add3A_194, %exp3A : vector<16xf32>
        %div3A = arith.constant 1.000000e+00 : f32
        %div3A_196 = vector.broadcast %div3A : f32 to vector<16xf32>
        %div3A_197 = arith.divf %div3A_196, %add3A_195 : vector<16xf32>
        %mul3A_198 = arith.constant 16 : i32
        %mul3A_199 = arith.muli %scan3A_178, %mul3A_198 : i32
        %slice3A = vector.extract_strided_slice %div3A_197 {offsets = [0], sizes = [1], strides = [1]} : vector<16xf32> to vector<1xf32>
        %squeeze3A = vector.extract %slice3A[0] : f32 from vector<1xf32>
        %add3A_200 = arith.constant 0 : i32
        %add3A_201 = arith.addi %mul3A_199, %add3A_200 : i32
        %get3A_202 = arith.index_cast %add3A_201 : i32 to index
        %get3A_203 = arith.constant 0 : index
        %get3A_204 = tpu.vector_load %arg16[%get3A_202, %get3A_203] {strides = array<i32>} : memref<96x128xf32, #tpu.memory_space<vmem>>, vector<16xf32>,
        %mul3A_205 = vector.broadcast %squeeze3A : f32 to vector<16xf32>
        %mul3A_206 = arith.mulf %mul3A_205, %get3A_204 : vector<16xf32>
        %add3A_207 = arith.constant 0 : i32
        %add3A_208 = arith.addi %mul3A_199, %add3A_207 : i32
        %get3A_209 = arith.index_cast %add3A_208 : i32 to index
        %get3A_210 = arith.constant 0 : index
        %get3A_211 = tpu.vector_load %arg17[%get3A_209, %get3A_210] {strides = array<i32>} : memref<96x128xf32, #tpu.memory_space<vmem>>, vector<16xf32>,
        %mul3A_212 = arith.mulf %mul3A_206, %get3A_211 : vector<16xf32>
        %add3A_213 = arith.constant 0 : i32
        %add3A_214 = arith.addi %mul3A_199, %add3A_213 : i32
        %swap3A_215 = arith.index_cast %add3A_214 : i32 to index
        %swap3A_216 = arith.constant 0 : index
        %swap3A_217 = tpu.vector_load %arg17[%swap3A_215, %swap3A_216] {strides = array<i32>} : memref<96x128xf32, #tpu.memory_space<vmem>>, vector<16xf32>,
        tpu.vector_store %arg17[%swap3A_215, %swap3A_216], %mul3A_212 {strides = array<i32>} : memref<96x128xf32, #tpu.memory_space<vmem>>, vector<16xf32>,
        %add3A_218 = arith.constant 0 : i32
        %add3A_219 = arith.addi %mul3A_199, %add3A_218 : i32
        %get3A_220 = arith.index_cast %add3A_219 : i32 to index
        %get3A_221 = arith.constant 16 : index
        %get3A_222 = tpu.vector_load %arg16[%get3A_220, %get3A_221] {strides = array<i32>} : memref<96x128xf32, #tpu.memory_space<vmem>>, vector<16xf32>,
        %mul3A_223 = vector.broadcast %squeeze3A : f32 to vector<16xf32>
        %mul3A_224 = arith.mulf %mul3A_223, %get3A_222 : vector<16xf32>
        %add3A_225 = arith.constant 0 : i32
        %add3A_226 = arith.addi %mul3A_199, %add3A_225 : i32
        %get3A_227 = arith.index_cast %add3A_226 : i32 to index
        %get3A_228 = arith.constant 16 : index
        %get3A_229 = tpu.vector_load %arg17[%get3A_227, %get3A_228] {strides = array<i32>} : memref<96x128xf32, #tpu.memory_space<vmem>>, vector<16xf32>,
        %mul3A_230 = arith.mulf %mul3A_224, %get3A_229 : vector<16xf32>
        %add3A_231 = arith.constant 0 : i32
        %add3A_232 = arith.addi %mul3A_199, %add3A_231 : i32
        %swap3A_233 = arith.index_cast %add3A_232 : i32 to index
        %swap3A_234 = arith.constant 16 : index
        %swap3A_235 = tpu.vector_load %arg17[%swap3A_233, %swap3A_234] {strides = array<i32>} : memref<96x128xf32, #tpu.memory_space<vmem>>, vector<16xf32>,
        tpu.vector_store %arg17[%swap3A_233, %swap3A_234], %mul3A_230 {strides = array<i32>} : memref<96x128xf32, #tpu.memory_space<vmem>>, vector<16xf32>,
        %add3A_236 = arith.constant 0 : i32
        %add3A_237 = arith.addi %mul3A_199, %add3A_236 : i32
        %get3A_238 = arith.index_cast %add3A_237 : i32 to index
        %get3A_239 = arith.constant 32 : index
        %get3A_240 = tpu.vector_load %arg16[%get3A_238, %get3A_239] {strides = array<i32>} : memref<96x128xf32, #tpu.memory_space<vmem>>, vector<16xf32>,
        %mul3A_241 = vector.broadcast %squeeze3A : f32 to vector<16xf32>
        %mul3A_242 = arith.mulf %mul3A_241, %get3A_240 : vector<16xf32>
        %add3A_243 = arith.constant 0 : i32
        %add3A_244 = arith.addi %mul3A_199, %add3A_243 : i32
        %get3A_245 = arith.index_cast %add3A_244 : i32 to index
        %get3A_246 = arith.constant 32 : index
        %get3A_247 = tpu.vector_load %arg17[%get3A_245, %get3A_246] {strides = array<i32>} : memref<96x128xf32, #tpu.memory_space<vmem>>, vector<16xf32>,
        %mul3A_248 = arith.mulf %mul3A_242, %get3A_247 : vector<16xf32>
        %add3A_249 = arith.constant 0 : i32
        %add3A_250 = arith.addi %mul3A_199, %add3A_249 : i32
        %swap3A_251 = arith.index_cast %add3A_250 : i32 to index
        %swap3A_252 = arith.constant 32 : index
        %swap3A_253 = tpu.vector_load %arg17[%swap3A_251, %swap3A_252] {strides = array<i32>} : memref<96x128xf32, #tpu.memory_space<vmem>>, vector<16xf32>,
        tpu.vector_store %arg17[%swap3A_251, %swap3A_252], %mul3A_248 {strides = array<i32>} : memref<96x128xf32, #tpu.memory_space<vmem>>, vector<16xf32>,
        %add3A_254 = arith.constant 0 : i32
        %add3A_255 = arith.addi %mul3A_199, %add3A_254 : i32
        %get3A_256 = arith.index_cast %add3A_255 : i32 to index
        %get3A_257 = arith.constant 48 : index
        %get3A_258 = tpu.vector_load %arg16[%get3A_256, %get3A_257] {strides = array<i32>} : memref<96x128xf32, #tpu.memory_space<vmem>>, vector<16xf32>,
        %mul3A_259 = vector.broadcast %squeeze3A : f32 to vector<16xf32>
        %mul3A_260 = arith.mulf %mul3A_259, %get3A_258 : vector<16xf32>
        %add3A_261 = arith.constant 0 : i32
        %add3A_262 = arith.addi %mul3A_199, %add3A_261 : i32
        %get3A_263 = arith.index_cast %add3A_262 : i32 to index
        %get3A_264 = arith.constant 48 : index
        %get3A_265 = tpu.vector_load %arg17[%get3A_263, %get3A_264] {strides = array<i32>} : memref<96x128xf32, #tpu.memory_space<vmem>>, vector<16xf32>,
        %mul3A_266 = arith.mulf %mul3A_260, %get3A_265 : vector<16xf32>
        %add3A_267 = arith.constant 0 : i32
        %add3A_268 = arith.addi %mul3A_199, %add3A_267 : i32
        %swap3A_269 = arith.index_cast %add3A_268 : i32 to index
        %swap3A_270 = arith.constant 48 : index
        %swap3A_271 = tpu.vector_load %arg17[%swap3A_269, %swap3A_270] {strides = array<i32>} : memref<96x128xf32, #tpu.memory_space<vmem>>, vector<16xf32>,
        tpu.vector_store %arg17[%swap3A_269, %swap3A_270], %mul3A_266 {strides = array<i32>} : memref<96x128xf32, #tpu.memory_space<vmem>>, vector<16xf32>,
        %add3A_272 = arith.constant 0 : i32
        %add3A_273 = arith.addi %mul3A_199, %add3A_272 : i32
        %get3A_274 = arith.index_cast %add3A_273 : i32 to index
        %get3A_275 = arith.constant 64 : index
        %get3A_276 = tpu.vector_load %arg16[%get3A_274, %get3A_275] {strides = array<i32>} : memref<96x128xf32, #tpu.memory_space<vmem>>, vector<16xf32>,
        %mul3A_277 = vector.broadcast %squeeze3A : f32 to vector<16xf32>
        %mul3A_278 = arith.mulf %mul3A_277, %get3A_276 : vector<16xf32>
        %add3A_279 = arith.constant 0 : i32
        %add3A_280 = arith.addi %mul3A_199, %add3A_279 : i32
        %get3A_281 = arith.index_cast %add3A_280 : i32 to index
        %get3A_282 = arith.constant 64 : index
        %get3A_283 = tpu.vector_load %arg17[%get3A_281, %get3A_282] {strides = array<i32>} : memref<96x128xf32, #tpu.memory_space<vmem>>, vector<16xf32>,
        %mul3A_284 = arith.mulf %mul3A_278, %get3A_283 : vector<16xf32>
        %add3A_285 = arith.constant 0 : i32
        %add3A_286 = arith.addi %mul3A_199, %add3A_285 : i32
        %swap3A_287 = arith.index_cast %add3A_286 : i32 to index
        %swap3A_288 = arith.constant 64 : index
        %swap3A_289 = tpu.vector_load %arg17[%swap3A_287, %swap3A_288] {strides = array<i32>} : memref<96x128xf32, #tpu.memory_space<vmem>>, vector<16xf32>,
        tpu.vector_store %arg17[%swap3A_287, %swap3A_288], %mul3A_284 {strides = array<i32>} : memref<96x128xf32, #tpu.memory_space<vmem>>, vector<16xf32>,
        %add3A_290 = arith.constant 0 : i32
        %add3A_291 = arith.addi %mul3A_199, %add3A_290 : i32
        %get3A_292 = arith.index_cast %add3A_291 : i32 to index
        %get3A_293 = arith.constant 80 : index
        %get3A_294 = tpu.vector_load %arg16[%get3A_292, %get3A_293] {strides = array<i32>} : memref<96x128xf32, #tpu.memory_space<vmem>>, vector<16xf32>,
        %mul3A_295 = vector.broadcast %squeeze3A : f32 to vector<16xf32>
        %mul3A_296 = arith.mulf %mul3A_295, %get3A_294 : vector<16xf32>
        %add3A_297 = arith.constant 0 : i32
        %add3A_298 = arith.addi %mul3A_199, %add3A_297 : i32
        %get3A_299 = arith.index_cast %add3A_298 : i32 to index
        %get3A_300 = arith.constant 80 : index
        %get3A_301 = tpu.vector_load %arg17[%get3A_299, %get3A_300] {strides = array<i32>} : memref<96x128xf32, #tpu.memory_space<vmem>>, vector<16xf32>,
        %mul3A_302 = arith.mulf %mul3A_296, %get3A_301 : vector<16xf32>
        %add3A_303 = arith.constant 0 : i32
        %add3A_304 = arith.addi %mul3A_199, %add3A_303 : i32
        %swap3A_305 = arith.index_cast %add3A_304 : i32 to index
        %swap3A_306 = arith.constant 80 : index
        %swap3A_307 = tpu.vector_load %arg17[%swap3A_305, %swap3A_306] {strides = array<i32>} : memref<96x128xf32, #tpu.memory_space<vmem>>, vector<16xf32>,
        tpu.vector_store %arg17[%swap3A_305, %swap3A_306], %mul3A_302 {strides = array<i32>} : memref<96x128xf32, #tpu.memory_space<vmem>>, vector<16xf32>,
        %add3A_308 = arith.constant 0 : i32
        %add3A_309 = arith.addi %mul3A_199, %add3A_308 : i32
        %get3A_310 = arith.index_cast %add3A_309 : i32 to index
        %get3A_311 = arith.constant 96 : index
        %get3A_312 = tpu.vector_load %arg16[%get3A_310, %get3A_311] {strides = array<i32>} : memref<96x128xf32, #tpu.memory_space<vmem>>, vector<16xf32>,
        %mul3A_313 = vector.broadcast %squeeze3A : f32 to vector<16xf32>
        %mul3A_314 = arith.mulf %mul3A_313, %get3A_312 : vector<16xf32>
        %add3A_315 = arith.constant 0 : i32
        %add3A_316 = arith.addi %mul3A_199, %add3A_315 : i32
        %get3A_317 = arith.index_cast %add3A_316 : i32 to index
        %get3A_318 = arith.constant 96 : index
        %get3A_319 = tpu.vector_load %arg17[%get3A_317, %get3A_318] {strides = array<i32>} : memref<96x128xf32, #tpu.memory_space<vmem>>, vector<16xf32>,
        %mul3A_320 = arith.mulf %mul3A_314, %get3A_319 : vector<16xf32>
        %add3A_321 = arith.constant 0 : i32
        %add3A_322 = arith.addi %mul3A_199, %add3A_321 : i32
        %swap3A_323 = arith.index_cast %add3A_322 : i32 to index
        %swap3A_324 = arith.constant 96 : index
        %swap3A_325 = tpu.vector_load %arg17[%swap3A_323, %swap3A_324] {strides = array<i32>} : memref<96x128xf32, #tpu.memory_space<vmem>>, vector<16xf32>,
        tpu.vector_store %arg17[%swap3A_323, %swap3A_324], %mul3A_320 {strides = array<i32>} : memref<96x128xf32, #tpu.memory_space<vmem>>, vector<16xf32>,
        %add3A_326 = arith.constant 0 : i32
        %add3A_327 = arith.addi %mul3A_199, %add3A_326 : i32
        %get3A_328 = arith.index_cast %add3A_327 : i32 to index
        %get3A_329 = arith.constant 112 : index
        %get3A_330 = tpu.vector_load %arg16[%get3A_328, %get3A_329] {strides = array<i32>} : memref<96x128xf32, #tpu.memory_space<vmem>>, vector<16xf32>,
        %mul3A_331 = vector.broadcast %squeeze3A : f32 to vector<16xf32>
        %mul3A_332 = arith.mulf %mul3A_331, %get3A_330 : vector<16xf32>
        %add3A_333 = arith.constant 0 : i32
        %add3A_334 = arith.addi %mul3A_199, %add3A_333 : i32
        %get3A_335 = arith.index_cast %add3A_334 : i32 to index
        %get3A_336 = arith.constant 112 : index
        %get3A_337 = tpu.vector_load %arg17[%get3A_335, %get3A_336] {strides = array<i32>} : memref<96x128xf32, #tpu.memory_space<vmem>>, vector<16xf32>,
        %mul3A_338 = arith.mulf %mul3A_332, %get3A_337 : vector<16xf32>
        %add3A_339 = arith.constant 0 : i32
        %add3A_340 = arith.addi %mul3A_199, %add3A_339 : i32
        %swap3A_341 = arith.index_cast %add3A_340 : i32 to index
        %swap3A_342 = arith.constant 112 : index
        %swap3A_343 = tpu.vector_load %arg17[%swap3A_341, %swap3A_342] {strides = array<i32>} : memref<96x128xf32, #tpu.memory_space<vmem>>, vector<16xf32>,
        tpu.vector_store %arg17[%swap3A_341, %swap3A_342], %mul3A_338 {strides = array<i32>} : memref<96x128xf32, #tpu.memory_space<vmem>>, vector<16xf32>,
        %slice3A_344 = vector.extract_strided_slice %div3A_197 {offsets = [1], sizes = [1], strides = [1]} : vector<16xf32> to vector<1xf32>
        %squeeze3A_345 = vector.extract %slice3A_344[0] : f32 from vector<1xf32>
        %add3A_346 = arith.constant 1 : i32
        %add3A_347 = arith.addi %mul3A_199, %add3A_346 : i32
        %get3A_348 = arith.index_cast %add3A_347 : i32 to index
        %get3A_349 = arith.constant 0 : index
        %get3A_350 = tpu.vector_load %arg16[%get3A_348, %get3A_349] {strides = array<i32>} : memref<96x128xf32, #tpu.memory_space<vmem>>, vector<16xf32>,
        %mul3A_351 = vector.broadcast %squeeze3A_345 : f32 to vector<16xf32>
        %mul3A_352 = arith.mulf %mul3A_351, %get3A_350 : vector<16xf32>
        %add3A_353 = arith.constant 1 : i32
        %add3A_354 = arith.addi %mul3A_199, %add3A_353 : i32
        %get3A_355 = arith.index_cast %add3A_354 : i32 to index
        %get3A_356 = arith.constant 0 : index
        %get3A_357 = tpu.vector_load %arg17[%get3A_355, %get3A_356] {strides = array<i32>} : memref<96x128xf32, #tpu.memory_space<vmem>>, vector<16xf32>,
        %mul3A_358 = arith.mulf %mul3A_352, %get3A_357 : vector<16xf32>
        %add3A_359 = arith.constant 1 : i32
        %add3A_360 = arith.addi %mul3A_199, %add3A_359 : i32
        %swap3A_361 = arith.index_cast %add3A_360 : i32 to index
        %swap3A_362 = arith.constant 0 : index
        %swap3A_363 = tpu.vector_load %arg17[%swap3A_361, %swap3A_362] {strides = array<i32>} : memref<96x128xf32, #tpu.memory_space<vmem>>, vector<16xf32>,
        tpu.vector_store %arg17[%swap3A_361, %swap3A_362], %mul3A_358 {strides = array<i32>} : memref<96x128xf32, #tpu.memory_space<vmem>>, vector<16xf32>,
        %add3A_364 = arith.constant 1 : i32
        %add3A_365 = arith.addi %mul3A_199, %add3A_364 : i32
        %get3A_366 = arith.index_cast %add3A_365 : i32 to index
        %get3A_367 = arith.constant 16 : index
        %get3A_368 = tpu.vector_load %arg16[%get3A_366, %get3A_367] {strides = array<i32>} : memref<96x128xf32, #tpu.memory_space<vmem>>, vector<16xf32>,
        %mul3A_369 = vector.broadcast %squeeze3A_345 : f32 to vector<16xf32>
        %mul3A_370 = arith.mulf %mul3A_369, %get3A_368 : vector<16xf32>
        %add3A_371 = arith.constant 1 : i32
        %add3A_372 = arith.addi %mul3A_199, %add3A_371 : i32
        %get3A_373 = arith.index_cast %add3A_372 : i32 to index
        %get3A_374 = arith.constant 16 : index
        %get3A_375 = tpu.vector_load %arg17[%get3A_373, %get3A_374] {strides = array<i32>} : memref<96x128xf32, #tpu.memory_space<vmem>>, vector<16xf32>,
        %mul3A_376 = arith.mulf %mul3A_370, %get3A_375 : vector<16xf32>
        %add3A_377 = arith.constant 1 : i32
        %add3A_378 = arith.addi %mul3A_199, %add3A_377 : i32
        %swap3A_379 = arith.index_cast %add3A_378 : i32 to index
        %swap3A_380 = arith.constant 16 : index
        %swap3A_381 = tpu.vector_load %arg17[%swap3A_379, %swap3A_380] {strides = array<i32>} : memref<96x128xf32, #tpu.memory_space<vmem>>, vector<16xf32>,
        tpu.vector_store %arg17[%swap3A_379, %swap3A_380], %mul3A_376 {strides = array<i32>} : memref<96x128xf32, #tpu.memory_space<vmem>>, vector<16xf32>,
        %add3A_382 = arith.constant 1 : i32
        %add3A_383 = arith.addi %mul3A_199, %add3A_382 : i32
        %get3A_384 = arith.index_cast %add3A_383 : i32 to index
        %get3A_385 = arith.constant 32 : index
        %get3A_386 = tpu.vector_load %arg16[%get3A_384, %get3A_385] {strides = array<i32>} : memref<96x128xf32, #tpu.memory_space<vmem>>, vector<16xf32>,
        %mul3A_387 = vector.broadcast %squeeze3A_345 : f32 to vector<16xf32>
        %mul3A_388 = arith.mulf %mul3A_387, %get3A_386 : vector<16xf32>
        %add3A_389 = arith.constant 1 : i32
        %add3A_390 = arith.addi %mul3A_199, %add3A_389 : i32
        %get3A_391 = arith.index_cast %add3A_390 : i32 to index
        %get3A_392 = arith.constant 32 : index
        %get3A_393 = tpu.vector_load %arg17[%get3A_391, %get3A_392] {strides = array<i32>} : memref<96x128xf32, #tpu.memory_space<vmem>>, vector<16xf32>,
        %mul3A_394 = arith.mulf %mul3A_388, %get3A_393 : vector<16xf32>
        %add3A_395 = arith.constant 1 : i32
        %add3A_396 = arith.addi %mul3A_199, %add3A_395 : i32
        %swap3A_397 = arith.index_cast %add3A_396 : i32 to index
        %swap3A_398 = arith.constant 32 : index
        %swap3A_399 = tpu.vector_load %arg17[%swap3A_397, %swap3A_398] {strides = array<i32>} : memref<96x128xf32, #tpu.memory_space<vmem>>, vector<16xf32>,
        tpu.vector_store %arg17[%swap3A_397, %swap3A_398], %mul3A_394 {strides = array<i32>} : memref<96x128xf32, #tpu.memory_space<vmem>>, vector<16xf32>,
        %add3A_400 = arith.constant 1 : i32
        %add3A_401 = arith.addi %mul3A_199, %add3A_400 : i32
        %get3A_402 = arith.index_cast %add3A_401 : i32 to index
        %get3A_403 = arith.constant 48 : index
        %get3A_404 = tpu.vector_load %arg16[%get3A_402, %get3A_403] {strides = array<i32>} : memref<96x128xf32, #tpu.memory_space<vmem>>, vector<16xf32>,
        %mul3A_405 = vector.broadcast %squeeze3A_345 : f32 to vector<16xf32>
        %mul3A_406 = arith.mulf %mul3A_405, %get3A_404 : vector<16xf32>
        %add3A_407 = arith.constant 1 : i32
        %add3A_408 = arith.addi %mul3A_199, %add3A_407 : i32
        %get3A_409 = arith.index_cast %add3A_408 : i32 to index
        %get3A_410 = arith.constant 48 : index
        %get3A_411 = tpu.vector_load %arg17[%get3A_409, %get3A_410] {strides = array<i32>} : memref<96x128xf32, #tpu.memory_space<vmem>>, vector<16xf32>,
        %mul3A_412 = arith.mulf %mul3A_406, %get3A_411 : vector<16xf32>
        %add3A_413 = arith.constant 1 : i32
        %add3A_414 = arith.addi %mul3A_199, %add3A_413 : i32
        %swap3A_415 = arith.index_cast %add3A_414 : i32 to index
        %swap3A_416 = arith.constant 48 : index
        %swap3A_417 = tpu.vector_load %arg17[%swap3A_415, %swap3A_416] {strides = array<i32>} : memref<96x128xf32, #tpu.memory_space<vmem>>, vector<16xf32>,
        tpu.vector_store %arg17[%swap3A_415, %swap3A_416], %mul3A_412 {strides = array<i32>} : memref<96x128xf32, #tpu.memory_space<vmem>>, vector<16xf32>,
        %add3A_418 = arith.constant 1 : i32
        %add3A_419 = arith.addi %mul3A_199, %add3A_418 : i32
        %get3A_420 = arith.index_cast %add3A_419 : i32 to index
        %get3A_421 = arith.constant 64 : index
        %get3A_422 = tpu.vector_load %arg16[%get3A_420, %get3A_421] {strides = array<i32>} : memref<96x128xf32, #tpu.memory_space<vmem>>, vector<16xf32>,
        %mul3A_423 = vector.broadcast %squeeze3A_345 : f32 to vector<16xf32>
        %mul3A_424 = arith.mulf %mul3A_423, %get3A_422 : vector<16xf32>
        %add3A_425 = arith.constant 1 : i32
        %add3A_426 = arith.addi %mul3A_199, %add3A_425 : i32
        %get3A_427 = arith.index_cast %add3A_426 : i32 to index
        %get3A_428 = arith.constant 64 : index
        %get3A_429 = tpu.vector_load %arg17[%get3A_427, %get3A_428] {strides = array<i32>} : memref<96x128xf32, #tpu.memory_space<vmem>>, vector<16xf32>,
        %mul3A_430 = arith.mulf %mul3A_424, %get3A_429 : vector<16xf32>
        %add3A_431 = arith.constant 1 : i32
        %add3A_432 = arith.addi %mul3A_199, %add3A_431 : i32
        %swap3A_433 = arith.index_cast %add3A_432 : i32 to index
        %swap3A_434 = arith.constant 64 : index
        %swap3A_435 = tpu.vector_load %arg17[%swap3A_433, %swap3A_434] {strides = array<i32>} : memref<96x128xf32, #tpu.memory_space<vmem>>, vector<16xf32>,
        tpu.vector_store %arg17[%swap3A_433, %swap3A_434], %mul3A_430 {strides = array<i32>} : memref<96x128xf32, #tpu.memory_space<vmem>>, vector<16xf32>,
        %add3A_436 = arith.constant 1 : i32
        %add3A_437 = arith.addi %mul3A_199, %add3A_436 : i32
        %get3A_438 = arith.index_cast %add3A_437 : i32 to index
        %get3A_439 = arith.constant 80 : index
        %get3A_440 = tpu.vector_load %arg16[%get3A_438, %get3A_439] {strides = array<i32>} : memref<96x128xf32, #tpu.memory_space<vmem>>, vector<16xf32>,
        %mul3A_441 = vector.broadcast %squeeze3A_345 : f32 to vector<16xf32>
        %mul3A_442 = arith.mulf %mul3A_441, %get3A_440 : vector<16xf32>
        %add3A_443 = arith.constant 1 : i32
        %add3A_444 = arith.addi %mul3A_199, %add3A_443 : i32
        %get3A_445 = arith.index_cast %add3A_444 : i32 to index
        %get3A_446 = arith.constant 80 : index
        %get3A_447 = tpu.vector_load %arg17[%get3A_445, %get3A_446] {strides = array<i32>} : memref<96x128xf32, #tpu.memory_space<vmem>>, vector<16xf32>,
        %mul3A_448 = arith.mulf %mul3A_442, %get3A_447 : vector<16xf32>
        %add3A_449 = arith.constant 1 : i32
        %add3A_450 = arith.addi %mul3A_199, %add3A_449 : i32
        %swap3A_451 = arith.index_cast %add3A_450 : i32 to index
        %swap3A_452 = arith.constant 80 : index
        %swap3A_453 = tpu.vector_load %arg17[%swap3A_451, %swap3A_452] {strides = array<i32>} : memref<96x128xf32, #tpu.memory_space<vmem>>, vector<16xf32>,
        tpu.vector_store %arg17[%swap3A_451, %swap3A_452], %mul3A_448 {strides = array<i32>} : memref<96x128xf32, #tpu.memory_space<vmem>>, vector<16xf32>,
        %add3A_454 = arith.constant 1 : i32
        %add3A_455 = arith.addi %mul3A_199, %add3A_454 : i32
        %get3A_456 = arith.index_cast %add3A_455 : i32 to index
        %get3A_457 = arith.constant 96 : index
        %get3A_458 = tpu.vector_load %arg16[%get3A_456, %get3A_457] {strides = array<i32>} : memref<96x128xf32, #tpu.memory_space<vmem>>, vector<16xf32>,
        %mul3A_459 = vector.broadcast %squeeze3A_345 : f32 to vector<16xf32>
        %mul3A_460 = arith.mulf %mul3A_459, %get3A_458 : vector<16xf32>
        %add3A_461 = arith.constant 1 : i32
        %add3A_462 = arith.addi %mul3A_199, %add3A_461 : i32
        %get3A_463 = arith.index_cast %add3A_462 : i32 to index
        %get3A_464 = arith.constant 96 : index
        %get3A_465 = tpu.vector_load %arg17[%get3A_463, %get3A_464] {strides = array<i32>} : memref<96x128xf32, #tpu.memory_space<vmem>>, vector<16xf32>,
        %mul3A_466 = arith.mulf %mul3A_460, %get3A_465 : vector<16xf32>
        %add3A_467 = arith.constant 1 : i32
        %add3A_468 = arith.addi %mul3A_199, %add3A_467 : i32
        %swap3A_469 = arith.index_cast %add3A_468 : i32 to index
        %swap3A_470 = arith.constant 96 : index
        %swap3A_471 = tpu.vector_load %arg17[%swap3A_469, %swap3A_470] {strides = array<i32>} : memref<96x128xf32, #tpu.memory_space<vmem>>, vector<16xf32>,
        tpu.vector_store %arg17[%swap3A_469, %swap3A_470], %mul3A_466 {strides = array<i32>} : memref<96x128xf32, #tpu.memory_space<vmem>>, vector<16xf32>,
        %add3A_472 = arith.constant 1 : i32
        %add3A_473 = arith.addi %mul3A_199, %add3A_472 : i32
        %get3A_474 = arith.index_cast %add3A_473 : i32 to index
        %get3A_475 = arith.constant 112 : index
        %get3A_476 = tpu.vector_load %arg16[%get3A_474, %get3A_475] {strides = array<i32>} : memref<96x128xf32, #tpu.memory_space<vmem>>, vector<16xf32>,
        %mul3A_477 = vector.broadcast %squeeze3A_345 : f32 to vector<16xf32>
        %mul3A_478 = arith.mulf %mul3A_477, %get3A_476 : vector<16xf32>
        %add3A_479 = arith.constant 1 : i32
        %add3A_480 = arith.addi %mul3A_199, %add3A_479 : i32
        %get3A_481 = arith.index_cast %add3A_480 : i32 to index
        %get3A_482 = arith.constant 112 : index
        %get3A_483 = tpu.vector_load %arg17[%get3A_481, %get3A_482] {strides = array<i32>} : memref<96x128xf32, #tpu.memory_space<vmem>>, vector<16xf32>,
        %mul3A_484 = arith.mulf %mul3A_478, %get3A_483 : vector<16xf32>
        %add3A_485 = arith.constant 1 : i32
        %add3A_486 = arith.addi %mul3A_199, %add3A_485 : i32
        %swap3A_487 = arith.index_cast %add3A_486 : i32 to index
        %swap3A_488 = arith.constant 112 : index
        %swap3A_489 = tpu.vector_load %arg17[%swap3A_487, %swap3A_488] {strides = array<i32>} : memref<96x128xf32, #tpu.memory_space<vmem>>, vector<16xf32>,
        tpu.vector_store %arg17[%swap3A_487, %swap3A_488], %mul3A_484 {strides = array<i32>} : memref<96x128xf32, #tpu.memory_space<vmem>>, vector<16xf32>,
        %slice3A_490 = vector.extract_strided_slice %div3A_197 {offsets = [2], sizes = [1], strides = [1]} : vector<16xf32> to vector<1xf32>
        %squeeze3A_491 = vector.extract %slice3A_490[0] : f32 from vector<1xf32>
        %add3A_492 = arith.constant 2 : i32
        %add3A_493 = arith.addi %mul3A_199, %add3A_492 : i32
        %get3A_494 = arith.index_cast %add3A_493 : i32 to index
        %get3A_495 = arith.constant 0 : index
        %get3A_496 = tpu.vector_load %arg16[%get3A_494, %get3A_495] {strides = array<i32>} : memref<96x128xf32, #tpu.memory_space<vmem>>, vector<16xf32>,
        %mul3A_497 = vector.broadcast %squeeze3A_491 : f32 to vector<16xf32>
        %mul3A_498 = arith.mulf %mul3A_497, %get3A_496 : vector<16xf32>
        %add3A_499 = arith.constant 2 : i32
        %add3A_500 = arith.addi %mul3A_199, %add3A_499 : i32
        %get3A_501 = arith.index_cast %add3A_500 : i32 to index
        %get3A_502 = arith.constant 0 : index
        %get3A_503 = tpu.vector_load %arg17[%get3A_501, %get3A_502] {strides = array<i32>} : memref<96x128xf32, #tpu.memory_space<vmem>>, vector<16xf32>,
        %mul3A_504 = arith.mulf %mul3A_498, %get3A_503 : vector<16xf32>
        %add3A_505 = arith.constant 2 : i32
        %add3A_506 = arith.addi %mul3A_199, %add3A_505 : i32
        %swap3A_507 = arith.index_cast %add3A_506 : i32 to index
        %swap3A_508 = arith.constant 0 : index
        %swap3A_509 = tpu.vector_load %arg17[%swap3A_507, %swap3A_508] {strides = array<i32>} : memref<96x128xf32, #tpu.memory_space<vmem>>, vector<16xf32>,
        tpu.vector_store %arg17[%swap3A_507, %swap3A_508], %mul3A_504 {strides = array<i32>} : memref<96x128xf32, #tpu.memory_space<vmem>>, vector<16xf32>,
        %add3A_510 = arith.constant 2 : i32
        %add3A_511 = arith.addi %mul3A_199, %add3A_510 : i32
        %get3A_512 = arith.index_cast %add3A_511 : i32 to index
        %get3A_513 = arith.constant 16 : index
        %get3A_514 = tpu.vector_load %arg16[%get3A_512, %get3A_513] {strides = array<i32>} : memref<96x128xf32, #tpu.memory_space<vmem>>, vector<16xf32>,
        %mul3A_515 = vector.broadcast %squeeze3A_491 : f32 to vector<16xf32>
        %mul3A_516 = arith.mulf %mul3A_515, %get3A_514 : vector<16xf32>
        %add3A_517 = arith.constant 2 : i32
        %add3A_518 = arith.addi %mul3A_199, %add3A_517 : i32
        %get3A_519 = arith.index_cast %add3A_518 : i32 to index
        %get3A_520 = arith.constant 16 : index
        %get3A_521 = tpu.vector_load %arg17[%get3A_519, %get3A_520] {strides = array<i32>} : memref<96x128xf32, #tpu.memory_space<vmem>>, vector<16xf32>,
        %mul3A_522 = arith.mulf %mul3A_516, %get3A_521 : vector<16xf32>
        %add3A_523 = arith.constant 2 : i32
        %add3A_524 = arith.addi %mul3A_199, %add3A_523 : i32
        %swap3A_525 = arith.index_cast %add3A_524 : i32 to index
        %swap3A_526 = arith.constant 16 : index
        %swap3A_527 = tpu.vector_load %arg17[%swap3A_525, %swap3A_526] {strides = array<i32>} : memref<96x128xf32, #tpu.memory_space<vmem>>, vector<16xf32>,
        tpu.vector_store %arg17[%swap3A_525, %swap3A_526], %mul3A_522 {strides = array<i32>} : memref<96x128xf32, #tpu.memory_space<vmem>>, vector<16xf32>,
        %add3A_528 = arith.constant 2 : i32
        %add3A_529 = arith.addi %mul3A_199, %add3A_528 : i32
        %get3A_530 = arith.index_cast %add3A_529 : i32 to index
        %get3A_531 = arith.constant 32 : index
        %get3A_532 = tpu.vector_load %arg16[%get3A_530, %get3A_531] {strides = array<i32>} : memref<96x128xf32, #tpu.memory_space<vmem>>, vector<16xf32>,
        %mul3A_533 = vector.broadcast %squeeze3A_491 : f32 to vector<16xf32>
        %mul3A_534 = arith.mulf %mul3A_533, %get3A_532 : vector<16xf32>
        %add3A_535 = arith.constant 2 : i32
        %add3A_536 = arith.addi %mul3A_199, %add3A_535 : i32
        %get3A_537 = arith.index_cast %add3A_536 : i32 to index
        %get3A_538 = arith.constant 32 : index
        %get3A_539 = tpu.vector_load %arg17[%get3A_537, %get3A_538] {strides = array<i32>} : memref<96x128xf32, #tpu.memory_space<vmem>>, vector<16xf32>,
        %mul3A_540 = arith.mulf %mul3A_534, %get3A_539 : vector<16xf32>
        %add3A_541 = arith.constant 2 : i32
        %add3A_542 = arith.addi %mul3A_199, %add3A_541 : i32
        %swap3A_543 = arith.index_cast %add3A_542 : i32 to index
        %swap3A_544 = arith.constant 32 : index
        %swap3A_545 = tpu.vector_load %arg17[%swap3A_543, %swap3A_544] {strides = array<i32>} : memref<96x128xf32, #tpu.memory_space<vmem>>, vector<16xf32>,
        tpu.vector_store %arg17[%swap3A_543, %swap3A_544], %mul3A_540 {strides = array<i32>} : memref<96x128xf32, #tpu.memory_space<vmem>>, vector<16xf32>,
        %add3A_546 = arith.constant 2 : i32
        %add3A_547 = arith.addi %mul3A_199, %add3A_546 : i32
        %get3A_548 = arith.index_cast %add3A_547 : i32 to index
        %get3A_549 = arith.constant 48 : index
        %get3A_550 = tpu.vector_load %arg16[%get3A_548, %get3A_549] {strides = array<i32>} : memref<96x128xf32, #tpu.memory_space<vmem>>, vector<16xf32>,
        %mul3A_551 = vector.broadcast %squeeze3A_491 : f32 to vector<16xf32>
        %mul3A_552 = arith.mulf %mul3A_551, %get3A_550 : vector<16xf32>
        %add3A_553 = arith.constant 2 : i32
        %add3A_554 = arith.addi %mul3A_199, %add3A_553 : i32
        %get3A_555 = arith.index_cast %add3A_554 : i32 to index
        %get3A_556 = arith.constant 48 : index
        %get3A_557 = tpu.vector_load %arg17[%get3A_555, %get3A_556] {strides = array<i32>} : memref<96x128xf32, #tpu.memory_space<vmem>>, vector<16xf32>,
        %mul3A_558 = arith.mulf %mul3A_552, %get3A_557 : vector<16xf32>
        %add3A_559 = arith.constant 2 : i32
        %add3A_560 = arith.addi %mul3A_199, %add3A_559 : i32
        %swap3A_561 = arith.index_cast %add3A_560 : i32 to index
        %swap3A_562 = arith.constant 48 : index
        %swap3A_563 = tpu.vector_load %arg17[%swap3A_561, %swap3A_562] {strides = array<i32>} : memref<96x128xf32, #tpu.memory_space<vmem>>, vector<16xf32>,
        tpu.vector_store %arg17[%swap3A_561, %swap3A_562], %mul3A_558 {strides = array<i32>} : memref<96x128xf32, #tpu.memory_space<vmem>>, vector<16xf32>,
        %add3A_564 = arith.constant 2 : i32
        %add3A_565 = arith.addi %mul3A_199, %add3A_564 : i32
        %get3A_566 = arith.index_cast %add3A_565 : i32 to index
        %get3A_567 = arith.constant 64 : index
        %get3A_568 = tpu.vector_load %arg16[%get3A_566, %get3A_567] {strides = array<i32>} : memref<96x128xf32, #tpu.memory_space<vmem>>, vector<16xf32>,
        %mul3A_569 = vector.broadcast %squeeze3A_491 : f32 to vector<16xf32>
        %mul3A_570 = arith.mulf %mul3A_569, %get3A_568 : vector<16xf32>
        %add3A_571 = arith.constant 2 : i32
        %add3A_572 = arith.addi %mul3A_199, %add3A_571 : i32
        %get3A_573 = arith.index_cast %add3A_572 : i32 to index
        %get3A_574 = arith.constant 64 : index
        %get3A_575 = tpu.vector_load %arg17[%get3A_573, %get3A_574] {strides = array<i32>} : memref<96x128xf32, #tpu.memory_space<vmem>>, vector<16xf32>,
        %mul3A_576 = arith.mulf %mul3A_570, %get3A_575 : vector<16xf32>
        %add3A_577 = arith.constant 2 : i32
        %add3A_578 = arith.addi %mul3A_199, %add3A_577 : i32
        %swap3A_579 = arith.index_cast %add3A_578 : i32 to index
        %swap3A_580 = arith.constant 64 : index
        %swap3A_581 = tpu.vector_load %arg17[%swap3A_579, %swap3A_580] {strides = array<i32>} : memref<96x128xf32, #tpu.memory_space<vmem>>, vector<16xf32>,
        tpu.vector_store %arg17[%swap3A_579, %swap3A_580], %mul3A_576 {strides = array<i32>} : memref<96x128xf32, #tpu.memory_space<vmem>>, vector<16xf32>,
        %add3A_582 = arith.constant 2 : i32
        %add3A_583 = arith.addi %mul3A_199, %add3A_582 : i32
        %get3A_584 = arith.index_cast %add3A_583 : i32 to index
        %get3A_585 = arith.constant 80 : index
        %get3A_586 = tpu.vector_load %arg16[%get3A_584, %get3A_585] {strides = array<i32>} : memref<96x128xf32, #tpu.memory_space<vmem>>, vector<16xf32>,
        %mul3A_587 = vector.broadcast %squeeze3A_491 : f32 to vector<16xf32>
        %mul3A_588 = arith.mulf %mul3A_587, %get3A_586 : vector<16xf32>
        %add3A_589 = arith.constant 2 : i32
        %add3A_590 = arith.addi %mul3A_199, %add3A_589 : i32
        %get3A_591 = arith.index_cast %add3A_590 : i32 to index
        %get3A_592 = arith.constant 80 : index
        %get3A_593 = tpu.vector_load %arg17[%get3A_591, %get3A_592] {strides = array<i32>} : memref<96x128xf32, #tpu.memory_space<vmem>>, vector<16xf32>,
        %mul3A_594 = arith.mulf %mul3A_588, %get3A_593 : vector<16xf32>
        %add3A_595 = arith.constant 2 : i32
        %add3A_596 = arith.addi %mul3A_199, %add3A_595 : i32
        %swap3A_597 = arith.index_cast %add3A_596 : i32 to index
        %swap3A_598 = arith.constant 80 : index
        %swap3A_599 = tpu.vector_load %arg17[%swap3A_597, %swap3A_598] {strides = array<i32>} : memref<96x128xf32, #tpu.memory_space<vmem>>, vector<16xf32>,
        tpu.vector_store %arg17[%swap3A_597, %swap3A_598], %mul3A_594 {strides = array<i32>} : memref<96x128xf32, #tpu.memory_space<vmem>>, vector<16xf32>,
        %add3A_600 = arith.constant 2 : i32
        %add3A_601 = arith.addi %mul3A_199, %add3A_600 : i32
        %get3A_602 = arith.index_cast %add3A_601 : i32 to index
        %get3A_603 = arith.constant 96 : index
        %get3A_604 = tpu.vector_load %arg16[%get3A_602, %get3A_603] {strides = array<i32>} : memref<96x128xf32, #tpu.memory_space<vmem>>, vector<16xf32>,
        %mul3A_605 = vector.broadcast %squeeze3A_491 : f32 to vector<16xf32>
        %mul3A_606 = arith.mulf %mul3A_605, %get3A_604 : vector<16xf32>
        %add3A_607 = arith.constant 2 : i32
        %add3A_608 = arith.addi %mul3A_199, %add3A_607 : i32
        %get3A_609 = arith.index_cast %add3A_608 : i32 to index
        %get3A_610 = arith.constant 96 : index
        %get3A_611 = tpu.vector_load %arg17[%get3A_609, %get3A_610] {strides = array<i32>} : memref<96x128xf32, #tpu.memory_space<vmem>>, vector<16xf32>,
        %mul3A_612 = arith.mulf %mul3A_606, %get3A_611 : vector<16xf32>
        %add3A_613 = arith.constant 2 : i32
        %add3A_614 = arith.addi %mul3A_199, %add3A_613 : i32
        %swap3A_615 = arith.index_cast %add3A_614 : i32 to index
        %swap3A_616 = arith.constant 96 : index
        %swap3A_617 = tpu.vector_load %arg17[%swap3A_615, %swap3A_616] {strides = array<i32>} : memref<96x128xf32, #tpu.memory_space<vmem>>, vector<16xf32>,
        tpu.vector_store %arg17[%swap3A_615, %swap3A_616], %mul3A_612 {strides = array<i32>} : memref<96x128xf32, #tpu.memory_space<vmem>>, vector<16xf32>,
        %add3A_618 = arith.constant 2 : i32
        %add3A_619 = arith.addi %mul3A_199, %add3A_618 : i32
        %get3A_620 = arith.index_cast %add3A_619 : i32 to index
        %get3A_621 = arith.constant 112 : index
        %get3A_622 = tpu.vector_load %arg16[%get3A_620, %get3A_621] {strides = array<i32>} : memref<96x128xf32, #tpu.memory_space<vmem>>, vector<16xf32>,
        %mul3A_623 = vector.broadcast %squeeze3A_491 : f32 to vector<16xf32>
        %mul3A_624 = arith.mulf %mul3A_623, %get3A_622 : vector<16xf32>
        %add3A_625 = arith.constant 2 : i32
        %add3A_626 = arith.addi %mul3A_199, %add3A_625 : i32
        %get3A_627 = arith.index_cast %add3A_626 : i32 to index
        %get3A_628 = arith.constant 112 : index
        %get3A_629 = tpu.vector_load %arg17[%get3A_627, %get3A_628] {strides = array<i32>} : memref<96x128xf32, #tpu.memory_space<vmem>>, vector<16xf32>,
        %mul3A_630 = arith.mulf %mul3A_624, %get3A_629 : vector<16xf32>
        %add3A_631 = arith.constant 2 : i32
        %add3A_632 = arith.addi %mul3A_199, %add3A_631 : i32
        %swap3A_633 = arith.index_cast %add3A_632 : i32 to index
        %swap3A_634 = arith.constant 112 : index
        %swap3A_635 = tpu.vector_load %arg17[%swap3A_633, %swap3A_634] {strides = array<i32>} : memref<96x128xf32, #tpu.memory_space<vmem>>, vector<16xf32>,
        tpu.vector_store %arg17[%swap3A_633, %swap3A_634], %mul3A_630 {strides = array<i32>} : memref<96x128xf32, #tpu.memory_space<vmem>>, vector<16xf32>,
        %slice3A_636 = vector.extract_strided_slice %div3A_197 {offsets = [3], sizes = [1], strides = [1]} : vector<16xf32> to vector<1xf32>
        %squeeze3A_637 = vector.extract %slice3A_636[0] : f32 from vector<1xf32>
        %add3A_638 = arith.constant 3 : i32
        %add3A_639 = arith.addi %mul3A_199, %add3A_638 : i32
        %get3A_640 = arith.index_cast %add3A_639 : i32 to index
        %get3A_641 = arith.constant 0 : index
        %get3A_642 = tpu.vector_load %arg16[%get3A_640, %get3A_641] {strides = array<i32>} : memref<96x128xf32, #tpu.memory_space<vmem>>, vector<16xf32>,
        %mul3A_643 = vector.broadcast %squeeze3A_637 : f32 to vector<16xf32>
        %mul3A_644 = arith.mulf %mul3A_643, %get3A_642 : vector<16xf32>
        %add3A_645 = arith.constant 3 : i32
        %add3A_646 = arith.addi %mul3A_199, %add3A_645 : i32
        %get3A_647 = arith.index_cast %add3A_646 : i32 to index
        %get3A_648 = arith.constant 0 : index
        %get3A_649 = tpu.vector_load %arg17[%get3A_647, %get3A_648] {strides = array<i32>} : memref<96x128xf32, #tpu.memory_space<vmem>>, vector<16xf32>,
        %mul3A_650 = arith.mulf %mul3A_644, %get3A_649 : vector<16xf32>
        %add3A_651 = arith.constant 3 : i32
        %add3A_652 = arith.addi %mul3A_199, %add3A_651 : i32
        %swap3A_653 = arith.index_cast %add3A_652 : i32 to index
        %swap3A_654 = arith.constant 0 : index
        %swap3A_655 = tpu.vector_load %arg17[%swap3A_653, %swap3A_654] {strides = array<i32>} : memref<96x128xf32, #tpu.memory_space<vmem>>, vector<16xf32>,
        tpu.vector_store %arg17[%swap3A_653, %swap3A_654], %mul3A_650 {strides = array<i32>} : memref<96x128xf32, #tpu.memory_space<vmem>>, vector<16xf32>,
        %add3A_656 = arith.constant 3 : i32
        %add3A_657 = arith.addi %mul3A_199, %add3A_656 : i32
        %get3A_658 = arith.index_cast %add3A_657 : i32 to index
        %get3A_659 = arith.constant 16 : index
        %get3A_660 = tpu.vector_load %arg16[%get3A_658, %get3A_659] {strides = array<i32>} : memref<96x128xf32, #tpu.memory_space<vmem>>, vector<16xf32>,
        %mul3A_661 = vector.broadcast %squeeze3A_637 : f32 to vector<16xf32>
        %mul3A_662 = arith.mulf %mul3A_661, %get3A_660 : vector<16xf32>
        %add3A_663 = arith.constant 3 : i32
        %add3A_664 = arith.addi %mul3A_199, %add3A_663 : i32
        %get3A_665 = arith.index_cast %add3A_664 : i32 to index
        %get3A_666 = arith.constant 16 : index
        %get3A_667 = tpu.vector_load %arg17[%get3A_665, %get3A_666] {strides = array<i32>} : memref<96x128xf32, #tpu.memory_space<vmem>>, vector<16xf32>,
        %mul3A_668 = arith.mulf %mul3A_662, %get3A_667 : vector<16xf32>
        %add3A_669 = arith.constant 3 : i32
        %add3A_670 = arith.addi %mul3A_199, %add3A_669 : i32
        %swap3A_671 = arith.index_cast %add3A_670 : i32 to index
        %swap3A_672 = arith.constant 16 : index
        %swap3A_673 = tpu.vector_load %arg17[%swap3A_671, %swap3A_672] {strides = array<i32>} : memref<96x128xf32, #tpu.memory_space<vmem>>, vector<16xf32>,
        tpu.vector_store %arg17[%swap3A_671, %swap3A_672], %mul3A_668 {strides = array<i32>} : memref<96x128xf32, #tpu.memory_space<vmem>>, vector<16xf32>,
        %add3A_674 = arith.constant 3 : i32
        %add3A_675 = arith.addi %mul3A_199, %add3A_674 : i32
        %get3A_676 = arith.index_cast %add3A_675 : i32 to index
        %get3A_677 = arith.constant 32 : index
        %get3A_678 = tpu.vector_load %arg16[%get3A_676, %get3A_677] {strides = array<i32>} : memref<96x128xf32, #tpu.memory_space<vmem>>, vector<16xf32>,
        %mul3A_679 = vector.broadcast %squeeze3A_637 : f32 to vector<16xf32>
        %mul3A_680 = arith.mulf %mul3A_679, %get3A_678 : vector<16xf32>
        %add3A_681 = arith.constant 3 : i32
        %add3A_682 = arith.addi %mul3A_199, %add3A_681 : i32
        %get3A_683 = arith.index_cast %add3A_682 : i32 to index
        %get3A_684 = arith.constant 32 : index
        %get3A_685 = tpu.vector_load %arg17[%get3A_683, %get3A_684] {strides = array<i32>} : memref<96x128xf32, #tpu.memory_space<vmem>>, vector<16xf32>,
        %mul3A_686 = arith.mulf %mul3A_680, %get3A_685 : vector<16xf32>
        %add3A_687 = arith.constant 3 : i32
        %add3A_688 = arith.addi %mul3A_199, %add3A_687 : i32
        %swap3A_689 = arith.index_cast %add3A_688 : i32 to index
        %swap3A_690 = arith.constant 32 : index
        %swap3A_691 = tpu.vector_load %arg17[%swap3A_689, %swap3A_690] {strides = array<i32>} : memref<96x128xf32, #tpu.memory_space<vmem>>, vector<16xf32>,
        tpu.vector_store %arg17[%swap3A_689, %swap3A_690], %mul3A_686 {strides = array<i32>} : memref<96x128xf32, #tpu.memory_space<vmem>>, vector<16xf32>,
        %add3A_692 = arith.constant 3 : i32
        %add3A_693 = arith.addi %mul3A_199, %add3A_692 : i32
        %get3A_694 = arith.index_cast %add3A_693 : i32 to index
        %get3A_695 = arith.constant 48 : index
        %get3A_696 = tpu.vector_load %arg16[%get3A_694, %get3A_695] {strides = array<i32>} : memref<96x128xf32, #tpu.memory_space<vmem>>, vector<16xf32>,
        %mul3A_697 = vector.broadcast %squeeze3A_637 : f32 to vector<16xf32>
        %mul3A_698 = arith.mulf %mul3A_697, %get3A_696 : vector<16xf32>
        %add3A_699 = arith.constant 3 : i32
        %add3A_700 = arith.addi %mul3A_199, %add3A_699 : i32
        %get3A_701 = arith.index_cast %add3A_700 : i32 to index
        %get3A_702 = arith.constant 48 : index
        %get3A_703 = tpu.vector_load %arg17[%get3A_701, %get3A_702] {strides = array<i32>} : memref<96x128xf32, #tpu.memory_space<vmem>>, vector<16xf32>,
        %mul3A_704 = arith.mulf %mul3A_698, %get3A_703 : vector<16xf32>
        %add3A_705 = arith.constant 3 : i32
        %add3A_706 = arith.addi %mul3A_199, %add3A_705 : i32
        %swap3A_707 = arith.index_cast %add3A_706 : i32 to index
        %swap3A_708 = arith.constant 48 : index
        %swap3A_709 = tpu.vector_load %arg17[%swap3A_707, %swap3A_708] {strides = array<i32>} : memref<96x128xf32, #tpu.memory_space<vmem>>, vector<16xf32>,
        tpu.vector_store %arg17[%swap3A_707, %swap3A_708], %mul3A_704 {strides = array<i32>} : memref<96x128xf32, #tpu.memory_space<vmem>>, vector<16xf32>,
        %add3A_710 = arith.constant 3 : i32
        %add3A_711 = arith.addi %mul3A_199, %add3A_710 : i32
        %get3A_712 = arith.index_cast %add3A_711 : i32 to index
        %get3A_713 = arith.constant 64 : index
        %get3A_714 = tpu.vector_load %arg16[%get3A_712, %get3A_713] {strides = array<i32>} : memref<96x128xf32, #tpu.memory_space<vmem>>, vector<16xf32>,
        %mul3A_715 = vector.broadcast %squeeze3A_637 : f32 to vector<16xf32>
        %mul3A_716 = arith.mulf %mul3A_715, %get3A_714 : vector<16xf32>
        %add3A_717 = arith.constant 3 : i32
        %add3A_718 = arith.addi %mul3A_199, %add3A_717 : i32
        %get3A_719 = arith.index_cast %add3A_718 : i32 to index
        %get3A_720 = arith.constant 64 : index
        %get3A_721 = tpu.vector_load %arg17[%get3A_719, %get3A_720] {strides = array<i32>} : memref<96x128xf32, #tpu.memory_space<vmem>>, vector<16xf32>,
        %mul3A_722 = arith.mulf %mul3A_716, %get3A_721 : vector<16xf32>
        %add3A_723 = arith.constant 3 : i32
        %add3A_724 = arith.addi %mul3A_199, %add3A_723 : i32
        %swap3A_725 = arith.index_cast %add3A_724 : i32 to index
        %swap3A_726 = arith.constant 64 : index
        %swap3A_727 = tpu.vector_load %arg17[%swap3A_725, %swap3A_726] {strides = array<i32>} : memref<96x128xf32, #tpu.memory_space<vmem>>, vector<16xf32>,
        tpu.vector_store %arg17[%swap3A_725, %swap3A_726], %mul3A_722 {strides = array<i32>} : memref<96x128xf32, #tpu.memory_space<vmem>>, vector<16xf32>,
        %add3A_728 = arith.constant 3 : i32
        %add3A_729 = arith.addi %mul3A_199, %add3A_728 : i32
        %get3A_730 = arith.index_cast %add3A_729 : i32 to index
        %get3A_731 = arith.constant 80 : index
        %get3A_732 = tpu.vector_load %arg16[%get3A_730, %get3A_731] {strides = array<i32>} : memref<96x128xf32, #tpu.memory_space<vmem>>, vector<16xf32>,
        %mul3A_733 = vector.broadcast %squeeze3A_637 : f32 to vector<16xf32>
        %mul3A_734 = arith.mulf %mul3A_733, %get3A_732 : vector<16xf32>
        %add3A_735 = arith.constant 3 : i32
        %add3A_736 = arith.addi %mul3A_199, %add3A_735 : i32
        %get3A_737 = arith.index_cast %add3A_736 : i32 to index
        %get3A_738 = arith.constant 80 : index
        %get3A_739 = tpu.vector_load %arg17[%get3A_737, %get3A_738] {strides = array<i32>} : memref<96x128xf32, #tpu.memory_space<vmem>>, vector<16xf32>,
        %mul3A_740 = arith.mulf %mul3A_734, %get3A_739 : vector<16xf32>
        %add3A_741 = arith.constant 3 : i32
        %add3A_742 = arith.addi %mul3A_199, %add3A_741 : i32
        %swap3A_743 = arith.index_cast %add3A_742 : i32 to index
        %swap3A_744 = arith.constant 80 : index
        %swap3A_745 = tpu.vector_load %arg17[%swap3A_743, %swap3A_744] {strides = array<i32>} : memref<96x128xf32, #tpu.memory_space<vmem>>, vector<16xf32>,
        tpu.vector_store %arg17[%swap3A_743, %swap3A_744], %mul3A_740 {strides = array<i32>} : memref<96x128xf32, #tpu.memory_space<vmem>>, vector<16xf32>,
        %add3A_746 = arith.constant 3 : i32
        %add3A_747 = arith.addi %mul3A_199, %add3A_746 : i32
        %get3A_748 = arith.index_cast %add3A_747 : i32 to index
        %get3A_749 = arith.constant 96 : index
        %get3A_750 = tpu.vector_load %arg16[%get3A_748, %get3A_749] {strides = array<i32>} : memref<96x128xf32, #tpu.memory_space<vmem>>, vector<16xf32>,
        %mul3A_751 = vector.broadcast %squeeze3A_637 : f32 to vector<16xf32>
        %mul3A_752 = arith.mulf %mul3A_751, %get3A_750 : vector<16xf32>
        %add3A_753 = arith.constant 3 : i32
        %add3A_754 = arith.addi %mul3A_199, %add3A_753 : i32
        %get3A_755 = arith.index_cast %add3A_754 : i32 to index
        %get3A_756 = arith.constant 96 : index
        %get3A_757 = tpu.vector_load %arg17[%get3A_755, %get3A_756] {strides = array<i32>} : memref<96x128xf32, #tpu.memory_space<vmem>>, vector<16xf32>,
        %mul3A_758 = arith.mulf %mul3A_752, %get3A_757 : vector<16xf32>
        %add3A_759 = arith.constant 3 : i32
        %add3A_760 = arith.addi %mul3A_199, %add3A_759 : i32
        %swap3A_761 = arith.index_cast %add3A_760 : i32 to index
        %swap3A_762 = arith.constant 96 : index
        %swap3A_763 = tpu.vector_load %arg17[%swap3A_761, %swap3A_762] {strides = array<i32>} : memref<96x128xf32, #tpu.memory_space<vmem>>, vector<16xf32>,
        tpu.vector_store %arg17[%swap3A_761, %swap3A_762], %mul3A_758 {strides = array<i32>} : memref<96x128xf32, #tpu.memory_space<vmem>>, vector<16xf32>,
        %add3A_764 = arith.constant 3 : i32
        %add3A_765 = arith.addi %mul3A_199, %add3A_764 : i32
        %get3A_766 = arith.index_cast %add3A_765 : i32 to index
        %get3A_767 = arith.constant 112 : index
        %get3A_768 = tpu.vector_load %arg16[%get3A_766, %get3A_767] {strides = array<i32>} : memref<96x128xf32, #tpu.memory_space<vmem>>, vector<16xf32>,
        %mul3A_769 = vector.broadcast %squeeze3A_637 : f32 to vector<16xf32>
        %mul3A_770 = arith.mulf %mul3A_769, %get3A_768 : vector<16xf32>
        %add3A_771 = arith.constant 3 : i32
        %add3A_772 = arith.addi %mul3A_199, %add3A_771 : i32
        %get3A_773 = arith.index_cast %add3A_772 : i32 to index
        %get3A_774 = arith.constant 112 : index
        %get3A_775 = tpu.vector_load %arg17[%get3A_773, %get3A_774] {strides = array<i32>} : memref<96x128xf32, #tpu.memory_space<vmem>>, vector<16xf32>,
        %mul3A_776 = arith.mulf %mul3A_770, %get3A_775 : vector<16xf32>
        %add3A_777 = arith.constant 3 : i32
        %add3A_778 = arith.addi %mul3A_199, %add3A_777 : i32
        %swap3A_779 = arith.index_cast %add3A_778 : i32 to index
        %swap3A_780 = arith.constant 112 : index
        %swap3A_781 = tpu.vector_load %arg17[%swap3A_779, %swap3A_780] {strides = array<i32>} : memref<96x128xf32, #tpu.memory_space<vmem>>, vector<16xf32>,
        tpu.vector_store %arg17[%swap3A_779, %swap3A_780], %mul3A_776 {strides = array<i32>} : memref<96x128xf32, #tpu.memory_space<vmem>>, vector<16xf32>,
        %slice3A_782 = vector.extract_strided_slice %div3A_197 {offsets = [4], sizes = [1], strides = [1]} : vector<16xf32> to vector<1xf32>
        %squeeze3A_783 = vector.extract %slice3A_782[0] : f32 from vector<1xf32>
        %add3A_784 = arith.constant 4 : i32
        %add3A_785 = arith.addi %mul3A_199, %add3A_784 : i32
        %get3A_786 = arith.index_cast %add3A_785 : i32 to index
        %get3A_787 = arith.constant 0 : index
        %get3A_788 = tpu.vector_load %arg16[%get3A_786, %get3A_787] {strides = array<i32>} : memref<96x128xf32, #tpu.memory_space<vmem>>, vector<16xf32>,
        %mul3A_789 = vector.broadcast %squeeze3A_783 : f32 to vector<16xf32>
        %mul3A_790 = arith.mulf %mul3A_789, %get3A_788 : vector<16xf32>
        %add3A_791 = arith.constant 4 : i32
        %add3A_792 = arith.addi %mul3A_199, %add3A_791 : i32
        %get3A_793 = arith.index_cast %add3A_792 : i32 to index
        %get3A_794 = arith.constant 0 : index
        %get3A_795 = tpu.vector_load %arg17[%get3A_793, %get3A_794] {strides = array<i32>} : memref<96x128xf32, #tpu.memory_space<vmem>>, vector<16xf32>,
        %mul3A_796 = arith.mulf %mul3A_790, %get3A_795 : vector<16xf32>
        %add3A_797 = arith.constant 4 : i32
        %add3A_798 = arith.addi %mul3A_199, %add3A_797 : i32
        %swap3A_799 = arith.index_cast %add3A_798 : i32 to index
        %swap3A_800 = arith.constant 0 : index
        %swap3A_801 = tpu.vector_load %arg17[%swap3A_799, %swap3A_800] {strides = array<i32>} : memref<96x128xf32, #tpu.memory_space<vmem>>, vector<16xf32>,
        tpu.vector_store %arg17[%swap3A_799, %swap3A_800], %mul3A_796 {strides = array<i32>} : memref<96x128xf32, #tpu.memory_space<vmem>>, vector<16xf32>,
        %add3A_802 = arith.constant 4 : i32
        %add3A_803 = arith.addi %mul3A_199, %add3A_802 : i32
        %get3A_804 = arith.index_cast %add3A_803 : i32 to index
        %get3A_805 = arith.constant 16 : index
        %get3A_806 = tpu.vector_load %arg16[%get3A_804, %get3A_805] {strides = array<i32>} : memref<96x128xf32, #tpu.memory_space<vmem>>, vector<16xf32>,
        %mul3A_807 = vector.broadcast %squeeze3A_783 : f32 to vector<16xf32>
        %mul3A_808 = arith.mulf %mul3A_807, %get3A_806 : vector<16xf32>
        %add3A_809 = arith.constant 4 : i32
        %add3A_810 = arith.addi %mul3A_199, %add3A_809 : i32
        %get3A_811 = arith.index_cast %add3A_810 : i32 to index
        %get3A_812 = arith.constant 16 : index
        %get3A_813 = tpu.vector_load %arg17[%get3A_811, %get3A_812] {strides = array<i32>} : memref<96x128xf32, #tpu.memory_space<vmem>>, vector<16xf32>,
        %mul3A_814 = arith.mulf %mul3A_808, %get3A_813 : vector<16xf32>
        %add3A_815 = arith.constant 4 : i32
        %add3A_816 = arith.addi %mul3A_199, %add3A_815 : i32
        %swap3A_817 = arith.index_cast %add3A_816 : i32 to index
        %swap3A_818 = arith.constant 16 : index
        %swap3A_819 = tpu.vector_load %arg17[%swap3A_817, %swap3A_818] {strides = array<i32>} : memref<96x128xf32, #tpu.memory_space<vmem>>, vector<16xf32>,
        tpu.vector_store %arg17[%swap3A_817, %swap3A_818], %mul3A_814 {strides = array<i32>} : memref<96x128xf32, #tpu.memory_space<vmem>>, vector<16xf32>,
        %add3A_820 = arith.constant 4 : i32
        %add3A_821 = arith.addi %mul3A_199, %add3A_820 : i32
        %get3A_822 = arith.index_cast %add3A_821 : i32 to index
        %get3A_823 = arith.constant 32 : index
        %get3A_824 = tpu.vector_load %arg16[%get3A_822, %get3A_823] {strides = array<i32>} : memref<96x128xf32, #tpu.memory_space<vmem>>, vector<16xf32>,
        %mul3A_825 = vector.broadcast %squeeze3A_783 : f32 to vector<16xf32>
        %mul3A_826 = arith.mulf %mul3A_825, %get3A_824 : vector<16xf32>
        %add3A_827 = arith.constant 4 : i32
        %add3A_828 = arith.addi %mul3A_199, %add3A_827 : i32
        %get3A_829 = arith.index_cast %add3A_828 : i32 to index
        %get3A_830 = arith.constant 32 : index
        %get3A_831 = tpu.vector_load %arg17[%get3A_829, %get3A_830] {strides = array<i32>} : memref<96x128xf32, #tpu.memory_space<vmem>>, vector<16xf32>,
        %mul3A_832 = arith.mulf %mul3A_826, %get3A_831 : vector<16xf32>
        %add3A_833 = arith.constant 4 : i32
        %add3A_834 = arith.addi %mul3A_199, %add3A_833 : i32
        %swap3A_835 = arith.index_cast %add3A_834 : i32 to index
        %swap3A_836 = arith.constant 32 : index
        %swap3A_837 = tpu.vector_load %arg17[%swap3A_835, %swap3A_836] {strides = array<i32>} : memref<96x128xf32, #tpu.memory_space<vmem>>, vector<16xf32>,
        tpu.vector_store %arg17[%swap3A_835, %swap3A_836], %mul3A_832 {strides = array<i32>} : memref<96x128xf32, #tpu.memory_space<vmem>>, vector<16xf32>,
        %add3A_838 = arith.constant 4 : i32
        %add3A_839 = arith.addi %mul3A_199, %add3A_838 : i32
        %get3A_840 = arith.index_cast %add3A_839 : i32 to index
        %get3A_841 = arith.constant 48 : index
        %get3A_842 = tpu.vector_load %arg16[%get3A_840, %get3A_841] {strides = array<i32>} : memref<96x128xf32, #tpu.memory_space<vmem>>, vector<16xf32>,
        %mul3A_843 = vector.broadcast %squeeze3A_783 : f32 to vector<16xf32>
        %mul3A_844 = arith.mulf %mul3A_843, %get3A_842 : vector<16xf32>
        %add3A_845 = arith.constant 4 : i32
        %add3A_846 = arith.addi %mul3A_199, %add3A_845 : i32
        %get3A_847 = arith.index_cast %add3A_846 : i32 to index
        %get3A_848 = arith.constant 48 : index
        %get3A_849 = tpu.vector_load %arg17[%get3A_847, %get3A_848] {strides = array<i32>} : memref<96x128xf32, #tpu.memory_space<vmem>>, vector<16xf32>,
        %mul3A_850 = arith.mulf %mul3A_844, %get3A_849 : vector<16xf32>
        %add3A_851 = arith.constant 4 : i32
        %add3A_852 = arith.addi %mul3A_199, %add3A_851 : i32
        %swap3A_853 = arith.index_cast %add3A_852 : i32 to index
        %swap3A_854 = arith.constant 48 : index
        %swap3A_855 = tpu.vector_load %arg17[%swap3A_853, %swap3A_854] {strides = array<i32>} : memref<96x128xf32, #tpu.memory_space<vmem>>, vector<16xf32>,
        tpu.vector_store %arg17[%swap3A_853, %swap3A_854], %mul3A_850 {strides = array<i32>} : memref<96x128xf32, #tpu.memory_space<vmem>>, vector<16xf32>,
        %add3A_856 = arith.constant 4 : i32
        %add3A_857 = arith.addi %mul3A_199, %add3A_856 : i32
        %get3A_858 = arith.index_cast %add3A_857 : i32 to index
        %get3A_859 = arith.constant 64 : index
        %get3A_860 = tpu.vector_load %arg16[%get3A_858, %get3A_859] {strides = array<i32>} : memref<96x128xf32, #tpu.memory_space<vmem>>, vector<16xf32>,
        %mul3A_861 = vector.broadcast %squeeze3A_783 : f32 to vector<16xf32>
        %mul3A_862 = arith.mulf %mul3A_861, %get3A_860 : vector<16xf32>
        %add3A_863 = arith.constant 4 : i32
        %add3A_864 = arith.addi %mul3A_199, %add3A_863 : i32
        %get3A_865 = arith.index_cast %add3A_864 : i32 to index
        %get3A_866 = arith.constant 64 : index
        %get3A_867 = tpu.vector_load %arg17[%get3A_865, %get3A_866] {strides = array<i32>} : memref<96x128xf32, #tpu.memory_space<vmem>>, vector<16xf32>,
        %mul3A_868 = arith.mulf %mul3A_862, %get3A_867 : vector<16xf32>
        %add3A_869 = arith.constant 4 : i32
        %add3A_870 = arith.addi %mul3A_199, %add3A_869 : i32
        %swap3A_871 = arith.index_cast %add3A_870 : i32 to index
        %swap3A_872 = arith.constant 64 : index
        %swap3A_873 = tpu.vector_load %arg17[%swap3A_871, %swap3A_872] {strides = array<i32>} : memref<96x128xf32, #tpu.memory_space<vmem>>, vector<16xf32>,
        tpu.vector_store %arg17[%swap3A_871, %swap3A_872], %mul3A_868 {strides = array<i32>} : memref<96x128xf32, #tpu.memory_space<vmem>>, vector<16xf32>,
        %add3A_874 = arith.constant 4 : i32
        %add3A_875 = arith.addi %mul3A_199, %add3A_874 : i32
        %get3A_876 = arith.index_cast %add3A_875 : i32 to index
        %get3A_877 = arith.constant 80 : index
        %get3A_878 = tpu.vector_load %arg16[%get3A_876, %get3A_877] {strides = array<i32>} : memref<96x128xf32, #tpu.memory_space<vmem>>, vector<16xf32>,
        %mul3A_879 = vector.broadcast %squeeze3A_783 : f32 to vector<16xf32>
        %mul3A_880 = arith.mulf %mul3A_879, %get3A_878 : vector<16xf32>
        %add3A_881 = arith.constant 4 : i32
        %add3A_882 = arith.addi %mul3A_199, %add3A_881 : i32
        %get3A_883 = arith.index_cast %add3A_882 : i32 to index
        %get3A_884 = arith.constant 80 : index
        %get3A_885 = tpu.vector_load %arg17[%get3A_883, %get3A_884] {strides = array<i32>} : memref<96x128xf32, #tpu.memory_space<vmem>>, vector<16xf32>,
        %mul3A_886 = arith.mulf %mul3A_880, %get3A_885 : vector<16xf32>
        %add3A_887 = arith.constant 4 : i32
        %add3A_888 = arith.addi %mul3A_199, %add3A_887 : i32
        %swap3A_889 = arith.index_cast %add3A_888 : i32 to index
        %swap3A_890 = arith.constant 80 : index
        %swap3A_891 = tpu.vector_load %arg17[%swap3A_889, %swap3A_890] {strides = array<i32>} : memref<96x128xf32, #tpu.memory_space<vmem>>, vector<16xf32>,
        tpu.vector_store %arg17[%swap3A_889, %swap3A_890], %mul3A_886 {strides = array<i32>} : memref<96x128xf32, #tpu.memory_space<vmem>>, vector<16xf32>,
        %add3A_892 = arith.constant 4 : i32
        %add3A_893 = arith.addi %mul3A_199, %add3A_892 : i32
        %get3A_894 = arith.index_cast %add3A_893 : i32 to index
        %get3A_895 = arith.constant 96 : index
        %get3A_896 = tpu.vector_load %arg16[%get3A_894, %get3A_895] {strides = array<i32>} : memref<96x128xf32, #tpu.memory_space<vmem>>, vector<16xf32>,
        %mul3A_897 = vector.broadcast %squeeze3A_783 : f32 to vector<16xf32>
        %mul3A_898 = arith.mulf %mul3A_897, %get3A_896 : vector<16xf32>
        %add3A_899 = arith.constant 4 : i32
        %add3A_900 = arith.addi %mul3A_199, %add3A_899 : i32
        %get3A_901 = arith.index_cast %add3A_900 : i32 to index
        %get3A_902 = arith.constant 96 : index
        %get3A_903 = tpu.vector_load %arg17[%get3A_901, %get3A_902] {strides = array<i32>} : memref<96x128xf32, #tpu.memory_space<vmem>>, vector<16xf32>,
        %mul3A_904 = arith.mulf %mul3A_898, %get3A_903 : vector<16xf32>
        %add3A_905 = arith.constant 4 : i32
        %add3A_906 = arith.addi %mul3A_199, %add3A_905 : i32
        %swap3A_907 = arith.index_cast %add3A_906 : i32 to index
        %swap3A_908 = arith.constant 96 : index
        %swap3A_909 = tpu.vector_load %arg17[%swap3A_907, %swap3A_908] {strides = array<i32>} : memref<96x128xf32, #tpu.memory_space<vmem>>, vector<16xf32>,
        tpu.vector_store %arg17[%swap3A_907, %swap3A_908], %mul3A_904 {strides = array<i32>} : memref<96x128xf32, #tpu.memory_space<vmem>>, vector<16xf32>,
        %add3A_910 = arith.constant 4 : i32
        %add3A_911 = arith.addi %mul3A_199, %add3A_910 : i32
        %get3A_912 = arith.index_cast %add3A_911 : i32 to index
        %get3A_913 = arith.constant 112 : index
        %get3A_914 = tpu.vector_load %arg16[%get3A_912, %get3A_913] {strides = array<i32>} : memref<96x128xf32, #tpu.memory_space<vmem>>, vector<16xf32>,
        %mul3A_915 = vector.broadcast %squeeze3A_783 : f32 to vector<16xf32>
        %mul3A_916 = arith.mulf %mul3A_915, %get3A_914 : vector<16xf32>
        %add3A_917 = arith.constant 4 : i32
        %add3A_918 = arith.addi %mul3A_199, %add3A_917 : i32
        %get3A_919 = arith.index_cast %add3A_918 : i32 to index
        %get3A_920 = arith.constant 112 : index
        %get3A_921 = tpu.vector_load %arg17[%get3A_919, %get3A_920] {strides = array<i32>} : memref<96x128xf32, #tpu.memory_space<vmem>>, vector<16xf32>,
        %mul3A_922 = arith.mulf %mul3A_916, %get3A_921 : vector<16xf32>
        %add3A_923 = arith.constant 4 : i32
        %add3A_924 = arith.addi %mul3A_199, %add3A_923 : i32
        %swap3A_925 = arith.index_cast %add3A_924 : i32 to index
        %swap3A_926 = arith.constant 112 : index
        %swap3A_927 = tpu.vector_load %arg17[%swap3A_925, %swap3A_926] {strides = array<i32>} : memref<96x128xf32, #tpu.memory_space<vmem>>, vector<16xf32>,
        tpu.vector_store %arg17[%swap3A_925, %swap3A_926], %mul3A_922 {strides = array<i32>} : memref<96x128xf32, #tpu.memory_space<vmem>>, vector<16xf32>,
        %slice3A_928 = vector.extract_strided_slice %div3A_197 {offsets = [5], sizes = [1], strides = [1]} : vector<16xf32> to vector<1xf32>
        %squeeze3A_929 = vector.extract %slice3A_928[0] : f32 from vector<1xf32>
        %add3A_930 = arith.constant 5 : i32
        %add3A_931 = arith.addi %mul3A_199, %add3A_930 : i32
        %get3A_932 = arith.index_cast %add3A_931 : i32 to index
        %get3A_933 = arith.constant 0 : index
        %get3A_934 = tpu.vector_load %arg16[%get3A_932, %get3A_933] {strides = array<i32>} : memref<96x128xf32, #tpu.memory_space<vmem>>, vector<16xf32>,
        %mul3A_935 = vector.broadcast %squeeze3A_929 : f32 to vector<16xf32>
        %mul3A_936 = arith.mulf %mul3A_935, %get3A_934 : vector<16xf32>
        %add3A_937 = arith.constant 5 : i32
        %add3A_938 = arith.addi %mul3A_199, %add3A_937 : i32
        %get3A_939 = arith.index_cast %add3A_938 : i32 to index
        %get3A_940 = arith.constant 0 : index
        %get3A_941 = tpu.vector_load %arg17[%get3A_939, %get3A_940] {strides = array<i32>} : memref<96x128xf32, #tpu.memory_space<vmem>>, vector<16xf32>,
        %mul3A_942 = arith.mulf %mul3A_936, %get3A_941 : vector<16xf32>
        %add3A_943 = arith.constant 5 : i32
        %add3A_944 = arith.addi %mul3A_199, %add3A_943 : i32
        %swap3A_945 = arith.index_cast %add3A_944 : i32 to index
        %swap3A_946 = arith.constant 0 : index
        %swap3A_947 = tpu.vector_load %arg17[%swap3A_945, %swap3A_946] {strides = array<i32>} : memref<96x128xf32, #tpu.memory_space<vmem>>, vector<16xf32>,
        tpu.vector_store %arg17[%swap3A_945, %swap3A_946], %mul3A_942 {strides = array<i32>} : memref<96x128xf32, #tpu.memory_space<vmem>>, vector<16xf32>,
        %add3A_948 = arith.constant 5 : i32
        %add3A_949 = arith.addi %mul3A_199, %add3A_948 : i32
        %get3A_950 = arith.index_cast %add3A_949 : i32 to index
        %get3A_951 = arith.constant 16 : index
        %get3A_952 = tpu.vector_load %arg16[%get3A_950, %get3A_951] {strides = array<i32>} : memref<96x128xf32, #tpu.memory_space<vmem>>, vector<16xf32>,
        %mul3A_953 = vector.broadcast %squeeze3A_929 : f32 to vector<16xf32>
        %mul3A_954 = arith.mulf %mul3A_953, %get3A_952 : vector<16xf32>
        %add3A_955 = arith.constant 5 : i32
        %add3A_956 = arith.addi %mul3A_199, %add3A_955 : i32
        %get3A_957 = arith.index_cast %add3A_956 : i32 to index
        %get3A_958 = arith.constant 16 : index
        %get3A_959 = tpu.vector_load %arg17[%get3A_957, %get3A_958] {strides = array<i32>} : memref<96x128xf32, #tpu.memory_space<vmem>>, vector<16xf32>,
        %mul3A_960 = arith.mulf %mul3A_954, %get3A_959 : vector<16xf32>
        %add3A_961 = arith.constant 5 : i32
        %add3A_962 = arith.addi %mul3A_199, %add3A_961 : i32
        %swap3A_963 = arith.index_cast %add3A_962 : i32 to index
        %swap3A_964 = arith.constant 16 : index
        %swap3A_965 = tpu.vector_load %arg17[%swap3A_963, %swap3A_964] {strides = array<i32>} : memref<96x128xf32, #tpu.memory_space<vmem>>, vector<16xf32>,
        tpu.vector_store %arg17[%swap3A_963, %swap3A_964], %mul3A_960 {strides = array<i32>} : memref<96x128xf32, #tpu.memory_space<vmem>>, vector<16xf32>,
        %add3A_966 = arith.constant 5 : i32
        %add3A_967 = arith.addi %mul3A_199, %add3A_966 : i32
        %get3A_968 = arith.index_cast %add3A_967 : i32 to index
        %get3A_969 = arith.constant 32 : index
        %get3A_970 = tpu.vector_load %arg16[%get3A_968, %get3A_969] {strides = array<i32>} : memref<96x128xf32, #tpu.memory_space<vmem>>, vector<16xf32>,
        %mul3A_971 = vector.broadcast %squeeze3A_929 : f32 to vector<16xf32>
        %mul3A_972 = arith.mulf %mul3A_971, %get3A_970 : vector<16xf32>
        %add3A_973 = arith.constant 5 : i32
        %add3A_974 = arith.addi %mul3A_199, %add3A_973 : i32
        %get3A_975 = arith.index_cast %add3A_974 : i32 to index
        %get3A_976 = arith.constant 32 : index
        %get3A_977 = tpu.vector_load %arg17[%get3A_975, %get3A_976] {strides = array<i32>} : memref<96x128xf32, #tpu.memory_space<vmem>>, vector<16xf32>,
        %mul3A_978 = arith.mulf %mul3A_972, %get3A_977 : vector<16xf32>
        %add3A_979 = arith.constant 5 : i32
        %add3A_980 = arith.addi %mul3A_199, %add3A_979 : i32
        %swap3A_981 = arith.index_cast %add3A_980 : i32 to index
        %swap3A_982 = arith.constant 32 : index
        %swap3A_983 = tpu.vector_load %arg17[%swap3A_981, %swap3A_982] {strides = array<i32>} : memref<96x128xf32, #tpu.memory_space<vmem>>, vector<16xf32>,
        tpu.vector_store %arg17[%swap3A_981, %swap3A_982], %mul3A_978 {strides = array<i32>} : memref<96x128xf32, #tpu.memory_space<vmem>>, vector<16xf32>,
        %add3A_984 = arith.constant 5 : i32
        %add3A_985 = arith.addi %mul3A_199, %add3A_984 : i32
        %get3A_986 = arith.index_cast %add3A_985 : i32 to index
        %get3A_987 = arith.constant 48 : index
        %get3A_988 = tpu.vector_load %arg16[%get3A_986, %get3A_987] {strides = array<i32>} : memref<96x128xf32, #tpu.memory_space<vmem>>, vector<16xf32>,
        %mul3A_989 = vector.broadcast %squeeze3A_929 : f32 to vector<16xf32>
        %mul3A_990 = arith.mulf %mul3A_989, %get3A_988 : vector<16xf32>
        %add3A_991 = arith.constant 5 : i32
        %add3A_992 = arith.addi %mul3A_199, %add3A_991 : i32
        %get3A_993 = arith.index_cast %add3A_992 : i32 to index
        %get3A_994 = arith.constant 48 : index
        %get3A_995 = tpu.vector_load %arg17[%get3A_993, %get3A_994] {strides = array<i32>} : memref<96x128xf32, #tpu.memory_space<vmem>>, vector<16xf32>,
        %mul3A_996 = arith.mulf %mul3A_990, %get3A_995 : vector<16xf32>
        %add3A_997 = arith.constant 5 : i32
        %add3A_998 = arith.addi %mul3A_199, %add3A_997 : i32
        %swap3A_999 = arith.index_cast %add3A_998 : i32 to index
        %swap3A_1000 = arith.constant 48 : index
        %swap3A_1001 = tpu.vector_load %arg17[%swap3A_999, %swap3A_1000] {strides = array<i32>} : memref<96x128xf32, #tpu.memory_space<vmem>>, vector<16xf32>,
        tpu.vector_store %arg17[%swap3A_999, %swap3A_1000], %mul3A_996 {strides = array<i32>} : memref<96x128xf32, #tpu.memory_space<vmem>>, vector<16xf32>,
        %add3A_1002 = arith.constant 5 : i32
        %add3A_1003 = arith.addi %mul3A_199, %add3A_1002 : i32
        %get3A_1004 = arith.index_cast %add3A_1003 : i32 to index
        %get3A_1005 = arith.constant 64 : index
        %get3A_1006 = tpu.vector_load %arg16[%get3A_1004, %get3A_1005] {strides = array<i32>} : memref<96x128xf32, #tpu.memory_space<vmem>>, vector<16xf32>,
        %mul3A_1007 = vector.broadcast %squeeze3A_929 : f32 to vector<16xf32>
        %mul3A_1008 = arith.mulf %mul3A_1007, %get3A_1006 : vector<16xf32>
        %add3A_1009 = arith.constant 5 : i32
        %add3A_1010 = arith.addi %mul3A_199, %add3A_1009 : i32
        %get3A_1011 = arith.index_cast %add3A_1010 : i32 to index
        %get3A_1012 = arith.constant 64 : index
        %get3A_1013 = tpu.vector_load %arg17[%get3A_1011, %get3A_1012] {strides = array<i32>} : memref<96x128xf32, #tpu.memory_space<vmem>>, vector<16xf32>,
        %mul3A_1014 = arith.mulf %mul3A_1008, %get3A_1013 : vector<16xf32>
        %add3A_1015 = arith.constant 5 : i32
        %add3A_1016 = arith.addi %mul3A_199, %add3A_1015 : i32
        %swap3A_1017 = arith.index_cast %add3A_1016 : i32 to index
        %swap3A_1018 = arith.constant 64 : index
        %swap3A_1019 = tpu.vector_load %arg17[%swap3A_1017, %swap3A_1018] {strides = array<i32>} : memref<96x128xf32, #tpu.memory_space<vmem>>, vector<16xf32>,
        tpu.vector_store %arg17[%swap3A_1017, %swap3A_1018], %mul3A_1014 {strides = array<i32>} : memref<96x128xf32, #tpu.memory_space<vmem>>, vector<16xf32>,
        %add3A_1020 = arith.constant 5 : i32
        %add3A_1021 = arith.addi %mul3A_199, %add3A_1020 : i32
        %get3A_1022 = arith.index_cast %add3A_1021 : i32 to index
        %get3A_1023 = arith.constant 80 : index
        %get3A_1024 = tpu.vector_load %arg16[%get3A_1022, %get3A_1023] {strides = array<i32>} : memref<96x128xf32, #tpu.memory_space<vmem>>, vector<16xf32>,
        %mul3A_1025 = vector.broadcast %squeeze3A_929 : f32 to vector<16xf32>
        %mul3A_1026 = arith.mulf %mul3A_1025, %get3A_1024 : vector<16xf32>
        %add3A_1027 = arith.constant 5 : i32
        %add3A_1028 = arith.addi %mul3A_199, %add3A_1027 : i32
        %get3A_1029 = arith.index_cast %add3A_1028 : i32 to index
        %get3A_1030 = arith.constant 80 : index
        %get3A_1031 = tpu.vector_load %arg17[%get3A_1029, %get3A_1030] {strides = array<i32>} : memref<96x128xf32, #tpu.memory_space<vmem>>, vector<16xf32>,
        %mul3A_1032 = arith.mulf %mul3A_1026, %get3A_1031 : vector<16xf32>
        %add3A_1033 = arith.constant 5 : i32
        %add3A_1034 = arith.addi %mul3A_199, %add3A_1033 : i32
        %swap3A_1035 = arith.index_cast %add3A_1034 : i32 to index
        %swap3A_1036 = arith.constant 80 : index
        %swap3A_1037 = tpu.vector_load %arg17[%swap3A_1035, %swap3A_1036] {strides = array<i32>} : memref<96x128xf32, #tpu.memory_space<vmem>>, vector<16xf32>,
        tpu.vector_store %arg17[%swap3A_1035, %swap3A_1036], %mul3A_1032 {strides = array<i32>} : memref<96x128xf32, #tpu.memory_space<vmem>>, vector<16xf32>,
        %add3A_1038 = arith.constant 5 : i32
        %add3A_1039 = arith.addi %mul3A_199, %add3A_1038 : i32
        %get3A_1040 = arith.index_cast %add3A_1039 : i32 to index
        %get3A_1041 = arith.constant 96 : index
        %get3A_1042 = tpu.vector_load %arg16[%get3A_1040, %get3A_1041] {strides = array<i32>} : memref<96x128xf32, #tpu.memory_space<vmem>>, vector<16xf32>,
        %mul3A_1043 = vector.broadcast %squeeze3A_929 : f32 to vector<16xf32>
        %mul3A_1044 = arith.mulf %mul3A_1043, %get3A_1042 : vector<16xf32>
        %add3A_1045 = arith.constant 5 : i32
        %add3A_1046 = arith.addi %mul3A_199, %add3A_1045 : i32
        %get3A_1047 = arith.index_cast %add3A_1046 : i32 to index
        %get3A_1048 = arith.constant 96 : index
        %get3A_1049 = tpu.vector_load %arg17[%get3A_1047, %get3A_1048] {strides = array<i32>} : memref<96x128xf32, #tpu.memory_space<vmem>>, vector<16xf32>,
        %mul3A_1050 = arith.mulf %mul3A_1044, %get3A_1049 : vector<16xf32>
        %add3A_1051 = arith.constant 5 : i32
        %add3A_1052 = arith.addi %mul3A_199, %add3A_1051 : i32
        %swap3A_1053 = arith.index_cast %add3A_1052 : i32 to index
        %swap3A_1054 = arith.constant 96 : index
        %swap3A_1055 = tpu.vector_load %arg17[%swap3A_1053, %swap3A_1054] {strides = array<i32>} : memref<96x128xf32, #tpu.memory_space<vmem>>, vector<16xf32>,
        tpu.vector_store %arg17[%swap3A_1053, %swap3A_1054], %mul3A_1050 {strides = array<i32>} : memref<96x128xf32, #tpu.memory_space<vmem>>, vector<16xf32>,
        %add3A_1056 = arith.constant 5 : i32
        %add3A_1057 = arith.addi %mul3A_199, %add3A_1056 : i32
        %get3A_1058 = arith.index_cast %add3A_1057 : i32 to index
        %get3A_1059 = arith.constant 112 : index
        %get3A_1060 = tpu.vector_load %arg16[%get3A_1058, %get3A_1059] {strides = array<i32>} : memref<96x128xf32, #tpu.memory_space<vmem>>, vector<16xf32>,
        %mul3A_1061 = vector.broadcast %squeeze3A_929 : f32 to vector<16xf32>
        %mul3A_1062 = arith.mulf %mul3A_1061, %get3A_1060 : vector<16xf32>
        %add3A_1063 = arith.constant 5 : i32
        %add3A_1064 = arith.addi %mul3A_199, %add3A_1063 : i32
        %get3A_1065 = arith.index_cast %add3A_1064 : i32 to index
        %get3A_1066 = arith.constant 112 : index
        %get3A_1067 = tpu.vector_load %arg17[%get3A_1065, %get3A_1066] {strides = array<i32>} : memref<96x128xf32, #tpu.memory_space<vmem>>, vector<16xf32>,
        %mul3A_1068 = arith.mulf %mul3A_1062, %get3A_1067 : vector<16xf32>
        %add3A_1069 = arith.constant 5 : i32
        %add3A_1070 = arith.addi %mul3A_199, %add3A_1069 : i32
        %swap3A_1071 = arith.index_cast %add3A_1070 : i32 to index
        %swap3A_1072 = arith.constant 112 : index
        %swap3A_1073 = tpu.vector_load %arg17[%swap3A_1071, %swap3A_1072] {strides = array<i32>} : memref<96x128xf32, #tpu.memory_space<vmem>>, vector<16xf32>,
        tpu.vector_store %arg17[%swap3A_1071, %swap3A_1072], %mul3A_1068 {strides = array<i32>} : memref<96x128xf32, #tpu.memory_space<vmem>>, vector<16xf32>,
        %slice3A_1074 = vector.extract_strided_slice %div3A_197 {offsets = [6], sizes = [1], strides = [1]} : vector<16xf32> to vector<1xf32>
        %squeeze3A_1075 = vector.extract %slice3A_1074[0] : f32 from vector<1xf32>
        %add3A_1076 = arith.constant 6 : i32
        %add3A_1077 = arith.addi %mul3A_199, %add3A_1076 : i32
        %get3A_1078 = arith.index_cast %add3A_1077 : i32 to index
        %get3A_1079 = arith.constant 0 : index
        %get3A_1080 = tpu.vector_load %arg16[%get3A_1078, %get3A_1079] {strides = array<i32>} : memref<96x128xf32, #tpu.memory_space<vmem>>, vector<16xf32>,
        %mul3A_1081 = vector.broadcast %squeeze3A_1075 : f32 to vector<16xf32>
        %mul3A_1082 = arith.mulf %mul3A_1081, %get3A_1080 : vector<16xf32>
        %add3A_1083 = arith.constant 6 : i32
        %add3A_1084 = arith.addi %mul3A_199, %add3A_1083 : i32
        %get3A_1085 = arith.index_cast %add3A_1084 : i32 to index
        %get3A_1086 = arith.constant 0 : index
        %get3A_1087 = tpu.vector_load %arg17[%get3A_1085, %get3A_1086] {strides = array<i32>} : memref<96x128xf32, #tpu.memory_space<vmem>>, vector<16xf32>,
        %mul3A_1088 = arith.mulf %mul3A_1082, %get3A_1087 : vector<16xf32>
        %add3A_1089 = arith.constant 6 : i32
        %add3A_1090 = arith.addi %mul3A_199, %add3A_1089 : i32
        %swap3A_1091 = arith.index_cast %add3A_1090 : i32 to index
        %swap3A_1092 = arith.constant 0 : index
        %swap3A_1093 = tpu.vector_load %arg17[%swap3A_1091, %swap3A_1092] {strides = array<i32>} : memref<96x128xf32, #tpu.memory_space<vmem>>, vector<16xf32>,
        tpu.vector_store %arg17[%swap3A_1091, %swap3A_1092], %mul3A_1088 {strides = array<i32>} : memref<96x128xf32, #tpu.memory_space<vmem>>, vector<16xf32>,
        %add3A_1094 = arith.constant 6 : i32
        %add3A_1095 = arith.addi %mul3A_199, %add3A_1094 : i32
        %get3A_1096 = arith.index_cast %add3A_1095 : i32 to index
        %get3A_1097 = arith.constant 16 : index
        %get3A_1098 = tpu.vector_load %arg16[%get3A_1096, %get3A_1097] {strides = array<i32>} : memref<96x128xf32, #tpu.memory_space<vmem>>, vector<16xf32>,
        %mul3A_1099 = vector.broadcast %squeeze3A_1075 : f32 to vector<16xf32>
        %mul3A_1100 = arith.mulf %mul3A_1099, %get3A_1098 : vector<16xf32>
        %add3A_1101 = arith.constant 6 : i32
        %add3A_1102 = arith.addi %mul3A_199, %add3A_1101 : i32
        %get3A_1103 = arith.index_cast %add3A_1102 : i32 to index
        %get3A_1104 = arith.constant 16 : index
        %get3A_1105 = tpu.vector_load %arg17[%get3A_1103, %get3A_1104] {strides = array<i32>} : memref<96x128xf32, #tpu.memory_space<vmem>>, vector<16xf32>,
        %mul3A_1106 = arith.mulf %mul3A_1100, %get3A_1105 : vector<16xf32>
        %add3A_1107 = arith.constant 6 : i32
        %add3A_1108 = arith.addi %mul3A_199, %add3A_1107 : i32
        %swap3A_1109 = arith.index_cast %add3A_1108 : i32 to index
        %swap3A_1110 = arith.constant 16 : index
        %swap3A_1111 = tpu.vector_load %arg17[%swap3A_1109, %swap3A_1110] {strides = array<i32>} : memref<96x128xf32, #tpu.memory_space<vmem>>, vector<16xf32>,
        tpu.vector_store %arg17[%swap3A_1109, %swap3A_1110], %mul3A_1106 {strides = array<i32>} : memref<96x128xf32, #tpu.memory_space<vmem>>, vector<16xf32>,
        %add3A_1112 = arith.constant 6 : i32
        %add3A_1113 = arith.addi %mul3A_199, %add3A_1112 : i32
        %get3A_1114 = arith.index_cast %add3A_1113 : i32 to index
        %get3A_1115 = arith.constant 32 : index
        %get3A_1116 = tpu.vector_load %arg16[%get3A_1114, %get3A_1115] {strides = array<i32>} : memref<96x128xf32, #tpu.memory_space<vmem>>, vector<16xf32>,
        %mul3A_1117 = vector.broadcast %squeeze3A_1075 : f32 to vector<16xf32>
        %mul3A_1118 = arith.mulf %mul3A_1117, %get3A_1116 : vector<16xf32>
        %add3A_1119 = arith.constant 6 : i32
        %add3A_1120 = arith.addi %mul3A_199, %add3A_1119 : i32
        %get3A_1121 = arith.index_cast %add3A_1120 : i32 to index
        %get3A_1122 = arith.constant 32 : index
        %get3A_1123 = tpu.vector_load %arg17[%get3A_1121, %get3A_1122] {strides = array<i32>} : memref<96x128xf32, #tpu.memory_space<vmem>>, vector<16xf32>,
        %mul3A_1124 = arith.mulf %mul3A_1118, %get3A_1123 : vector<16xf32>
        %add3A_1125 = arith.constant 6 : i32
        %add3A_1126 = arith.addi %mul3A_199, %add3A_1125 : i32
        %swap3A_1127 = arith.index_cast %add3A_1126 : i32 to index
        %swap3A_1128 = arith.constant 32 : index
        %swap3A_1129 = tpu.vector_load %arg17[%swap3A_1127, %swap3A_1128] {strides = array<i32>} : memref<96x128xf32, #tpu.memory_space<vmem>>, vector<16xf32>,
        tpu.vector_store %arg17[%swap3A_1127, %swap3A_1128], %mul3A_1124 {strides = array<i32>} : memref<96x128xf32, #tpu.memory_space<vmem>>, vector<16xf32>,
        %add3A_1130 = arith.constant 6 : i32
        %add3A_1131 = arith.addi %mul3A_199, %add3A_1130 : i32
        %get3A_1132 = arith.index_cast %add3A_1131 : i32 to index
        %get3A_1133 = arith.constant 48 : index
        %get3A_1134 = tpu.vector_load %arg16[%get3A_1132, %get3A_1133] {strides = array<i32>} : memref<96x128xf32, #tpu.memory_space<vmem>>, vector<16xf32>,
        %mul3A_1135 = vector.broadcast %squeeze3A_1075 : f32 to vector<16xf32>
        %mul3A_1136 = arith.mulf %mul3A_1135, %get3A_1134 : vector<16xf32>
        %add3A_1137 = arith.constant 6 : i32
        %add3A_1138 = arith.addi %mul3A_199, %add3A_1137 : i32
        %get3A_1139 = arith.index_cast %add3A_1138 : i32 to index
        %get3A_1140 = arith.constant 48 : index
        %get3A_1141 = tpu.vector_load %arg17[%get3A_1139, %get3A_1140] {strides = array<i32>} : memref<96x128xf32, #tpu.memory_space<vmem>>, vector<16xf32>,
        %mul3A_1142 = arith.mulf %mul3A_1136, %get3A_1141 : vector<16xf32>
        %add3A_1143 = arith.constant 6 : i32
        %add3A_1144 = arith.addi %mul3A_199, %add3A_1143 : i32
        %swap3A_1145 = arith.index_cast %add3A_1144 : i32 to index
        %swap3A_1146 = arith.constant 48 : index
        %swap3A_1147 = tpu.vector_load %arg17[%swap3A_1145, %swap3A_1146] {strides = array<i32>} : memref<96x128xf32, #tpu.memory_space<vmem>>, vector<16xf32>,
        tpu.vector_store %arg17[%swap3A_1145, %swap3A_1146], %mul3A_1142 {strides = array<i32>} : memref<96x128xf32, #tpu.memory_space<vmem>>, vector<16xf32>,
        %add3A_1148 = arith.constant 6 : i32
        %add3A_1149 = arith.addi %mul3A_199, %add3A_1148 : i32
        %get3A_1150 = arith.index_cast %add3A_1149 : i32 to index
        %get3A_1151 = arith.constant 64 : index
        %get3A_1152 = tpu.vector_load %arg16[%get3A_1150, %get3A_1151] {strides = array<i32>} : memref<96x128xf32, #tpu.memory_space<vmem>>, vector<16xf32>,
        %mul3A_1153 = vector.broadcast %squeeze3A_1075 : f32 to vector<16xf32>
        %mul3A_1154 = arith.mulf %mul3A_1153, %get3A_1152 : vector<16xf32>
        %add3A_1155 = arith.constant 6 : i32
        %add3A_1156 = arith.addi %mul3A_199, %add3A_1155 : i32
        %get3A_1157 = arith.index_cast %add3A_1156 : i32 to index
        %get3A_1158 = arith.constant 64 : index
        %get3A_1159 = tpu.vector_load %arg17[%get3A_1157, %get3A_1158] {strides = array<i32>} : memref<96x128xf32, #tpu.memory_space<vmem>>, vector<16xf32>,
        %mul3A_1160 = arith.mulf %mul3A_1154, %get3A_1159 : vector<16xf32>
        %add3A_1161 = arith.constant 6 : i32
        %add3A_1162 = arith.addi %mul3A_199, %add3A_1161 : i32
        %swap3A_1163 = arith.index_cast %add3A_1162 : i32 to index
        %swap3A_1164 = arith.constant 64 : index
        %swap3A_1165 = tpu.vector_load %arg17[%swap3A_1163, %swap3A_1164] {strides = array<i32>} : memref<96x128xf32, #tpu.memory_space<vmem>>, vector<16xf32>,
        tpu.vector_store %arg17[%swap3A_1163, %swap3A_1164], %mul3A_1160 {strides = array<i32>} : memref<96x128xf32, #tpu.memory_space<vmem>>, vector<16xf32>,
        %add3A_1166 = arith.constant 6 : i32
        %add3A_1167 = arith.addi %mul3A_199, %add3A_1166 : i32
        %get3A_1168 = arith.index_cast %add3A_1167 : i32 to index
        %get3A_1169 = arith.constant 80 : index
        %get3A_1170 = tpu.vector_load %arg16[%get3A_1168, %get3A_1169] {strides = array<i32>} : memref<96x128xf32, #tpu.memory_space<vmem>>, vector<16xf32>,
        %mul3A_1171 = vector.broadcast %squeeze3A_1075 : f32 to vector<16xf32>
        %mul3A_1172 = arith.mulf %mul3A_1171, %get3A_1170 : vector<16xf32>
        %add3A_1173 = arith.constant 6 : i32
        %add3A_1174 = arith.addi %mul3A_199, %add3A_1173 : i32
        %get3A_1175 = arith.index_cast %add3A_1174 : i32 to index
        %get3A_1176 = arith.constant 80 : index
        %get3A_1177 = tpu.vector_load %arg17[%get3A_1175, %get3A_1176] {strides = array<i32>} : memref<96x128xf32, #tpu.memory_space<vmem>>, vector<16xf32>,
        %mul3A_1178 = arith.mulf %mul3A_1172, %get3A_1177 : vector<16xf32>
        %add3A_1179 = arith.constant 6 : i32
        %add3A_1180 = arith.addi %mul3A_199, %add3A_1179 : i32
        %swap3A_1181 = arith.index_cast %add3A_1180 : i32 to index
        %swap3A_1182 = arith.constant 80 : index
        %swap3A_1183 = tpu.vector_load %arg17[%swap3A_1181, %swap3A_1182] {strides = array<i32>} : memref<96x128xf32, #tpu.memory_space<vmem>>, vector<16xf32>,
        tpu.vector_store %arg17[%swap3A_1181, %swap3A_1182], %mul3A_1178 {strides = array<i32>} : memref<96x128xf32, #tpu.memory_space<vmem>>, vector<16xf32>,
        %add3A_1184 = arith.constant 6 : i32
        %add3A_1185 = arith.addi %mul3A_199, %add3A_1184 : i32
        %get3A_1186 = arith.index_cast %add3A_1185 : i32 to index
        %get3A_1187 = arith.constant 96 : index
        %get3A_1188 = tpu.vector_load %arg16[%get3A_1186, %get3A_1187] {strides = array<i32>} : memref<96x128xf32, #tpu.memory_space<vmem>>, vector<16xf32>,
        %mul3A_1189 = vector.broadcast %squeeze3A_1075 : f32 to vector<16xf32>
        %mul3A_1190 = arith.mulf %mul3A_1189, %get3A_1188 : vector<16xf32>
        %add3A_1191 = arith.constant 6 : i32
        %add3A_1192 = arith.addi %mul3A_199, %add3A_1191 : i32
        %get3A_1193 = arith.index_cast %add3A_1192 : i32 to index
        %get3A_1194 = arith.constant 96 : index
        %get3A_1195 = tpu.vector_load %arg17[%get3A_1193, %get3A_1194] {strides = array<i32>} : memref<96x128xf32, #tpu.memory_space<vmem>>, vector<16xf32>,
        %mul3A_1196 = arith.mulf %mul3A_1190, %get3A_1195 : vector<16xf32>
        %add3A_1197 = arith.constant 6 : i32
        %add3A_1198 = arith.addi %mul3A_199, %add3A_1197 : i32
        %swap3A_1199 = arith.index_cast %add3A_1198 : i32 to index
        %swap3A_1200 = arith.constant 96 : index
        %swap3A_1201 = tpu.vector_load %arg17[%swap3A_1199, %swap3A_1200] {strides = array<i32>} : memref<96x128xf32, #tpu.memory_space<vmem>>, vector<16xf32>,
        tpu.vector_store %arg17[%swap3A_1199, %swap3A_1200], %mul3A_1196 {strides = array<i32>} : memref<96x128xf32, #tpu.memory_space<vmem>>, vector<16xf32>,
        %add3A_1202 = arith.constant 6 : i32
        %add3A_1203 = arith.addi %mul3A_199, %add3A_1202 : i32
        %get3A_1204 = arith.index_cast %add3A_1203 : i32 to index
        %get3A_1205 = arith.constant 112 : index
        %get3A_1206 = tpu.vector_load %arg16[%get3A_1204, %get3A_1205] {strides = array<i32>} : memref<96x128xf32, #tpu.memory_space<vmem>>, vector<16xf32>,
        %mul3A_1207 = vector.broadcast %squeeze3A_1075 : f32 to vector<16xf32>
        %mul3A_1208 = arith.mulf %mul3A_1207, %get3A_1206 : vector<16xf32>
        %add3A_1209 = arith.constant 6 : i32
        %add3A_1210 = arith.addi %mul3A_199, %add3A_1209 : i32
        %get3A_1211 = arith.index_cast %add3A_1210 : i32 to index
        %get3A_1212 = arith.constant 112 : index
        %get3A_1213 = tpu.vector_load %arg17[%get3A_1211, %get3A_1212] {strides = array<i32>} : memref<96x128xf32, #tpu.memory_space<vmem>>, vector<16xf32>,
        %mul3A_1214 = arith.mulf %mul3A_1208, %get3A_1213 : vector<16xf32>
        %add3A_1215 = arith.constant 6 : i32
        %add3A_1216 = arith.addi %mul3A_199, %add3A_1215 : i32
        %swap3A_1217 = arith.index_cast %add3A_1216 : i32 to index
        %swap3A_1218 = arith.constant 112 : index
        %swap3A_1219 = tpu.vector_load %arg17[%swap3A_1217, %swap3A_1218] {strides = array<i32>} : memref<96x128xf32, #tpu.memory_space<vmem>>, vector<16xf32>,
        tpu.vector_store %arg17[%swap3A_1217, %swap3A_1218], %mul3A_1214 {strides = array<i32>} : memref<96x128xf32, #tpu.memory_space<vmem>>, vector<16xf32>,
        %slice3A_1220 = vector.extract_strided_slice %div3A_197 {offsets = [7], sizes = [1], strides = [1]} : vector<16xf32> to vector<1xf32>
        %squeeze3A_1221 = vector.extract %slice3A_1220[0] : f32 from vector<1xf32>
        %add3A_1222 = arith.constant 7 : i32
        %add3A_1223 = arith.addi %mul3A_199, %add3A_1222 : i32
        %get3A_1224 = arith.index_cast %add3A_1223 : i32 to index
        %get3A_1225 = arith.constant 0 : index
        %get3A_1226 = tpu.vector_load %arg16[%get3A_1224, %get3A_1225] {strides = array<i32>} : memref<96x128xf32, #tpu.memory_space<vmem>>, vector<16xf32>,
        %mul3A_1227 = vector.broadcast %squeeze3A_1221 : f32 to vector<16xf32>
        %mul3A_1228 = arith.mulf %mul3A_1227, %get3A_1226 : vector<16xf32>
        %add3A_1229 = arith.constant 7 : i32
        %add3A_1230 = arith.addi %mul3A_199, %add3A_1229 : i32
        %get3A_1231 = arith.index_cast %add3A_1230 : i32 to index
        %get3A_1232 = arith.constant 0 : index
        %get3A_1233 = tpu.vector_load %arg17[%get3A_1231, %get3A_1232] {strides = array<i32>} : memref<96x128xf32, #tpu.memory_space<vmem>>, vector<16xf32>,
        %mul3A_1234 = arith.mulf %mul3A_1228, %get3A_1233 : vector<16xf32>
        %add3A_1235 = arith.constant 7 : i32
        %add3A_1236 = arith.addi %mul3A_199, %add3A_1235 : i32
        %swap3A_1237 = arith.index_cast %add3A_1236 : i32 to index
        %swap3A_1238 = arith.constant 0 : index
        %swap3A_1239 = tpu.vector_load %arg17[%swap3A_1237, %swap3A_1238] {strides = array<i32>} : memref<96x128xf32, #tpu.memory_space<vmem>>, vector<16xf32>,
        tpu.vector_store %arg17[%swap3A_1237, %swap3A_1238], %mul3A_1234 {strides = array<i32>} : memref<96x128xf32, #tpu.memory_space<vmem>>, vector<16xf32>,
        %add3A_1240 = arith.constant 7 : i32
        %add3A_1241 = arith.addi %mul3A_199, %add3A_1240 : i32
        %get3A_1242 = arith.index_cast %add3A_1241 : i32 to index
        %get3A_1243 = arith.constant 16 : index
        %get3A_1244 = tpu.vector_load %arg16[%get3A_1242, %get3A_1243] {strides = array<i32>} : memref<96x128xf32, #tpu.memory_space<vmem>>, vector<16xf32>,
        %mul3A_1245 = vector.broadcast %squeeze3A_1221 : f32 to vector<16xf32>
        %mul3A_1246 = arith.mulf %mul3A_1245, %get3A_1244 : vector<16xf32>
        %add3A_1247 = arith.constant 7 : i32
        %add3A_1248 = arith.addi %mul3A_199, %add3A_1247 : i32
        %get3A_1249 = arith.index_cast %add3A_1248 : i32 to index
        %get3A_1250 = arith.constant 16 : index
        %get3A_1251 = tpu.vector_load %arg17[%get3A_1249, %get3A_1250] {strides = array<i32>} : memref<96x128xf32, #tpu.memory_space<vmem>>, vector<16xf32>,
        %mul3A_1252 = arith.mulf %mul3A_1246, %get3A_1251 : vector<16xf32>
        %add3A_1253 = arith.constant 7 : i32
        %add3A_1254 = arith.addi %mul3A_199, %add3A_1253 : i32
        %swap3A_1255 = arith.index_cast %add3A_1254 : i32 to index
        %swap3A_1256 = arith.constant 16 : index
        %swap3A_1257 = tpu.vector_load %arg17[%swap3A_1255, %swap3A_1256] {strides = array<i32>} : memref<96x128xf32, #tpu.memory_space<vmem>>, vector<16xf32>,
        tpu.vector_store %arg17[%swap3A_1255, %swap3A_1256], %mul3A_1252 {strides = array<i32>} : memref<96x128xf32, #tpu.memory_space<vmem>>, vector<16xf32>,
        %add3A_1258 = arith.constant 7 : i32
        %add3A_1259 = arith.addi %mul3A_199, %add3A_1258 : i32
        %get3A_1260 = arith.index_cast %add3A_1259 : i32 to index
        %get3A_1261 = arith.constant 32 : index
        %get3A_1262 = tpu.vector_load %arg16[%get3A_1260, %get3A_1261] {strides = array<i32>} : memref<96x128xf32, #tpu.memory_space<vmem>>, vector<16xf32>,
        %mul3A_1263 = vector.broadcast %squeeze3A_1221 : f32 to vector<16xf32>
        %mul3A_1264 = arith.mulf %mul3A_1263, %get3A_1262 : vector<16xf32>
        %add3A_1265 = arith.constant 7 : i32
        %add3A_1266 = arith.addi %mul3A_199, %add3A_1265 : i32
        %get3A_1267 = arith.index_cast %add3A_1266 : i32 to index
        %get3A_1268 = arith.constant 32 : index
        %get3A_1269 = tpu.vector_load %arg17[%get3A_1267, %get3A_1268] {strides = array<i32>} : memref<96x128xf32, #tpu.memory_space<vmem>>, vector<16xf32>,
        %mul3A_1270 = arith.mulf %mul3A_1264, %get3A_1269 : vector<16xf32>
        %add3A_1271 = arith.constant 7 : i32
        %add3A_1272 = arith.addi %mul3A_199, %add3A_1271 : i32
        %swap3A_1273 = arith.index_cast %add3A_1272 : i32 to index
        %swap3A_1274 = arith.constant 32 : index
        %swap3A_1275 = tpu.vector_load %arg17[%swap3A_1273, %swap3A_1274] {strides = array<i32>} : memref<96x128xf32, #tpu.memory_space<vmem>>, vector<16xf32>,
        tpu.vector_store %arg17[%swap3A_1273, %swap3A_1274], %mul3A_1270 {strides = array<i32>} : memref<96x128xf32, #tpu.memory_space<vmem>>, vector<16xf32>,
        %add3A_1276 = arith.constant 7 : i32
        %add3A_1277 = arith.addi %mul3A_199, %add3A_1276 : i32
        %get3A_1278 = arith.index_cast %add3A_1277 : i32 to index
        %get3A_1279 = arith.constant 48 : index
        %get3A_1280 = tpu.vector_load %arg16[%get3A_1278, %get3A_1279] {strides = array<i32>} : memref<96x128xf32, #tpu.memory_space<vmem>>, vector<16xf32>,
        %mul3A_1281 = vector.broadcast %squeeze3A_1221 : f32 to vector<16xf32>
        %mul3A_1282 = arith.mulf %mul3A_1281, %get3A_1280 : vector<16xf32>
        %add3A_1283 = arith.constant 7 : i32
        %add3A_1284 = arith.addi %mul3A_199, %add3A_1283 : i32
        %get3A_1285 = arith.index_cast %add3A_1284 : i32 to index
        %get3A_1286 = arith.constant 48 : index
        %get3A_1287 = tpu.vector_load %arg17[%get3A_1285, %get3A_1286] {strides = array<i32>} : memref<96x128xf32, #tpu.memory_space<vmem>>, vector<16xf32>,
        %mul3A_1288 = arith.mulf %mul3A_1282, %get3A_1287 : vector<16xf32>
        %add3A_1289 = arith.constant 7 : i32
        %add3A_1290 = arith.addi %mul3A_199, %add3A_1289 : i32
        %swap3A_1291 = arith.index_cast %add3A_1290 : i32 to index
        %swap3A_1292 = arith.constant 48 : index
        %swap3A_1293 = tpu.vector_load %arg17[%swap3A_1291, %swap3A_1292] {strides = array<i32>} : memref<96x128xf32, #tpu.memory_space<vmem>>, vector<16xf32>,
        tpu.vector_store %arg17[%swap3A_1291, %swap3A_1292], %mul3A_1288 {strides = array<i32>} : memref<96x128xf32, #tpu.memory_space<vmem>>, vector<16xf32>,
        %add3A_1294 = arith.constant 7 : i32
        %add3A_1295 = arith.addi %mul3A_199, %add3A_1294 : i32
        %get3A_1296 = arith.index_cast %add3A_1295 : i32 to index
        %get3A_1297 = arith.constant 64 : index
        %get3A_1298 = tpu.vector_load %arg16[%get3A_1296, %get3A_1297] {strides = array<i32>} : memref<96x128xf32, #tpu.memory_space<vmem>>, vector<16xf32>,
        %mul3A_1299 = vector.broadcast %squeeze3A_1221 : f32 to vector<16xf32>
        %mul3A_1300 = arith.mulf %mul3A_1299, %get3A_1298 : vector<16xf32>
        %add3A_1301 = arith.constant 7 : i32
        %add3A_1302 = arith.addi %mul3A_199, %add3A_1301 : i32
        %get3A_1303 = arith.index_cast %add3A_1302 : i32 to index
        %get3A_1304 = arith.constant 64 : index
        %get3A_1305 = tpu.vector_load %arg17[%get3A_1303, %get3A_1304] {strides = array<i32>} : memref<96x128xf32, #tpu.memory_space<vmem>>, vector<16xf32>,
        %mul3A_1306 = arith.mulf %mul3A_1300, %get3A_1305 : vector<16xf32>
        %add3A_1307 = arith.constant 7 : i32
        %add3A_1308 = arith.addi %mul3A_199, %add3A_1307 : i32
        %swap3A_1309 = arith.index_cast %add3A_1308 : i32 to index
        %swap3A_1310 = arith.constant 64 : index
        %swap3A_1311 = tpu.vector_load %arg17[%swap3A_1309, %swap3A_1310] {strides = array<i32>} : memref<96x128xf32, #tpu.memory_space<vmem>>, vector<16xf32>,
        tpu.vector_store %arg17[%swap3A_1309, %swap3A_1310], %mul3A_1306 {strides = array<i32>} : memref<96x128xf32, #tpu.memory_space<vmem>>, vector<16xf32>,
        %add3A_1312 = arith.constant 7 : i32
        %add3A_1313 = arith.addi %mul3A_199, %add3A_1312 : i32
        %get3A_1314 = arith.index_cast %add3A_1313 : i32 to index
        %get3A_1315 = arith.constant 80 : index
        %get3A_1316 = tpu.vector_load %arg16[%get3A_1314, %get3A_1315] {strides = array<i32>} : memref<96x128xf32, #tpu.memory_space<vmem>>, vector<16xf32>,
        %mul3A_1317 = vector.broadcast %squeeze3A_1221 : f32 to vector<16xf32>
        %mul3A_1318 = arith.mulf %mul3A_1317, %get3A_1316 : vector<16xf32>
        %add3A_1319 = arith.constant 7 : i32
        %add3A_1320 = arith.addi %mul3A_199, %add3A_1319 : i32
        %get3A_1321 = arith.index_cast %add3A_1320 : i32 to index
        %get3A_1322 = arith.constant 80 : index
        %get3A_1323 = tpu.vector_load %arg17[%get3A_1321, %get3A_1322] {strides = array<i32>} : memref<96x128xf32, #tpu.memory_space<vmem>>, vector<16xf32>,
        %mul3A_1324 = arith.mulf %mul3A_1318, %get3A_1323 : vector<16xf32>
        %add3A_1325 = arith.constant 7 : i32
        %add3A_1326 = arith.addi %mul3A_199, %add3A_1325 : i32
        %swap3A_1327 = arith.index_cast %add3A_1326 : i32 to index
        %swap3A_1328 = arith.constant 80 : index
        %swap3A_1329 = tpu.vector_load %arg17[%swap3A_1327, %swap3A_1328] {strides = array<i32>} : memref<96x128xf32, #tpu.memory_space<vmem>>, vector<16xf32>,
        tpu.vector_store %arg17[%swap3A_1327, %swap3A_1328], %mul3A_1324 {strides = array<i32>} : memref<96x128xf32, #tpu.memory_space<vmem>>, vector<16xf32>,
        %add3A_1330 = arith.constant 7 : i32
        %add3A_1331 = arith.addi %mul3A_199, %add3A_1330 : i32
        %get3A_1332 = arith.index_cast %add3A_1331 : i32 to index
        %get3A_1333 = arith.constant 96 : index
        %get3A_1334 = tpu.vector_load %arg16[%get3A_1332, %get3A_1333] {strides = array<i32>} : memref<96x128xf32, #tpu.memory_space<vmem>>, vector<16xf32>,
        %mul3A_1335 = vector.broadcast %squeeze3A_1221 : f32 to vector<16xf32>
        %mul3A_1336 = arith.mulf %mul3A_1335, %get3A_1334 : vector<16xf32>
        %add3A_1337 = arith.constant 7 : i32
        %add3A_1338 = arith.addi %mul3A_199, %add3A_1337 : i32
        %get3A_1339 = arith.index_cast %add3A_1338 : i32 to index
        %get3A_1340 = arith.constant 96 : index
        %get3A_1341 = tpu.vector_load %arg17[%get3A_1339, %get3A_1340] {strides = array<i32>} : memref<96x128xf32, #tpu.memory_space<vmem>>, vector<16xf32>,
        %mul3A_1342 = arith.mulf %mul3A_1336, %get3A_1341 : vector<16xf32>
        %add3A_1343 = arith.constant 7 : i32
        %add3A_1344 = arith.addi %mul3A_199, %add3A_1343 : i32
        %swap3A_1345 = arith.index_cast %add3A_1344 : i32 to index
        %swap3A_1346 = arith.constant 96 : index
        %swap3A_1347 = tpu.vector_load %arg17[%swap3A_1345, %swap3A_1346] {strides = array<i32>} : memref<96x128xf32, #tpu.memory_space<vmem>>, vector<16xf32>,
        tpu.vector_store %arg17[%swap3A_1345, %swap3A_1346], %mul3A_1342 {strides = array<i32>} : memref<96x128xf32, #tpu.memory_space<vmem>>, vector<16xf32>,
        %add3A_1348 = arith.constant 7 : i32
        %add3A_1349 = arith.addi %mul3A_199, %add3A_1348 : i32
        %get3A_1350 = arith.index_cast %add3A_1349 : i32 to index
        %get3A_1351 = arith.constant 112 : index
        %get3A_1352 = tpu.vector_load %arg16[%get3A_1350, %get3A_1351] {strides = array<i32>} : memref<96x128xf32, #tpu.memory_space<vmem>>, vector<16xf32>,
        %mul3A_1353 = vector.broadcast %squeeze3A_1221 : f32 to vector<16xf32>
        %mul3A_1354 = arith.mulf %mul3A_1353, %get3A_1352 : vector<16xf32>
        %add3A_1355 = arith.constant 7 : i32
        %add3A_1356 = arith.addi %mul3A_199, %add3A_1355 : i32
        %get3A_1357 = arith.index_cast %add3A_1356 : i32 to index
        %get3A_1358 = arith.constant 112 : index
        %get3A_1359 = tpu.vector_load %arg17[%get3A_1357, %get3A_1358] {strides = array<i32>} : memref<96x128xf32, #tpu.memory_space<vmem>>, vector<16xf32>,
        %mul3A_1360 = arith.mulf %mul3A_1354, %get3A_1359 : vector<16xf32>
        %add3A_1361 = arith.constant 7 : i32
        %add3A_1362 = arith.addi %mul3A_199, %add3A_1361 : i32
        %swap3A_1363 = arith.index_cast %add3A_1362 : i32 to index
        %swap3A_1364 = arith.constant 112 : index
        %swap3A_1365 = tpu.vector_load %arg17[%swap3A_1363, %swap3A_1364] {strides = array<i32>} : memref<96x128xf32, #tpu.memory_space<vmem>>, vector<16xf32>,
        tpu.vector_store %arg17[%swap3A_1363, %swap3A_1364], %mul3A_1360 {strides = array<i32>} : memref<96x128xf32, #tpu.memory_space<vmem>>, vector<16xf32>,
        %slice3A_1366 = vector.extract_strided_slice %div3A_197 {offsets = [8], sizes = [1], strides = [1]} : vector<16xf32> to vector<1xf32>
        %squeeze3A_1367 = vector.extract %slice3A_1366[0] : f32 from vector<1xf32>
        %add3A_1368 = arith.constant 8 : i32
        %add3A_1369 = arith.addi %mul3A_199, %add3A_1368 : i32
        %get3A_1370 = arith.index_cast %add3A_1369 : i32 to index
        %get3A_1371 = arith.constant 0 : index
        %get3A_1372 = tpu.vector_load %arg16[%get3A_1370, %get3A_1371] {strides = array<i32>} : memref<96x128xf32, #tpu.memory_space<vmem>>, vector<16xf32>,
        %mul3A_1373 = vector.broadcast %squeeze3A_1367 : f32 to vector<16xf32>
        %mul3A_1374 = arith.mulf %mul3A_1373, %get3A_1372 : vector<16xf32>
        %add3A_1375 = arith.constant 8 : i32
        %add3A_1376 = arith.addi %mul3A_199, %add3A_1375 : i32
        %get3A_1377 = arith.index_cast %add3A_1376 : i32 to index
        %get3A_1378 = arith.constant 0 : index
        %get3A_1379 = tpu.vector_load %arg17[%get3A_1377, %get3A_1378] {strides = array<i32>} : memref<96x128xf32, #tpu.memory_space<vmem>>, vector<16xf32>,
        %mul3A_1380 = arith.mulf %mul3A_1374, %get3A_1379 : vector<16xf32>
        %add3A_1381 = arith.constant 8 : i32
        %add3A_1382 = arith.addi %mul3A_199, %add3A_1381 : i32
        %swap3A_1383 = arith.index_cast %add3A_1382 : i32 to index
        %swap3A_1384 = arith.constant 0 : index
        %swap3A_1385 = tpu.vector_load %arg17[%swap3A_1383, %swap3A_1384] {strides = array<i32>} : memref<96x128xf32, #tpu.memory_space<vmem>>, vector<16xf32>,
        tpu.vector_store %arg17[%swap3A_1383, %swap3A_1384], %mul3A_1380 {strides = array<i32>} : memref<96x128xf32, #tpu.memory_space<vmem>>, vector<16xf32>,
        %add3A_1386 = arith.constant 8 : i32
        %add3A_1387 = arith.addi %mul3A_199, %add3A_1386 : i32
        %get3A_1388 = arith.index_cast %add3A_1387 : i32 to index
        %get3A_1389 = arith.constant 16 : index
        %get3A_1390 = tpu.vector_load %arg16[%get3A_1388, %get3A_1389] {strides = array<i32>} : memref<96x128xf32, #tpu.memory_space<vmem>>, vector<16xf32>,
        %mul3A_1391 = vector.broadcast %squeeze3A_1367 : f32 to vector<16xf32>
        %mul3A_1392 = arith.mulf %mul3A_1391, %get3A_1390 : vector<16xf32>
        %add3A_1393 = arith.constant 8 : i32
        %add3A_1394 = arith.addi %mul3A_199, %add3A_1393 : i32
        %get3A_1395 = arith.index_cast %add3A_1394 : i32 to index
        %get3A_1396 = arith.constant 16 : index
        %get3A_1397 = tpu.vector_load %arg17[%get3A_1395, %get3A_1396] {strides = array<i32>} : memref<96x128xf32, #tpu.memory_space<vmem>>, vector<16xf32>,
        %mul3A_1398 = arith.mulf %mul3A_1392, %get3A_1397 : vector<16xf32>
        %add3A_1399 = arith.constant 8 : i32
        %add3A_1400 = arith.addi %mul3A_199, %add3A_1399 : i32
        %swap3A_1401 = arith.index_cast %add3A_1400 : i32 to index
        %swap3A_1402 = arith.constant 16 : index
        %swap3A_1403 = tpu.vector_load %arg17[%swap3A_1401, %swap3A_1402] {strides = array<i32>} : memref<96x128xf32, #tpu.memory_space<vmem>>, vector<16xf32>,
        tpu.vector_store %arg17[%swap3A_1401, %swap3A_1402], %mul3A_1398 {strides = array<i32>} : memref<96x128xf32, #tpu.memory_space<vmem>>, vector<16xf32>,
        %add3A_1404 = arith.constant 8 : i32
        %add3A_1405 = arith.addi %mul3A_199, %add3A_1404 : i32
        %get3A_1406 = arith.index_cast %add3A_1405 : i32 to index
        %get3A_1407 = arith.constant 32 : index
        %get3A_1408 = tpu.vector_load %arg16[%get3A_1406, %get3A_1407] {strides = array<i32>} : memref<96x128xf32, #tpu.memory_space<vmem>>, vector<16xf32>,
        %mul3A_1409 = vector.broadcast %squeeze3A_1367 : f32 to vector<16xf32>
        %mul3A_1410 = arith.mulf %mul3A_1409, %get3A_1408 : vector<16xf32>
        %add3A_1411 = arith.constant 8 : i32
        %add3A_1412 = arith.addi %mul3A_199, %add3A_1411 : i32
        %get3A_1413 = arith.index_cast %add3A_1412 : i32 to index
        %get3A_1414 = arith.constant 32 : index
        %get3A_1415 = tpu.vector_load %arg17[%get3A_1413, %get3A_1414] {strides = array<i32>} : memref<96x128xf32, #tpu.memory_space<vmem>>, vector<16xf32>,
        %mul3A_1416 = arith.mulf %mul3A_1410, %get3A_1415 : vector<16xf32>
        %add3A_1417 = arith.constant 8 : i32
        %add3A_1418 = arith.addi %mul3A_199, %add3A_1417 : i32
        %swap3A_1419 = arith.index_cast %add3A_1418 : i32 to index
        %swap3A_1420 = arith.constant 32 : index
        %swap3A_1421 = tpu.vector_load %arg17[%swap3A_1419, %swap3A_1420] {strides = array<i32>} : memref<96x128xf32, #tpu.memory_space<vmem>>, vector<16xf32>,
        tpu.vector_store %arg17[%swap3A_1419, %swap3A_1420], %mul3A_1416 {strides = array<i32>} : memref<96x128xf32, #tpu.memory_space<vmem>>, vector<16xf32>,
        %add3A_1422 = arith.constant 8 : i32
        %add3A_1423 = arith.addi %mul3A_199, %add3A_1422 : i32
        %get3A_1424 = arith.index_cast %add3A_1423 : i32 to index
        %get3A_1425 = arith.constant 48 : index
        %get3A_1426 = tpu.vector_load %arg16[%get3A_1424, %get3A_1425] {strides = array<i32>} : memref<96x128xf32, #tpu.memory_space<vmem>>, vector<16xf32>,
        %mul3A_1427 = vector.broadcast %squeeze3A_1367 : f32 to vector<16xf32>
        %mul3A_1428 = arith.mulf %mul3A_1427, %get3A_1426 : vector<16xf32>
        %add3A_1429 = arith.constant 8 : i32
        %add3A_1430 = arith.addi %mul3A_199, %add3A_1429 : i32
        %get3A_1431 = arith.index_cast %add3A_1430 : i32 to index
        %get3A_1432 = arith.constant 48 : index
        %get3A_1433 = tpu.vector_load %arg17[%get3A_1431, %get3A_1432] {strides = array<i32>} : memref<96x128xf32, #tpu.memory_space<vmem>>, vector<16xf32>,
        %mul3A_1434 = arith.mulf %mul3A_1428, %get3A_1433 : vector<16xf32>
        %add3A_1435 = arith.constant 8 : i32
        %add3A_1436 = arith.addi %mul3A_199, %add3A_1435 : i32
        %swap3A_1437 = arith.index_cast %add3A_1436 : i32 to index
        %swap3A_1438 = arith.constant 48 : index
        %swap3A_1439 = tpu.vector_load %arg17[%swap3A_1437, %swap3A_1438] {strides = array<i32>} : memref<96x128xf32, #tpu.memory_space<vmem>>, vector<16xf32>,
        tpu.vector_store %arg17[%swap3A_1437, %swap3A_1438], %mul3A_1434 {strides = array<i32>} : memref<96x128xf32, #tpu.memory_space<vmem>>, vector<16xf32>,
        %add3A_1440 = arith.constant 8 : i32
        %add3A_1441 = arith.addi %mul3A_199, %add3A_1440 : i32
        %get3A_1442 = arith.index_cast %add3A_1441 : i32 to index
        %get3A_1443 = arith.constant 64 : index
        %get3A_1444 = tpu.vector_load %arg16[%get3A_1442, %get3A_1443] {strides = array<i32>} : memref<96x128xf32, #tpu.memory_space<vmem>>, vector<16xf32>,
        %mul3A_1445 = vector.broadcast %squeeze3A_1367 : f32 to vector<16xf32>
        %mul3A_1446 = arith.mulf %mul3A_1445, %get3A_1444 : vector<16xf32>
        %add3A_1447 = arith.constant 8 : i32
        %add3A_1448 = arith.addi %mul3A_199, %add3A_1447 : i32
        %get3A_1449 = arith.index_cast %add3A_1448 : i32 to index
        %get3A_1450 = arith.constant 64 : index
        %get3A_1451 = tpu.vector_load %arg17[%get3A_1449, %get3A_1450] {strides = array<i32>} : memref<96x128xf32, #tpu.memory_space<vmem>>, vector<16xf32>,
        %mul3A_1452 = arith.mulf %mul3A_1446, %get3A_1451 : vector<16xf32>
        %add3A_1453 = arith.constant 8 : i32
        %add3A_1454 = arith.addi %mul3A_199, %add3A_1453 : i32
        %swap3A_1455 = arith.index_cast %add3A_1454 : i32 to index
        %swap3A_1456 = arith.constant 64 : index
        %swap3A_1457 = tpu.vector_load %arg17[%swap3A_1455, %swap3A_1456] {strides = array<i32>} : memref<96x128xf32, #tpu.memory_space<vmem>>, vector<16xf32>,
        tpu.vector_store %arg17[%swap3A_1455, %swap3A_1456], %mul3A_1452 {strides = array<i32>} : memref<96x128xf32, #tpu.memory_space<vmem>>, vector<16xf32>,
        %add3A_1458 = arith.constant 8 : i32
        %add3A_1459 = arith.addi %mul3A_199, %add3A_1458 : i32
        %get3A_1460 = arith.index_cast %add3A_1459 : i32 to index
        %get3A_1461 = arith.constant 80 : index
        %get3A_1462 = tpu.vector_load %arg16[%get3A_1460, %get3A_1461] {strides = array<i32>} : memref<96x128xf32, #tpu.memory_space<vmem>>, vector<16xf32>,
        %mul3A_1463 = vector.broadcast %squeeze3A_1367 : f32 to vector<16xf32>
        %mul3A_1464 = arith.mulf %mul3A_1463, %get3A_1462 : vector<16xf32>
        %add3A_1465 = arith.constant 8 : i32
        %add3A_1466 = arith.addi %mul3A_199, %add3A_1465 : i32
        %get3A_1467 = arith.index_cast %add3A_1466 : i32 to index
        %get3A_1468 = arith.constant 80 : index
        %get3A_1469 = tpu.vector_load %arg17[%get3A_1467, %get3A_1468] {strides = array<i32>} : memref<96x128xf32, #tpu.memory_space<vmem>>, vector<16xf32>,
        %mul3A_1470 = arith.mulf %mul3A_1464, %get3A_1469 : vector<16xf32>
        %add3A_1471 = arith.constant 8 : i32
        %add3A_1472 = arith.addi %mul3A_199, %add3A_1471 : i32
        %swap3A_1473 = arith.index_cast %add3A_1472 : i32 to index
        %swap3A_1474 = arith.constant 80 : index
        %swap3A_1475 = tpu.vector_load %arg17[%swap3A_1473, %swap3A_1474] {strides = array<i32>} : memref<96x128xf32, #tpu.memory_space<vmem>>, vector<16xf32>,
        tpu.vector_store %arg17[%swap3A_1473, %swap3A_1474], %mul3A_1470 {strides = array<i32>} : memref<96x128xf32, #tpu.memory_space<vmem>>, vector<16xf32>,
        %add3A_1476 = arith.constant 8 : i32
        %add3A_1477 = arith.addi %mul3A_199, %add3A_1476 : i32
        %get3A_1478 = arith.index_cast %add3A_1477 : i32 to index
        %get3A_1479 = arith.constant 96 : index
        %get3A_1480 = tpu.vector_load %arg16[%get3A_1478, %get3A_1479] {strides = array<i32>} : memref<96x128xf32, #tpu.memory_space<vmem>>, vector<16xf32>,
        %mul3A_1481 = vector.broadcast %squeeze3A_1367 : f32 to vector<16xf32>
        %mul3A_1482 = arith.mulf %mul3A_1481, %get3A_1480 : vector<16xf32>
        %add3A_1483 = arith.constant 8 : i32
        %add3A_1484 = arith.addi %mul3A_199, %add3A_1483 : i32
        %get3A_1485 = arith.index_cast %add3A_1484 : i32 to index
        %get3A_1486 = arith.constant 96 : index
        %get3A_1487 = tpu.vector_load %arg17[%get3A_1485, %get3A_1486] {strides = array<i32>} : memref<96x128xf32, #tpu.memory_space<vmem>>, vector<16xf32>,
        %mul3A_1488 = arith.mulf %mul3A_1482, %get3A_1487 : vector<16xf32>
        %add3A_1489 = arith.constant 8 : i32
        %add3A_1490 = arith.addi %mul3A_199, %add3A_1489 : i32
        %swap3A_1491 = arith.index_cast %add3A_1490 : i32 to index
        %swap3A_1492 = arith.constant 96 : index
        %swap3A_1493 = tpu.vector_load %arg17[%swap3A_1491, %swap3A_1492] {strides = array<i32>} : memref<96x128xf32, #tpu.memory_space<vmem>>, vector<16xf32>,
        tpu.vector_store %arg17[%swap3A_1491, %swap3A_1492], %mul3A_1488 {strides = array<i32>} : memref<96x128xf32, #tpu.memory_space<vmem>>, vector<16xf32>,
        %add3A_1494 = arith.constant 8 : i32
        %add3A_1495 = arith.addi %mul3A_199, %add3A_1494 : i32
        %get3A_1496 = arith.index_cast %add3A_1495 : i32 to index
        %get3A_1497 = arith.constant 112 : index
        %get3A_1498 = tpu.vector_load %arg16[%get3A_1496, %get3A_1497] {strides = array<i32>} : memref<96x128xf32, #tpu.memory_space<vmem>>, vector<16xf32>,
        %mul3A_1499 = vector.broadcast %squeeze3A_1367 : f32 to vector<16xf32>
        %mul3A_1500 = arith.mulf %mul3A_1499, %get3A_1498 : vector<16xf32>
        %add3A_1501 = arith.constant 8 : i32
        %add3A_1502 = arith.addi %mul3A_199, %add3A_1501 : i32
        %get3A_1503 = arith.index_cast %add3A_1502 : i32 to index
        %get3A_1504 = arith.constant 112 : index
        %get3A_1505 = tpu.vector_load %arg17[%get3A_1503, %get3A_1504] {strides = array<i32>} : memref<96x128xf32, #tpu.memory_space<vmem>>, vector<16xf32>,
        %mul3A_1506 = arith.mulf %mul3A_1500, %get3A_1505 : vector<16xf32>
        %add3A_1507 = arith.constant 8 : i32
        %add3A_1508 = arith.addi %mul3A_199, %add3A_1507 : i32
        %swap3A_1509 = arith.index_cast %add3A_1508 : i32 to index
        %swap3A_1510 = arith.constant 112 : index
        %swap3A_1511 = tpu.vector_load %arg17[%swap3A_1509, %swap3A_1510] {strides = array<i32>} : memref<96x128xf32, #tpu.memory_space<vmem>>, vector<16xf32>,
        tpu.vector_store %arg17[%swap3A_1509, %swap3A_1510], %mul3A_1506 {strides = array<i32>} : memref<96x128xf32, #tpu.memory_space<vmem>>, vector<16xf32>,
        %slice3A_1512 = vector.extract_strided_slice %div3A_197 {offsets = [9], sizes = [1], strides = [1]} : vector<16xf32> to vector<1xf32>
        %squeeze3A_1513 = vector.extract %slice3A_1512[0] : f32 from vector<1xf32>
        %add3A_1514 = arith.constant 9 : i32
        %add3A_1515 = arith.addi %mul3A_199, %add3A_1514 : i32
        %get3A_1516 = arith.index_cast %add3A_1515 : i32 to index
        %get3A_1517 = arith.constant 0 : index
        %get3A_1518 = tpu.vector_load %arg16[%get3A_1516, %get3A_1517] {strides = array<i32>} : memref<96x128xf32, #tpu.memory_space<vmem>>, vector<16xf32>,
        %mul3A_1519 = vector.broadcast %squeeze3A_1513 : f32 to vector<16xf32>
        %mul3A_1520 = arith.mulf %mul3A_1519, %get3A_1518 : vector<16xf32>
        %add3A_1521 = arith.constant 9 : i32
        %add3A_1522 = arith.addi %mul3A_199, %add3A_1521 : i32
        %get3A_1523 = arith.index_cast %add3A_1522 : i32 to index
        %get3A_1524 = arith.constant 0 : index
        %get3A_1525 = tpu.vector_load %arg17[%get3A_1523, %get3A_1524] {strides = array<i32>} : memref<96x128xf32, #tpu.memory_space<vmem>>, vector<16xf32>,
        %mul3A_1526 = arith.mulf %mul3A_1520, %get3A_1525 : vector<16xf32>
        %add3A_1527 = arith.constant 9 : i32
        %add3A_1528 = arith.addi %mul3A_199, %add3A_1527 : i32
        %swap3A_1529 = arith.index_cast %add3A_1528 : i32 to index
        %swap3A_1530 = arith.constant 0 : index
        %swap3A_1531 = tpu.vector_load %arg17[%swap3A_1529, %swap3A_1530] {strides = array<i32>} : memref<96x128xf32, #tpu.memory_space<vmem>>, vector<16xf32>,
        tpu.vector_store %arg17[%swap3A_1529, %swap3A_1530], %mul3A_1526 {strides = array<i32>} : memref<96x128xf32, #tpu.memory_space<vmem>>, vector<16xf32>,
        %add3A_1532 = arith.constant 9 : i32
        %add3A_1533 = arith.addi %mul3A_199, %add3A_1532 : i32
        %get3A_1534 = arith.index_cast %add3A_1533 : i32 to index
        %get3A_1535 = arith.constant 16 : index
        %get3A_1536 = tpu.vector_load %arg16[%get3A_1534, %get3A_1535] {strides = array<i32>} : memref<96x128xf32, #tpu.memory_space<vmem>>, vector<16xf32>,
        %mul3A_1537 = vector.broadcast %squeeze3A_1513 : f32 to vector<16xf32>
        %mul3A_1538 = arith.mulf %mul3A_1537, %get3A_1536 : vector<16xf32>
        %add3A_1539 = arith.constant 9 : i32
        %add3A_1540 = arith.addi %mul3A_199, %add3A_1539 : i32
        %get3A_1541 = arith.index_cast %add3A_1540 : i32 to index
        %get3A_1542 = arith.constant 16 : index
        %get3A_1543 = tpu.vector_load %arg17[%get3A_1541, %get3A_1542] {strides = array<i32>} : memref<96x128xf32, #tpu.memory_space<vmem>>, vector<16xf32>,
        %mul3A_1544 = arith.mulf %mul3A_1538, %get3A_1543 : vector<16xf32>
        %add3A_1545 = arith.constant 9 : i32
        %add3A_1546 = arith.addi %mul3A_199, %add3A_1545 : i32
        %swap3A_1547 = arith.index_cast %add3A_1546 : i32 to index
        %swap3A_1548 = arith.constant 16 : index
        %swap3A_1549 = tpu.vector_load %arg17[%swap3A_1547, %swap3A_1548] {strides = array<i32>} : memref<96x128xf32, #tpu.memory_space<vmem>>, vector<16xf32>,
        tpu.vector_store %arg17[%swap3A_1547, %swap3A_1548], %mul3A_1544 {strides = array<i32>} : memref<96x128xf32, #tpu.memory_space<vmem>>, vector<16xf32>,
        %add3A_1550 = arith.constant 9 : i32
        %add3A_1551 = arith.addi %mul3A_199, %add3A_1550 : i32
        %get3A_1552 = arith.index_cast %add3A_1551 : i32 to index
        %get3A_1553 = arith.constant 32 : index
        %get3A_1554 = tpu.vector_load %arg16[%get3A_1552, %get3A_1553] {strides = array<i32>} : memref<96x128xf32, #tpu.memory_space<vmem>>, vector<16xf32>,
        %mul3A_1555 = vector.broadcast %squeeze3A_1513 : f32 to vector<16xf32>
        %mul3A_1556 = arith.mulf %mul3A_1555, %get3A_1554 : vector<16xf32>
        %add3A_1557 = arith.constant 9 : i32
        %add3A_1558 = arith.addi %mul3A_199, %add3A_1557 : i32
        %get3A_1559 = arith.index_cast %add3A_1558 : i32 to index
        %get3A_1560 = arith.constant 32 : index
        %get3A_1561 = tpu.vector_load %arg17[%get3A_1559, %get3A_1560] {strides = array<i32>} : memref<96x128xf32, #tpu.memory_space<vmem>>, vector<16xf32>,
        %mul3A_1562 = arith.mulf %mul3A_1556, %get3A_1561 : vector<16xf32>
        %add3A_1563 = arith.constant 9 : i32
        %add3A_1564 = arith.addi %mul3A_199, %add3A_1563 : i32
        %swap3A_1565 = arith.index_cast %add3A_1564 : i32 to index
        %swap3A_1566 = arith.constant 32 : index
        %swap3A_1567 = tpu.vector_load %arg17[%swap3A_1565, %swap3A_1566] {strides = array<i32>} : memref<96x128xf32, #tpu.memory_space<vmem>>, vector<16xf32>,
        tpu.vector_store %arg17[%swap3A_1565, %swap3A_1566], %mul3A_1562 {strides = array<i32>} : memref<96x128xf32, #tpu.memory_space<vmem>>, vector<16xf32>,
        %add3A_1568 = arith.constant 9 : i32
        %add3A_1569 = arith.addi %mul3A_199, %add3A_1568 : i32
        %get3A_1570 = arith.index_cast %add3A_1569 : i32 to index
        %get3A_1571 = arith.constant 48 : index
        %get3A_1572 = tpu.vector_load %arg16[%get3A_1570, %get3A_1571] {strides = array<i32>} : memref<96x128xf32, #tpu.memory_space<vmem>>, vector<16xf32>,
        %mul3A_1573 = vector.broadcast %squeeze3A_1513 : f32 to vector<16xf32>
        %mul3A_1574 = arith.mulf %mul3A_1573, %get3A_1572 : vector<16xf32>
        %add3A_1575 = arith.constant 9 : i32
        %add3A_1576 = arith.addi %mul3A_199, %add3A_1575 : i32
        %get3A_1577 = arith.index_cast %add3A_1576 : i32 to index
        %get3A_1578 = arith.constant 48 : index
        %get3A_1579 = tpu.vector_load %arg17[%get3A_1577, %get3A_1578] {strides = array<i32>} : memref<96x128xf32, #tpu.memory_space<vmem>>, vector<16xf32>,
        %mul3A_1580 = arith.mulf %mul3A_1574, %get3A_1579 : vector<16xf32>
        %add3A_1581 = arith.constant 9 : i32
        %add3A_1582 = arith.addi %mul3A_199, %add3A_1581 : i32
        %swap3A_1583 = arith.index_cast %add3A_1582 : i32 to index
        %swap3A_1584 = arith.constant 48 : index
        %swap3A_1585 = tpu.vector_load %arg17[%swap3A_1583, %swap3A_1584] {strides = array<i32>} : memref<96x128xf32, #tpu.memory_space<vmem>>, vector<16xf32>,
        tpu.vector_store %arg17[%swap3A_1583, %swap3A_1584], %mul3A_1580 {strides = array<i32>} : memref<96x128xf32, #tpu.memory_space<vmem>>, vector<16xf32>,
        %add3A_1586 = arith.constant 9 : i32
        %add3A_1587 = arith.addi %mul3A_199, %add3A_1586 : i32
        %get3A_1588 = arith.index_cast %add3A_1587 : i32 to index
        %get3A_1589 = arith.constant 64 : index
        %get3A_1590 = tpu.vector_load %arg16[%get3A_1588, %get3A_1589] {strides = array<i32>} : memref<96x128xf32, #tpu.memory_space<vmem>>, vector<16xf32>,
        %mul3A_1591 = vector.broadcast %squeeze3A_1513 : f32 to vector<16xf32>
        %mul3A_1592 = arith.mulf %mul3A_1591, %get3A_1590 : vector<16xf32>
        %add3A_1593 = arith.constant 9 : i32
        %add3A_1594 = arith.addi %mul3A_199, %add3A_1593 : i32
        %get3A_1595 = arith.index_cast %add3A_1594 : i32 to index
        %get3A_1596 = arith.constant 64 : index
        %get3A_1597 = tpu.vector_load %arg17[%get3A_1595, %get3A_1596] {strides = array<i32>} : memref<96x128xf32, #tpu.memory_space<vmem>>, vector<16xf32>,
        %mul3A_1598 = arith.mulf %mul3A_1592, %get3A_1597 : vector<16xf32>
        %add3A_1599 = arith.constant 9 : i32
        %add3A_1600 = arith.addi %mul3A_199, %add3A_1599 : i32
        %swap3A_1601 = arith.index_cast %add3A_1600 : i32 to index
        %swap3A_1602 = arith.constant 64 : index
        %swap3A_1603 = tpu.vector_load %arg17[%swap3A_1601, %swap3A_1602] {strides = array<i32>} : memref<96x128xf32, #tpu.memory_space<vmem>>, vector<16xf32>,
        tpu.vector_store %arg17[%swap3A_1601, %swap3A_1602], %mul3A_1598 {strides = array<i32>} : memref<96x128xf32, #tpu.memory_space<vmem>>, vector<16xf32>,
        %add3A_1604 = arith.constant 9 : i32
        %add3A_1605 = arith.addi %mul3A_199, %add3A_1604 : i32
        %get3A_1606 = arith.index_cast %add3A_1605 : i32 to index
        %get3A_1607 = arith.constant 80 : index
        %get3A_1608 = tpu.vector_load %arg16[%get3A_1606, %get3A_1607] {strides = array<i32>} : memref<96x128xf32, #tpu.memory_space<vmem>>, vector<16xf32>,
        %mul3A_1609 = vector.broadcast %squeeze3A_1513 : f32 to vector<16xf32>
        %mul3A_1610 = arith.mulf %mul3A_1609, %get3A_1608 : vector<16xf32>
        %add3A_1611 = arith.constant 9 : i32
        %add3A_1612 = arith.addi %mul3A_199, %add3A_1611 : i32
        %get3A_1613 = arith.index_cast %add3A_1612 : i32 to index
        %get3A_1614 = arith.constant 80 : index
        %get3A_1615 = tpu.vector_load %arg17[%get3A_1613, %get3A_1614] {strides = array<i32>} : memref<96x128xf32, #tpu.memory_space<vmem>>, vector<16xf32>,
        %mul3A_1616 = arith.mulf %mul3A_1610, %get3A_1615 : vector<16xf32>
        %add3A_1617 = arith.constant 9 : i32
        %add3A_1618 = arith.addi %mul3A_199, %add3A_1617 : i32
        %swap3A_1619 = arith.index_cast %add3A_1618 : i32 to index
        %swap3A_1620 = arith.constant 80 : index
        %swap3A_1621 = tpu.vector_load %arg17[%swap3A_1619, %swap3A_1620] {strides = array<i32>} : memref<96x128xf32, #tpu.memory_space<vmem>>, vector<16xf32>,
        tpu.vector_store %arg17[%swap3A_1619, %swap3A_1620], %mul3A_1616 {strides = array<i32>} : memref<96x128xf32, #tpu.memory_space<vmem>>, vector<16xf32>,
        %add3A_1622 = arith.constant 9 : i32
        %add3A_1623 = arith.addi %mul3A_199, %add3A_1622 : i32
        %get3A_1624 = arith.index_cast %add3A_1623 : i32 to index
        %get3A_1625 = arith.constant 96 : index
        %get3A_1626 = tpu.vector_load %arg16[%get3A_1624, %get3A_1625] {strides = array<i32>} : memref<96x128xf32, #tpu.memory_space<vmem>>, vector<16xf32>,
        %mul3A_1627 = vector.broadcast %squeeze3A_1513 : f32 to vector<16xf32>
        %mul3A_1628 = arith.mulf %mul3A_1627, %get3A_1626 : vector<16xf32>
        %add3A_1629 = arith.constant 9 : i32
        %add3A_1630 = arith.addi %mul3A_199, %add3A_1629 : i32
        %get3A_1631 = arith.index_cast %add3A_1630 : i32 to index
        %get3A_1632 = arith.constant 96 : index
        %get3A_1633 = tpu.vector_load %arg17[%get3A_1631, %get3A_1632] {strides = array<i32>} : memref<96x128xf32, #tpu.memory_space<vmem>>, vector<16xf32>,
        %mul3A_1634 = arith.mulf %mul3A_1628, %get3A_1633 : vector<16xf32>
        %add3A_1635 = arith.constant 9 : i32
        %add3A_1636 = arith.addi %mul3A_199, %add3A_1635 : i32
        %swap3A_1637 = arith.index_cast %add3A_1636 : i32 to index
        %swap3A_1638 = arith.constant 96 : index
        %swap3A_1639 = tpu.vector_load %arg17[%swap3A_1637, %swap3A_1638] {strides = array<i32>} : memref<96x128xf32, #tpu.memory_space<vmem>>, vector<16xf32>,
        tpu.vector_store %arg17[%swap3A_1637, %swap3A_1638], %mul3A_1634 {strides = array<i32>} : memref<96x128xf32, #tpu.memory_space<vmem>>, vector<16xf32>,
        %add3A_1640 = arith.constant 9 : i32
        %add3A_1641 = arith.addi %mul3A_199, %add3A_1640 : i32
        %get3A_1642 = arith.index_cast %add3A_1641 : i32 to index
        %get3A_1643 = arith.constant 112 : index
        %get3A_1644 = tpu.vector_load %arg16[%get3A_1642, %get3A_1643] {strides = array<i32>} : memref<96x128xf32, #tpu.memory_space<vmem>>, vector<16xf32>,
        %mul3A_1645 = vector.broadcast %squeeze3A_1513 : f32 to vector<16xf32>
        %mul3A_1646 = arith.mulf %mul3A_1645, %get3A_1644 : vector<16xf32>
        %add3A_1647 = arith.constant 9 : i32
        %add3A_1648 = arith.addi %mul3A_199, %add3A_1647 : i32
        %get3A_1649 = arith.index_cast %add3A_1648 : i32 to index
        %get3A_1650 = arith.constant 112 : index
        %get3A_1651 = tpu.vector_load %arg17[%get3A_1649, %get3A_1650] {strides = array<i32>} : memref<96x128xf32, #tpu.memory_space<vmem>>, vector<16xf32>,
        %mul3A_1652 = arith.mulf %mul3A_1646, %get3A_1651 : vector<16xf32>
        %add3A_1653 = arith.constant 9 : i32
        %add3A_1654 = arith.addi %mul3A_199, %add3A_1653 : i32
        %swap3A_1655 = arith.index_cast %add3A_1654 : i32 to index
        %swap3A_1656 = arith.constant 112 : index
        %swap3A_1657 = tpu.vector_load %arg17[%swap3A_1655, %swap3A_1656] {strides = array<i32>} : memref<96x128xf32, #tpu.memory_space<vmem>>, vector<16xf32>,
        tpu.vector_store %arg17[%swap3A_1655, %swap3A_1656], %mul3A_1652 {strides = array<i32>} : memref<96x128xf32, #tpu.memory_space<vmem>>, vector<16xf32>,
        %slice3A_1658 = vector.extract_strided_slice %div3A_197 {offsets = [10], sizes = [1], strides = [1]} : vector<16xf32> to vector<1xf32>
        %squeeze3A_1659 = vector.extract %slice3A_1658[0] : f32 from vector<1xf32>
        %add3A_1660 = arith.constant 10 : i32
        %add3A_1661 = arith.addi %mul3A_199, %add3A_1660 : i32
        %get3A_1662 = arith.index_cast %add3A_1661 : i32 to index
        %get3A_1663 = arith.constant 0 : index
        %get3A_1664 = tpu.vector_load %arg16[%get3A_1662, %get3A_1663] {strides = array<i32>} : memref<96x128xf32, #tpu.memory_space<vmem>>, vector<16xf32>,
        %mul3A_1665 = vector.broadcast %squeeze3A_1659 : f32 to vector<16xf32>
        %mul3A_1666 = arith.mulf %mul3A_1665, %get3A_1664 : vector<16xf32>
        %add3A_1667 = arith.constant 10 : i32
        %add3A_1668 = arith.addi %mul3A_199, %add3A_1667 : i32
        %get3A_1669 = arith.index_cast %add3A_1668 : i32 to index
        %get3A_1670 = arith.constant 0 : index
        %get3A_1671 = tpu.vector_load %arg17[%get3A_1669, %get3A_1670] {strides = array<i32>} : memref<96x128xf32, #tpu.memory_space<vmem>>, vector<16xf32>,
        %mul3A_1672 = arith.mulf %mul3A_1666, %get3A_1671 : vector<16xf32>
        %add3A_1673 = arith.constant 10 : i32
        %add3A_1674 = arith.addi %mul3A_199, %add3A_1673 : i32
        %swap3A_1675 = arith.index_cast %add3A_1674 : i32 to index
        %swap3A_1676 = arith.constant 0 : index
        %swap3A_1677 = tpu.vector_load %arg17[%swap3A_1675, %swap3A_1676] {strides = array<i32>} : memref<96x128xf32, #tpu.memory_space<vmem>>, vector<16xf32>,
        tpu.vector_store %arg17[%swap3A_1675, %swap3A_1676], %mul3A_1672 {strides = array<i32>} : memref<96x128xf32, #tpu.memory_space<vmem>>, vector<16xf32>,
        %add3A_1678 = arith.constant 10 : i32
        %add3A_1679 = arith.addi %mul3A_199, %add3A_1678 : i32
        %get3A_1680 = arith.index_cast %add3A_1679 : i32 to index
        %get3A_1681 = arith.constant 16 : index
        %get3A_1682 = tpu.vector_load %arg16[%get3A_1680, %get3A_1681] {strides = array<i32>} : memref<96x128xf32, #tpu.memory_space<vmem>>, vector<16xf32>,
        %mul3A_1683 = vector.broadcast %squeeze3A_1659 : f32 to vector<16xf32>
        %mul3A_1684 = arith.mulf %mul3A_1683, %get3A_1682 : vector<16xf32>
        %add3A_1685 = arith.constant 10 : i32
        %add3A_1686 = arith.addi %mul3A_199, %add3A_1685 : i32
        %get3A_1687 = arith.index_cast %add3A_1686 : i32 to index
        %get3A_1688 = arith.constant 16 : index
        %get3A_1689 = tpu.vector_load %arg17[%get3A_1687, %get3A_1688] {strides = array<i32>} : memref<96x128xf32, #tpu.memory_space<vmem>>, vector<16xf32>,
        %mul3A_1690 = arith.mulf %mul3A_1684, %get3A_1689 : vector<16xf32>
        %add3A_1691 = arith.constant 10 : i32
        %add3A_1692 = arith.addi %mul3A_199, %add3A_1691 : i32
        %swap3A_1693 = arith.index_cast %add3A_1692 : i32 to index
        %swap3A_1694 = arith.constant 16 : index
        %swap3A_1695 = tpu.vector_load %arg17[%swap3A_1693, %swap3A_1694] {strides = array<i32>} : memref<96x128xf32, #tpu.memory_space<vmem>>, vector<16xf32>,
        tpu.vector_store %arg17[%swap3A_1693, %swap3A_1694], %mul3A_1690 {strides = array<i32>} : memref<96x128xf32, #tpu.memory_space<vmem>>, vector<16xf32>,
        %add3A_1696 = arith.constant 10 : i32
        %add3A_1697 = arith.addi %mul3A_199, %add3A_1696 : i32
        %get3A_1698 = arith.index_cast %add3A_1697 : i32 to index
        %get3A_1699 = arith.constant 32 : index
        %get3A_1700 = tpu.vector_load %arg16[%get3A_1698, %get3A_1699] {strides = array<i32>} : memref<96x128xf32, #tpu.memory_space<vmem>>, vector<16xf32>,
        %mul3A_1701 = vector.broadcast %squeeze3A_1659 : f32 to vector<16xf32>
        %mul3A_1702 = arith.mulf %mul3A_1701, %get3A_1700 : vector<16xf32>
        %add3A_1703 = arith.constant 10 : i32
        %add3A_1704 = arith.addi %mul3A_199, %add3A_1703 : i32
        %get3A_1705 = arith.index_cast %add3A_1704 : i32 to index
        %get3A_1706 = arith.constant 32 : index
        %get3A_1707 = tpu.vector_load %arg17[%get3A_1705, %get3A_1706] {strides = array<i32>} : memref<96x128xf32, #tpu.memory_space<vmem>>, vector<16xf32>,
        %mul3A_1708 = arith.mulf %mul3A_1702, %get3A_1707 : vector<16xf32>
        %add3A_1709 = arith.constant 10 : i32
        %add3A_1710 = arith.addi %mul3A_199, %add3A_1709 : i32
        %swap3A_1711 = arith.index_cast %add3A_1710 : i32 to index
        %swap3A_1712 = arith.constant 32 : index
        %swap3A_1713 = tpu.vector_load %arg17[%swap3A_1711, %swap3A_1712] {strides = array<i32>} : memref<96x128xf32, #tpu.memory_space<vmem>>, vector<16xf32>,
        tpu.vector_store %arg17[%swap3A_1711, %swap3A_1712], %mul3A_1708 {strides = array<i32>} : memref<96x128xf32, #tpu.memory_space<vmem>>, vector<16xf32>,
        %add3A_1714 = arith.constant 10 : i32
        %add3A_1715 = arith.addi %mul3A_199, %add3A_1714 : i32
        %get3A_1716 = arith.index_cast %add3A_1715 : i32 to index
        %get3A_1717 = arith.constant 48 : index
        %get3A_1718 = tpu.vector_load %arg16[%get3A_1716, %get3A_1717] {strides = array<i32>} : memref<96x128xf32, #tpu.memory_space<vmem>>, vector<16xf32>,
        %mul3A_1719 = vector.broadcast %squeeze3A_1659 : f32 to vector<16xf32>
        %mul3A_1720 = arith.mulf %mul3A_1719, %get3A_1718 : vector<16xf32>
        %add3A_1721 = arith.constant 10 : i32
        %add3A_1722 = arith.addi %mul3A_199, %add3A_1721 : i32
        %get3A_1723 = arith.index_cast %add3A_1722 : i32 to index
        %get3A_1724 = arith.constant 48 : index
        %get3A_1725 = tpu.vector_load %arg17[%get3A_1723, %get3A_1724] {strides = array<i32>} : memref<96x128xf32, #tpu.memory_space<vmem>>, vector<16xf32>,
        %mul3A_1726 = arith.mulf %mul3A_1720, %get3A_1725 : vector<16xf32>
        %add3A_1727 = arith.constant 10 : i32
        %add3A_1728 = arith.addi %mul3A_199, %add3A_1727 : i32
        %swap3A_1729 = arith.index_cast %add3A_1728 : i32 to index
        %swap3A_1730 = arith.constant 48 : index
        %swap3A_1731 = tpu.vector_load %arg17[%swap3A_1729, %swap3A_1730] {strides = array<i32>} : memref<96x128xf32, #tpu.memory_space<vmem>>, vector<16xf32>,
        tpu.vector_store %arg17[%swap3A_1729, %swap3A_1730], %mul3A_1726 {strides = array<i32>} : memref<96x128xf32, #tpu.memory_space<vmem>>, vector<16xf32>,
        %add3A_1732 = arith.constant 10 : i32
        %add3A_1733 = arith.addi %mul3A_199, %add3A_1732 : i32
        %get3A_1734 = arith.index_cast %add3A_1733 : i32 to index
        %get3A_1735 = arith.constant 64 : index
        %get3A_1736 = tpu.vector_load %arg16[%get3A_1734, %get3A_1735] {strides = array<i32>} : memref<96x128xf32, #tpu.memory_space<vmem>>, vector<16xf32>,
        %mul3A_1737 = vector.broadcast %squeeze3A_1659 : f32 to vector<16xf32>
        %mul3A_1738 = arith.mulf %mul3A_1737, %get3A_1736 : vector<16xf32>
        %add3A_1739 = arith.constant 10 : i32
        %add3A_1740 = arith.addi %mul3A_199, %add3A_1739 : i32
        %get3A_1741 = arith.index_cast %add3A_1740 : i32 to index
        %get3A_1742 = arith.constant 64 : index
        %get3A_1743 = tpu.vector_load %arg17[%get3A_1741, %get3A_1742] {strides = array<i32>} : memref<96x128xf32, #tpu.memory_space<vmem>>, vector<16xf32>,
        %mul3A_1744 = arith.mulf %mul3A_1738, %get3A_1743 : vector<16xf32>
        %add3A_1745 = arith.constant 10 : i32
        %add3A_1746 = arith.addi %mul3A_199, %add3A_1745 : i32
        %swap3A_1747 = arith.index_cast %add3A_1746 : i32 to index
        %swap3A_1748 = arith.constant 64 : index
        %swap3A_1749 = tpu.vector_load %arg17[%swap3A_1747, %swap3A_1748] {strides = array<i32>} : memref<96x128xf32, #tpu.memory_space<vmem>>, vector<16xf32>,
        tpu.vector_store %arg17[%swap3A_1747, %swap3A_1748], %mul3A_1744 {strides = array<i32>} : memref<96x128xf32, #tpu.memory_space<vmem>>, vector<16xf32>,
        %add3A_1750 = arith.constant 10 : i32
        %add3A_1751 = arith.addi %mul3A_199, %add3A_1750 : i32
        %get3A_1752 = arith.index_cast %add3A_1751 : i32 to index
        %get3A_1753 = arith.constant 80 : index
        %get3A_1754 = tpu.vector_load %arg16[%get3A_1752, %get3A_1753] {strides = array<i32>} : memref<96x128xf32, #tpu.memory_space<vmem>>, vector<16xf32>,
        %mul3A_1755 = vector.broadcast %squeeze3A_1659 : f32 to vector<16xf32>
        %mul3A_1756 = arith.mulf %mul3A_1755, %get3A_1754 : vector<16xf32>
        %add3A_1757 = arith.constant 10 : i32
        %add3A_1758 = arith.addi %mul3A_199, %add3A_1757 : i32
        %get3A_1759 = arith.index_cast %add3A_1758 : i32 to index
        %get3A_1760 = arith.constant 80 : index
        %get3A_1761 = tpu.vector_load %arg17[%get3A_1759, %get3A_1760] {strides = array<i32>} : memref<96x128xf32, #tpu.memory_space<vmem>>, vector<16xf32>,
        %mul3A_1762 = arith.mulf %mul3A_1756, %get3A_1761 : vector<16xf32>
        %add3A_1763 = arith.constant 10 : i32
        %add3A_1764 = arith.addi %mul3A_199, %add3A_1763 : i32
        %swap3A_1765 = arith.index_cast %add3A_1764 : i32 to index
        %swap3A_1766 = arith.constant 80 : index
        %swap3A_1767 = tpu.vector_load %arg17[%swap3A_1765, %swap3A_1766] {strides = array<i32>} : memref<96x128xf32, #tpu.memory_space<vmem>>, vector<16xf32>,
        tpu.vector_store %arg17[%swap3A_1765, %swap3A_1766], %mul3A_1762 {strides = array<i32>} : memref<96x128xf32, #tpu.memory_space<vmem>>, vector<16xf32>,
        %add3A_1768 = arith.constant 10 : i32
        %add3A_1769 = arith.addi %mul3A_199, %add3A_1768 : i32
        %get3A_1770 = arith.index_cast %add3A_1769 : i32 to index
        %get3A_1771 = arith.constant 96 : index
        %get3A_1772 = tpu.vector_load %arg16[%get3A_1770, %get3A_1771] {strides = array<i32>} : memref<96x128xf32, #tpu.memory_space<vmem>>, vector<16xf32>,
        %mul3A_1773 = vector.broadcast %squeeze3A_1659 : f32 to vector<16xf32>
        %mul3A_1774 = arith.mulf %mul3A_1773, %get3A_1772 : vector<16xf32>
        %add3A_1775 = arith.constant 10 : i32
        %add3A_1776 = arith.addi %mul3A_199, %add3A_1775 : i32
        %get3A_1777 = arith.index_cast %add3A_1776 : i32 to index
        %get3A_1778 = arith.constant 96 : index
        %get3A_1779 = tpu.vector_load %arg17[%get3A_1777, %get3A_1778] {strides = array<i32>} : memref<96x128xf32, #tpu.memory_space<vmem>>, vector<16xf32>,
        %mul3A_1780 = arith.mulf %mul3A_1774, %get3A_1779 : vector<16xf32>
        %add3A_1781 = arith.constant 10 : i32
        %add3A_1782 = arith.addi %mul3A_199, %add3A_1781 : i32
        %swap3A_1783 = arith.index_cast %add3A_1782 : i32 to index
        %swap3A_1784 = arith.constant 96 : index
        %swap3A_1785 = tpu.vector_load %arg17[%swap3A_1783, %swap3A_1784] {strides = array<i32>} : memref<96x128xf32, #tpu.memory_space<vmem>>, vector<16xf32>,
        tpu.vector_store %arg17[%swap3A_1783, %swap3A_1784], %mul3A_1780 {strides = array<i32>} : memref<96x128xf32, #tpu.memory_space<vmem>>, vector<16xf32>,
        %add3A_1786 = arith.constant 10 : i32
        %add3A_1787 = arith.addi %mul3A_199, %add3A_1786 : i32
        %get3A_1788 = arith.index_cast %add3A_1787 : i32 to index
        %get3A_1789 = arith.constant 112 : index
        %get3A_1790 = tpu.vector_load %arg16[%get3A_1788, %get3A_1789] {strides = array<i32>} : memref<96x128xf32, #tpu.memory_space<vmem>>, vector<16xf32>,
        %mul3A_1791 = vector.broadcast %squeeze3A_1659 : f32 to vector<16xf32>
        %mul3A_1792 = arith.mulf %mul3A_1791, %get3A_1790 : vector<16xf32>
        %add3A_1793 = arith.constant 10 : i32
        %add3A_1794 = arith.addi %mul3A_199, %add3A_1793 : i32
        %get3A_1795 = arith.index_cast %add3A_1794 : i32 to index
        %get3A_1796 = arith.constant 112 : index
        %get3A_1797 = tpu.vector_load %arg17[%get3A_1795, %get3A_1796] {strides = array<i32>} : memref<96x128xf32, #tpu.memory_space<vmem>>, vector<16xf32>,
        %mul3A_1798 = arith.mulf %mul3A_1792, %get3A_1797 : vector<16xf32>
        %add3A_1799 = arith.constant 10 : i32
        %add3A_1800 = arith.addi %mul3A_199, %add3A_1799 : i32
        %swap3A_1801 = arith.index_cast %add3A_1800 : i32 to index
        %swap3A_1802 = arith.constant 112 : index
        %swap3A_1803 = tpu.vector_load %arg17[%swap3A_1801, %swap3A_1802] {strides = array<i32>} : memref<96x128xf32, #tpu.memory_space<vmem>>, vector<16xf32>,
        tpu.vector_store %arg17[%swap3A_1801, %swap3A_1802], %mul3A_1798 {strides = array<i32>} : memref<96x128xf32, #tpu.memory_space<vmem>>, vector<16xf32>,
        %slice3A_1804 = vector.extract_strided_slice %div3A_197 {offsets = [11], sizes = [1], strides = [1]} : vector<16xf32> to vector<1xf32>
        %squeeze3A_1805 = vector.extract %slice3A_1804[0] : f32 from vector<1xf32>
        %add3A_1806 = arith.constant 11 : i32
        %add3A_1807 = arith.addi %mul3A_199, %add3A_1806 : i32
        %get3A_1808 = arith.index_cast %add3A_1807 : i32 to index
        %get3A_1809 = arith.constant 0 : index
        %get3A_1810 = tpu.vector_load %arg16[%get3A_1808, %get3A_1809] {strides = array<i32>} : memref<96x128xf32, #tpu.memory_space<vmem>>, vector<16xf32>,
        %mul3A_1811 = vector.broadcast %squeeze3A_1805 : f32 to vector<16xf32>
        %mul3A_1812 = arith.mulf %mul3A_1811, %get3A_1810 : vector<16xf32>
        %add3A_1813 = arith.constant 11 : i32
        %add3A_1814 = arith.addi %mul3A_199, %add3A_1813 : i32
        %get3A_1815 = arith.index_cast %add3A_1814 : i32 to index
        %get3A_1816 = arith.constant 0 : index
        %get3A_1817 = tpu.vector_load %arg17[%get3A_1815, %get3A_1816] {strides = array<i32>} : memref<96x128xf32, #tpu.memory_space<vmem>>, vector<16xf32>,
        %mul3A_1818 = arith.mulf %mul3A_1812, %get3A_1817 : vector<16xf32>
        %add3A_1819 = arith.constant 11 : i32
        %add3A_1820 = arith.addi %mul3A_199, %add3A_1819 : i32
        %swap3A_1821 = arith.index_cast %add3A_1820 : i32 to index
        %swap3A_1822 = arith.constant 0 : index
        %swap3A_1823 = tpu.vector_load %arg17[%swap3A_1821, %swap3A_1822] {strides = array<i32>} : memref<96x128xf32, #tpu.memory_space<vmem>>, vector<16xf32>,
        tpu.vector_store %arg17[%swap3A_1821, %swap3A_1822], %mul3A_1818 {strides = array<i32>} : memref<96x128xf32, #tpu.memory_space<vmem>>, vector<16xf32>,
        %add3A_1824 = arith.constant 11 : i32
        %add3A_1825 = arith.addi %mul3A_199, %add3A_1824 : i32
        %get3A_1826 = arith.index_cast %add3A_1825 : i32 to index
        %get3A_1827 = arith.constant 16 : index
        %get3A_1828 = tpu.vector_load %arg16[%get3A_1826, %get3A_1827] {strides = array<i32>} : memref<96x128xf32, #tpu.memory_space<vmem>>, vector<16xf32>,
        %mul3A_1829 = vector.broadcast %squeeze3A_1805 : f32 to vector<16xf32>
        %mul3A_1830 = arith.mulf %mul3A_1829, %get3A_1828 : vector<16xf32>
        %add3A_1831 = arith.constant 11 : i32
        %add3A_1832 = arith.addi %mul3A_199, %add3A_1831 : i32
        %get3A_1833 = arith.index_cast %add3A_1832 : i32 to index
        %get3A_1834 = arith.constant 16 : index
        %get3A_1835 = tpu.vector_load %arg17[%get3A_1833, %get3A_1834] {strides = array<i32>} : memref<96x128xf32, #tpu.memory_space<vmem>>, vector<16xf32>,
        %mul3A_1836 = arith.mulf %mul3A_1830, %get3A_1835 : vector<16xf32>
        %add3A_1837 = arith.constant 11 : i32
        %add3A_1838 = arith.addi %mul3A_199, %add3A_1837 : i32
        %swap3A_1839 = arith.index_cast %add3A_1838 : i32 to index
        %swap3A_1840 = arith.constant 16 : index
        %swap3A_1841 = tpu.vector_load %arg17[%swap3A_1839, %swap3A_1840] {strides = array<i32>} : memref<96x128xf32, #tpu.memory_space<vmem>>, vector<16xf32>,
        tpu.vector_store %arg17[%swap3A_1839, %swap3A_1840], %mul3A_1836 {strides = array<i32>} : memref<96x128xf32, #tpu.memory_space<vmem>>, vector<16xf32>,
        %add3A_1842 = arith.constant 11 : i32
        %add3A_1843 = arith.addi %mul3A_199, %add3A_1842 : i32
        %get3A_1844 = arith.index_cast %add3A_1843 : i32 to index
        %get3A_1845 = arith.constant 32 : index
        %get3A_1846 = tpu.vector_load %arg16[%get3A_1844, %get3A_1845] {strides = array<i32>} : memref<96x128xf32, #tpu.memory_space<vmem>>, vector<16xf32>,
        %mul3A_1847 = vector.broadcast %squeeze3A_1805 : f32 to vector<16xf32>
        %mul3A_1848 = arith.mulf %mul3A_1847, %get3A_1846 : vector<16xf32>
        %add3A_1849 = arith.constant 11 : i32
        %add3A_1850 = arith.addi %mul3A_199, %add3A_1849 : i32
        %get3A_1851 = arith.index_cast %add3A_1850 : i32 to index
        %get3A_1852 = arith.constant 32 : index
        %get3A_1853 = tpu.vector_load %arg17[%get3A_1851, %get3A_1852] {strides = array<i32>} : memref<96x128xf32, #tpu.memory_space<vmem>>, vector<16xf32>,
        %mul3A_1854 = arith.mulf %mul3A_1848, %get3A_1853 : vector<16xf32>
        %add3A_1855 = arith.constant 11 : i32
        %add3A_1856 = arith.addi %mul3A_199, %add3A_1855 : i32
        %swap3A_1857 = arith.index_cast %add3A_1856 : i32 to index
        %swap3A_1858 = arith.constant 32 : index
        %swap3A_1859 = tpu.vector_load %arg17[%swap3A_1857, %swap3A_1858] {strides = array<i32>} : memref<96x128xf32, #tpu.memory_space<vmem>>, vector<16xf32>,
        tpu.vector_store %arg17[%swap3A_1857, %swap3A_1858], %mul3A_1854 {strides = array<i32>} : memref<96x128xf32, #tpu.memory_space<vmem>>, vector<16xf32>,
        %add3A_1860 = arith.constant 11 : i32
        %add3A_1861 = arith.addi %mul3A_199, %add3A_1860 : i32
        %get3A_1862 = arith.index_cast %add3A_1861 : i32 to index
        %get3A_1863 = arith.constant 48 : index
        %get3A_1864 = tpu.vector_load %arg16[%get3A_1862, %get3A_1863] {strides = array<i32>} : memref<96x128xf32, #tpu.memory_space<vmem>>, vector<16xf32>,
        %mul3A_1865 = vector.broadcast %squeeze3A_1805 : f32 to vector<16xf32>
        %mul3A_1866 = arith.mulf %mul3A_1865, %get3A_1864 : vector<16xf32>
        %add3A_1867 = arith.constant 11 : i32
        %add3A_1868 = arith.addi %mul3A_199, %add3A_1867 : i32
        %get3A_1869 = arith.index_cast %add3A_1868 : i32 to index
        %get3A_1870 = arith.constant 48 : index
        %get3A_1871 = tpu.vector_load %arg17[%get3A_1869, %get3A_1870] {strides = array<i32>} : memref<96x128xf32, #tpu.memory_space<vmem>>, vector<16xf32>,
        %mul3A_1872 = arith.mulf %mul3A_1866, %get3A_1871 : vector<16xf32>
        %add3A_1873 = arith.constant 11 : i32
        %add3A_1874 = arith.addi %mul3A_199, %add3A_1873 : i32
        %swap3A_1875 = arith.index_cast %add3A_1874 : i32 to index
        %swap3A_1876 = arith.constant 48 : index
        %swap3A_1877 = tpu.vector_load %arg17[%swap3A_1875, %swap3A_1876] {strides = array<i32>} : memref<96x128xf32, #tpu.memory_space<vmem>>, vector<16xf32>,
        tpu.vector_store %arg17[%swap3A_1875, %swap3A_1876], %mul3A_1872 {strides = array<i32>} : memref<96x128xf32, #tpu.memory_space<vmem>>, vector<16xf32>,
        %add3A_1878 = arith.constant 11 : i32
        %add3A_1879 = arith.addi %mul3A_199, %add3A_1878 : i32
        %get3A_1880 = arith.index_cast %add3A_1879 : i32 to index
        %get3A_1881 = arith.constant 64 : index
        %get3A_1882 = tpu.vector_load %arg16[%get3A_1880, %get3A_1881] {strides = array<i32>} : memref<96x128xf32, #tpu.memory_space<vmem>>, vector<16xf32>,
        %mul3A_1883 = vector.broadcast %squeeze3A_1805 : f32 to vector<16xf32>
        %mul3A_1884 = arith.mulf %mul3A_1883, %get3A_1882 : vector<16xf32>
        %add3A_1885 = arith.constant 11 : i32
        %add3A_1886 = arith.addi %mul3A_199, %add3A_1885 : i32
        %get3A_1887 = arith.index_cast %add3A_1886 : i32 to index
        %get3A_1888 = arith.constant 64 : index
        %get3A_1889 = tpu.vector_load %arg17[%get3A_1887, %get3A_1888] {strides = array<i32>} : memref<96x128xf32, #tpu.memory_space<vmem>>, vector<16xf32>,
        %mul3A_1890 = arith.mulf %mul3A_1884, %get3A_1889 : vector<16xf32>
        %add3A_1891 = arith.constant 11 : i32
        %add3A_1892 = arith.addi %mul3A_199, %add3A_1891 : i32
        %swap3A_1893 = arith.index_cast %add3A_1892 : i32 to index
        %swap3A_1894 = arith.constant 64 : index
        %swap3A_1895 = tpu.vector_load %arg17[%swap3A_1893, %swap3A_1894] {strides = array<i32>} : memref<96x128xf32, #tpu.memory_space<vmem>>, vector<16xf32>,
        tpu.vector_store %arg17[%swap3A_1893, %swap3A_1894], %mul3A_1890 {strides = array<i32>} : memref<96x128xf32, #tpu.memory_space<vmem>>, vector<16xf32>,
        %add3A_1896 = arith.constant 11 : i32
        %add3A_1897 = arith.addi %mul3A_199, %add3A_1896 : i32
        %get3A_1898 = arith.index_cast %add3A_1897 : i32 to index
        %get3A_1899 = arith.constant 80 : index
        %get3A_1900 = tpu.vector_load %arg16[%get3A_1898, %get3A_1899] {strides = array<i32>} : memref<96x128xf32, #tpu.memory_space<vmem>>, vector<16xf32>,
        %mul3A_1901 = vector.broadcast %squeeze3A_1805 : f32 to vector<16xf32>
        %mul3A_1902 = arith.mulf %mul3A_1901, %get3A_1900 : vector<16xf32>
        %add3A_1903 = arith.constant 11 : i32
        %add3A_1904 = arith.addi %mul3A_199, %add3A_1903 : i32
        %get3A_1905 = arith.index_cast %add3A_1904 : i32 to index
        %get3A_1906 = arith.constant 80 : index
        %get3A_1907 = tpu.vector_load %arg17[%get3A_1905, %get3A_1906] {strides = array<i32>} : memref<96x128xf32, #tpu.memory_space<vmem>>, vector<16xf32>,
        %mul3A_1908 = arith.mulf %mul3A_1902, %get3A_1907 : vector<16xf32>
        %add3A_1909 = arith.constant 11 : i32
        %add3A_1910 = arith.addi %mul3A_199, %add3A_1909 : i32
        %swap3A_1911 = arith.index_cast %add3A_1910 : i32 to index
        %swap3A_1912 = arith.constant 80 : index
        %swap3A_1913 = tpu.vector_load %arg17[%swap3A_1911, %swap3A_1912] {strides = array<i32>} : memref<96x128xf32, #tpu.memory_space<vmem>>, vector<16xf32>,
        tpu.vector_store %arg17[%swap3A_1911, %swap3A_1912], %mul3A_1908 {strides = array<i32>} : memref<96x128xf32, #tpu.memory_space<vmem>>, vector<16xf32>,
        %add3A_1914 = arith.constant 11 : i32
        %add3A_1915 = arith.addi %mul3A_199, %add3A_1914 : i32
        %get3A_1916 = arith.index_cast %add3A_1915 : i32 to index
        %get3A_1917 = arith.constant 96 : index
        %get3A_1918 = tpu.vector_load %arg16[%get3A_1916, %get3A_1917] {strides = array<i32>} : memref<96x128xf32, #tpu.memory_space<vmem>>, vector<16xf32>,
        %mul3A_1919 = vector.broadcast %squeeze3A_1805 : f32 to vector<16xf32>
        %mul3A_1920 = arith.mulf %mul3A_1919, %get3A_1918 : vector<16xf32>
        %add3A_1921 = arith.constant 11 : i32
        %add3A_1922 = arith.addi %mul3A_199, %add3A_1921 : i32
        %get3A_1923 = arith.index_cast %add3A_1922 : i32 to index
        %get3A_1924 = arith.constant 96 : index
        %get3A_1925 = tpu.vector_load %arg17[%get3A_1923, %get3A_1924] {strides = array<i32>} : memref<96x128xf32, #tpu.memory_space<vmem>>, vector<16xf32>,
        %mul3A_1926 = arith.mulf %mul3A_1920, %get3A_1925 : vector<16xf32>
        %add3A_1927 = arith.constant 11 : i32
        %add3A_1928 = arith.addi %mul3A_199, %add3A_1927 : i32
        %swap3A_1929 = arith.index_cast %add3A_1928 : i32 to index
        %swap3A_1930 = arith.constant 96 : index
        %swap3A_1931 = tpu.vector_load %arg17[%swap3A_1929, %swap3A_1930] {strides = array<i32>} : memref<96x128xf32, #tpu.memory_space<vmem>>, vector<16xf32>,
        tpu.vector_store %arg17[%swap3A_1929, %swap3A_1930], %mul3A_1926 {strides = array<i32>} : memref<96x128xf32, #tpu.memory_space<vmem>>, vector<16xf32>,
        %add3A_1932 = arith.constant 11 : i32
        %add3A_1933 = arith.addi %mul3A_199, %add3A_1932 : i32
        %get3A_1934 = arith.index_cast %add3A_1933 : i32 to index
        %get3A_1935 = arith.constant 112 : index
        %get3A_1936 = tpu.vector_load %arg16[%get3A_1934, %get3A_1935] {strides = array<i32>} : memref<96x128xf32, #tpu.memory_space<vmem>>, vector<16xf32>,
        %mul3A_1937 = vector.broadcast %squeeze3A_1805 : f32 to vector<16xf32>
        %mul3A_1938 = arith.mulf %mul3A_1937, %get3A_1936 : vector<16xf32>
        %add3A_1939 = arith.constant 11 : i32
        %add3A_1940 = arith.addi %mul3A_199, %add3A_1939 : i32
        %get3A_1941 = arith.index_cast %add3A_1940 : i32 to index
        %get3A_1942 = arith.constant 112 : index
        %get3A_1943 = tpu.vector_load %arg17[%get3A_1941, %get3A_1942] {strides = array<i32>} : memref<96x128xf32, #tpu.memory_space<vmem>>, vector<16xf32>,
        %mul3A_1944 = arith.mulf %mul3A_1938, %get3A_1943 : vector<16xf32>
        %add3A_1945 = arith.constant 11 : i32
        %add3A_1946 = arith.addi %mul3A_199, %add3A_1945 : i32
        %swap3A_1947 = arith.index_cast %add3A_1946 : i32 to index
        %swap3A_1948 = arith.constant 112 : index
        %swap3A_1949 = tpu.vector_load %arg17[%swap3A_1947, %swap3A_1948] {strides = array<i32>} : memref<96x128xf32, #tpu.memory_space<vmem>>, vector<16xf32>,
        tpu.vector_store %arg17[%swap3A_1947, %swap3A_1948], %mul3A_1944 {strides = array<i32>} : memref<96x128xf32, #tpu.memory_space<vmem>>, vector<16xf32>,
        %slice3A_1950 = vector.extract_strided_slice %div3A_197 {offsets = [12], sizes = [1], strides = [1]} : vector<16xf32> to vector<1xf32>
        %squeeze3A_1951 = vector.extract %slice3A_1950[0] : f32 from vector<1xf32>
        %add3A_1952 = arith.constant 12 : i32
        %add3A_1953 = arith.addi %mul3A_199, %add3A_1952 : i32
        %get3A_1954 = arith.index_cast %add3A_1953 : i32 to index
        %get3A_1955 = arith.constant 0 : index
        %get3A_1956 = tpu.vector_load %arg16[%get3A_1954, %get3A_1955] {strides = array<i32>} : memref<96x128xf32, #tpu.memory_space<vmem>>, vector<16xf32>,
        %mul3A_1957 = vector.broadcast %squeeze3A_1951 : f32 to vector<16xf32>
        %mul3A_1958 = arith.mulf %mul3A_1957, %get3A_1956 : vector<16xf32>
        %add3A_1959 = arith.constant 12 : i32
        %add3A_1960 = arith.addi %mul3A_199, %add3A_1959 : i32
        %get3A_1961 = arith.index_cast %add3A_1960 : i32 to index
        %get3A_1962 = arith.constant 0 : index
        %get3A_1963 = tpu.vector_load %arg17[%get3A_1961, %get3A_1962] {strides = array<i32>} : memref<96x128xf32, #tpu.memory_space<vmem>>, vector<16xf32>,
        %mul3A_1964 = arith.mulf %mul3A_1958, %get3A_1963 : vector<16xf32>
        %add3A_1965 = arith.constant 12 : i32
        %add3A_1966 = arith.addi %mul3A_199, %add3A_1965 : i32
        %swap3A_1967 = arith.index_cast %add3A_1966 : i32 to index
        %swap3A_1968 = arith.constant 0 : index
        %swap3A_1969 = tpu.vector_load %arg17[%swap3A_1967, %swap3A_1968] {strides = array<i32>} : memref<96x128xf32, #tpu.memory_space<vmem>>, vector<16xf32>,
        tpu.vector_store %arg17[%swap3A_1967, %swap3A_1968], %mul3A_1964 {strides = array<i32>} : memref<96x128xf32, #tpu.memory_space<vmem>>, vector<16xf32>,
        %add3A_1970 = arith.constant 12 : i32
        %add3A_1971 = arith.addi %mul3A_199, %add3A_1970 : i32
        %get3A_1972 = arith.index_cast %add3A_1971 : i32 to index
        %get3A_1973 = arith.constant 16 : index
        %get3A_1974 = tpu.vector_load %arg16[%get3A_1972, %get3A_1973] {strides = array<i32>} : memref<96x128xf32, #tpu.memory_space<vmem>>, vector<16xf32>,
        %mul3A_1975 = vector.broadcast %squeeze3A_1951 : f32 to vector<16xf32>
        %mul3A_1976 = arith.mulf %mul3A_1975, %get3A_1974 : vector<16xf32>
        %add3A_1977 = arith.constant 12 : i32
        %add3A_1978 = arith.addi %mul3A_199, %add3A_1977 : i32
        %get3A_1979 = arith.index_cast %add3A_1978 : i32 to index
        %get3A_1980 = arith.constant 16 : index
        %get3A_1981 = tpu.vector_load %arg17[%get3A_1979, %get3A_1980] {strides = array<i32>} : memref<96x128xf32, #tpu.memory_space<vmem>>, vector<16xf32>,
        %mul3A_1982 = arith.mulf %mul3A_1976, %get3A_1981 : vector<16xf32>
        %add3A_1983 = arith.constant 12 : i32
        %add3A_1984 = arith.addi %mul3A_199, %add3A_1983 : i32
        %swap3A_1985 = arith.index_cast %add3A_1984 : i32 to index
        %swap3A_1986 = arith.constant 16 : index
        %swap3A_1987 = tpu.vector_load %arg17[%swap3A_1985, %swap3A_1986] {strides = array<i32>} : memref<96x128xf32, #tpu.memory_space<vmem>>, vector<16xf32>,
        tpu.vector_store %arg17[%swap3A_1985, %swap3A_1986], %mul3A_1982 {strides = array<i32>} : memref<96x128xf32, #tpu.memory_space<vmem>>, vector<16xf32>,
        %add3A_1988 = arith.constant 12 : i32
        %add3A_1989 = arith.addi %mul3A_199, %add3A_1988 : i32
        %get3A_1990 = arith.index_cast %add3A_1989 : i32 to index
        %get3A_1991 = arith.constant 32 : index
        %get3A_1992 = tpu.vector_load %arg16[%get3A_1990, %get3A_1991] {strides = array<i32>} : memref<96x128xf32, #tpu.memory_space<vmem>>, vector<16xf32>,
        %mul3A_1993 = vector.broadcast %squeeze3A_1951 : f32 to vector<16xf32>
        %mul3A_1994 = arith.mulf %mul3A_1993, %get3A_1992 : vector<16xf32>
        %add3A_1995 = arith.constant 12 : i32
        %add3A_1996 = arith.addi %mul3A_199, %add3A_1995 : i32
        %get3A_1997 = arith.index_cast %add3A_1996 : i32 to index
        %get3A_1998 = arith.constant 32 : index
        %get3A_1999 = tpu.vector_load %arg17[%get3A_1997, %get3A_1998] {strides = array<i32>} : memref<96x128xf32, #tpu.memory_space<vmem>>, vector<16xf32>,
        %mul3A_2000 = arith.mulf %mul3A_1994, %get3A_1999 : vector<16xf32>
        %add3A_2001 = arith.constant 12 : i32
        %add3A_2002 = arith.addi %mul3A_199, %add3A_2001 : i32
        %swap3A_2003 = arith.index_cast %add3A_2002 : i32 to index
        %swap3A_2004 = arith.constant 32 : index
        %swap3A_2005 = tpu.vector_load %arg17[%swap3A_2003, %swap3A_2004] {strides = array<i32>} : memref<96x128xf32, #tpu.memory_space<vmem>>, vector<16xf32>,
        tpu.vector_store %arg17[%swap3A_2003, %swap3A_2004], %mul3A_2000 {strides = array<i32>} : memref<96x128xf32, #tpu.memory_space<vmem>>, vector<16xf32>,
        %add3A_2006 = arith.constant 12 : i32
        %add3A_2007 = arith.addi %mul3A_199, %add3A_2006 : i32
        %get3A_2008 = arith.index_cast %add3A_2007 : i32 to index
        %get3A_2009 = arith.constant 48 : index
        %get3A_2010 = tpu.vector_load %arg16[%get3A_2008, %get3A_2009] {strides = array<i32>} : memref<96x128xf32, #tpu.memory_space<vmem>>, vector<16xf32>,
        %mul3A_2011 = vector.broadcast %squeeze3A_1951 : f32 to vector<16xf32>
        %mul3A_2012 = arith.mulf %mul3A_2011, %get3A_2010 : vector<16xf32>
        %add3A_2013 = arith.constant 12 : i32
        %add3A_2014 = arith.addi %mul3A_199, %add3A_2013 : i32
        %get3A_2015 = arith.index_cast %add3A_2014 : i32 to index
        %get3A_2016 = arith.constant 48 : index
        %get3A_2017 = tpu.vector_load %arg17[%get3A_2015, %get3A_2016] {strides = array<i32>} : memref<96x128xf32, #tpu.memory_space<vmem>>, vector<16xf32>,
        %mul3A_2018 = arith.mulf %mul3A_2012, %get3A_2017 : vector<16xf32>
        %add3A_2019 = arith.constant 12 : i32
        %add3A_2020 = arith.addi %mul3A_199, %add3A_2019 : i32
        %swap3A_2021 = arith.index_cast %add3A_2020 : i32 to index
        %swap3A_2022 = arith.constant 48 : index
        %swap3A_2023 = tpu.vector_load %arg17[%swap3A_2021, %swap3A_2022] {strides = array<i32>} : memref<96x128xf32, #tpu.memory_space<vmem>>, vector<16xf32>,
        tpu.vector_store %arg17[%swap3A_2021, %swap3A_2022], %mul3A_2018 {strides = array<i32>} : memref<96x128xf32, #tpu.memory_space<vmem>>, vector<16xf32>,
        %add3A_2024 = arith.constant 12 : i32
        %add3A_2025 = arith.addi %mul3A_199, %add3A_2024 : i32
        %get3A_2026 = arith.index_cast %add3A_2025 : i32 to index
        %get3A_2027 = arith.constant 64 : index
        %get3A_2028 = tpu.vector_load %arg16[%get3A_2026, %get3A_2027] {strides = array<i32>} : memref<96x128xf32, #tpu.memory_space<vmem>>, vector<16xf32>,
        %mul3A_2029 = vector.broadcast %squeeze3A_1951 : f32 to vector<16xf32>
        %mul3A_2030 = arith.mulf %mul3A_2029, %get3A_2028 : vector<16xf32>
        %add3A_2031 = arith.constant 12 : i32
        %add3A_2032 = arith.addi %mul3A_199, %add3A_2031 : i32
        %get3A_2033 = arith.index_cast %add3A_2032 : i32 to index
        %get3A_2034 = arith.constant 64 : index
        %get3A_2035 = tpu.vector_load %arg17[%get3A_2033, %get3A_2034] {strides = array<i32>} : memref<96x128xf32, #tpu.memory_space<vmem>>, vector<16xf32>,
        %mul3A_2036 = arith.mulf %mul3A_2030, %get3A_2035 : vector<16xf32>
        %add3A_2037 = arith.constant 12 : i32
        %add3A_2038 = arith.addi %mul3A_199, %add3A_2037 : i32
        %swap3A_2039 = arith.index_cast %add3A_2038 : i32 to index
        %swap3A_2040 = arith.constant 64 : index
        %swap3A_2041 = tpu.vector_load %arg17[%swap3A_2039, %swap3A_2040] {strides = array<i32>} : memref<96x128xf32, #tpu.memory_space<vmem>>, vector<16xf32>,
        tpu.vector_store %arg17[%swap3A_2039, %swap3A_2040], %mul3A_2036 {strides = array<i32>} : memref<96x128xf32, #tpu.memory_space<vmem>>, vector<16xf32>,
        %add3A_2042 = arith.constant 12 : i32
        %add3A_2043 = arith.addi %mul3A_199, %add3A_2042 : i32
        %get3A_2044 = arith.index_cast %add3A_2043 : i32 to index
        %get3A_2045 = arith.constant 80 : index
        %get3A_2046 = tpu.vector_load %arg16[%get3A_2044, %get3A_2045] {strides = array<i32>} : memref<96x128xf32, #tpu.memory_space<vmem>>, vector<16xf32>,
        %mul3A_2047 = vector.broadcast %squeeze3A_1951 : f32 to vector<16xf32>
        %mul3A_2048 = arith.mulf %mul3A_2047, %get3A_2046 : vector<16xf32>
        %add3A_2049 = arith.constant 12 : i32
        %add3A_2050 = arith.addi %mul3A_199, %add3A_2049 : i32
        %get3A_2051 = arith.index_cast %add3A_2050 : i32 to index
        %get3A_2052 = arith.constant 80 : index
        %get3A_2053 = tpu.vector_load %arg17[%get3A_2051, %get3A_2052] {strides = array<i32>} : memref<96x128xf32, #tpu.memory_space<vmem>>, vector<16xf32>,
        %mul3A_2054 = arith.mulf %mul3A_2048, %get3A_2053 : vector<16xf32>
        %add3A_2055 = arith.constant 12 : i32
        %add3A_2056 = arith.addi %mul3A_199, %add3A_2055 : i32
        %swap3A_2057 = arith.index_cast %add3A_2056 : i32 to index
        %swap3A_2058 = arith.constant 80 : index
        %swap3A_2059 = tpu.vector_load %arg17[%swap3A_2057, %swap3A_2058] {strides = array<i32>} : memref<96x128xf32, #tpu.memory_space<vmem>>, vector<16xf32>,
        tpu.vector_store %arg17[%swap3A_2057, %swap3A_2058], %mul3A_2054 {strides = array<i32>} : memref<96x128xf32, #tpu.memory_space<vmem>>, vector<16xf32>,
        %add3A_2060 = arith.constant 12 : i32
        %add3A_2061 = arith.addi %mul3A_199, %add3A_2060 : i32
        %get3A_2062 = arith.index_cast %add3A_2061 : i32 to index
        %get3A_2063 = arith.constant 96 : index
        %get3A_2064 = tpu.vector_load %arg16[%get3A_2062, %get3A_2063] {strides = array<i32>} : memref<96x128xf32, #tpu.memory_space<vmem>>, vector<16xf32>,
        %mul3A_2065 = vector.broadcast %squeeze3A_1951 : f32 to vector<16xf32>
        %mul3A_2066 = arith.mulf %mul3A_2065, %get3A_2064 : vector<16xf32>
        %add3A_2067 = arith.constant 12 : i32
        %add3A_2068 = arith.addi %mul3A_199, %add3A_2067 : i32
        %get3A_2069 = arith.index_cast %add3A_2068 : i32 to index
        %get3A_2070 = arith.constant 96 : index
        %get3A_2071 = tpu.vector_load %arg17[%get3A_2069, %get3A_2070] {strides = array<i32>} : memref<96x128xf32, #tpu.memory_space<vmem>>, vector<16xf32>,
        %mul3A_2072 = arith.mulf %mul3A_2066, %get3A_2071 : vector<16xf32>
        %add3A_2073 = arith.constant 12 : i32
        %add3A_2074 = arith.addi %mul3A_199, %add3A_2073 : i32
        %swap3A_2075 = arith.index_cast %add3A_2074 : i32 to index
        %swap3A_2076 = arith.constant 96 : index
        %swap3A_2077 = tpu.vector_load %arg17[%swap3A_2075, %swap3A_2076] {strides = array<i32>} : memref<96x128xf32, #tpu.memory_space<vmem>>, vector<16xf32>,
        tpu.vector_store %arg17[%swap3A_2075, %swap3A_2076], %mul3A_2072 {strides = array<i32>} : memref<96x128xf32, #tpu.memory_space<vmem>>, vector<16xf32>,
        %add3A_2078 = arith.constant 12 : i32
        %add3A_2079 = arith.addi %mul3A_199, %add3A_2078 : i32
        %get3A_2080 = arith.index_cast %add3A_2079 : i32 to index
        %get3A_2081 = arith.constant 112 : index
        %get3A_2082 = tpu.vector_load %arg16[%get3A_2080, %get3A_2081] {strides = array<i32>} : memref<96x128xf32, #tpu.memory_space<vmem>>, vector<16xf32>,
        %mul3A_2083 = vector.broadcast %squeeze3A_1951 : f32 to vector<16xf32>
        %mul3A_2084 = arith.mulf %mul3A_2083, %get3A_2082 : vector<16xf32>
        %add3A_2085 = arith.constant 12 : i32
        %add3A_2086 = arith.addi %mul3A_199, %add3A_2085 : i32
        %get3A_2087 = arith.index_cast %add3A_2086 : i32 to index
        %get3A_2088 = arith.constant 112 : index
        %get3A_2089 = tpu.vector_load %arg17[%get3A_2087, %get3A_2088] {strides = array<i32>} : memref<96x128xf32, #tpu.memory_space<vmem>>, vector<16xf32>,
        %mul3A_2090 = arith.mulf %mul3A_2084, %get3A_2089 : vector<16xf32>
        %add3A_2091 = arith.constant 12 : i32
        %add3A_2092 = arith.addi %mul3A_199, %add3A_2091 : i32
        %swap3A_2093 = arith.index_cast %add3A_2092 : i32 to index
        %swap3A_2094 = arith.constant 112 : index
        %swap3A_2095 = tpu.vector_load %arg17[%swap3A_2093, %swap3A_2094] {strides = array<i32>} : memref<96x128xf32, #tpu.memory_space<vmem>>, vector<16xf32>,
        tpu.vector_store %arg17[%swap3A_2093, %swap3A_2094], %mul3A_2090 {strides = array<i32>} : memref<96x128xf32, #tpu.memory_space<vmem>>, vector<16xf32>,
        %slice3A_2096 = vector.extract_strided_slice %div3A_197 {offsets = [13], sizes = [1], strides = [1]} : vector<16xf32> to vector<1xf32>
        %squeeze3A_2097 = vector.extract %slice3A_2096[0] : f32 from vector<1xf32>
        %add3A_2098 = arith.constant 13 : i32
        %add3A_2099 = arith.addi %mul3A_199, %add3A_2098 : i32
        %get3A_2100 = arith.index_cast %add3A_2099 : i32 to index
        %get3A_2101 = arith.constant 0 : index
        %get3A_2102 = tpu.vector_load %arg16[%get3A_2100, %get3A_2101] {strides = array<i32>} : memref<96x128xf32, #tpu.memory_space<vmem>>, vector<16xf32>,
        %mul3A_2103 = vector.broadcast %squeeze3A_2097 : f32 to vector<16xf32>
        %mul3A_2104 = arith.mulf %mul3A_2103, %get3A_2102 : vector<16xf32>
        %add3A_2105 = arith.constant 13 : i32
        %add3A_2106 = arith.addi %mul3A_199, %add3A_2105 : i32
        %get3A_2107 = arith.index_cast %add3A_2106 : i32 to index
        %get3A_2108 = arith.constant 0 : index
        %get3A_2109 = tpu.vector_load %arg17[%get3A_2107, %get3A_2108] {strides = array<i32>} : memref<96x128xf32, #tpu.memory_space<vmem>>, vector<16xf32>,
        %mul3A_2110 = arith.mulf %mul3A_2104, %get3A_2109 : vector<16xf32>
        %add3A_2111 = arith.constant 13 : i32
        %add3A_2112 = arith.addi %mul3A_199, %add3A_2111 : i32
        %swap3A_2113 = arith.index_cast %add3A_2112 : i32 to index
        %swap3A_2114 = arith.constant 0 : index
        %swap3A_2115 = tpu.vector_load %arg17[%swap3A_2113, %swap3A_2114] {strides = array<i32>} : memref<96x128xf32, #tpu.memory_space<vmem>>, vector<16xf32>,
        tpu.vector_store %arg17[%swap3A_2113, %swap3A_2114], %mul3A_2110 {strides = array<i32>} : memref<96x128xf32, #tpu.memory_space<vmem>>, vector<16xf32>,
        %add3A_2116 = arith.constant 13 : i32
        %add3A_2117 = arith.addi %mul3A_199, %add3A_2116 : i32
        %get3A_2118 = arith.index_cast %add3A_2117 : i32 to index
        %get3A_2119 = arith.constant 16 : index
        %get3A_2120 = tpu.vector_load %arg16[%get3A_2118, %get3A_2119] {strides = array<i32>} : memref<96x128xf32, #tpu.memory_space<vmem>>, vector<16xf32>,
        %mul3A_2121 = vector.broadcast %squeeze3A_2097 : f32 to vector<16xf32>
        %mul3A_2122 = arith.mulf %mul3A_2121, %get3A_2120 : vector<16xf32>
        %add3A_2123 = arith.constant 13 : i32
        %add3A_2124 = arith.addi %mul3A_199, %add3A_2123 : i32
        %get3A_2125 = arith.index_cast %add3A_2124 : i32 to index
        %get3A_2126 = arith.constant 16 : index
        %get3A_2127 = tpu.vector_load %arg17[%get3A_2125, %get3A_2126] {strides = array<i32>} : memref<96x128xf32, #tpu.memory_space<vmem>>, vector<16xf32>,
        %mul3A_2128 = arith.mulf %mul3A_2122, %get3A_2127 : vector<16xf32>
        %add3A_2129 = arith.constant 13 : i32
        %add3A_2130 = arith.addi %mul3A_199, %add3A_2129 : i32
        %swap3A_2131 = arith.index_cast %add3A_2130 : i32 to index
        %swap3A_2132 = arith.constant 16 : index
        %swap3A_2133 = tpu.vector_load %arg17[%swap3A_2131, %swap3A_2132] {strides = array<i32>} : memref<96x128xf32, #tpu.memory_space<vmem>>, vector<16xf32>,
        tpu.vector_store %arg17[%swap3A_2131, %swap3A_2132], %mul3A_2128 {strides = array<i32>} : memref<96x128xf32, #tpu.memory_space<vmem>>, vector<16xf32>,
        %add3A_2134 = arith.constant 13 : i32
        %add3A_2135 = arith.addi %mul3A_199, %add3A_2134 : i32
        %get3A_2136 = arith.index_cast %add3A_2135 : i32 to index
        %get3A_2137 = arith.constant 32 : index
        %get3A_2138 = tpu.vector_load %arg16[%get3A_2136, %get3A_2137] {strides = array<i32>} : memref<96x128xf32, #tpu.memory_space<vmem>>, vector<16xf32>,
        %mul3A_2139 = vector.broadcast %squeeze3A_2097 : f32 to vector<16xf32>
        %mul3A_2140 = arith.mulf %mul3A_2139, %get3A_2138 : vector<16xf32>
        %add3A_2141 = arith.constant 13 : i32
        %add3A_2142 = arith.addi %mul3A_199, %add3A_2141 : i32
        %get3A_2143 = arith.index_cast %add3A_2142 : i32 to index
        %get3A_2144 = arith.constant 32 : index
        %get3A_2145 = tpu.vector_load %arg17[%get3A_2143, %get3A_2144] {strides = array<i32>} : memref<96x128xf32, #tpu.memory_space<vmem>>, vector<16xf32>,
        %mul3A_2146 = arith.mulf %mul3A_2140, %get3A_2145 : vector<16xf32>
        %add3A_2147 = arith.constant 13 : i32
        %add3A_2148 = arith.addi %mul3A_199, %add3A_2147 : i32
        %swap3A_2149 = arith.index_cast %add3A_2148 : i32 to index
        %swap3A_2150 = arith.constant 32 : index
        %swap3A_2151 = tpu.vector_load %arg17[%swap3A_2149, %swap3A_2150] {strides = array<i32>} : memref<96x128xf32, #tpu.memory_space<vmem>>, vector<16xf32>,
        tpu.vector_store %arg17[%swap3A_2149, %swap3A_2150], %mul3A_2146 {strides = array<i32>} : memref<96x128xf32, #tpu.memory_space<vmem>>, vector<16xf32>,
        %add3A_2152 = arith.constant 13 : i32
        %add3A_2153 = arith.addi %mul3A_199, %add3A_2152 : i32
        %get3A_2154 = arith.index_cast %add3A_2153 : i32 to index
        %get3A_2155 = arith.constant 48 : index
        %get3A_2156 = tpu.vector_load %arg16[%get3A_2154, %get3A_2155] {strides = array<i32>} : memref<96x128xf32, #tpu.memory_space<vmem>>, vector<16xf32>,
        %mul3A_2157 = vector.broadcast %squeeze3A_2097 : f32 to vector<16xf32>
        %mul3A_2158 = arith.mulf %mul3A_2157, %get3A_2156 : vector<16xf32>
        %add3A_2159 = arith.constant 13 : i32
        %add3A_2160 = arith.addi %mul3A_199, %add3A_2159 : i32
        %get3A_2161 = arith.index_cast %add3A_2160 : i32 to index
        %get3A_2162 = arith.constant 48 : index
        %get3A_2163 = tpu.vector_load %arg17[%get3A_2161, %get3A_2162] {strides = array<i32>} : memref<96x128xf32, #tpu.memory_space<vmem>>, vector<16xf32>,
        %mul3A_2164 = arith.mulf %mul3A_2158, %get3A_2163 : vector<16xf32>
        %add3A_2165 = arith.constant 13 : i32
        %add3A_2166 = arith.addi %mul3A_199, %add3A_2165 : i32
        %swap3A_2167 = arith.index_cast %add3A_2166 : i32 to index
        %swap3A_2168 = arith.constant 48 : index
        %swap3A_2169 = tpu.vector_load %arg17[%swap3A_2167, %swap3A_2168] {strides = array<i32>} : memref<96x128xf32, #tpu.memory_space<vmem>>, vector<16xf32>,
        tpu.vector_store %arg17[%swap3A_2167, %swap3A_2168], %mul3A_2164 {strides = array<i32>} : memref<96x128xf32, #tpu.memory_space<vmem>>, vector<16xf32>,
        %add3A_2170 = arith.constant 13 : i32
        %add3A_2171 = arith.addi %mul3A_199, %add3A_2170 : i32
        %get3A_2172 = arith.index_cast %add3A_2171 : i32 to index
        %get3A_2173 = arith.constant 64 : index
        %get3A_2174 = tpu.vector_load %arg16[%get3A_2172, %get3A_2173] {strides = array<i32>} : memref<96x128xf32, #tpu.memory_space<vmem>>, vector<16xf32>,
        %mul3A_2175 = vector.broadcast %squeeze3A_2097 : f32 to vector<16xf32>
        %mul3A_2176 = arith.mulf %mul3A_2175, %get3A_2174 : vector<16xf32>
        %add3A_2177 = arith.constant 13 : i32
        %add3A_2178 = arith.addi %mul3A_199, %add3A_2177 : i32
        %get3A_2179 = arith.index_cast %add3A_2178 : i32 to index
        %get3A_2180 = arith.constant 64 : index
        %get3A_2181 = tpu.vector_load %arg17[%get3A_2179, %get3A_2180] {strides = array<i32>} : memref<96x128xf32, #tpu.memory_space<vmem>>, vector<16xf32>,
        %mul3A_2182 = arith.mulf %mul3A_2176, %get3A_2181 : vector<16xf32>
        %add3A_2183 = arith.constant 13 : i32
        %add3A_2184 = arith.addi %mul3A_199, %add3A_2183 : i32
        %swap3A_2185 = arith.index_cast %add3A_2184 : i32 to index
        %swap3A_2186 = arith.constant 64 : index
        %swap3A_2187 = tpu.vector_load %arg17[%swap3A_2185, %swap3A_2186] {strides = array<i32>} : memref<96x128xf32, #tpu.memory_space<vmem>>, vector<16xf32>,
        tpu.vector_store %arg17[%swap3A_2185, %swap3A_2186], %mul3A_2182 {strides = array<i32>} : memref<96x128xf32, #tpu.memory_space<vmem>>, vector<16xf32>,
        %add3A_2188 = arith.constant 13 : i32
        %add3A_2189 = arith.addi %mul3A_199, %add3A_2188 : i32
        %get3A_2190 = arith.index_cast %add3A_2189 : i32 to index
        %get3A_2191 = arith.constant 80 : index
        %get3A_2192 = tpu.vector_load %arg16[%get3A_2190, %get3A_2191] {strides = array<i32>} : memref<96x128xf32, #tpu.memory_space<vmem>>, vector<16xf32>,
        %mul3A_2193 = vector.broadcast %squeeze3A_2097 : f32 to vector<16xf32>
        %mul3A_2194 = arith.mulf %mul3A_2193, %get3A_2192 : vector<16xf32>
        %add3A_2195 = arith.constant 13 : i32
        %add3A_2196 = arith.addi %mul3A_199, %add3A_2195 : i32
        %get3A_2197 = arith.index_cast %add3A_2196 : i32 to index
        %get3A_2198 = arith.constant 80 : index
        %get3A_2199 = tpu.vector_load %arg17[%get3A_2197, %get3A_2198] {strides = array<i32>} : memref<96x128xf32, #tpu.memory_space<vmem>>, vector<16xf32>,
        %mul3A_2200 = arith.mulf %mul3A_2194, %get3A_2199 : vector<16xf32>
        %add3A_2201 = arith.constant 13 : i32
        %add3A_2202 = arith.addi %mul3A_199, %add3A_2201 : i32
        %swap3A_2203 = arith.index_cast %add3A_2202 : i32 to index
        %swap3A_2204 = arith.constant 80 : index
        %swap3A_2205 = tpu.vector_load %arg17[%swap3A_2203, %swap3A_2204] {strides = array<i32>} : memref<96x128xf32, #tpu.memory_space<vmem>>, vector<16xf32>,
        tpu.vector_store %arg17[%swap3A_2203, %swap3A_2204], %mul3A_2200 {strides = array<i32>} : memref<96x128xf32, #tpu.memory_space<vmem>>, vector<16xf32>,
        %add3A_2206 = arith.constant 13 : i32
        %add3A_2207 = arith.addi %mul3A_199, %add3A_2206 : i32
        %get3A_2208 = arith.index_cast %add3A_2207 : i32 to index
        %get3A_2209 = arith.constant 96 : index
        %get3A_2210 = tpu.vector_load %arg16[%get3A_2208, %get3A_2209] {strides = array<i32>} : memref<96x128xf32, #tpu.memory_space<vmem>>, vector<16xf32>,
        %mul3A_2211 = vector.broadcast %squeeze3A_2097 : f32 to vector<16xf32>
        %mul3A_2212 = arith.mulf %mul3A_2211, %get3A_2210 : vector<16xf32>
        %add3A_2213 = arith.constant 13 : i32
        %add3A_2214 = arith.addi %mul3A_199, %add3A_2213 : i32
        %get3A_2215 = arith.index_cast %add3A_2214 : i32 to index
        %get3A_2216 = arith.constant 96 : index
        %get3A_2217 = tpu.vector_load %arg17[%get3A_2215, %get3A_2216] {strides = array<i32>} : memref<96x128xf32, #tpu.memory_space<vmem>>, vector<16xf32>,
        %mul3A_2218 = arith.mulf %mul3A_2212, %get3A_2217 : vector<16xf32>
        %add3A_2219 = arith.constant 13 : i32
        %add3A_2220 = arith.addi %mul3A_199, %add3A_2219 : i32
        %swap3A_2221 = arith.index_cast %add3A_2220 : i32 to index
        %swap3A_2222 = arith.constant 96 : index
        %swap3A_2223 = tpu.vector_load %arg17[%swap3A_2221, %swap3A_2222] {strides = array<i32>} : memref<96x128xf32, #tpu.memory_space<vmem>>, vector<16xf32>,
        tpu.vector_store %arg17[%swap3A_2221, %swap3A_2222], %mul3A_2218 {strides = array<i32>} : memref<96x128xf32, #tpu.memory_space<vmem>>, vector<16xf32>,
        %add3A_2224 = arith.constant 13 : i32
        %add3A_2225 = arith.addi %mul3A_199, %add3A_2224 : i32
        %get3A_2226 = arith.index_cast %add3A_2225 : i32 to index
        %get3A_2227 = arith.constant 112 : index
        %get3A_2228 = tpu.vector_load %arg16[%get3A_2226, %get3A_2227] {strides = array<i32>} : memref<96x128xf32, #tpu.memory_space<vmem>>, vector<16xf32>,
        %mul3A_2229 = vector.broadcast %squeeze3A_2097 : f32 to vector<16xf32>
        %mul3A_2230 = arith.mulf %mul3A_2229, %get3A_2228 : vector<16xf32>
        %add3A_2231 = arith.constant 13 : i32
        %add3A_2232 = arith.addi %mul3A_199, %add3A_2231 : i32
        %get3A_2233 = arith.index_cast %add3A_2232 : i32 to index
        %get3A_2234 = arith.constant 112 : index
        %get3A_2235 = tpu.vector_load %arg17[%get3A_2233, %get3A_2234] {strides = array<i32>} : memref<96x128xf32, #tpu.memory_space<vmem>>, vector<16xf32>,
        %mul3A_2236 = arith.mulf %mul3A_2230, %get3A_2235 : vector<16xf32>
        %add3A_2237 = arith.constant 13 : i32
        %add3A_2238 = arith.addi %mul3A_199, %add3A_2237 : i32
        %swap3A_2239 = arith.index_cast %add3A_2238 : i32 to index
        %swap3A_2240 = arith.constant 112 : index
        %swap3A_2241 = tpu.vector_load %arg17[%swap3A_2239, %swap3A_2240] {strides = array<i32>} : memref<96x128xf32, #tpu.memory_space<vmem>>, vector<16xf32>,
        tpu.vector_store %arg17[%swap3A_2239, %swap3A_2240], %mul3A_2236 {strides = array<i32>} : memref<96x128xf32, #tpu.memory_space<vmem>>, vector<16xf32>,
        %slice3A_2242 = vector.extract_strided_slice %div3A_197 {offsets = [14], sizes = [1], strides = [1]} : vector<16xf32> to vector<1xf32>
        %squeeze3A_2243 = vector.extract %slice3A_2242[0] : f32 from vector<1xf32>
        %add3A_2244 = arith.constant 14 : i32
        %add3A_2245 = arith.addi %mul3A_199, %add3A_2244 : i32
        %get3A_2246 = arith.index_cast %add3A_2245 : i32 to index
        %get3A_2247 = arith.constant 0 : index
        %get3A_2248 = tpu.vector_load %arg16[%get3A_2246, %get3A_2247] {strides = array<i32>} : memref<96x128xf32, #tpu.memory_space<vmem>>, vector<16xf32>,
        %mul3A_2249 = vector.broadcast %squeeze3A_2243 : f32 to vector<16xf32>
        %mul3A_2250 = arith.mulf %mul3A_2249, %get3A_2248 : vector<16xf32>
        %add3A_2251 = arith.constant 14 : i32
        %add3A_2252 = arith.addi %mul3A_199, %add3A_2251 : i32
        %get3A_2253 = arith.index_cast %add3A_2252 : i32 to index
        %get3A_2254 = arith.constant 0 : index
        %get3A_2255 = tpu.vector_load %arg17[%get3A_2253, %get3A_2254] {strides = array<i32>} : memref<96x128xf32, #tpu.memory_space<vmem>>, vector<16xf32>,
        %mul3A_2256 = arith.mulf %mul3A_2250, %get3A_2255 : vector<16xf32>
        %add3A_2257 = arith.constant 14 : i32
        %add3A_2258 = arith.addi %mul3A_199, %add3A_2257 : i32
        %swap3A_2259 = arith.index_cast %add3A_2258 : i32 to index
        %swap3A_2260 = arith.constant 0 : index
        %swap3A_2261 = tpu.vector_load %arg17[%swap3A_2259, %swap3A_2260] {strides = array<i32>} : memref<96x128xf32, #tpu.memory_space<vmem>>, vector<16xf32>,
        tpu.vector_store %arg17[%swap3A_2259, %swap3A_2260], %mul3A_2256 {strides = array<i32>} : memref<96x128xf32, #tpu.memory_space<vmem>>, vector<16xf32>,
        %add3A_2262 = arith.constant 14 : i32
        %add3A_2263 = arith.addi %mul3A_199, %add3A_2262 : i32
        %get3A_2264 = arith.index_cast %add3A_2263 : i32 to index
        %get3A_2265 = arith.constant 16 : index
        %get3A_2266 = tpu.vector_load %arg16[%get3A_2264, %get3A_2265] {strides = array<i32>} : memref<96x128xf32, #tpu.memory_space<vmem>>, vector<16xf32>,
        %mul3A_2267 = vector.broadcast %squeeze3A_2243 : f32 to vector<16xf32>
        %mul3A_2268 = arith.mulf %mul3A_2267, %get3A_2266 : vector<16xf32>
        %add3A_2269 = arith.constant 14 : i32
        %add3A_2270 = arith.addi %mul3A_199, %add3A_2269 : i32
        %get3A_2271 = arith.index_cast %add3A_2270 : i32 to index
        %get3A_2272 = arith.constant 16 : index
        %get3A_2273 = tpu.vector_load %arg17[%get3A_2271, %get3A_2272] {strides = array<i32>} : memref<96x128xf32, #tpu.memory_space<vmem>>, vector<16xf32>,
        %mul3A_2274 = arith.mulf %mul3A_2268, %get3A_2273 : vector<16xf32>
        %add3A_2275 = arith.constant 14 : i32
        %add3A_2276 = arith.addi %mul3A_199, %add3A_2275 : i32
        %swap3A_2277 = arith.index_cast %add3A_2276 : i32 to index
        %swap3A_2278 = arith.constant 16 : index
        %swap3A_2279 = tpu.vector_load %arg17[%swap3A_2277, %swap3A_2278] {strides = array<i32>} : memref<96x128xf32, #tpu.memory_space<vmem>>, vector<16xf32>,
        tpu.vector_store %arg17[%swap3A_2277, %swap3A_2278], %mul3A_2274 {strides = array<i32>} : memref<96x128xf32, #tpu.memory_space<vmem>>, vector<16xf32>,
        %add3A_2280 = arith.constant 14 : i32
        %add3A_2281 = arith.addi %mul3A_199, %add3A_2280 : i32
        %get3A_2282 = arith.index_cast %add3A_2281 : i32 to index
        %get3A_2283 = arith.constant 32 : index
        %get3A_2284 = tpu.vector_load %arg16[%get3A_2282, %get3A_2283] {strides = array<i32>} : memref<96x128xf32, #tpu.memory_space<vmem>>, vector<16xf32>,
        %mul3A_2285 = vector.broadcast %squeeze3A_2243 : f32 to vector<16xf32>
        %mul3A_2286 = arith.mulf %mul3A_2285, %get3A_2284 : vector<16xf32>
        %add3A_2287 = arith.constant 14 : i32
        %add3A_2288 = arith.addi %mul3A_199, %add3A_2287 : i32
        %get3A_2289 = arith.index_cast %add3A_2288 : i32 to index
        %get3A_2290 = arith.constant 32 : index
        %get3A_2291 = tpu.vector_load %arg17[%get3A_2289, %get3A_2290] {strides = array<i32>} : memref<96x128xf32, #tpu.memory_space<vmem>>, vector<16xf32>,
        %mul3A_2292 = arith.mulf %mul3A_2286, %get3A_2291 : vector<16xf32>
        %add3A_2293 = arith.constant 14 : i32
        %add3A_2294 = arith.addi %mul3A_199, %add3A_2293 : i32
        %swap3A_2295 = arith.index_cast %add3A_2294 : i32 to index
        %swap3A_2296 = arith.constant 32 : index
        %swap3A_2297 = tpu.vector_load %arg17[%swap3A_2295, %swap3A_2296] {strides = array<i32>} : memref<96x128xf32, #tpu.memory_space<vmem>>, vector<16xf32>,
        tpu.vector_store %arg17[%swap3A_2295, %swap3A_2296], %mul3A_2292 {strides = array<i32>} : memref<96x128xf32, #tpu.memory_space<vmem>>, vector<16xf32>,
        %add3A_2298 = arith.constant 14 : i32
        %add3A_2299 = arith.addi %mul3A_199, %add3A_2298 : i32
        %get3A_2300 = arith.index_cast %add3A_2299 : i32 to index
        %get3A_2301 = arith.constant 48 : index
        %get3A_2302 = tpu.vector_load %arg16[%get3A_2300, %get3A_2301] {strides = array<i32>} : memref<96x128xf32, #tpu.memory_space<vmem>>, vector<16xf32>,
        %mul3A_2303 = vector.broadcast %squeeze3A_2243 : f32 to vector<16xf32>
        %mul3A_2304 = arith.mulf %mul3A_2303, %get3A_2302 : vector<16xf32>
        %add3A_2305 = arith.constant 14 : i32
        %add3A_2306 = arith.addi %mul3A_199, %add3A_2305 : i32
        %get3A_2307 = arith.index_cast %add3A_2306 : i32 to index
        %get3A_2308 = arith.constant 48 : index
        %get3A_2309 = tpu.vector_load %arg17[%get3A_2307, %get3A_2308] {strides = array<i32>} : memref<96x128xf32, #tpu.memory_space<vmem>>, vector<16xf32>,
        %mul3A_2310 = arith.mulf %mul3A_2304, %get3A_2309 : vector<16xf32>
        %add3A_2311 = arith.constant 14 : i32
        %add3A_2312 = arith.addi %mul3A_199, %add3A_2311 : i32
        %swap3A_2313 = arith.index_cast %add3A_2312 : i32 to index
        %swap3A_2314 = arith.constant 48 : index
        %swap3A_2315 = tpu.vector_load %arg17[%swap3A_2313, %swap3A_2314] {strides = array<i32>} : memref<96x128xf32, #tpu.memory_space<vmem>>, vector<16xf32>,
        tpu.vector_store %arg17[%swap3A_2313, %swap3A_2314], %mul3A_2310 {strides = array<i32>} : memref<96x128xf32, #tpu.memory_space<vmem>>, vector<16xf32>,
        %add3A_2316 = arith.constant 14 : i32
        %add3A_2317 = arith.addi %mul3A_199, %add3A_2316 : i32
        %get3A_2318 = arith.index_cast %add3A_2317 : i32 to index
        %get3A_2319 = arith.constant 64 : index
        %get3A_2320 = tpu.vector_load %arg16[%get3A_2318, %get3A_2319] {strides = array<i32>} : memref<96x128xf32, #tpu.memory_space<vmem>>, vector<16xf32>,
        %mul3A_2321 = vector.broadcast %squeeze3A_2243 : f32 to vector<16xf32>
        %mul3A_2322 = arith.mulf %mul3A_2321, %get3A_2320 : vector<16xf32>
        %add3A_2323 = arith.constant 14 : i32
        %add3A_2324 = arith.addi %mul3A_199, %add3A_2323 : i32
        %get3A_2325 = arith.index_cast %add3A_2324 : i32 to index
        %get3A_2326 = arith.constant 64 : index
        %get3A_2327 = tpu.vector_load %arg17[%get3A_2325, %get3A_2326] {strides = array<i32>} : memref<96x128xf32, #tpu.memory_space<vmem>>, vector<16xf32>,
        %mul3A_2328 = arith.mulf %mul3A_2322, %get3A_2327 : vector<16xf32>
        %add3A_2329 = arith.constant 14 : i32
        %add3A_2330 = arith.addi %mul3A_199, %add3A_2329 : i32
        %swap3A_2331 = arith.index_cast %add3A_2330 : i32 to index
        %swap3A_2332 = arith.constant 64 : index
        %swap3A_2333 = tpu.vector_load %arg17[%swap3A_2331, %swap3A_2332] {strides = array<i32>} : memref<96x128xf32, #tpu.memory_space<vmem>>, vector<16xf32>,
        tpu.vector_store %arg17[%swap3A_2331, %swap3A_2332], %mul3A_2328 {strides = array<i32>} : memref<96x128xf32, #tpu.memory_space<vmem>>, vector<16xf32>,
        %add3A_2334 = arith.constant 14 : i32
        %add3A_2335 = arith.addi %mul3A_199, %add3A_2334 : i32
        %get3A_2336 = arith.index_cast %add3A_2335 : i32 to index
        %get3A_2337 = arith.constant 80 : index
        %get3A_2338 = tpu.vector_load %arg16[%get3A_2336, %get3A_2337] {strides = array<i32>} : memref<96x128xf32, #tpu.memory_space<vmem>>, vector<16xf32>,
        %mul3A_2339 = vector.broadcast %squeeze3A_2243 : f32 to vector<16xf32>
        %mul3A_2340 = arith.mulf %mul3A_2339, %get3A_2338 : vector<16xf32>
        %add3A_2341 = arith.constant 14 : i32
        %add3A_2342 = arith.addi %mul3A_199, %add3A_2341 : i32
        %get3A_2343 = arith.index_cast %add3A_2342 : i32 to index
        %get3A_2344 = arith.constant 80 : index
        %get3A_2345 = tpu.vector_load %arg17[%get3A_2343, %get3A_2344] {strides = array<i32>} : memref<96x128xf32, #tpu.memory_space<vmem>>, vector<16xf32>,
        %mul3A_2346 = arith.mulf %mul3A_2340, %get3A_2345 : vector<16xf32>
        %add3A_2347 = arith.constant 14 : i32
        %add3A_2348 = arith.addi %mul3A_199, %add3A_2347 : i32
        %swap3A_2349 = arith.index_cast %add3A_2348 : i32 to index
        %swap3A_2350 = arith.constant 80 : index
        %swap3A_2351 = tpu.vector_load %arg17[%swap3A_2349, %swap3A_2350] {strides = array<i32>} : memref<96x128xf32, #tpu.memory_space<vmem>>, vector<16xf32>,
        tpu.vector_store %arg17[%swap3A_2349, %swap3A_2350], %mul3A_2346 {strides = array<i32>} : memref<96x128xf32, #tpu.memory_space<vmem>>, vector<16xf32>,
        %add3A_2352 = arith.constant 14 : i32
        %add3A_2353 = arith.addi %mul3A_199, %add3A_2352 : i32
        %get3A_2354 = arith.index_cast %add3A_2353 : i32 to index
        %get3A_2355 = arith.constant 96 : index
        %get3A_2356 = tpu.vector_load %arg16[%get3A_2354, %get3A_2355] {strides = array<i32>} : memref<96x128xf32, #tpu.memory_space<vmem>>, vector<16xf32>,
        %mul3A_2357 = vector.broadcast %squeeze3A_2243 : f32 to vector<16xf32>
        %mul3A_2358 = arith.mulf %mul3A_2357, %get3A_2356 : vector<16xf32>
        %add3A_2359 = arith.constant 14 : i32
        %add3A_2360 = arith.addi %mul3A_199, %add3A_2359 : i32
        %get3A_2361 = arith.index_cast %add3A_2360 : i32 to index
        %get3A_2362 = arith.constant 96 : index
        %get3A_2363 = tpu.vector_load %arg17[%get3A_2361, %get3A_2362] {strides = array<i32>} : memref<96x128xf32, #tpu.memory_space<vmem>>, vector<16xf32>,
        %mul3A_2364 = arith.mulf %mul3A_2358, %get3A_2363 : vector<16xf32>
        %add3A_2365 = arith.constant 14 : i32
        %add3A_2366 = arith.addi %mul3A_199, %add3A_2365 : i32
        %swap3A_2367 = arith.index_cast %add3A_2366 : i32 to index
        %swap3A_2368 = arith.constant 96 : index
        %swap3A_2369 = tpu.vector_load %arg17[%swap3A_2367, %swap3A_2368] {strides = array<i32>} : memref<96x128xf32, #tpu.memory_space<vmem>>, vector<16xf32>,
        tpu.vector_store %arg17[%swap3A_2367, %swap3A_2368], %mul3A_2364 {strides = array<i32>} : memref<96x128xf32, #tpu.memory_space<vmem>>, vector<16xf32>,
        %add3A_2370 = arith.constant 14 : i32
        %add3A_2371 = arith.addi %mul3A_199, %add3A_2370 : i32
        %get3A_2372 = arith.index_cast %add3A_2371 : i32 to index
        %get3A_2373 = arith.constant 112 : index
        %get3A_2374 = tpu.vector_load %arg16[%get3A_2372, %get3A_2373] {strides = array<i32>} : memref<96x128xf32, #tpu.memory_space<vmem>>, vector<16xf32>,
        %mul3A_2375 = vector.broadcast %squeeze3A_2243 : f32 to vector<16xf32>
        %mul3A_2376 = arith.mulf %mul3A_2375, %get3A_2374 : vector<16xf32>
        %add3A_2377 = arith.constant 14 : i32
        %add3A_2378 = arith.addi %mul3A_199, %add3A_2377 : i32
        %get3A_2379 = arith.index_cast %add3A_2378 : i32 to index
        %get3A_2380 = arith.constant 112 : index
        %get3A_2381 = tpu.vector_load %arg17[%get3A_2379, %get3A_2380] {strides = array<i32>} : memref<96x128xf32, #tpu.memory_space<vmem>>, vector<16xf32>,
        %mul3A_2382 = arith.mulf %mul3A_2376, %get3A_2381 : vector<16xf32>
        %add3A_2383 = arith.constant 14 : i32
        %add3A_2384 = arith.addi %mul3A_199, %add3A_2383 : i32
        %swap3A_2385 = arith.index_cast %add3A_2384 : i32 to index
        %swap3A_2386 = arith.constant 112 : index
        %swap3A_2387 = tpu.vector_load %arg17[%swap3A_2385, %swap3A_2386] {strides = array<i32>} : memref<96x128xf32, #tpu.memory_space<vmem>>, vector<16xf32>,
        tpu.vector_store %arg17[%swap3A_2385, %swap3A_2386], %mul3A_2382 {strides = array<i32>} : memref<96x128xf32, #tpu.memory_space<vmem>>, vector<16xf32>,
        %slice3A_2388 = vector.extract_strided_slice %div3A_197 {offsets = [15], sizes = [1], strides = [1]} : vector<16xf32> to vector<1xf32>
        %squeeze3A_2389 = vector.extract %slice3A_2388[0] : f32 from vector<1xf32>
        %add3A_2390 = arith.constant 15 : i32
        %add3A_2391 = arith.addi %mul3A_199, %add3A_2390 : i32
        %get3A_2392 = arith.index_cast %add3A_2391 : i32 to index
        %get3A_2393 = arith.constant 0 : index
        %get3A_2394 = tpu.vector_load %arg16[%get3A_2392, %get3A_2393] {strides = array<i32>} : memref<96x128xf32, #tpu.memory_space<vmem>>, vector<16xf32>,
        %mul3A_2395 = vector.broadcast %squeeze3A_2389 : f32 to vector<16xf32>
        %mul3A_2396 = arith.mulf %mul3A_2395, %get3A_2394 : vector<16xf32>
        %add3A_2397 = arith.constant 15 : i32
        %add3A_2398 = arith.addi %mul3A_199, %add3A_2397 : i32
        %get3A_2399 = arith.index_cast %add3A_2398 : i32 to index
        %get3A_2400 = arith.constant 0 : index
        %get3A_2401 = tpu.vector_load %arg17[%get3A_2399, %get3A_2400] {strides = array<i32>} : memref<96x128xf32, #tpu.memory_space<vmem>>, vector<16xf32>,
        %mul3A_2402 = arith.mulf %mul3A_2396, %get3A_2401 : vector<16xf32>
        %add3A_2403 = arith.constant 15 : i32
        %add3A_2404 = arith.addi %mul3A_199, %add3A_2403 : i32
        %swap3A_2405 = arith.index_cast %add3A_2404 : i32 to index
        %swap3A_2406 = arith.constant 0 : index
        %swap3A_2407 = tpu.vector_load %arg17[%swap3A_2405, %swap3A_2406] {strides = array<i32>} : memref<96x128xf32, #tpu.memory_space<vmem>>, vector<16xf32>,
        tpu.vector_store %arg17[%swap3A_2405, %swap3A_2406], %mul3A_2402 {strides = array<i32>} : memref<96x128xf32, #tpu.memory_space<vmem>>, vector<16xf32>,
        %add3A_2408 = arith.constant 15 : i32
        %add3A_2409 = arith.addi %mul3A_199, %add3A_2408 : i32
        %get3A_2410 = arith.index_cast %add3A_2409 : i32 to index
        %get3A_2411 = arith.constant 16 : index
        %get3A_2412 = tpu.vector_load %arg16[%get3A_2410, %get3A_2411] {strides = array<i32>} : memref<96x128xf32, #tpu.memory_space<vmem>>, vector<16xf32>,
        %mul3A_2413 = vector.broadcast %squeeze3A_2389 : f32 to vector<16xf32>
        %mul3A_2414 = arith.mulf %mul3A_2413, %get3A_2412 : vector<16xf32>
        %add3A_2415 = arith.constant 15 : i32
        %add3A_2416 = arith.addi %mul3A_199, %add3A_2415 : i32
        %get3A_2417 = arith.index_cast %add3A_2416 : i32 to index
        %get3A_2418 = arith.constant 16 : index
        %get3A_2419 = tpu.vector_load %arg17[%get3A_2417, %get3A_2418] {strides = array<i32>} : memref<96x128xf32, #tpu.memory_space<vmem>>, vector<16xf32>,
        %mul3A_2420 = arith.mulf %mul3A_2414, %get3A_2419 : vector<16xf32>
        %add3A_2421 = arith.constant 15 : i32
        %add3A_2422 = arith.addi %mul3A_199, %add3A_2421 : i32
        %swap3A_2423 = arith.index_cast %add3A_2422 : i32 to index
        %swap3A_2424 = arith.constant 16 : index
        %swap3A_2425 = tpu.vector_load %arg17[%swap3A_2423, %swap3A_2424] {strides = array<i32>} : memref<96x128xf32, #tpu.memory_space<vmem>>, vector<16xf32>,
        tpu.vector_store %arg17[%swap3A_2423, %swap3A_2424], %mul3A_2420 {strides = array<i32>} : memref<96x128xf32, #tpu.memory_space<vmem>>, vector<16xf32>,
        %add3A_2426 = arith.constant 15 : i32
        %add3A_2427 = arith.addi %mul3A_199, %add3A_2426 : i32
        %get3A_2428 = arith.index_cast %add3A_2427 : i32 to index
        %get3A_2429 = arith.constant 32 : index
        %get3A_2430 = tpu.vector_load %arg16[%get3A_2428, %get3A_2429] {strides = array<i32>} : memref<96x128xf32, #tpu.memory_space<vmem>>, vector<16xf32>,
        %mul3A_2431 = vector.broadcast %squeeze3A_2389 : f32 to vector<16xf32>
        %mul3A_2432 = arith.mulf %mul3A_2431, %get3A_2430 : vector<16xf32>
        %add3A_2433 = arith.constant 15 : i32
        %add3A_2434 = arith.addi %mul3A_199, %add3A_2433 : i32
        %get3A_2435 = arith.index_cast %add3A_2434 : i32 to index
        %get3A_2436 = arith.constant 32 : index
        %get3A_2437 = tpu.vector_load %arg17[%get3A_2435, %get3A_2436] {strides = array<i32>} : memref<96x128xf32, #tpu.memory_space<vmem>>, vector<16xf32>,
        %mul3A_2438 = arith.mulf %mul3A_2432, %get3A_2437 : vector<16xf32>
        %add3A_2439 = arith.constant 15 : i32
        %add3A_2440 = arith.addi %mul3A_199, %add3A_2439 : i32
        %swap3A_2441 = arith.index_cast %add3A_2440 : i32 to index
        %swap3A_2442 = arith.constant 32 : index
        %swap3A_2443 = tpu.vector_load %arg17[%swap3A_2441, %swap3A_2442] {strides = array<i32>} : memref<96x128xf32, #tpu.memory_space<vmem>>, vector<16xf32>,
        tpu.vector_store %arg17[%swap3A_2441, %swap3A_2442], %mul3A_2438 {strides = array<i32>} : memref<96x128xf32, #tpu.memory_space<vmem>>, vector<16xf32>,
        %add3A_2444 = arith.constant 15 : i32
        %add3A_2445 = arith.addi %mul3A_199, %add3A_2444 : i32
        %get3A_2446 = arith.index_cast %add3A_2445 : i32 to index
        %get3A_2447 = arith.constant 48 : index
        %get3A_2448 = tpu.vector_load %arg16[%get3A_2446, %get3A_2447] {strides = array<i32>} : memref<96x128xf32, #tpu.memory_space<vmem>>, vector<16xf32>,
        %mul3A_2449 = vector.broadcast %squeeze3A_2389 : f32 to vector<16xf32>
        %mul3A_2450 = arith.mulf %mul3A_2449, %get3A_2448 : vector<16xf32>
        %add3A_2451 = arith.constant 15 : i32
        %add3A_2452 = arith.addi %mul3A_199, %add3A_2451 : i32
        %get3A_2453 = arith.index_cast %add3A_2452 : i32 to index
        %get3A_2454 = arith.constant 48 : index
        %get3A_2455 = tpu.vector_load %arg17[%get3A_2453, %get3A_2454] {strides = array<i32>} : memref<96x128xf32, #tpu.memory_space<vmem>>, vector<16xf32>,
        %mul3A_2456 = arith.mulf %mul3A_2450, %get3A_2455 : vector<16xf32>
        %add3A_2457 = arith.constant 15 : i32
        %add3A_2458 = arith.addi %mul3A_199, %add3A_2457 : i32
        %swap3A_2459 = arith.index_cast %add3A_2458 : i32 to index
        %swap3A_2460 = arith.constant 48 : index
        %swap3A_2461 = tpu.vector_load %arg17[%swap3A_2459, %swap3A_2460] {strides = array<i32>} : memref<96x128xf32, #tpu.memory_space<vmem>>, vector<16xf32>,
        tpu.vector_store %arg17[%swap3A_2459, %swap3A_2460], %mul3A_2456 {strides = array<i32>} : memref<96x128xf32, #tpu.memory_space<vmem>>, vector<16xf32>,
        %add3A_2462 = arith.constant 15 : i32
        %add3A_2463 = arith.addi %mul3A_199, %add3A_2462 : i32
        %get3A_2464 = arith.index_cast %add3A_2463 : i32 to index
        %get3A_2465 = arith.constant 64 : index
        %get3A_2466 = tpu.vector_load %arg16[%get3A_2464, %get3A_2465] {strides = array<i32>} : memref<96x128xf32, #tpu.memory_space<vmem>>, vector<16xf32>,
        %mul3A_2467 = vector.broadcast %squeeze3A_2389 : f32 to vector<16xf32>
        %mul3A_2468 = arith.mulf %mul3A_2467, %get3A_2466 : vector<16xf32>
        %add3A_2469 = arith.constant 15 : i32
        %add3A_2470 = arith.addi %mul3A_199, %add3A_2469 : i32
        %get3A_2471 = arith.index_cast %add3A_2470 : i32 to index
        %get3A_2472 = arith.constant 64 : index
        %get3A_2473 = tpu.vector_load %arg17[%get3A_2471, %get3A_2472] {strides = array<i32>} : memref<96x128xf32, #tpu.memory_space<vmem>>, vector<16xf32>,
        %mul3A_2474 = arith.mulf %mul3A_2468, %get3A_2473 : vector<16xf32>
        %add3A_2475 = arith.constant 15 : i32
        %add3A_2476 = arith.addi %mul3A_199, %add3A_2475 : i32
        %swap3A_2477 = arith.index_cast %add3A_2476 : i32 to index
        %swap3A_2478 = arith.constant 64 : index
        %swap3A_2479 = tpu.vector_load %arg17[%swap3A_2477, %swap3A_2478] {strides = array<i32>} : memref<96x128xf32, #tpu.memory_space<vmem>>, vector<16xf32>,
        tpu.vector_store %arg17[%swap3A_2477, %swap3A_2478], %mul3A_2474 {strides = array<i32>} : memref<96x128xf32, #tpu.memory_space<vmem>>, vector<16xf32>,
        %add3A_2480 = arith.constant 15 : i32
        %add3A_2481 = arith.addi %mul3A_199, %add3A_2480 : i32
        %get3A_2482 = arith.index_cast %add3A_2481 : i32 to index
        %get3A_2483 = arith.constant 80 : index
        %get3A_2484 = tpu.vector_load %arg16[%get3A_2482, %get3A_2483] {strides = array<i32>} : memref<96x128xf32, #tpu.memory_space<vmem>>, vector<16xf32>,
        %mul3A_2485 = vector.broadcast %squeeze3A_2389 : f32 to vector<16xf32>
        %mul3A_2486 = arith.mulf %mul3A_2485, %get3A_2484 : vector<16xf32>
        %add3A_2487 = arith.constant 15 : i32
        %add3A_2488 = arith.addi %mul3A_199, %add3A_2487 : i32
        %get3A_2489 = arith.index_cast %add3A_2488 : i32 to index
        %get3A_2490 = arith.constant 80 : index
        %get3A_2491 = tpu.vector_load %arg17[%get3A_2489, %get3A_2490] {strides = array<i32>} : memref<96x128xf32, #tpu.memory_space<vmem>>, vector<16xf32>,
        %mul3A_2492 = arith.mulf %mul3A_2486, %get3A_2491 : vector<16xf32>
        %add3A_2493 = arith.constant 15 : i32
        %add3A_2494 = arith.addi %mul3A_199, %add3A_2493 : i32
        %swap3A_2495 = arith.index_cast %add3A_2494 : i32 to index
        %swap3A_2496 = arith.constant 80 : index
        %swap3A_2497 = tpu.vector_load %arg17[%swap3A_2495, %swap3A_2496] {strides = array<i32>} : memref<96x128xf32, #tpu.memory_space<vmem>>, vector<16xf32>,
        tpu.vector_store %arg17[%swap3A_2495, %swap3A_2496], %mul3A_2492 {strides = array<i32>} : memref<96x128xf32, #tpu.memory_space<vmem>>, vector<16xf32>,
        %add3A_2498 = arith.constant 15 : i32
        %add3A_2499 = arith.addi %mul3A_199, %add3A_2498 : i32
        %get3A_2500 = arith.index_cast %add3A_2499 : i32 to index
        %get3A_2501 = arith.constant 96 : index
        %get3A_2502 = tpu.vector_load %arg16[%get3A_2500, %get3A_2501] {strides = array<i32>} : memref<96x128xf32, #tpu.memory_space<vmem>>, vector<16xf32>,
        %mul3A_2503 = vector.broadcast %squeeze3A_2389 : f32 to vector<16xf32>
        %mul3A_2504 = arith.mulf %mul3A_2503, %get3A_2502 : vector<16xf32>
        %add3A_2505 = arith.constant 15 : i32
        %add3A_2506 = arith.addi %mul3A_199, %add3A_2505 : i32
        %get3A_2507 = arith.index_cast %add3A_2506 : i32 to index
        %get3A_2508 = arith.constant 96 : index
        %get3A_2509 = tpu.vector_load %arg17[%get3A_2507, %get3A_2508] {strides = array<i32>} : memref<96x128xf32, #tpu.memory_space<vmem>>, vector<16xf32>,
        %mul3A_2510 = arith.mulf %mul3A_2504, %get3A_2509 : vector<16xf32>
        %add3A_2511 = arith.constant 15 : i32
        %add3A_2512 = arith.addi %mul3A_199, %add3A_2511 : i32
        %swap3A_2513 = arith.index_cast %add3A_2512 : i32 to index
        %swap3A_2514 = arith.constant 96 : index
        %swap3A_2515 = tpu.vector_load %arg17[%swap3A_2513, %swap3A_2514] {strides = array<i32>} : memref<96x128xf32, #tpu.memory_space<vmem>>, vector<16xf32>,
        tpu.vector_store %arg17[%swap3A_2513, %swap3A_2514], %mul3A_2510 {strides = array<i32>} : memref<96x128xf32, #tpu.memory_space<vmem>>, vector<16xf32>,
        %add3A_2516 = arith.constant 15 : i32
        %add3A_2517 = arith.addi %mul3A_199, %add3A_2516 : i32
        %get3A_2518 = arith.index_cast %add3A_2517 : i32 to index
        %get3A_2519 = arith.constant 112 : index
        %get3A_2520 = tpu.vector_load %arg16[%get3A_2518, %get3A_2519] {strides = array<i32>} : memref<96x128xf32, #tpu.memory_space<vmem>>, vector<16xf32>,
        %mul3A_2521 = vector.broadcast %squeeze3A_2389 : f32 to vector<16xf32>
        %mul3A_2522 = arith.mulf %mul3A_2521, %get3A_2520 : vector<16xf32>
        %add3A_2523 = arith.constant 15 : i32
        %add3A_2524 = arith.addi %mul3A_199, %add3A_2523 : i32
        %get3A_2525 = arith.index_cast %add3A_2524 : i32 to index
        %get3A_2526 = arith.constant 112 : index
        %get3A_2527 = tpu.vector_load %arg17[%get3A_2525, %get3A_2526] {strides = array<i32>} : memref<96x128xf32, #tpu.memory_space<vmem>>, vector<16xf32>,
        %mul3A_2528 = arith.mulf %mul3A_2522, %get3A_2527 : vector<16xf32>
        %add3A_2529 = arith.constant 15 : i32
        %add3A_2530 = arith.addi %mul3A_199, %add3A_2529 : i32
        %swap3A_2531 = arith.index_cast %add3A_2530 : i32 to index
        %swap3A_2532 = arith.constant 112 : index
        %swap3A_2533 = tpu.vector_load %arg17[%swap3A_2531, %swap3A_2532] {strides = array<i32>} : memref<96x128xf32, #tpu.memory_space<vmem>>, vector<16xf32>,
        tpu.vector_store %arg17[%swap3A_2531, %swap3A_2532], %mul3A_2528 {strides = array<i32>} : memref<96x128xf32, #tpu.memory_space<vmem>>, vector<16xf32>,
        %scan3A_2534 = arith.constant 0 : i32
        scf.yield %scan3A_2534 : i32
      }
      %scan3A_176 = arith.constant 6 : i32
      "tpu.region"() ({
        %run_scoped3A = tpu.sem_alloc : memref<!tpu.dma_semaphore, #tpu.memory_space<semaphore_mem>>
        %dma_start3A_178 = arith.constant 0 : i32
        %dma_start3A_179 = arith.constant 0 : i32
        %dma_start3A_180 = tpu.memref_slice %arg18[%dma_start3A_178, %dma_start3A_179] : memref<10000x128xf32, #tpu.memory_space<vmem_shared>> -> memref<10000x128xf32, #tpu.memory_space<vmem_shared>>
        tpu.enqueue_indirect_dma source(%arg17 : memref<96x128xf32, #tpu.memory_space<vmem>>) target(%dma_start3A_180 : memref<10000x128xf32, #tpu.memory_space<vmem_shared>>) offsets(%arg13 : memref<96xi32, #tpu.memory_space<vmem>>) semaphore(%run_scoped3A : memref<!tpu.dma_semaphore, #tpu.memory_space<semaphore_mem>>) {add = true}
        %dma_wait3A_181 = arith.constant 0 : i32
        %dma_wait3A_182 = arith.constant 0 : i32
        %dma_wait3A_183 = tpu.memref_slice %arg18[%dma_wait3A_181, %dma_wait3A_182] : memref<10000x128xf32, #tpu.memory_space<vmem_shared>> -> memref<10000x128xf32, #tpu.memory_space<vmem_shared>>
        tpu.wait_indirect_dma semaphore(%run_scoped3A : memref<!tpu.dma_semaphore, #tpu.memory_space<semaphore_mem>>) src(%arg17 : memref<96x128xf32, #tpu.memory_space<vmem>>) dst(%dma_wait3A_183 : memref<10000x128xf32, #tpu.memory_space<vmem_shared>>)
        tpu.yield
      }) : () -> ()
      %scan3A_177 = arith.constant 0 : i32
      scf.yield %scan3A_177 : i32
    }
    %scan3A_69 = arith.constant 105 : i32
    %barrier3A_70 = arith.constant 0 : index
    tpu.barrier barrier_id(%barrier3A_70)
    %add3A_71 = arith.constant 0 : i32
    %add3A_72 = arith.addi %arg1, %add3A_71 : i32
    %lt3A_73 = arith.constant 125 : i32
    %lt3A_74 = arith.cmpi slt, %add3A_72, %lt3A_73 : i32
    %convert_element_type3A_75 = arith.extui %lt3A_74 : i1 to i32
    %cond3A_76 = arith.constant 0 : i32
    %cond3A_77 = arith.cmpi ne, %convert_element_type3A_75, %cond3A_76 : i32
    scf.if %cond3A_77 {
      %mul3A_127 = arith.constant 80 : i32
      %mul3A_128 = arith.muli %add3A_72, %mul3A_127 : i32
      "tpu.region"() ({
        %run_scoped3A = tpu.sem_alloc : memref<!tpu.dma_semaphore, #tpu.memory_space<semaphore_mem>>
        %dma_start3A = arith.constant 0 : i32
        %dma_start3A_132 = arith.constant 0 : i32
        %dma_start3A_133 = tpu.memref_slice %arg17[%dma_start3A, %dma_start3A_132] : memref<96x128xf32, #tpu.memory_space<vmem>> -> memref<80x128xf32, #tpu.memory_space<vmem>>
        %dma_start3A_134 = arith.constant 0 : i32
        %dma_start3A_135 = tpu.memref_slice %arg18[%mul3A_128, %dma_start3A_134] : memref<10000x128xf32, #tpu.memory_space<vmem_shared>> -> memref<80x128xf32, #tpu.memory_space<vmem_shared>>
        %dma_start3A_136 = arith.constant 0 : i32
        %dma_start3A_137 = arith.constant 0 : i32
        %dma_start3A_138 = tpu.memref_slice %arg17[%dma_start3A_136, %dma_start3A_137] : memref<96x128xf32, #tpu.memory_space<vmem>> -> memref<80x128xf32, #tpu.memory_space<vmem>>
        %dma_start3A_139 = arith.constant 0 : i32
        %dma_start3A_140 = tpu.memref_slice %arg18[%mul3A_128, %dma_start3A_139] : memref<10000x128xf32, #tpu.memory_space<vmem_shared>> -> memref<80x128xf32, #tpu.memory_space<vmem_shared>>
        tpu.enqueue_dma source(%dma_start3A_140 : memref<80x128xf32, #tpu.memory_space<vmem_shared>>) target(%dma_start3A_138 : memref<80x128xf32, #tpu.memory_space<vmem>>) target_semaphore(%run_scoped3A : memref<!tpu.dma_semaphore, #tpu.memory_space<semaphore_mem>>)
        %dma_wait3A = arith.constant 0 : i32
        %dma_wait3A_141 = arith.constant 0 : i32
        %dma_wait3A_142 = tpu.memref_slice %arg17[%dma_wait3A, %dma_wait3A_141] : memref<96x128xf32, #tpu.memory_space<vmem>> -> memref<80x128xf32, #tpu.memory_space<vmem>>
        %dma_wait3A_143 = arith.constant 0 : i32
        %dma_wait3A_144 = tpu.memref_slice %arg18[%mul3A_128, %dma_wait3A_143] : memref<10000x128xf32, #tpu.memory_space<vmem_shared>> -> memref<80x128xf32, #tpu.memory_space<vmem_shared>>
        %dma_wait3A_145 = arith.constant 0 : i32
        %dma_wait3A_146 = arith.constant 0 : i32
        %dma_wait3A_147 = tpu.memref_slice %arg17[%dma_wait3A_145, %dma_wait3A_146] : memref<96x128xf32, #tpu.memory_space<vmem>> -> memref<80x128xf32, #tpu.memory_space<vmem>>
        %dma_wait3A_148 = arith.constant 0 : i32
        %dma_wait3A_149 = tpu.memref_slice %arg18[%mul3A_128, %dma_wait3A_148] : memref<10000x128xf32, #tpu.memory_space<vmem_shared>> -> memref<80x128xf32, #tpu.memory_space<vmem_shared>>
        tpu.wait_dma2 semaphore(%run_scoped3A : memref<!tpu.dma_semaphore, #tpu.memory_space<semaphore_mem>>) src(%dma_wait3A_149 : memref<80x128xf32, #tpu.memory_space<vmem_shared>>) dst(%dma_wait3A_147 : memref<80x128xf32, #tpu.memory_space<vmem>>)
        tpu.yield
      }) : () -> ()
      %mul3A_129 = arith.constant 80 : i32
      %mul3A_130 = arith.muli %add3A_72, %mul3A_129 : i32
      %add3A_131 = arith.addi %mul3A_0, %mul3A_130 : i32
      "tpu.region"() ({
        %run_scoped3A = tpu.sem_alloc : memref<!tpu.dma_semaphore, #tpu.memory_space<semaphore_mem>>
        %dma_start3A = arith.constant 0 : i32
        %dma_start3A_132 = arith.constant 0 : i32
        %dma_start3A_133 = tpu.memref_slice %arg17[%dma_start3A, %dma_start3A_132] : memref<96x128xf32, #tpu.memory_space<vmem>> -> memref<80x128xf32, #tpu.memory_space<vmem>>
        %dma_start3A_134 = arith.constant 0 : i32
        %dma_start3A_135 = tpu.memref_slice %arg9[%add3A_131, %dma_start3A_134] : memref<20000x128xf32, #tpu.memory_space<hbm>> -> memref<80x128xf32, #tpu.memory_space<hbm>>
        %dma_start3A_136 = arith.constant 0 : i32
        %dma_start3A_137 = tpu.memref_slice %arg9[%add3A_131, %dma_start3A_136] : memref<20000x128xf32, #tpu.memory_space<hbm>> -> memref<80x128xf32, #tpu.memory_space<hbm>>
        %dma_start3A_138 = arith.constant 0 : i32
        %dma_start3A_139 = arith.constant 0 : i32
        %dma_start3A_140 = tpu.memref_slice %arg17[%dma_start3A_138, %dma_start3A_139] : memref<96x128xf32, #tpu.memory_space<vmem>> -> memref<80x128xf32, #tpu.memory_space<vmem>>
        tpu.enqueue_dma source(%dma_start3A_140 : memref<80x128xf32, #tpu.memory_space<vmem>>) target(%dma_start3A_137 : memref<80x128xf32, #tpu.memory_space<hbm>>) target_semaphore(%run_scoped3A : memref<!tpu.dma_semaphore, #tpu.memory_space<semaphore_mem>>)
        %dma_wait3A = arith.constant 0 : i32
        %dma_wait3A_141 = arith.constant 0 : i32
        %dma_wait3A_142 = tpu.memref_slice %arg17[%dma_wait3A, %dma_wait3A_141] : memref<96x128xf32, #tpu.memory_space<vmem>> -> memref<80x128xf32, #tpu.memory_space<vmem>>
        %dma_wait3A_143 = arith.constant 0 : i32
        %dma_wait3A_144 = tpu.memref_slice %arg9[%add3A_131, %dma_wait3A_143] : memref<20000x128xf32, #tpu.memory_space<hbm>> -> memref<80x128xf32, #tpu.memory_space<hbm>>
        %dma_wait3A_145 = arith.constant 0 : i32
        %dma_wait3A_146 = tpu.memref_slice %arg9[%add3A_131, %dma_wait3A_145] : memref<20000x128xf32, #tpu.memory_space<hbm>> -> memref<80x128xf32, #tpu.memory_space<hbm>>
        %dma_wait3A_147 = arith.constant 0 : i32
        %dma_wait3A_148 = arith.constant 0 : i32
        %dma_wait3A_149 = tpu.memref_slice %arg17[%dma_wait3A_147, %dma_wait3A_148] : memref<96x128xf32, #tpu.memory_space<vmem>> -> memref<80x128xf32, #tpu.memory_space<vmem>>
        tpu.wait_dma2 semaphore(%run_scoped3A : memref<!tpu.dma_semaphore, #tpu.memory_space<semaphore_mem>>) src(%dma_wait3A_149 : memref<80x128xf32, #tpu.memory_space<vmem>>) dst(%dma_wait3A_146 : memref<80x128xf32, #tpu.memory_space<hbm>>)
        tpu.yield
      }) : () -> ()
    } else {
    }
    %add3A_78 = arith.constant 16 : i32
    %add3A_79 = arith.addi %arg1, %add3A_78 : i32
    %lt3A_80 = arith.constant 125 : i32
    %lt3A_81 = arith.cmpi slt, %add3A_79, %lt3A_80 : i32
    %convert_element_type3A_82 = arith.extui %lt3A_81 : i1 to i32
    %cond3A_83 = arith.constant 0 : i32
    %cond3A_84 = arith.cmpi ne, %convert_element_type3A_82, %cond3A_83 : i32
    scf.if %cond3A_84 {
      %mul3A_127 = arith.constant 80 : i32
      %mul3A_128 = arith.muli %add3A_79, %mul3A_127 : i32
      "tpu.region"() ({
        %run_scoped3A = tpu.sem_alloc : memref<!tpu.dma_semaphore, #tpu.memory_space<semaphore_mem>>
        %dma_start3A = arith.constant 0 : i32
        %dma_start3A_132 = arith.constant 0 : i32
        %dma_start3A_133 = tpu.memref_slice %arg17[%dma_start3A, %dma_start3A_132] : memref<96x128xf32, #tpu.memory_space<vmem>> -> memref<80x128xf32, #tpu.memory_space<vmem>>
        %dma_start3A_134 = arith.constant 0 : i32
        %dma_start3A_135 = tpu.memref_slice %arg18[%mul3A_128, %dma_start3A_134] : memref<10000x128xf32, #tpu.memory_space<vmem_shared>> -> memref<80x128xf32, #tpu.memory_space<vmem_shared>>
        %dma_start3A_136 = arith.constant 0 : i32
        %dma_start3A_137 = arith.constant 0 : i32
        %dma_start3A_138 = tpu.memref_slice %arg17[%dma_start3A_136, %dma_start3A_137] : memref<96x128xf32, #tpu.memory_space<vmem>> -> memref<80x128xf32, #tpu.memory_space<vmem>>
        %dma_start3A_139 = arith.constant 0 : i32
        %dma_start3A_140 = tpu.memref_slice %arg18[%mul3A_128, %dma_start3A_139] : memref<10000x128xf32, #tpu.memory_space<vmem_shared>> -> memref<80x128xf32, #tpu.memory_space<vmem_shared>>
        tpu.enqueue_dma source(%dma_start3A_140 : memref<80x128xf32, #tpu.memory_space<vmem_shared>>) target(%dma_start3A_138 : memref<80x128xf32, #tpu.memory_space<vmem>>) target_semaphore(%run_scoped3A : memref<!tpu.dma_semaphore, #tpu.memory_space<semaphore_mem>>)
        %dma_wait3A = arith.constant 0 : i32
        %dma_wait3A_141 = arith.constant 0 : i32
        %dma_wait3A_142 = tpu.memref_slice %arg17[%dma_wait3A, %dma_wait3A_141] : memref<96x128xf32, #tpu.memory_space<vmem>> -> memref<80x128xf32, #tpu.memory_space<vmem>>
        %dma_wait3A_143 = arith.constant 0 : i32
        %dma_wait3A_144 = tpu.memref_slice %arg18[%mul3A_128, %dma_wait3A_143] : memref<10000x128xf32, #tpu.memory_space<vmem_shared>> -> memref<80x128xf32, #tpu.memory_space<vmem_shared>>
        %dma_wait3A_145 = arith.constant 0 : i32
        %dma_wait3A_146 = arith.constant 0 : i32
        %dma_wait3A_147 = tpu.memref_slice %arg17[%dma_wait3A_145, %dma_wait3A_146] : memref<96x128xf32, #tpu.memory_space<vmem>> -> memref<80x128xf32, #tpu.memory_space<vmem>>
        %dma_wait3A_148 = arith.constant 0 : i32
        %dma_wait3A_149 = tpu.memref_slice %arg18[%mul3A_128, %dma_wait3A_148] : memref<10000x128xf32, #tpu.memory_space<vmem_shared>> -> memref<80x128xf32, #tpu.memory_space<vmem_shared>>
        tpu.wait_dma2 semaphore(%run_scoped3A : memref<!tpu.dma_semaphore, #tpu.memory_space<semaphore_mem>>) src(%dma_wait3A_149 : memref<80x128xf32, #tpu.memory_space<vmem_shared>>) dst(%dma_wait3A_147 : memref<80x128xf32, #tpu.memory_space<vmem>>)
        tpu.yield
      }) : () -> ()
      %mul3A_129 = arith.constant 80 : i32
      %mul3A_130 = arith.muli %add3A_79, %mul3A_129 : i32
      %add3A_131 = arith.addi %mul3A_0, %mul3A_130 : i32
      "tpu.region"() ({
        %run_scoped3A = tpu.sem_alloc : memref<!tpu.dma_semaphore, #tpu.memory_space<semaphore_mem>>
        %dma_start3A = arith.constant 0 : i32
        %dma_start3A_132 = arith.constant 0 : i32
        %dma_start3A_133 = tpu.memref_slice %arg17[%dma_start3A, %dma_start3A_132] : memref<96x128xf32, #tpu.memory_space<vmem>> -> memref<80x128xf32, #tpu.memory_space<vmem>>
        %dma_start3A_134 = arith.constant 0 : i32
        %dma_start3A_135 = tpu.memref_slice %arg9[%add3A_131, %dma_start3A_134] : memref<20000x128xf32, #tpu.memory_space<hbm>> -> memref<80x128xf32, #tpu.memory_space<hbm>>
        %dma_start3A_136 = arith.constant 0 : i32
        %dma_start3A_137 = tpu.memref_slice %arg9[%add3A_131, %dma_start3A_136] : memref<20000x128xf32, #tpu.memory_space<hbm>> -> memref<80x128xf32, #tpu.memory_space<hbm>>
        %dma_start3A_138 = arith.constant 0 : i32
        %dma_start3A_139 = arith.constant 0 : i32
        %dma_start3A_140 = tpu.memref_slice %arg17[%dma_start3A_138, %dma_start3A_139] : memref<96x128xf32, #tpu.memory_space<vmem>> -> memref<80x128xf32, #tpu.memory_space<vmem>>
        tpu.enqueue_dma source(%dma_start3A_140 : memref<80x128xf32, #tpu.memory_space<vmem>>) target(%dma_start3A_137 : memref<80x128xf32, #tpu.memory_space<hbm>>) target_semaphore(%run_scoped3A : memref<!tpu.dma_semaphore, #tpu.memory_space<semaphore_mem>>)
        %dma_wait3A = arith.constant 0 : i32
        %dma_wait3A_141 = arith.constant 0 : i32
        %dma_wait3A_142 = tpu.memref_slice %arg17[%dma_wait3A, %dma_wait3A_141] : memref<96x128xf32, #tpu.memory_space<vmem>> -> memref<80x128xf32, #tpu.memory_space<vmem>>
        %dma_wait3A_143 = arith.constant 0 : i32
        %dma_wait3A_144 = tpu.memref_slice %arg9[%add3A_131, %dma_wait3A_143] : memref<20000x128xf32, #tpu.memory_space<hbm>> -> memref<80x128xf32, #tpu.memory_space<hbm>>
        %dma_wait3A_145 = arith.constant 0 : i32
        %dma_wait3A_146 = tpu.memref_slice %arg9[%add3A_131, %dma_wait3A_145] : memref<20000x128xf32, #tpu.memory_space<hbm>> -> memref<80x128xf32, #tpu.memory_space<hbm>>
        %dma_wait3A_147 = arith.constant 0 : i32
        %dma_wait3A_148 = arith.constant 0 : i32
        %dma_wait3A_149 = tpu.memref_slice %arg17[%dma_wait3A_147, %dma_wait3A_148] : memref<96x128xf32, #tpu.memory_space<vmem>> -> memref<80x128xf32, #tpu.memory_space<vmem>>
        tpu.wait_dma2 semaphore(%run_scoped3A : memref<!tpu.dma_semaphore, #tpu.memory_space<semaphore_mem>>) src(%dma_wait3A_149 : memref<80x128xf32, #tpu.memory_space<vmem>>) dst(%dma_wait3A_146 : memref<80x128xf32, #tpu.memory_space<hbm>>)
        tpu.yield
      }) : () -> ()
    } else {
    }
    %add3A_85 = arith.constant 32 : i32
    %add3A_86 = arith.addi %arg1, %add3A_85 : i32
    %lt3A_87 = arith.constant 125 : i32
    %lt3A_88 = arith.cmpi slt, %add3A_86, %lt3A_87 : i32
    %convert_element_type3A_89 = arith.extui %lt3A_88 : i1 to i32
    %cond3A_90 = arith.constant 0 : i32
    %cond3A_91 = arith.cmpi ne, %convert_element_type3A_89, %cond3A_90 : i32
    scf.if %cond3A_91 {
      %mul3A_127 = arith.constant 80 : i32
      %mul3A_128 = arith.muli %add3A_86, %mul3A_127 : i32
      "tpu.region"() ({
        %run_scoped3A = tpu.sem_alloc : memref<!tpu.dma_semaphore, #tpu.memory_space<semaphore_mem>>
        %dma_start3A = arith.constant 0 : i32
        %dma_start3A_132 = arith.constant 0 : i32
        %dma_start3A_133 = tpu.memref_slice %arg17[%dma_start3A, %dma_start3A_132] : memref<96x128xf32, #tpu.memory_space<vmem>> -> memref<80x128xf32, #tpu.memory_space<vmem>>
        %dma_start3A_134 = arith.constant 0 : i32
        %dma_start3A_135 = tpu.memref_slice %arg18[%mul3A_128, %dma_start3A_134] : memref<10000x128xf32, #tpu.memory_space<vmem_shared>> -> memref<80x128xf32, #tpu.memory_space<vmem_shared>>
        %dma_start3A_136 = arith.constant 0 : i32
        %dma_start3A_137 = arith.constant 0 : i32
        %dma_start3A_138 = tpu.memref_slice %arg17[%dma_start3A_136, %dma_start3A_137] : memref<96x128xf32, #tpu.memory_space<vmem>> -> memref<80x128xf32, #tpu.memory_space<vmem>>
        %dma_start3A_139 = arith.constant 0 : i32
        %dma_start3A_140 = tpu.memref_slice %arg18[%mul3A_128, %dma_start3A_139] : memref<10000x128xf32, #tpu.memory_space<vmem_shared>> -> memref<80x128xf32, #tpu.memory_space<vmem_shared>>
        tpu.enqueue_dma source(%dma_start3A_140 : memref<80x128xf32, #tpu.memory_space<vmem_shared>>) target(%dma_start3A_138 : memref<80x128xf32, #tpu.memory_space<vmem>>) target_semaphore(%run_scoped3A : memref<!tpu.dma_semaphore, #tpu.memory_space<semaphore_mem>>)
        %dma_wait3A = arith.constant 0 : i32
        %dma_wait3A_141 = arith.constant 0 : i32
        %dma_wait3A_142 = tpu.memref_slice %arg17[%dma_wait3A, %dma_wait3A_141] : memref<96x128xf32, #tpu.memory_space<vmem>> -> memref<80x128xf32, #tpu.memory_space<vmem>>
        %dma_wait3A_143 = arith.constant 0 : i32
        %dma_wait3A_144 = tpu.memref_slice %arg18[%mul3A_128, %dma_wait3A_143] : memref<10000x128xf32, #tpu.memory_space<vmem_shared>> -> memref<80x128xf32, #tpu.memory_space<vmem_shared>>
        %dma_wait3A_145 = arith.constant 0 : i32
        %dma_wait3A_146 = arith.constant 0 : i32
        %dma_wait3A_147 = tpu.memref_slice %arg17[%dma_wait3A_145, %dma_wait3A_146] : memref<96x128xf32, #tpu.memory_space<vmem>> -> memref<80x128xf32, #tpu.memory_space<vmem>>
        %dma_wait3A_148 = arith.constant 0 : i32
        %dma_wait3A_149 = tpu.memref_slice %arg18[%mul3A_128, %dma_wait3A_148] : memref<10000x128xf32, #tpu.memory_space<vmem_shared>> -> memref<80x128xf32, #tpu.memory_space<vmem_shared>>
        tpu.wait_dma2 semaphore(%run_scoped3A : memref<!tpu.dma_semaphore, #tpu.memory_space<semaphore_mem>>) src(%dma_wait3A_149 : memref<80x128xf32, #tpu.memory_space<vmem_shared>>) dst(%dma_wait3A_147 : memref<80x128xf32, #tpu.memory_space<vmem>>)
        tpu.yield
      }) : () -> ()
      %mul3A_129 = arith.constant 80 : i32
      %mul3A_130 = arith.muli %add3A_86, %mul3A_129 : i32
      %add3A_131 = arith.addi %mul3A_0, %mul3A_130 : i32
      "tpu.region"() ({
        %run_scoped3A = tpu.sem_alloc : memref<!tpu.dma_semaphore, #tpu.memory_space<semaphore_mem>>
        %dma_start3A = arith.constant 0 : i32
        %dma_start3A_132 = arith.constant 0 : i32
        %dma_start3A_133 = tpu.memref_slice %arg17[%dma_start3A, %dma_start3A_132] : memref<96x128xf32, #tpu.memory_space<vmem>> -> memref<80x128xf32, #tpu.memory_space<vmem>>
        %dma_start3A_134 = arith.constant 0 : i32
        %dma_start3A_135 = tpu.memref_slice %arg9[%add3A_131, %dma_start3A_134] : memref<20000x128xf32, #tpu.memory_space<hbm>> -> memref<80x128xf32, #tpu.memory_space<hbm>>
        %dma_start3A_136 = arith.constant 0 : i32
        %dma_start3A_137 = tpu.memref_slice %arg9[%add3A_131, %dma_start3A_136] : memref<20000x128xf32, #tpu.memory_space<hbm>> -> memref<80x128xf32, #tpu.memory_space<hbm>>
        %dma_start3A_138 = arith.constant 0 : i32
        %dma_start3A_139 = arith.constant 0 : i32
        %dma_start3A_140 = tpu.memref_slice %arg17[%dma_start3A_138, %dma_start3A_139] : memref<96x128xf32, #tpu.memory_space<vmem>> -> memref<80x128xf32, #tpu.memory_space<vmem>>
        tpu.enqueue_dma source(%dma_start3A_140 : memref<80x128xf32, #tpu.memory_space<vmem>>) target(%dma_start3A_137 : memref<80x128xf32, #tpu.memory_space<hbm>>) target_semaphore(%run_scoped3A : memref<!tpu.dma_semaphore, #tpu.memory_space<semaphore_mem>>)
        %dma_wait3A = arith.constant 0 : i32
        %dma_wait3A_141 = arith.constant 0 : i32
        %dma_wait3A_142 = tpu.memref_slice %arg17[%dma_wait3A, %dma_wait3A_141] : memref<96x128xf32, #tpu.memory_space<vmem>> -> memref<80x128xf32, #tpu.memory_space<vmem>>
        %dma_wait3A_143 = arith.constant 0 : i32
        %dma_wait3A_144 = tpu.memref_slice %arg9[%add3A_131, %dma_wait3A_143] : memref<20000x128xf32, #tpu.memory_space<hbm>> -> memref<80x128xf32, #tpu.memory_space<hbm>>
        %dma_wait3A_145 = arith.constant 0 : i32
        %dma_wait3A_146 = tpu.memref_slice %arg9[%add3A_131, %dma_wait3A_145] : memref<20000x128xf32, #tpu.memory_space<hbm>> -> memref<80x128xf32, #tpu.memory_space<hbm>>
        %dma_wait3A_147 = arith.constant 0 : i32
        %dma_wait3A_148 = arith.constant 0 : i32
        %dma_wait3A_149 = tpu.memref_slice %arg17[%dma_wait3A_147, %dma_wait3A_148] : memref<96x128xf32, #tpu.memory_space<vmem>> -> memref<80x128xf32, #tpu.memory_space<vmem>>
        tpu.wait_dma2 semaphore(%run_scoped3A : memref<!tpu.dma_semaphore, #tpu.memory_space<semaphore_mem>>) src(%dma_wait3A_149 : memref<80x128xf32, #tpu.memory_space<vmem>>) dst(%dma_wait3A_146 : memref<80x128xf32, #tpu.memory_space<hbm>>)
        tpu.yield
      }) : () -> ()
    } else {
    }
    %add3A_92 = arith.constant 48 : i32
    %add3A_93 = arith.addi %arg1, %add3A_92 : i32
    %lt3A_94 = arith.constant 125 : i32
    %lt3A_95 = arith.cmpi slt, %add3A_93, %lt3A_94 : i32
    %convert_element_type3A_96 = arith.extui %lt3A_95 : i1 to i32
    %cond3A_97 = arith.constant 0 : i32
    %cond3A_98 = arith.cmpi ne, %convert_element_type3A_96, %cond3A_97 : i32
    scf.if %cond3A_98 {
      %mul3A_127 = arith.constant 80 : i32
      %mul3A_128 = arith.muli %add3A_93, %mul3A_127 : i32
      "tpu.region"() ({
        %run_scoped3A = tpu.sem_alloc : memref<!tpu.dma_semaphore, #tpu.memory_space<semaphore_mem>>
        %dma_start3A = arith.constant 0 : i32
        %dma_start3A_132 = arith.constant 0 : i32
        %dma_start3A_133 = tpu.memref_slice %arg17[%dma_start3A, %dma_start3A_132] : memref<96x128xf32, #tpu.memory_space<vmem>> -> memref<80x128xf32, #tpu.memory_space<vmem>>
        %dma_start3A_134 = arith.constant 0 : i32
        %dma_start3A_135 = tpu.memref_slice %arg18[%mul3A_128, %dma_start3A_134] : memref<10000x128xf32, #tpu.memory_space<vmem_shared>> -> memref<80x128xf32, #tpu.memory_space<vmem_shared>>
        %dma_start3A_136 = arith.constant 0 : i32
        %dma_start3A_137 = arith.constant 0 : i32
        %dma_start3A_138 = tpu.memref_slice %arg17[%dma_start3A_136, %dma_start3A_137] : memref<96x128xf32, #tpu.memory_space<vmem>> -> memref<80x128xf32, #tpu.memory_space<vmem>>
        %dma_start3A_139 = arith.constant 0 : i32
        %dma_start3A_140 = tpu.memref_slice %arg18[%mul3A_128, %dma_start3A_139] : memref<10000x128xf32, #tpu.memory_space<vmem_shared>> -> memref<80x128xf32, #tpu.memory_space<vmem_shared>>
        tpu.enqueue_dma source(%dma_start3A_140 : memref<80x128xf32, #tpu.memory_space<vmem_shared>>) target(%dma_start3A_138 : memref<80x128xf32, #tpu.memory_space<vmem>>) target_semaphore(%run_scoped3A : memref<!tpu.dma_semaphore, #tpu.memory_space<semaphore_mem>>)
        %dma_wait3A = arith.constant 0 : i32
        %dma_wait3A_141 = arith.constant 0 : i32
        %dma_wait3A_142 = tpu.memref_slice %arg17[%dma_wait3A, %dma_wait3A_141] : memref<96x128xf32, #tpu.memory_space<vmem>> -> memref<80x128xf32, #tpu.memory_space<vmem>>
        %dma_wait3A_143 = arith.constant 0 : i32
        %dma_wait3A_144 = tpu.memref_slice %arg18[%mul3A_128, %dma_wait3A_143] : memref<10000x128xf32, #tpu.memory_space<vmem_shared>> -> memref<80x128xf32, #tpu.memory_space<vmem_shared>>
        %dma_wait3A_145 = arith.constant 0 : i32
        %dma_wait3A_146 = arith.constant 0 : i32
        %dma_wait3A_147 = tpu.memref_slice %arg17[%dma_wait3A_145, %dma_wait3A_146] : memref<96x128xf32, #tpu.memory_space<vmem>> -> memref<80x128xf32, #tpu.memory_space<vmem>>
        %dma_wait3A_148 = arith.constant 0 : i32
        %dma_wait3A_149 = tpu.memref_slice %arg18[%mul3A_128, %dma_wait3A_148] : memref<10000x128xf32, #tpu.memory_space<vmem_shared>> -> memref<80x128xf32, #tpu.memory_space<vmem_shared>>
        tpu.wait_dma2 semaphore(%run_scoped3A : memref<!tpu.dma_semaphore, #tpu.memory_space<semaphore_mem>>) src(%dma_wait3A_149 : memref<80x128xf32, #tpu.memory_space<vmem_shared>>) dst(%dma_wait3A_147 : memref<80x128xf32, #tpu.memory_space<vmem>>)
        tpu.yield
      }) : () -> ()
      %mul3A_129 = arith.constant 80 : i32
      %mul3A_130 = arith.muli %add3A_93, %mul3A_129 : i32
      %add3A_131 = arith.addi %mul3A_0, %mul3A_130 : i32
      "tpu.region"() ({
        %run_scoped3A = tpu.sem_alloc : memref<!tpu.dma_semaphore, #tpu.memory_space<semaphore_mem>>
        %dma_start3A = arith.constant 0 : i32
        %dma_start3A_132 = arith.constant 0 : i32
        %dma_start3A_133 = tpu.memref_slice %arg17[%dma_start3A, %dma_start3A_132] : memref<96x128xf32, #tpu.memory_space<vmem>> -> memref<80x128xf32, #tpu.memory_space<vmem>>
        %dma_start3A_134 = arith.constant 0 : i32
        %dma_start3A_135 = tpu.memref_slice %arg9[%add3A_131, %dma_start3A_134] : memref<20000x128xf32, #tpu.memory_space<hbm>> -> memref<80x128xf32, #tpu.memory_space<hbm>>
        %dma_start3A_136 = arith.constant 0 : i32
        %dma_start3A_137 = tpu.memref_slice %arg9[%add3A_131, %dma_start3A_136] : memref<20000x128xf32, #tpu.memory_space<hbm>> -> memref<80x128xf32, #tpu.memory_space<hbm>>
        %dma_start3A_138 = arith.constant 0 : i32
        %dma_start3A_139 = arith.constant 0 : i32
        %dma_start3A_140 = tpu.memref_slice %arg17[%dma_start3A_138, %dma_start3A_139] : memref<96x128xf32, #tpu.memory_space<vmem>> -> memref<80x128xf32, #tpu.memory_space<vmem>>
        tpu.enqueue_dma source(%dma_start3A_140 : memref<80x128xf32, #tpu.memory_space<vmem>>) target(%dma_start3A_137 : memref<80x128xf32, #tpu.memory_space<hbm>>) target_semaphore(%run_scoped3A : memref<!tpu.dma_semaphore, #tpu.memory_space<semaphore_mem>>)
        %dma_wait3A = arith.constant 0 : i32
        %dma_wait3A_141 = arith.constant 0 : i32
        %dma_wait3A_142 = tpu.memref_slice %arg17[%dma_wait3A, %dma_wait3A_141] : memref<96x128xf32, #tpu.memory_space<vmem>> -> memref<80x128xf32, #tpu.memory_space<vmem>>
        %dma_wait3A_143 = arith.constant 0 : i32
        %dma_wait3A_144 = tpu.memref_slice %arg9[%add3A_131, %dma_wait3A_143] : memref<20000x128xf32, #tpu.memory_space<hbm>> -> memref<80x128xf32, #tpu.memory_space<hbm>>
        %dma_wait3A_145 = arith.constant 0 : i32
        %dma_wait3A_146 = tpu.memref_slice %arg9[%add3A_131, %dma_wait3A_145] : memref<20000x128xf32, #tpu.memory_space<hbm>> -> memref<80x128xf32, #tpu.memory_space<hbm>>
        %dma_wait3A_147 = arith.constant 0 : i32
        %dma_wait3A_148 = arith.constant 0 : i32
        %dma_wait3A_149 = tpu.memref_slice %arg17[%dma_wait3A_147, %dma_wait3A_148] : memref<96x128xf32, #tpu.memory_space<vmem>> -> memref<80x128xf32, #tpu.memory_space<vmem>>
        tpu.wait_dma2 semaphore(%run_scoped3A : memref<!tpu.dma_semaphore, #tpu.memory_space<semaphore_mem>>) src(%dma_wait3A_149 : memref<80x128xf32, #tpu.memory_space<vmem>>) dst(%dma_wait3A_146 : memref<80x128xf32, #tpu.memory_space<hbm>>)
        tpu.yield
      }) : () -> ()
    } else {
    }
    %add3A_99 = arith.constant 64 : i32
    %add3A_100 = arith.addi %arg1, %add3A_99 : i32
    %lt3A_101 = arith.constant 125 : i32
    %lt3A_102 = arith.cmpi slt, %add3A_100, %lt3A_101 : i32
    %convert_element_type3A_103 = arith.extui %lt3A_102 : i1 to i32
    %cond3A_104 = arith.constant 0 : i32
    %cond3A_105 = arith.cmpi ne, %convert_element_type3A_103, %cond3A_104 : i32
    scf.if %cond3A_105 {
      %mul3A_127 = arith.constant 80 : i32
      %mul3A_128 = arith.muli %add3A_100, %mul3A_127 : i32
      "tpu.region"() ({
        %run_scoped3A = tpu.sem_alloc : memref<!tpu.dma_semaphore, #tpu.memory_space<semaphore_mem>>
        %dma_start3A = arith.constant 0 : i32
        %dma_start3A_132 = arith.constant 0 : i32
        %dma_start3A_133 = tpu.memref_slice %arg17[%dma_start3A, %dma_start3A_132] : memref<96x128xf32, #tpu.memory_space<vmem>> -> memref<80x128xf32, #tpu.memory_space<vmem>>
        %dma_start3A_134 = arith.constant 0 : i32
        %dma_start3A_135 = tpu.memref_slice %arg18[%mul3A_128, %dma_start3A_134] : memref<10000x128xf32, #tpu.memory_space<vmem_shared>> -> memref<80x128xf32, #tpu.memory_space<vmem_shared>>
        %dma_start3A_136 = arith.constant 0 : i32
        %dma_start3A_137 = arith.constant 0 : i32
        %dma_start3A_138 = tpu.memref_slice %arg17[%dma_start3A_136, %dma_start3A_137] : memref<96x128xf32, #tpu.memory_space<vmem>> -> memref<80x128xf32, #tpu.memory_space<vmem>>
        %dma_start3A_139 = arith.constant 0 : i32
        %dma_start3A_140 = tpu.memref_slice %arg18[%mul3A_128, %dma_start3A_139] : memref<10000x128xf32, #tpu.memory_space<vmem_shared>> -> memref<80x128xf32, #tpu.memory_space<vmem_shared>>
        tpu.enqueue_dma source(%dma_start3A_140 : memref<80x128xf32, #tpu.memory_space<vmem_shared>>) target(%dma_start3A_138 : memref<80x128xf32, #tpu.memory_space<vmem>>) target_semaphore(%run_scoped3A : memref<!tpu.dma_semaphore, #tpu.memory_space<semaphore_mem>>)
        %dma_wait3A = arith.constant 0 : i32
        %dma_wait3A_141 = arith.constant 0 : i32
        %dma_wait3A_142 = tpu.memref_slice %arg17[%dma_wait3A, %dma_wait3A_141] : memref<96x128xf32, #tpu.memory_space<vmem>> -> memref<80x128xf32, #tpu.memory_space<vmem>>
        %dma_wait3A_143 = arith.constant 0 : i32
        %dma_wait3A_144 = tpu.memref_slice %arg18[%mul3A_128, %dma_wait3A_143] : memref<10000x128xf32, #tpu.memory_space<vmem_shared>> -> memref<80x128xf32, #tpu.memory_space<vmem_shared>>
        %dma_wait3A_145 = arith.constant 0 : i32
        %dma_wait3A_146 = arith.constant 0 : i32
        %dma_wait3A_147 = tpu.memref_slice %arg17[%dma_wait3A_145, %dma_wait3A_146] : memref<96x128xf32, #tpu.memory_space<vmem>> -> memref<80x128xf32, #tpu.memory_space<vmem>>
        %dma_wait3A_148 = arith.constant 0 : i32
        %dma_wait3A_149 = tpu.memref_slice %arg18[%mul3A_128, %dma_wait3A_148] : memref<10000x128xf32, #tpu.memory_space<vmem_shared>> -> memref<80x128xf32, #tpu.memory_space<vmem_shared>>
        tpu.wait_dma2 semaphore(%run_scoped3A : memref<!tpu.dma_semaphore, #tpu.memory_space<semaphore_mem>>) src(%dma_wait3A_149 : memref<80x128xf32, #tpu.memory_space<vmem_shared>>) dst(%dma_wait3A_147 : memref<80x128xf32, #tpu.memory_space<vmem>>)
        tpu.yield
      }) : () -> ()
      %mul3A_129 = arith.constant 80 : i32
      %mul3A_130 = arith.muli %add3A_100, %mul3A_129 : i32
      %add3A_131 = arith.addi %mul3A_0, %mul3A_130 : i32
      "tpu.region"() ({
        %run_scoped3A = tpu.sem_alloc : memref<!tpu.dma_semaphore, #tpu.memory_space<semaphore_mem>>
        %dma_start3A = arith.constant 0 : i32
        %dma_start3A_132 = arith.constant 0 : i32
        %dma_start3A_133 = tpu.memref_slice %arg17[%dma_start3A, %dma_start3A_132] : memref<96x128xf32, #tpu.memory_space<vmem>> -> memref<80x128xf32, #tpu.memory_space<vmem>>
        %dma_start3A_134 = arith.constant 0 : i32
        %dma_start3A_135 = tpu.memref_slice %arg9[%add3A_131, %dma_start3A_134] : memref<20000x128xf32, #tpu.memory_space<hbm>> -> memref<80x128xf32, #tpu.memory_space<hbm>>
        %dma_start3A_136 = arith.constant 0 : i32
        %dma_start3A_137 = tpu.memref_slice %arg9[%add3A_131, %dma_start3A_136] : memref<20000x128xf32, #tpu.memory_space<hbm>> -> memref<80x128xf32, #tpu.memory_space<hbm>>
        %dma_start3A_138 = arith.constant 0 : i32
        %dma_start3A_139 = arith.constant 0 : i32
        %dma_start3A_140 = tpu.memref_slice %arg17[%dma_start3A_138, %dma_start3A_139] : memref<96x128xf32, #tpu.memory_space<vmem>> -> memref<80x128xf32, #tpu.memory_space<vmem>>
        tpu.enqueue_dma source(%dma_start3A_140 : memref<80x128xf32, #tpu.memory_space<vmem>>) target(%dma_start3A_137 : memref<80x128xf32, #tpu.memory_space<hbm>>) target_semaphore(%run_scoped3A : memref<!tpu.dma_semaphore, #tpu.memory_space<semaphore_mem>>)
        %dma_wait3A = arith.constant 0 : i32
        %dma_wait3A_141 = arith.constant 0 : i32
        %dma_wait3A_142 = tpu.memref_slice %arg17[%dma_wait3A, %dma_wait3A_141] : memref<96x128xf32, #tpu.memory_space<vmem>> -> memref<80x128xf32, #tpu.memory_space<vmem>>
        %dma_wait3A_143 = arith.constant 0 : i32
        %dma_wait3A_144 = tpu.memref_slice %arg9[%add3A_131, %dma_wait3A_143] : memref<20000x128xf32, #tpu.memory_space<hbm>> -> memref<80x128xf32, #tpu.memory_space<hbm>>
        %dma_wait3A_145 = arith.constant 0 : i32
        %dma_wait3A_146 = tpu.memref_slice %arg9[%add3A_131, %dma_wait3A_145] : memref<20000x128xf32, #tpu.memory_space<hbm>> -> memref<80x128xf32, #tpu.memory_space<hbm>>
        %dma_wait3A_147 = arith.constant 0 : i32
        %dma_wait3A_148 = arith.constant 0 : i32
        %dma_wait3A_149 = tpu.memref_slice %arg17[%dma_wait3A_147, %dma_wait3A_148] : memref<96x128xf32, #tpu.memory_space<vmem>> -> memref<80x128xf32, #tpu.memory_space<vmem>>
        tpu.wait_dma2 semaphore(%run_scoped3A : memref<!tpu.dma_semaphore, #tpu.memory_space<semaphore_mem>>) src(%dma_wait3A_149 : memref<80x128xf32, #tpu.memory_space<vmem>>) dst(%dma_wait3A_146 : memref<80x128xf32, #tpu.memory_space<hbm>>)
        tpu.yield
      }) : () -> ()
    } else {
    }
    %add3A_106 = arith.constant 80 : i32
    %add3A_107 = arith.addi %arg1, %add3A_106 : i32
    %lt3A_108 = arith.constant 125 : i32
    %lt3A_109 = arith.cmpi slt, %add3A_107, %lt3A_108 : i32
    %convert_element_type3A_110 = arith.extui %lt3A_109 : i1 to i32
    %cond3A_111 = arith.constant 0 : i32
    %cond3A_112 = arith.cmpi ne, %convert_element_type3A_110, %cond3A_111 : i32
    scf.if %cond3A_112 {
      %mul3A_127 = arith.constant 80 : i32
      %mul3A_128 = arith.muli %add3A_107, %mul3A_127 : i32
      "tpu.region"() ({
        %run_scoped3A = tpu.sem_alloc : memref<!tpu.dma_semaphore, #tpu.memory_space<semaphore_mem>>
        %dma_start3A = arith.constant 0 : i32
        %dma_start3A_132 = arith.constant 0 : i32
        %dma_start3A_133 = tpu.memref_slice %arg17[%dma_start3A, %dma_start3A_132] : memref<96x128xf32, #tpu.memory_space<vmem>> -> memref<80x128xf32, #tpu.memory_space<vmem>>
        %dma_start3A_134 = arith.constant 0 : i32
        %dma_start3A_135 = tpu.memref_slice %arg18[%mul3A_128, %dma_start3A_134] : memref<10000x128xf32, #tpu.memory_space<vmem_shared>> -> memref<80x128xf32, #tpu.memory_space<vmem_shared>>
        %dma_start3A_136 = arith.constant 0 : i32
        %dma_start3A_137 = arith.constant 0 : i32
        %dma_start3A_138 = tpu.memref_slice %arg17[%dma_start3A_136, %dma_start3A_137] : memref<96x128xf32, #tpu.memory_space<vmem>> -> memref<80x128xf32, #tpu.memory_space<vmem>>
        %dma_start3A_139 = arith.constant 0 : i32
        %dma_start3A_140 = tpu.memref_slice %arg18[%mul3A_128, %dma_start3A_139] : memref<10000x128xf32, #tpu.memory_space<vmem_shared>> -> memref<80x128xf32, #tpu.memory_space<vmem_shared>>
        tpu.enqueue_dma source(%dma_start3A_140 : memref<80x128xf32, #tpu.memory_space<vmem_shared>>) target(%dma_start3A_138 : memref<80x128xf32, #tpu.memory_space<vmem>>) target_semaphore(%run_scoped3A : memref<!tpu.dma_semaphore, #tpu.memory_space<semaphore_mem>>)
        %dma_wait3A = arith.constant 0 : i32
        %dma_wait3A_141 = arith.constant 0 : i32
        %dma_wait3A_142 = tpu.memref_slice %arg17[%dma_wait3A, %dma_wait3A_141] : memref<96x128xf32, #tpu.memory_space<vmem>> -> memref<80x128xf32, #tpu.memory_space<vmem>>
        %dma_wait3A_143 = arith.constant 0 : i32
        %dma_wait3A_144 = tpu.memref_slice %arg18[%mul3A_128, %dma_wait3A_143] : memref<10000x128xf32, #tpu.memory_space<vmem_shared>> -> memref<80x128xf32, #tpu.memory_space<vmem_shared>>
        %dma_wait3A_145 = arith.constant 0 : i32
        %dma_wait3A_146 = arith.constant 0 : i32
        %dma_wait3A_147 = tpu.memref_slice %arg17[%dma_wait3A_145, %dma_wait3A_146] : memref<96x128xf32, #tpu.memory_space<vmem>> -> memref<80x128xf32, #tpu.memory_space<vmem>>
        %dma_wait3A_148 = arith.constant 0 : i32
        %dma_wait3A_149 = tpu.memref_slice %arg18[%mul3A_128, %dma_wait3A_148] : memref<10000x128xf32, #tpu.memory_space<vmem_shared>> -> memref<80x128xf32, #tpu.memory_space<vmem_shared>>
        tpu.wait_dma2 semaphore(%run_scoped3A : memref<!tpu.dma_semaphore, #tpu.memory_space<semaphore_mem>>) src(%dma_wait3A_149 : memref<80x128xf32, #tpu.memory_space<vmem_shared>>) dst(%dma_wait3A_147 : memref<80x128xf32, #tpu.memory_space<vmem>>)
        tpu.yield
      }) : () -> ()
      %mul3A_129 = arith.constant 80 : i32
      %mul3A_130 = arith.muli %add3A_107, %mul3A_129 : i32
      %add3A_131 = arith.addi %mul3A_0, %mul3A_130 : i32
      "tpu.region"() ({
        %run_scoped3A = tpu.sem_alloc : memref<!tpu.dma_semaphore, #tpu.memory_space<semaphore_mem>>
        %dma_start3A = arith.constant 0 : i32
        %dma_start3A_132 = arith.constant 0 : i32
        %dma_start3A_133 = tpu.memref_slice %arg17[%dma_start3A, %dma_start3A_132] : memref<96x128xf32, #tpu.memory_space<vmem>> -> memref<80x128xf32, #tpu.memory_space<vmem>>
        %dma_start3A_134 = arith.constant 0 : i32
        %dma_start3A_135 = tpu.memref_slice %arg9[%add3A_131, %dma_start3A_134] : memref<20000x128xf32, #tpu.memory_space<hbm>> -> memref<80x128xf32, #tpu.memory_space<hbm>>
        %dma_start3A_136 = arith.constant 0 : i32
        %dma_start3A_137 = tpu.memref_slice %arg9[%add3A_131, %dma_start3A_136] : memref<20000x128xf32, #tpu.memory_space<hbm>> -> memref<80x128xf32, #tpu.memory_space<hbm>>
        %dma_start3A_138 = arith.constant 0 : i32
        %dma_start3A_139 = arith.constant 0 : i32
        %dma_start3A_140 = tpu.memref_slice %arg17[%dma_start3A_138, %dma_start3A_139] : memref<96x128xf32, #tpu.memory_space<vmem>> -> memref<80x128xf32, #tpu.memory_space<vmem>>
        tpu.enqueue_dma source(%dma_start3A_140 : memref<80x128xf32, #tpu.memory_space<vmem>>) target(%dma_start3A_137 : memref<80x128xf32, #tpu.memory_space<hbm>>) target_semaphore(%run_scoped3A : memref<!tpu.dma_semaphore, #tpu.memory_space<semaphore_mem>>)
        %dma_wait3A = arith.constant 0 : i32
        %dma_wait3A_141 = arith.constant 0 : i32
        %dma_wait3A_142 = tpu.memref_slice %arg17[%dma_wait3A, %dma_wait3A_141] : memref<96x128xf32, #tpu.memory_space<vmem>> -> memref<80x128xf32, #tpu.memory_space<vmem>>
        %dma_wait3A_143 = arith.constant 0 : i32
        %dma_wait3A_144 = tpu.memref_slice %arg9[%add3A_131, %dma_wait3A_143] : memref<20000x128xf32, #tpu.memory_space<hbm>> -> memref<80x128xf32, #tpu.memory_space<hbm>>
        %dma_wait3A_145 = arith.constant 0 : i32
        %dma_wait3A_146 = tpu.memref_slice %arg9[%add3A_131, %dma_wait3A_145] : memref<20000x128xf32, #tpu.memory_space<hbm>> -> memref<80x128xf32, #tpu.memory_space<hbm>>
        %dma_wait3A_147 = arith.constant 0 : i32
        %dma_wait3A_148 = arith.constant 0 : i32
        %dma_wait3A_149 = tpu.memref_slice %arg17[%dma_wait3A_147, %dma_wait3A_148] : memref<96x128xf32, #tpu.memory_space<vmem>> -> memref<80x128xf32, #tpu.memory_space<vmem>>
        tpu.wait_dma2 semaphore(%run_scoped3A : memref<!tpu.dma_semaphore, #tpu.memory_space<semaphore_mem>>) src(%dma_wait3A_149 : memref<80x128xf32, #tpu.memory_space<vmem>>) dst(%dma_wait3A_146 : memref<80x128xf32, #tpu.memory_space<hbm>>)
        tpu.yield
      }) : () -> ()
    } else {
    }
    %add3A_113 = arith.constant 96 : i32
    %add3A_114 = arith.addi %arg1, %add3A_113 : i32
    %lt3A_115 = arith.constant 125 : i32
    %lt3A_116 = arith.cmpi slt, %add3A_114, %lt3A_115 : i32
    %convert_element_type3A_117 = arith.extui %lt3A_116 : i1 to i32
    %cond3A_118 = arith.constant 0 : i32
    %cond3A_119 = arith.cmpi ne, %convert_element_type3A_117, %cond3A_118 : i32
    scf.if %cond3A_119 {
      %mul3A_127 = arith.constant 80 : i32
      %mul3A_128 = arith.muli %add3A_114, %mul3A_127 : i32
      "tpu.region"() ({
        %run_scoped3A = tpu.sem_alloc : memref<!tpu.dma_semaphore, #tpu.memory_space<semaphore_mem>>
        %dma_start3A = arith.constant 0 : i32
        %dma_start3A_132 = arith.constant 0 : i32
        %dma_start3A_133 = tpu.memref_slice %arg17[%dma_start3A, %dma_start3A_132] : memref<96x128xf32, #tpu.memory_space<vmem>> -> memref<80x128xf32, #tpu.memory_space<vmem>>
        %dma_start3A_134 = arith.constant 0 : i32
        %dma_start3A_135 = tpu.memref_slice %arg18[%mul3A_128, %dma_start3A_134] : memref<10000x128xf32, #tpu.memory_space<vmem_shared>> -> memref<80x128xf32, #tpu.memory_space<vmem_shared>>
        %dma_start3A_136 = arith.constant 0 : i32
        %dma_start3A_137 = arith.constant 0 : i32
        %dma_start3A_138 = tpu.memref_slice %arg17[%dma_start3A_136, %dma_start3A_137] : memref<96x128xf32, #tpu.memory_space<vmem>> -> memref<80x128xf32, #tpu.memory_space<vmem>>
        %dma_start3A_139 = arith.constant 0 : i32
        %dma_start3A_140 = tpu.memref_slice %arg18[%mul3A_128, %dma_start3A_139] : memref<10000x128xf32, #tpu.memory_space<vmem_shared>> -> memref<80x128xf32, #tpu.memory_space<vmem_shared>>
        tpu.enqueue_dma source(%dma_start3A_140 : memref<80x128xf32, #tpu.memory_space<vmem_shared>>) target(%dma_start3A_138 : memref<80x128xf32, #tpu.memory_space<vmem>>) target_semaphore(%run_scoped3A : memref<!tpu.dma_semaphore, #tpu.memory_space<semaphore_mem>>)
        %dma_wait3A = arith.constant 0 : i32
        %dma_wait3A_141 = arith.constant 0 : i32
        %dma_wait3A_142 = tpu.memref_slice %arg17[%dma_wait3A, %dma_wait3A_141] : memref<96x128xf32, #tpu.memory_space<vmem>> -> memref<80x128xf32, #tpu.memory_space<vmem>>
        %dma_wait3A_143 = arith.constant 0 : i32
        %dma_wait3A_144 = tpu.memref_slice %arg18[%mul3A_128, %dma_wait3A_143] : memref<10000x128xf32, #tpu.memory_space<vmem_shared>> -> memref<80x128xf32, #tpu.memory_space<vmem_shared>>
        %dma_wait3A_145 = arith.constant 0 : i32
        %dma_wait3A_146 = arith.constant 0 : i32
        %dma_wait3A_147 = tpu.memref_slice %arg17[%dma_wait3A_145, %dma_wait3A_146] : memref<96x128xf32, #tpu.memory_space<vmem>> -> memref<80x128xf32, #tpu.memory_space<vmem>>
        %dma_wait3A_148 = arith.constant 0 : i32
        %dma_wait3A_149 = tpu.memref_slice %arg18[%mul3A_128, %dma_wait3A_148] : memref<10000x128xf32, #tpu.memory_space<vmem_shared>> -> memref<80x128xf32, #tpu.memory_space<vmem_shared>>
        tpu.wait_dma2 semaphore(%run_scoped3A : memref<!tpu.dma_semaphore, #tpu.memory_space<semaphore_mem>>) src(%dma_wait3A_149 : memref<80x128xf32, #tpu.memory_space<vmem_shared>>) dst(%dma_wait3A_147 : memref<80x128xf32, #tpu.memory_space<vmem>>)
        tpu.yield
      }) : () -> ()
      %mul3A_129 = arith.constant 80 : i32
      %mul3A_130 = arith.muli %add3A_114, %mul3A_129 : i32
      %add3A_131 = arith.addi %mul3A_0, %mul3A_130 : i32
      "tpu.region"() ({
        %run_scoped3A = tpu.sem_alloc : memref<!tpu.dma_semaphore, #tpu.memory_space<semaphore_mem>>
        %dma_start3A = arith.constant 0 : i32
        %dma_start3A_132 = arith.constant 0 : i32
        %dma_start3A_133 = tpu.memref_slice %arg17[%dma_start3A, %dma_start3A_132] : memref<96x128xf32, #tpu.memory_space<vmem>> -> memref<80x128xf32, #tpu.memory_space<vmem>>
        %dma_start3A_134 = arith.constant 0 : i32
        %dma_start3A_135 = tpu.memref_slice %arg9[%add3A_131, %dma_start3A_134] : memref<20000x128xf32, #tpu.memory_space<hbm>> -> memref<80x128xf32, #tpu.memory_space<hbm>>
        %dma_start3A_136 = arith.constant 0 : i32
        %dma_start3A_137 = tpu.memref_slice %arg9[%add3A_131, %dma_start3A_136] : memref<20000x128xf32, #tpu.memory_space<hbm>> -> memref<80x128xf32, #tpu.memory_space<hbm>>
        %dma_start3A_138 = arith.constant 0 : i32
        %dma_start3A_139 = arith.constant 0 : i32
        %dma_start3A_140 = tpu.memref_slice %arg17[%dma_start3A_138, %dma_start3A_139] : memref<96x128xf32, #tpu.memory_space<vmem>> -> memref<80x128xf32, #tpu.memory_space<vmem>>
        tpu.enqueue_dma source(%dma_start3A_140 : memref<80x128xf32, #tpu.memory_space<vmem>>) target(%dma_start3A_137 : memref<80x128xf32, #tpu.memory_space<hbm>>) target_semaphore(%run_scoped3A : memref<!tpu.dma_semaphore, #tpu.memory_space<semaphore_mem>>)
        %dma_wait3A = arith.constant 0 : i32
        %dma_wait3A_141 = arith.constant 0 : i32
        %dma_wait3A_142 = tpu.memref_slice %arg17[%dma_wait3A, %dma_wait3A_141] : memref<96x128xf32, #tpu.memory_space<vmem>> -> memref<80x128xf32, #tpu.memory_space<vmem>>
        %dma_wait3A_143 = arith.constant 0 : i32
        %dma_wait3A_144 = tpu.memref_slice %arg9[%add3A_131, %dma_wait3A_143] : memref<20000x128xf32, #tpu.memory_space<hbm>> -> memref<80x128xf32, #tpu.memory_space<hbm>>
        %dma_wait3A_145 = arith.constant 0 : i32
        %dma_wait3A_146 = tpu.memref_slice %arg9[%add3A_131, %dma_wait3A_145] : memref<20000x128xf32, #tpu.memory_space<hbm>> -> memref<80x128xf32, #tpu.memory_space<hbm>>
        %dma_wait3A_147 = arith.constant 0 : i32
        %dma_wait3A_148 = arith.constant 0 : i32
        %dma_wait3A_149 = tpu.memref_slice %arg17[%dma_wait3A_147, %dma_wait3A_148] : memref<96x128xf32, #tpu.memory_space<vmem>> -> memref<80x128xf32, #tpu.memory_space<vmem>>
        tpu.wait_dma2 semaphore(%run_scoped3A : memref<!tpu.dma_semaphore, #tpu.memory_space<semaphore_mem>>) src(%dma_wait3A_149 : memref<80x128xf32, #tpu.memory_space<vmem>>) dst(%dma_wait3A_146 : memref<80x128xf32, #tpu.memory_space<hbm>>)
        tpu.yield
      }) : () -> ()
    } else {
    }
    %add3A_120 = arith.constant 112 : i32
    %add3A_121 = arith.addi %arg1, %add3A_120 : i32
    %lt3A_122 = arith.constant 125 : i32
    %lt3A_123 = arith.cmpi slt, %add3A_121, %lt3A_122 : i32
    %convert_element_type3A_124 = arith.extui %lt3A_123 : i1 to i32
    %cond3A_125 = arith.constant 0 : i32
    %cond3A_126 = arith.cmpi ne, %convert_element_type3A_124, %cond3A_125 : i32
    scf.if %cond3A_126 {
      %mul3A_127 = arith.constant 80 : i32
      %mul3A_128 = arith.muli %add3A_121, %mul3A_127 : i32
      "tpu.region"() ({
        %run_scoped3A = tpu.sem_alloc : memref<!tpu.dma_semaphore, #tpu.memory_space<semaphore_mem>>
        %dma_start3A = arith.constant 0 : i32
        %dma_start3A_132 = arith.constant 0 : i32
        %dma_start3A_133 = tpu.memref_slice %arg17[%dma_start3A, %dma_start3A_132] : memref<96x128xf32, #tpu.memory_space<vmem>> -> memref<80x128xf32, #tpu.memory_space<vmem>>
        %dma_start3A_134 = arith.constant 0 : i32
        %dma_start3A_135 = tpu.memref_slice %arg18[%mul3A_128, %dma_start3A_134] : memref<10000x128xf32, #tpu.memory_space<vmem_shared>> -> memref<80x128xf32, #tpu.memory_space<vmem_shared>>
        %dma_start3A_136 = arith.constant 0 : i32
        %dma_start3A_137 = arith.constant 0 : i32
        %dma_start3A_138 = tpu.memref_slice %arg17[%dma_start3A_136, %dma_start3A_137] : memref<96x128xf32, #tpu.memory_space<vmem>> -> memref<80x128xf32, #tpu.memory_space<vmem>>
        %dma_start3A_139 = arith.constant 0 : i32
        %dma_start3A_140 = tpu.memref_slice %arg18[%mul3A_128, %dma_start3A_139] : memref<10000x128xf32, #tpu.memory_space<vmem_shared>> -> memref<80x128xf32, #tpu.memory_space<vmem_shared>>
        tpu.enqueue_dma source(%dma_start3A_140 : memref<80x128xf32, #tpu.memory_space<vmem_shared>>) target(%dma_start3A_138 : memref<80x128xf32, #tpu.memory_space<vmem>>) target_semaphore(%run_scoped3A : memref<!tpu.dma_semaphore, #tpu.memory_space<semaphore_mem>>)
        %dma_wait3A = arith.constant 0 : i32
        %dma_wait3A_141 = arith.constant 0 : i32
        %dma_wait3A_142 = tpu.memref_slice %arg17[%dma_wait3A, %dma_wait3A_141] : memref<96x128xf32, #tpu.memory_space<vmem>> -> memref<80x128xf32, #tpu.memory_space<vmem>>
        %dma_wait3A_143 = arith.constant 0 : i32
        %dma_wait3A_144 = tpu.memref_slice %arg18[%mul3A_128, %dma_wait3A_143] : memref<10000x128xf32, #tpu.memory_space<vmem_shared>> -> memref<80x128xf32, #tpu.memory_space<vmem_shared>>
        %dma_wait3A_145 = arith.constant 0 : i32
        %dma_wait3A_146 = arith.constant 0 : i32
        %dma_wait3A_147 = tpu.memref_slice %arg17[%dma_wait3A_145, %dma_wait3A_146] : memref<96x128xf32, #tpu.memory_space<vmem>> -> memref<80x128xf32, #tpu.memory_space<vmem>>
        %dma_wait3A_148 = arith.constant 0 : i32
        %dma_wait3A_149 = tpu.memref_slice %arg18[%mul3A_128, %dma_wait3A_148] : memref<10000x128xf32, #tpu.memory_space<vmem_shared>> -> memref<80x128xf32, #tpu.memory_space<vmem_shared>>
        tpu.wait_dma2 semaphore(%run_scoped3A : memref<!tpu.dma_semaphore, #tpu.memory_space<semaphore_mem>>) src(%dma_wait3A_149 : memref<80x128xf32, #tpu.memory_space<vmem_shared>>) dst(%dma_wait3A_147 : memref<80x128xf32, #tpu.memory_space<vmem>>)
        tpu.yield
      }) : () -> ()
      %mul3A_129 = arith.constant 80 : i32
      %mul3A_130 = arith.muli %add3A_121, %mul3A_129 : i32
      %add3A_131 = arith.addi %mul3A_0, %mul3A_130 : i32
      "tpu.region"() ({
        %run_scoped3A = tpu.sem_alloc : memref<!tpu.dma_semaphore, #tpu.memory_space<semaphore_mem>>
        %dma_start3A = arith.constant 0 : i32
        %dma_start3A_132 = arith.constant 0 : i32
        %dma_start3A_133 = tpu.memref_slice %arg17[%dma_start3A, %dma_start3A_132] : memref<96x128xf32, #tpu.memory_space<vmem>> -> memref<80x128xf32, #tpu.memory_space<vmem>>
        %dma_start3A_134 = arith.constant 0 : i32
        %dma_start3A_135 = tpu.memref_slice %arg9[%add3A_131, %dma_start3A_134] : memref<20000x128xf32, #tpu.memory_space<hbm>> -> memref<80x128xf32, #tpu.memory_space<hbm>>
        %dma_start3A_136 = arith.constant 0 : i32
        %dma_start3A_137 = tpu.memref_slice %arg9[%add3A_131, %dma_start3A_136] : memref<20000x128xf32, #tpu.memory_space<hbm>> -> memref<80x128xf32, #tpu.memory_space<hbm>>
        %dma_start3A_138 = arith.constant 0 : i32
        %dma_start3A_139 = arith.constant 0 : i32
        %dma_start3A_140 = tpu.memref_slice %arg17[%dma_start3A_138, %dma_start3A_139] : memref<96x128xf32, #tpu.memory_space<vmem>> -> memref<80x128xf32, #tpu.memory_space<vmem>>
        tpu.enqueue_dma source(%dma_start3A_140 : memref<80x128xf32, #tpu.memory_space<vmem>>) target(%dma_start3A_137 : memref<80x128xf32, #tpu.memory_space<hbm>>) target_semaphore(%run_scoped3A : memref<!tpu.dma_semaphore, #tpu.memory_space<semaphore_mem>>)
        %dma_wait3A = arith.constant 0 : i32
        %dma_wait3A_141 = arith.constant 0 : i32
        %dma_wait3A_142 = tpu.memref_slice %arg17[%dma_wait3A, %dma_wait3A_141] : memref<96x128xf32, #tpu.memory_space<vmem>> -> memref<80x128xf32, #tpu.memory_space<vmem>>
        %dma_wait3A_143 = arith.constant 0 : i32
        %dma_wait3A_144 = tpu.memref_slice %arg9[%add3A_131, %dma_wait3A_143] : memref<20000x128xf32, #tpu.memory_space<hbm>> -> memref<80x128xf32, #tpu.memory_space<hbm>>
        %dma_wait3A_145 = arith.constant 0 : i32
        %dma_wait3A_146 = tpu.memref_slice %arg9[%add3A_131, %dma_wait3A_145] : memref<20000x128xf32, #tpu.memory_space<hbm>> -> memref<80x128xf32, #tpu.memory_space<hbm>>
        %dma_wait3A_147 = arith.constant 0 : i32
        %dma_wait3A_148 = arith.constant 0 : i32
        %dma_wait3A_149 = tpu.memref_slice %arg17[%dma_wait3A_147, %dma_wait3A_148] : memref<96x128xf32, #tpu.memory_space<vmem>> -> memref<80x128xf32, #tpu.memory_space<vmem>>
        tpu.wait_dma2 semaphore(%run_scoped3A : memref<!tpu.dma_semaphore, #tpu.memory_space<semaphore_mem>>) src(%dma_wait3A_149 : memref<80x128xf32, #tpu.memory_space<vmem>>) dst(%dma_wait3A_146 : memref<80x128xf32, #tpu.memory_space<hbm>>)
        tpu.yield
      }) : () -> ()
    } else {
    }
    return
  }
}

module attributes {stable_mosaic.version = 14 : i64} {
  func.func @_proj_body(%arg0: i32, %arg1: memref<1000x128xf32, #tpu.memory_space<vmem>>, %arg2: memref<128x128xf32, #tpu.memory_space<vmem>>, %arg3: memref<128x8xf32, #tpu.memory_space<vmem>>, %arg4: memref<1000x128xf32, #tpu.memory_space<vmem>>, %arg5: memref<1000x8xf32, #tpu.memory_space<vmem>>) attributes {dimension_semantics = [#tpu.dimension_semantics<arbitrary>], iteration_bounds = array<i64: 20>, scalar_prefetch = 0 : i64, scratch_operands = 0 : i64, tpu.core_type = #tpu.core_type<tc>, window_params = [{transform_indices = @transform_0, window_bounds = array<i64: 1000, 128>}, {pipeline_mode = #tpu.pipeline_mode<synchronous>, transform_indices = @transform_1, window_bounds = array<i64: 128, 128>}, {pipeline_mode = #tpu.pipeline_mode<synchronous>, transform_indices = @transform_2, window_bounds = array<i64: 128, 8>}, {transform_indices = @transform_3, window_bounds = array<i64: 1000, 128>}, {transform_indices = @transform_4, window_bounds = array<i64: 1000, 8>}]} {
    %get3A = arith.constant 0 : index
    %get3A_0 = arith.constant 0 : index
    %get3A_1 = vector.load %arg1[%get3A, %get3A_0] : memref<1000x128xf32, #tpu.memory_space<vmem>>, vector<1000x128xf32>
    %get3A_2 = arith.constant 0 : index
    %get3A_3 = arith.constant 0 : index
    %get3A_4 = vector.load %arg2[%get3A_2, %get3A_3] : memref<128x128xf32, #tpu.memory_space<vmem>>, vector<128x128xf32>
    %dot_general3A = arith.constant dense<0.000000e+00> : vector<1000x128xf32>
    %dot_general3A_5 = tpu.matmul %get3A_1, %get3A_4, %dot_general3A {dimension_numbers = #tpu.dot_dimension_numbers<[1], [0], [0], [1], [0, 0, 1, 1], [], []>, transpose_lhs_hint = false} : vector<1000x128xf32>, vector<128x128xf32>, vector<1000x128xf32> -> vector<1000x128xf32>
    %swap3A = arith.constant 0 : index
    %swap3A_6 = arith.constant 0 : index
    %swap3A_7 = vector.load %arg4[%swap3A, %swap3A_6] : memref<1000x128xf32, #tpu.memory_space<vmem>>, vector<1000x128xf32>
    tpu.vector_store %arg4[%swap3A, %swap3A_6], %dot_general3A_5 {strides = array<i32>} : memref<1000x128xf32, #tpu.memory_space<vmem>>, vector<1000x128xf32>,
    %get3A_8 = arith.constant 0 : index
    %get3A_9 = arith.constant 0 : index
    %get3A_10 = vector.load %arg3[%get3A_8, %get3A_9] : memref<128x8xf32, #tpu.memory_space<vmem>>, vector<128x8xf32>
    %dot_general3A_11 = arith.constant dense<0.000000e+00> : vector<1000x8xf32>
    %dot_general3A_12 = tpu.matmul %get3A_1, %get3A_10, %dot_general3A_11 {dimension_numbers = #tpu.dot_dimension_numbers<[1], [0], [0], [1], [0, 0, 1, 1], [], []>, transpose_lhs_hint = false} : vector<1000x128xf32>, vector<128x8xf32>, vector<1000x8xf32> -> vector<1000x8xf32>
    %swap3A_13 = arith.constant 0 : index
    %swap3A_14 = arith.constant 0 : index
    %swap3A_15 = vector.load %arg5[%swap3A_13, %swap3A_14] : memref<1000x8xf32, #tpu.memory_space<vmem>>, vector<1000x8xf32>
    tpu.vector_store %arg5[%swap3A_13, %swap3A_14], %dot_general3A_12 {strides = array<i32>} : memref<1000x8xf32, #tpu.memory_space<vmem>>, vector<1000x8xf32>,
    return
  }
  func.func @transform_0(%arg0: i32) -> (i32, i32) {
    %c0_i32 = arith.constant 0 : i32
    %c0_i32_0 = arith.constant 0 : i32
    return %arg0, %c0_i32 : i32, i32
  }
  func.func @transform_1(%arg0: i32) -> (i32, i32) {
    %c0_i32 = arith.constant 0 : i32
    %c0_i32_0 = arith.constant 0 : i32
    %c0_i32_1 = arith.constant 0 : i32
    return %c0_i32, %c0_i32_0 : i32, i32
  }
  func.func @transform_2(%arg0: i32) -> (i32, i32) {
    %c0_i32 = arith.constant 0 : i32
    %c0_i32_0 = arith.constant 0 : i32
    %c0_i32_1 = arith.constant 0 : i32
    return %c0_i32, %c0_i32_0 : i32, i32
  }
  func.func @transform_3(%arg0: i32) -> (i32, i32) {
    %c0_i32 = arith.constant 0 : i32
    %c0_i32_0 = arith.constant 0 : i32
    return %arg0, %c0_i32 : i32, i32
  }
  func.func @transform_4(%arg0: i32) -> (i32, i32) {
    %c0_i32 = arith.constant 0 : i32
    %c0_i32_0 = arith.constant 0 : i32
    return %arg0, %c0_i32 : i32, i32
  }
}

module attributes {stable_mosaic.version = 14 : i64} {
  func.func @_gate_body(%arg0: i32, %arg1: memref<1280x128xf32, #tpu.memory_space<vmem>>, %arg2: memref<1x128xf32, #tpu.memory_space<vmem>>, %arg3: memref<1280x128xf32, #tpu.memory_space<vmem>>) attributes {dimension_semantics = [#tpu.dimension_semantics<arbitrary>], iteration_bounds = array<i64: 126>, scalar_prefetch = 0 : i64, scratch_operands = 0 : i64, tpu.core_type = #tpu.core_type<tc>, window_params = [{transform_indices = @transform_0, window_bounds = array<i64: 1280, 128>}, {pipeline_mode = #tpu.pipeline_mode<synchronous>, transform_indices = @transform_1, window_bounds = array<i64: 1, 128>}, {transform_indices = @transform_2, window_bounds = array<i64: 1280, 128>}]} {
    %get3A = arith.constant 0 : index
    %get3A_0 = arith.constant 0 : index
    %get3A_1 = vector.load %arg1[%get3A, %get3A_0] : memref<1280x128xf32, #tpu.memory_space<vmem>>, vector<1280x128xf32>
    %get3A_2 = arith.constant 0 : index
    %get3A_3 = arith.constant 0 : index
    %get3A_4 = vector.load %arg2[%get3A_2, %get3A_3] : memref<1x128xf32, #tpu.memory_space<vmem>>, vector<1x128xf32>
    %mul3A = vector.broadcast %get3A_4 : vector<1x128xf32> to vector<1280x128xf32>
    %mul3A_5 = arith.mulf %get3A_1, %mul3A : vector<1280x128xf32>
    %neg3A = arith.constant 0.000000e+00 : f32
    %neg3A_6 = vector.broadcast %neg3A : f32 to vector<1280x128xf32>
    %neg3A_7 = arith.subf %neg3A_6, %mul3A_5 : vector<1280x128xf32>
    %exp3A = math.exp %neg3A_7 : vector<1280x128xf32>
    %add3A = arith.constant 1.000000e+00 : f32
    %add3A_8 = vector.broadcast %add3A : f32 to vector<1280x128xf32>
    %add3A_9 = arith.addf %add3A_8, %exp3A : vector<1280x128xf32>
    %div3A = arith.constant 1.000000e+00 : f32
    %div3A_10 = vector.broadcast %div3A : f32 to vector<1280x128xf32>
    %div3A_11 = arith.divf %div3A_10, %add3A_9 : vector<1280x128xf32>
    %swap3A = arith.constant 0 : index
    %swap3A_12 = arith.constant 0 : index
    %swap3A_13 = vector.load %arg3[%swap3A, %swap3A_12] : memref<1280x128xf32, #tpu.memory_space<vmem>>, vector<1280x128xf32>
    tpu.vector_store %arg3[%swap3A, %swap3A_12], %div3A_11 {strides = array<i32>} : memref<1280x128xf32, #tpu.memory_space<vmem>>, vector<1280x128xf32>,
    return
  }
  func.func @transform_0(%arg0: i32) -> (i32, i32) {
    %c0_i32 = arith.constant 0 : i32
    %c0_i32_0 = arith.constant 0 : i32
    return %arg0, %c0_i32 : i32, i32
  }
  func.func @transform_1(%arg0: i32) -> (i32, i32) {
    %c0_i32 = arith.constant 0 : i32
    %c0_i32_0 = arith.constant 0 : i32
    %c0_i32_1 = arith.constant 0 : i32
    return %c0_i32, %c0_i32_0 : i32, i32
  }
  func.func @transform_2(%arg0: i32) -> (i32, i32) {
    %c0_i32 = arith.constant 0 : i32
    %c0_i32_0 = arith.constant 0 : i32
    return %arg0, %c0_i32 : i32, i32
  }
}

module attributes {stable_mosaic.version = 14 : i64} {
  func.func @_update_body(%arg0: i32, %arg1: memref<1000x128xf32, #tpu.memory_space<vmem>>, %arg2: memref<1000x128xf32, #tpu.memory_space<vmem>>, %arg3: memref<128x128xf32, #tpu.memory_space<vmem>>, %arg4: memref<128x128xf32, #tpu.memory_space<vmem>>, %arg5: memref<1x128xf32, #tpu.memory_space<vmem>>, %arg6: memref<1x128xf32, #tpu.memory_space<vmem>>, %arg7: memref<1x128xf32, #tpu.memory_space<vmem>>, %arg8: memref<1000x128xf32, #tpu.memory_space<vmem>>) attributes {dimension_semantics = [#tpu.dimension_semantics<arbitrary>], iteration_bounds = array<i64: 20>, scalar_prefetch = 0 : i64, scratch_operands = 0 : i64, tpu.core_type = #tpu.core_type<tc>, window_params = [{transform_indices = @transform_0, window_bounds = array<i64: 1000, 128>}, {transform_indices = @transform_1, window_bounds = array<i64: 1000, 128>}, {pipeline_mode = #tpu.pipeline_mode<synchronous>, transform_indices = @transform_2, window_bounds = array<i64: 128, 128>}, {pipeline_mode = #tpu.pipeline_mode<synchronous>, transform_indices = @transform_3, window_bounds = array<i64: 128, 128>}, {pipeline_mode = #tpu.pipeline_mode<synchronous>, transform_indices = @transform_4, window_bounds = array<i64: 1, 128>}, {pipeline_mode = #tpu.pipeline_mode<synchronous>, transform_indices = @transform_5, window_bounds = array<i64: 1, 128>}, {pipeline_mode = #tpu.pipeline_mode<synchronous>, transform_indices = @transform_6, window_bounds = array<i64: 1, 128>}, {transform_indices = @transform_7, window_bounds = array<i64: 1000, 128>}]} {
    %get3A = arith.constant 0 : index
    %get3A_0 = arith.constant 0 : index
    %get3A_1 = vector.load %arg1[%get3A, %get3A_0] : memref<1000x128xf32, #tpu.memory_space<vmem>>, vector<1000x128xf32>
    %get3A_2 = arith.constant 0 : index
    %get3A_3 = arith.constant 0 : index
    %get3A_4 = vector.load %arg3[%get3A_2, %get3A_3] : memref<128x128xf32, #tpu.memory_space<vmem>>, vector<128x128xf32>
    %dot_general3A = arith.constant dense<0.000000e+00> : vector<1000x128xf32>
    %dot_general3A_5 = tpu.matmul %get3A_1, %get3A_4, %dot_general3A {dimension_numbers = #tpu.dot_dimension_numbers<[1], [0], [0], [1], [0, 0, 1, 1], [], []>, transpose_lhs_hint = false} : vector<1000x128xf32>, vector<128x128xf32>, vector<1000x128xf32> -> vector<1000x128xf32>
    %get3A_6 = arith.constant 0 : index
    %get3A_7 = arith.constant 0 : index
    %get3A_8 = vector.load %arg2[%get3A_6, %get3A_7] : memref<1000x128xf32, #tpu.memory_space<vmem>>, vector<1000x128xf32>
    %get3A_9 = arith.constant 0 : index
    %get3A_10 = arith.constant 0 : index
    %get3A_11 = vector.load %arg4[%get3A_9, %get3A_10] : memref<128x128xf32, #tpu.memory_space<vmem>>, vector<128x128xf32>
    %dot_general3A_12 = arith.constant dense<0.000000e+00> : vector<1000x128xf32>
    %dot_general3A_13 = tpu.matmul %get3A_8, %get3A_11, %dot_general3A_12 {dimension_numbers = #tpu.dot_dimension_numbers<[1], [0], [0], [1], [0, 0, 1, 1], [], []>, transpose_lhs_hint = false} : vector<1000x128xf32>, vector<128x128xf32>, vector<1000x128xf32> -> vector<1000x128xf32>
    %add3A = arith.addf %dot_general3A_5, %dot_general3A_13 : vector<1000x128xf32>
    %get3A_14 = arith.constant 0 : index
    %get3A_15 = arith.constant 0 : index
    %get3A_16 = vector.load %arg5[%get3A_14, %get3A_15] : memref<1x128xf32, #tpu.memory_space<vmem>>, vector<1x128xf32>
    %add3A_17 = vector.broadcast %get3A_16 : vector<1x128xf32> to vector<1000x128xf32>
    %add3A_18 = arith.addf %add3A, %add3A_17 : vector<1000x128xf32>
    %reduce_sum3A = arith.constant dense<0.000000e+00> : vector<1000xf32>
    %reduce_sum3A_19 = vector.multi_reduction <add>, %add3A_18, %reduce_sum3A [1] : vector<1000x128xf32> to vector<1000xf32>
    %broadcast_in_dim3A = vector.shape_cast %reduce_sum3A_19 : vector<1000xf32> to vector<1000x1xf32>
    %div3A = arith.constant 1.280000e+02 : f32
    %div3A_20 = vector.broadcast %div3A : f32 to vector<1000x1xf32>
    %div3A_21 = arith.divf %broadcast_in_dim3A, %div3A_20 : vector<1000x1xf32>
    %sub3A = vector.broadcast %div3A_21 : vector<1000x1xf32> to vector<1000x128xf32>
    %sub3A_22 = arith.subf %add3A_18, %sub3A : vector<1000x128xf32>
    %sub3A_23 = vector.broadcast %div3A_21 : vector<1000x1xf32> to vector<1000x128xf32>
    %sub3A_24 = arith.subf %add3A_18, %sub3A_23 : vector<1000x128xf32>
    %mul3A = arith.mulf %sub3A_22, %sub3A_24 : vector<1000x128xf32>
    %reduce_sum3A_25 = arith.constant dense<0.000000e+00> : vector<1000xf32>
    %reduce_sum3A_26 = vector.multi_reduction <add>, %mul3A, %reduce_sum3A_25 [1] : vector<1000x128xf32> to vector<1000xf32>
    %broadcast_in_dim3A_27 = vector.shape_cast %reduce_sum3A_26 : vector<1000xf32> to vector<1000x1xf32>
    %div3A_28 = arith.constant 1.280000e+02 : f32
    %div3A_29 = vector.broadcast %div3A_28 : f32 to vector<1000x1xf32>
    %div3A_30 = arith.divf %broadcast_in_dim3A_27, %div3A_29 : vector<1000x1xf32>
    %sub3A_31 = vector.broadcast %div3A_21 : vector<1000x1xf32> to vector<1000x128xf32>
    %sub3A_32 = arith.subf %add3A_18, %sub3A_31 : vector<1000x128xf32>
    %add3A_33 = arith.constant 9.99999974E-6 : f32
    %add3A_34 = vector.broadcast %add3A_33 : f32 to vector<1000x1xf32>
    %add3A_35 = arith.addf %div3A_30, %add3A_34 : vector<1000x1xf32>
    %rsqrt3A = math.rsqrt %add3A_35 : vector<1000x1xf32>
    %mul3A_36 = vector.broadcast %rsqrt3A : vector<1000x1xf32> to vector<1000x128xf32>
    %mul3A_37 = arith.mulf %sub3A_32, %mul3A_36 : vector<1000x128xf32>
    %get3A_38 = arith.constant 0 : index
    %get3A_39 = arith.constant 0 : index
    %get3A_40 = vector.load %arg6[%get3A_38, %get3A_39] : memref<1x128xf32, #tpu.memory_space<vmem>>, vector<1x128xf32>
    %mul3A_41 = vector.broadcast %get3A_40 : vector<1x128xf32> to vector<1000x128xf32>
    %mul3A_42 = arith.mulf %mul3A_37, %mul3A_41 : vector<1000x128xf32>
    %get3A_43 = arith.constant 0 : index
    %get3A_44 = arith.constant 0 : index
    %get3A_45 = vector.load %arg7[%get3A_43, %get3A_44] : memref<1x128xf32, #tpu.memory_space<vmem>>, vector<1x128xf32>
    %add3A_46 = vector.broadcast %get3A_45 : vector<1x128xf32> to vector<1000x128xf32>
    %add3A_47 = arith.addf %mul3A_42, %add3A_46 : vector<1000x128xf32>
    %max3A = arith.constant 0.000000e+00 : f32
    %max3A_48 = vector.broadcast %max3A : f32 to vector<1000x128xf32>
    %max3A_49 = arith.maximumf %add3A_47, %max3A_48 : vector<1000x128xf32>
    %add3A_50 = arith.addf %get3A_1, %max3A_49 : vector<1000x128xf32>
    %swap3A = arith.constant 0 : index
    %swap3A_51 = arith.constant 0 : index
    %swap3A_52 = vector.load %arg8[%swap3A, %swap3A_51] : memref<1000x128xf32, #tpu.memory_space<vmem>>, vector<1000x128xf32>
    tpu.vector_store %arg8[%swap3A, %swap3A_51], %add3A_50 {strides = array<i32>} : memref<1000x128xf32, #tpu.memory_space<vmem>>, vector<1000x128xf32>,
    return
  }
  func.func @transform_0(%arg0: i32) -> (i32, i32) {
    %c0_i32 = arith.constant 0 : i32
    %c0_i32_0 = arith.constant 0 : i32
    return %arg0, %c0_i32 : i32, i32
  }
  func.func @transform_1(%arg0: i32) -> (i32, i32) {
    %c0_i32 = arith.constant 0 : i32
    %c0_i32_0 = arith.constant 0 : i32
    return %arg0, %c0_i32 : i32, i32
  }
  func.func @transform_2(%arg0: i32) -> (i32, i32) {
    %c0_i32 = arith.constant 0 : i32
    %c0_i32_0 = arith.constant 0 : i32
    %c0_i32_1 = arith.constant 0 : i32
    return %c0_i32, %c0_i32_0 : i32, i32
  }
  func.func @transform_3(%arg0: i32) -> (i32, i32) {
    %c0_i32 = arith.constant 0 : i32
    %c0_i32_0 = arith.constant 0 : i32
    %c0_i32_1 = arith.constant 0 : i32
    return %c0_i32, %c0_i32_0 : i32, i32
  }
  func.func @transform_4(%arg0: i32) -> (i32, i32) {
    %c0_i32 = arith.constant 0 : i32
    %c0_i32_0 = arith.constant 0 : i32
    %c0_i32_1 = arith.constant 0 : i32
    return %c0_i32, %c0_i32_0 : i32, i32
  }
  func.func @transform_5(%arg0: i32) -> (i32, i32) {
    %c0_i32 = arith.constant 0 : i32
    %c0_i32_0 = arith.constant 0 : i32
    %c0_i32_1 = arith.constant 0 : i32
    return %c0_i32, %c0_i32_0 : i32, i32
  }
  func.func @transform_6(%arg0: i32) -> (i32, i32) {
    %c0_i32 = arith.constant 0 : i32
    %c0_i32_0 = arith.constant 0 : i32
    %c0_i32_1 = arith.constant 0 : i32
    return %c0_i32, %c0_i32_0 : i32, i32
  }
  func.func @transform_7(%arg0: i32) -> (i32, i32) {
    %c0_i32 = arith.constant 0 : i32
    %c0_i32_0 = arith.constant 0 : i32
    return %arg0, %c0_i32 : i32, i32
  }
}

</mosaic_0001>

<sc_bundles>
// kernel: kernel.6.cloned.1.call-start
scs
__scs_entry_jumppad:
0x0: {  	(pc) =	sbr.rel $0x88, $3  }
0x1: {  	(tag) =	ssettag $0x0;
	lr =	simm.s32 $0x1  }
0x2: {  	[smem:$0x3F94] =	sst lr;
	_ =	strace $0xD0000000  }
0x3: {  	_ = 	snop  }
0x4: {  	_ = 	snop  }
0x5: {  	_ = 	snop  }
0x6: {  	_ = 	snop  }
0x7: {  	_ = 	snop  }
__scs_overlays_trampoline_lowered:
0x8: {  	[smem:$0x3FA3] =	sst s0  }
0x9: {  	[smem:$0x3FA4] =	sst s1  }
0xa: {  	[smem:$0x3FA5] =	sst s2  }
0xb: {  	[smem:$0x3FA6] =	sst s3  }
0xc: {  	[smem:$0x3FA7] =	sst s4  }
0xd: {  	[smem:$0x3FA8] =	sst s5  }
0xe: {  	[smem:$0x3FA9] =	sst s6  }
0xf: {  	[smem:$0x3FAA] =	sst s7  }
0x10: {  	[smem:$0x3FAB] =	sst s8  }
0x11: {  	[smem:$0x3FAC] =	sst s9;
	s0 =	simm.s32 @!p0 $0x0  }
0x12: {  	s1 =	sld [smem:$0x3F92];
	s0 =	simm.s32 @p0 $0x1  }
0x13: {  	[smem:$0x3FAD] =	sst s0;
	s0 =	simm.s32 @!p1 $0x0  }
0x14: {  	s2 =	sld [smem:$0x3F91];
	s0 =	simm.s32 @p1 $0x1  }
0x15: {  	[smem:$0x3FAE] =	sst s0;
	s0 =	simm.s32 @!p2 $0x0  }
0x16: {  	s3 =	sld [smem:$0x3FDB];
	s0 =	simm.s32 @p2 $0x1  }
0x17: {  	s4 =	simm.s32 $0x1BF5;
	[smem:$0x3FB0] =	sst s0  }
0x18: {  	s0 =	sld [smem:$0x3F93];
	_ =	swait.ge [sflag:s4], $0x0  }
0x19: {  	s7 =	sld [smem:$0x3F94]  }
0x1a: {  	s8 =	sadd.s32 $0xFFFFE003, lr  }
0x1b: {  	s9 =	sadd.s32 $0xFFFFFEF7, lr;
	s5 =	simm.s32 $0xFFFFFFFF;
	p2 =	slt.u32 s8, $0xFFFFF086  }
0x1c: {  	p1 =	slt.u32 s9, $0xF7A;
	s5 =	simm.s32 @!p2 $0x0  }
0x1d: {  	s5 =	simm.s32 @p1 $0x1;
	p0 =	seq.s32 s7, s2  }
0x1e: {  	s7 =	smul.u32 @!p0 $0xF7A, s2;
	p2 =	seq.s32 @!p0 s5, $0x0  }
0x1f: {  	s9 =	smul.u32 $0xF7A, s1;
	s8 =	simm.s32 @!p0 $0x1BF5;
	p2 =	por !p2, p0  }
0x20: {  	[sflag:s8] =	ssyncset.s32 @!p0 $0xFFFFF086;
	s6 =	sadd.s32 @!p0 s3, s7;
	s7 =	simm.s32 @!p0 $0x108  }
0x21: {  	s3 =	sadd.s32 s3, s9;
	s6 =	sadd.s32 @!p0 $0x88, s6;
	s7 =	simm.s32 @p2 $0x1082  }
0x22: {  	[simem:s7], [sflag:s8] =	dma.local @!p0 [hbm:s6], $0xF7A  }
0x23: {  	s9 =	sor.u32 $0xD0000000, s2;
	s6 =	simm.s32 $0x108;
	_ =	swait.ge @!p0 [sflag:s8], $0x0  }
0x24: {  	s3 =	sadd.s32 $0x88, s3;
	s6 =	simm.s32 @!p1 $0x1082;
	[sflag:s4] =	ssyncset.s32 $0xFFFFF086  }
0x25: {  	[simem:s6], [sflag:s4] =	dma.local [hbm:s3], $0xF7A  }
0x26: {  	[smem:$0x3F94] =	sst s1;
	(tag) =	ssettag s2;
	_ =	strace s9  }
0x27: {  	s1 =	sld [smem:$0x3FA4]  }
0x28: {  	s2 =	sld [smem:$0x3FA5]  }
0x29: {  	s4 =	sld [smem:$0x3FA7]  }
0x2a: {  	p0 =	seq.s32 s5, $0x0;
	s5 =	sld [smem:$0x3FA8]  }
0x2b: {  	s6 =	sld [smem:$0x3FA9]  }
0x2c: {  	s7 =	sld [smem:$0x3FAA]  }
0x2d: {  	s3 =	simm.s32 $0x108;
	s8 =	sld [smem:$0x3FAB]  }
0x2e: {  	s3 =	simm.s32 @!p0 $0x1082;
	s9 =	sld [smem:$0x3FAC]  }
0x2f: {  	lr =	sadd.s32 s0, s3;
	s0 =	sld [smem:$0x3FA3]  }
0x30: {  	s3 =	sld [smem:$0x3FA6]  }
0x31: {  	[smem:$0x3FAF] =	sst s10  }
0x32: {  	s10 =	sld [smem:$0x3FAD];
	_ =	sdelay $0x3  }
0x33: {  	p0 =	seq.s32 s10, $0x1;
	s10 =	sld [smem:$0x3FAF];
	_ =	sdelay $0x3  }
0x34: {  	[smem:$0x3FAF] =	sst s10  }
0x35: {  	s10 =	sld [smem:$0x3FAE];
	_ =	sdelay $0x3  }
0x36: {  	p1 =	seq.s32 s10, $0x1;
	s10 =	sld [smem:$0x3FAF];
	_ =	sdelay $0x3  }
0x37: {  	[smem:$0x3FAF] =	sst s10  }
0x38: {  	s10 =	sld [smem:$0x3FB0]  }
0x39: {  	_ = 	snop;
	(pc) =	sbr.ind lr, $3  }
0x3a: {  	_ = 	snop  }
0x3b: {  	_ = 	snop  }
0x3c: {  	p2 =	seq.s32 s10, $0x1;
	s10 =	sld [smem:$0x3FAF]  }
0x3d: {  	_ =	shalt  }
0x3e: {  	_ =	shalt  }
0x3f: {  	_ =	shalt  }
0x40: {  	_ =	shalt  }
0x41: {  	_ =	shalt  }
0x42: {  	_ =	shalt  }
0x43: {  	_ =	shalt  }
0x44: {  	_ =	shalt  }
0x45: {  	_ =	shalt  }
0x46: {  	_ =	shalt  }
0x47: {  	_ =	shalt  }
0x48: {  	_ =	shalt  }
0x49: {  	_ =	shalt  }
0x4a: {  	_ =	shalt  }
0x4b: {  	_ =	shalt  }
0x4c: {  	_ =	shalt  }
0x4d: {  	_ =	shalt  }
0x4e: {  	_ =	shalt  }
0x4f: {  	_ =	shalt  }
0x50: {  	_ =	shalt  }
0x51: {  	_ =	shalt  }
0x52: {  	_ =	shalt  }
0x53: {  	_ =	shalt  }
0x54: {  	_ =	shalt  }
0x55: {  	_ =	shalt  }
0x56: {  	_ =	shalt  }
0x57: {  	_ =	shalt  }
0x58: {  	_ =	shalt  }
0x59: {  	_ =	shalt  }
0x5a: {  	_ =	shalt  }
0x5b: {  	_ =	shalt  }
0x5c: {  	_ =	shalt  }
0x5d: {  	_ =	shalt  }
0x5e: {  	_ =	shalt  }
0x5f: {  	_ =	shalt  }
0x60: {  	_ =	shalt  }
0x61: {  	_ =	shalt  }
0x62: {  	_ =	shalt  }
0x63: {  	_ =	shalt  }
0x64: {  	_ =	shalt  }
0x65: {  	_ =	shalt  }
0x66: {  	_ =	shalt  }
0x67: {  	_ =	shalt  }
0x68: {  	_ =	shalt  }
0x69: {  	_ =	shalt  }
0x6a: {  	_ =	shalt  }
0x6b: {  	_ =	shalt  }
0x6c: {  	_ =	shalt  }
0x6d: {  	_ =	shalt  }
0x6e: {  	_ =	shalt  }
0x6f: {  	_ =	shalt  }
0x70: {  	_ =	shalt  }
0x71: {  	_ =	shalt  }
0x72: {  	_ =	shalt  }
0x73: {  	_ =	shalt  }
0x74: {  	_ =	shalt  }
0x75: {  	_ =	shalt  }
0x76: {  	_ =	shalt  }
0x77: {  	_ =	shalt  }
0x78: {  	_ =	shalt  }
0x79: {  	_ =	shalt  }
0x7a: {  	_ =	shalt  }
0x7b: {  	_ =	shalt  }
0x7c: {  	_ =	shalt  }
0x7d: {  	_ =	shalt  }
0x7e: {  	_ =	shalt  }
0x7f: {  	_ =	shalt  }
0x80: {  	_ =	shalt  }
0x81: {  	_ =	shalt  }
0x82: {  	_ =	shalt  }
0x83: {  	_ =	shalt  }
0x84: {  	_ =	shalt  }
0x85: {  	_ =	shalt  }
0x86: {  	_ =	shalt  }
0x87: {  	_ =	shalt  }
.Lfunc_end0:
.L_simem_size_0:
called_computation_lowered:
.L_overlay_start_0:
0x88: {  	s2 =	sld [smem:$0x3FD9]  }
0x89: {  	s3 =	sld [smem:$0x3FFE];
	_ =	sdelay $0x1  }
0x8a: {  	s1 =	srdreg.scid  }
0x8b: {  	s0 =	sand.u32 $0x1, s1  }
0x8c: {  	s17 =	sshll.u32 s0, $0xA;
	s2 =	sadd.s32 s3, s2  }
0x8d: {  	s2 =	sadd.s32 s2, s17  }
0x8e: {  	[smem:$0x3FBB] =	sst s2  }
0x8f: {  	_ = 	snop  }
0x90: {  	s2 =	sld [smem:$0x3FD0];
	(tm) =	ssettm $0x1  }
0x91: {  	s18 =	sld [smem:$0x3FFB];
	_ =	sdelay $0x3  }
0x92: {  	_ =	strace s18  }
0x93: {  	s3 =	sld [smem:$0x3FFC];
	_ =	sdelay $0x3  }
0x94: {  	_ =	strace s3  }
0x95: {  	s3 =	sld [smem:$0x3FFD];
	_ =	sdelay $0x3  }
0x96: {  	_ =	strace s3  }
0x97: {  	_ =	strace $0x8FFFFFFF  }
0x98: {  	s19 =	sld [smem:$0x3FDB];
	_ =	sdelay $0x1  }
0x99: {  	s4 =	simm.s32 $_scs_section_size  }
0x9a: {  	s5 =	simm.s32 $_size__tile_overlayer_lowered;
	s6 =	simm.s32 $_tile_overlayer_lowered  }
0x9b: {  	s22 =	simm.s32 $0x1BFF;
	s21 =	sshll.u32 s6, $0x1;
	s3 =	sadd.s32 s4, s19  }
0x9c: {  	s7 =	simm.s32 $0x0;
	s20 =	sshll.u32 s5, $0x1;
	s5 =	sadd.s32 s21, s3  }
0x9d: {  	[timem:s7], [sflag:s22] =	dma.local [hbm:s5], s20  }
0x9e: {  	_ =	swait.ge [sflag:s22], s20  }
0x9f: {  	s4 =	ssub.s32 $0x0, s20;
	[sflag:s22] =	ssyncset.done $0x0  }
0xa0: {  	[sflag:s22] =	ssyncadd.s32 s4;
	_ =	sdelay $0x1  }
0xa1: {  	s23 =	simm.s32 $0x1B8B  }
0xa2: {  	_ =	swait.ge [sflag:s23], $0x1  }
0xa3: {  	[sflag:s23] =	ssyncset.done $0x0  }
0xa4: {  	s25 =	simm.s32 $0x1B8E;
	s24 =	sld [smem:$0x3FFE];
	[sflag:s23] =	ssyncadd.s32 $0xFFFFFFFF  }
0xa5: {  	s26 =	simm.s32 $execute0_lowered;
	[smem:$0x3FD2] =	sst s25  }
0xa6: {  	s5 =	sshll.u32 s26, $0x1;
	_ =	strace $0x80000046;
	[dreg:$0x1] =	wrdreg $0xFFFFFFFF  }
0xa7: {  	s28 =	simm.s32 $_size_execute0_lowered;
	s3 =	sadd.s32 s3, s5;
	[dreg:$0x0] =	wrdreg $0x0  }
0xa8: {  	s5 =	sshll.u32 s28, $0x1;
	[dreg:$0x2] =	wrdreg s3  }
0xa9: {  	[dreg:$0x3] =	wrdreg s5  }
0xaa: {  	[dreg:$0x4] =	wrdreg $0xC0  }
0xab: {  	_ =	task [dreg:s7], $0x5FFFF  }
0xac: {  	[dreg:$0x1] =	wrdreg $0xFFFFFFFF  }
0xad: {  	[dreg:$0x0] =	wrdreg $0x60  }
0xae: {  	[dreg:$0x2] =	wrdreg s2  }
0xaf: {  	[dreg:$0x3] =	wrdreg s24  }
0xb0: {  	[dreg:$0x4] =	wrdreg $0xB1000  }
0xb1: {  	[dreg:$0x5] =	wrdreg $0x9  }
0xb2: {  	_ =	task.clear_ibuf [dreg:s7], $0x6FFFF;
	_ =	strace $0x90000046  }
0xb3: {  	s29 =	simm.s32 $0x9;
	_ =	strace $0x80000048  }
0xb4: {  	_ =	swait.ge [sflag:s29], $0x1  }
0xb5: {  	[sflag:s29] =	ssyncadd.s32 $0xFFFFFFFF  }
0xb6: {  	_ =	strace $0x90000048  }
0xb7: {  	_ =	sfence  }
0xb8: {  	s30 =	sld [smem:$0x0];
	_ =	sdelay $0x2  }
0xb9: {  	s31 =	sshll.u32 s1, $0xD;
	s1 =	sshrl.u32 s1, $0x2  }
0xba: {  	s3 =	sand.u32 $0x4000, s31;
	s1 =	sadd.s32 s1, s30  }
0xbb: {  	s0 =	sor.u32 s3, s0;
	s1 =	sshll.u32 s1, $0x11  }
0xbc: {  	s0 =	sor.u32 s1, s0  }
0xbd: {  	s0 =	sadd.s32 $0x8F2B, s0  }
0xbe: {  	[sflag:s0] =	ssyncadd.remote.s32 $0x1  }
0xbf: {  	_ =	sfence.sel $0xFFFF  }
0xc0: {  	[dreg:$0x0] =	wrdreg $0xFFFFFFFF;
	(pc) =	sbr.abs _section_cstart, $3  }
0xc1: {  	[dreg:$0x1] =	wrdreg $0xFFFFFFFF  }
0xc2: {  	_ =	task.clear_ibuf [dreg:s7], $0x2FFFF;
	_ =	strace $0x9FFFFFFF  }
0xc3: {  	(tm) =	ssettm $0x7FFFFFFF  }
tec
execute0_lowered:
.L_overlay_start_1:
0x0: {  	(tag) =	ssettag $0x1  }
0x1: {  	s1 =	rddreg [dreg:$0x0];
	s0 =	srdreg.scid  }
0x2: {  	s4 =	rddreg [dreg:$0x1];
	s28 =	stileid.u32  }
0x3: {  	s2 =	rddreg [dreg:$0x2];
	s12 =	smul.u32 $0x50, s28  }
0x4: {  	s3 =	simm.s32 $0x0;
	s0 =	sand.u32 $0x1, s0;
	s29 =	smul.u32 $0x2760, s28  }
0x5: {  	s30 =	simm.s32 $0x2;
	s7 =	sor.u32 $0x10, s28;
	s10 =	smul.u32 $0x2710, s0  }
0x6: {  	s31 =	simm.s32 $0x2780;
	[smem:$0x7FF] =	sst s3;
	s11 =	smul.u32 $0xA000, s7  }
0x7: {  	s8 =	sadd.s32 $0x10A00, s4;
	s13 =	sor.u32 $0x30, s28;
	s7 =	smul.u32 $0x50, s7  }
0x8: {  	s17 =	sor.u32 $0x40, s28;
	s18 =	sor.u32 $0x50, s28;
	s21 =	smul.u32 $0x50, s13  }
0x9: {  	s22 =	sor.u32 $0x60, s28;
	s23 =	sor.u32 $0x70, s28;
	s15 =	smul.u32 $0x50, s17  }
0xa: {  	p0 =	sgt.u32 s28, $0xC;
	s0 =	ssub.s32 $0x2, s0;
	s25 =	smul.u32 $0x50, s18  }
0xb: {  	_ =	strace $0x80000047;
	s16 =	smul.u32 $0x50, s22;
	s9 =	sshrl.u32 s0, $0x1  }
0xc: {  	s19 =	smul.u32 $0x50, s23;
	s5 =	sshrl.u32 s10, $0x3;
	s0 =	ssub.s32 s0, s9  }
0xd: {  	s9 =	sor.u32 $0x20, s28;
	s12 =	sadd.s32 s12, s10;
	s7 =	sadd.s32 s10, s7  }
0xe: {  	s15 =	sadd.s32 s10, s15;
	s16 =	sadd.s32 s10, s16;
	s19 =	sadd.s32 s10, s19  }
0xf: {  	s6 =	sadd.s32 s5, s4;
	s5 =	sadd.s32 $0x1A00, s4;
	s12 =	sshll.u32 s12, $0x4  }
0x10: {  	s14 =	smul.u32 $0x50, s9;
	s7 =	sshll.u32 s7, $0x4;
	s0 =	smax.u32 s0, $0x1  }
0x11: {  	s15 =	sshll.u32 s15, $0x4;
	s12 =	sadd.s32 s8, s12;
	[dreg:$0xf] =	wrdreg s0  }
0x12: {  	s7 =	sadd.s32 s8, s7;
	s0 =	simm.s32 $0x8100;
	[dreg:$0x4] =	wrdreg s12  }
0x13: {  	s14 =	sadd.s32 s10, s14;
	[dreg:$0x5] =	wrdreg s7;
	s12 =	sadd.s32 s10, s21  }
0x14: {  	s24 =	sshll.u32 s14, $0x4;
	s12 =	sshll.u32 s12, $0x4;
	s14 =	sshll.u32 s19, $0x4  }
0x15: {  	s19 =	smul.u32 $0xA000, s23;
	s7 =	sadd.s32 s8, s24;
	s26 =	sadd.s32 s8, s12  }
0x16: {  	s12 =	sadd.s32 s8, s15;
	s15 =	sadd.s32 s10, s25;
	s24 =	smul.u32 $0xA000, s28  }
0x17: {  	s21 =	sadd.s32 s8, s14;
	s14 =	sadd.s32 $0x6A00, s4;
	s25 =	smul.u32 $0xA000, s9  }
0x18: {  	s9 =	sshrl.u32 s11, $0x2;
	s11 =	smul.u32 $0xA000, s17;
	[dreg:$0x6] =	wrdreg s7  }
0x19: {  	v0 =	vmov s10;
	s17 =	smul.u32 $0xA000, s22;
	s10 =	simm.s32 $0x5100;
	[dreg:$0x7] =	wrdreg s26  }
0x1a: {  	[dreg:$0x8] =	wrdreg s12;
	s7 =	sshll.u32 s15, $0x4;
	s12 =	sshll.u32 s16, $0x4  }
0x1b: {  	[dreg:$0xb] =	wrdreg s21;
	s15 =	sadd.s32 $0xBA00, s4;
	s16 =	sadd.s32 $0x281C00, s4  }
0x1c: {  	s26 =	sadd.s32 $0x1000, s6;
	s6 =	sadd.s32 $0x600, s6;
	s7 =	sadd.s32 s8, s7  }
0x1d: {  	s20 =	sadd.s32 s8, s12;
	[dreg:$0xc] =	wrdreg s26;
	s8 =	smul.u32 $0xA000, s13  }
0x1e: {  	[dreg:$0xd] =	wrdreg s6;
	s4 =	sshrl.u32 s25, $0x2;
	s12 =	smul.u32 $0xA000, s18  }
0x1f: {  	s18 =	sshrl.u32 s11, $0x2;
	s25 =	sshrl.u32 s17, $0x2;
	[dreg:$0x9] =	wrdreg s7  }
0x20: {  	s26 =	sshrl.u32 s19, $0x2;
	s11 =	simm.s32 $0x1;
	[dreg:$0xa] =	wrdreg s20  }
0x21: {  	s7 =	sshrl.u32 s24, $0x2;
	s20 =	sadd.s32 s9, s2;
	s21 =	sadd.s32 s4, s2  }
0x22: {  	s23 =	sadd.s32 s18, s2;
	s25 =	sadd.s32 s25, s2;
	s26 =	sadd.s32 s26, s2  }
0x23: {  	s4 =	simm.s32 $0x4F00;
	s9 =	simm.s32 $0x5080;
	s6 =	sadd.s32 s7, s2  }
0x24: {  	s13 =	sshrl.u32 s8, $0x2;
	s24 =	sshrl.u32 s12, $0x2;
	s7 =	simm.s32 $0x5000  }
0x25: {  	s8 =	simm.s32 $0x60;
	s12 =	simm.s32 $0x0;
	[dreg:$0xe] =	wrdreg s6  }
0x26: {  	[tilespmem:$0x1FFF0] =	vst v0;
	v0 =	vimm.f32 $0.0e+00;
	s22 =	sadd.s32 s13, s2;
	s24 =	sadd.s32 s24, s2;
	s6 =	simm.s32 $0x4F80  }
.LBB2_1:
0x27: {  	s13 =	rddreg [dreg:$0xc]  }
0x28: {  	[tilespmem:s3], [sflag:$0x2] =	stream.linear.gather [hbm4b:s13+s3], $0x2710, $0x38;
	[tilespmem:$0x1E980] =	vst v63  }
0x29: {  	_ =	swait.ge [sflag:s30], $0x2710  }
0x2a: {  	[sflag:s30] =	ssyncset.done $0x0  }
0x2b: {  	s28 =	rddreg [dreg:$0xd];
	[sflag:s30] =	ssyncadd.s32 $0xFFFFD8F0  }
0x2c: {  	[tilespmem:s31], [sflag:$0x2] =	stream.linear.gather [hbm4b:s28+s3], $0x2710, $0x38;
	[tilespmem:$0x1E980] =	vst v63  }
0x2d: {  	_ =	swait.ge [sflag:s30], $0x2710  }
0x2e: {  	[sflag:s30] =	ssyncset.done $0x0  }
0x2f: {  	s17 =	simm.s32 $0x200;
	s13 =	simm.s32 $0x0;
	[sflag:s30] =	ssyncadd.s32 $0xFFFFD8F0  }
.LBB2_2:
0x30: {  	p1 =	sne.s32 s17, $0x9E00;
	[tilespmem:s13+$0x8170] =	vst v0  }
0x31: {  	[tilespmem:s13+$0x8100] =	vst v0  }
0x32: {  	[tilespmem:s13+$0x8110] =	vst v0  }
.Ltmp0:
0x33: {  	[tilespmem:s13+$0x8120] =	vst v0;
	(pc) =	sbr.rel @p1 .LBB2_2-.Ltmp0, $4  }
0x34: {  	[tilespmem:s13+$0x8130] =	vst v0  }
0x35: {  	[tilespmem:s13+$0x8140] =	vst v0  }
0x36: {  	[tilespmem:s13+$0x8150] =	vst v0  }
0x37: {  	[tilespmem:s13+$0x8160] =	vst v0;
	s13 =	sshra.s32 s17, $0x2;
	s17 =	sadd.s32 $0x200, s17  }
0x38: {  	[tilespmem:s13+$0x8170] =	vst v0  }
0x39: {  	[tilespmem:s13+$0x8100] =	vst v0  }
0x3a: {  	[tilespmem:s13+$0x8110] =	vst v0  }
0x3b: {  	[tilespmem:s13+$0x8120] =	vst v0  }
0x3c: {  	[tilespmem:s13+$0x8130] =	vst v0  }
0x3d: {  	[tilespmem:s13+$0x8140] =	vst v0  }
0x3e: {  	[tilespmem:s13+$0x8150] =	vst v0  }
0x3f: {  	[tilespmem:s13+$0x8160] =	vst v0;
	s28 =	rddreg [dreg:$0xe]  }
0x40: {  	[spmem:s28] =	stream.linear.scatter [tilespmem:s0], [sflag:$0x2], $0x2800, $0x38;
	[tilespmem:$0x1E980] =	vst v63  }
0x41: {  	_ =	swait.ge [sflag:s30], $0x2800  }
0x42: {  	[sflag:s30] =	ssyncset.done $0x0  }
0x43: {  	[sflag:s30] =	ssyncadd.s32 $0xFFFFD800  }
0x44: {  	[spmem:s20] =	stream.linear.scatter [tilespmem:s0], [sflag:$0x2], $0x2800, $0x38;
	[tilespmem:$0x1E980] =	vst v63  }
0x45: {  	_ =	swait.ge [sflag:s30], $0x2800  }
0x46: {  	[sflag:s30] =	ssyncset.done $0x0  }
0x47: {  	[sflag:s30] =	ssyncadd.s32 $0xFFFFD800  }
0x48: {  	[spmem:s21] =	stream.linear.scatter [tilespmem:s0], [sflag:$0x2], $0x2800, $0x38;
	[tilespmem:$0x1E980] =	vst v63  }
0x49: {  	_ =	swait.ge [sflag:s30], $0x2800  }
0x4a: {  	[sflag:s30] =	ssyncset.done $0x0  }
0x4b: {  	[sflag:s30] =	ssyncadd.s32 $0xFFFFD800  }
0x4c: {  	[spmem:s22] =	stream.linear.scatter [tilespmem:s0], [sflag:$0x2], $0x2800, $0x38;
	[tilespmem:$0x1E980] =	vst v63  }
0x4d: {  	_ =	swait.ge [sflag:s30], $0x2800  }
0x4e: {  	[sflag:s30] =	ssyncset.done $0x0  }
0x4f: {  	[sflag:s30] =	ssyncadd.s32 $0xFFFFD800  }
0x50: {  	[spmem:s23] =	stream.linear.scatter [tilespmem:s0], [sflag:$0x2], $0x2800, $0x38;
	[tilespmem:$0x1E980] =	vst v63  }
0x51: {  	_ =	swait.ge [sflag:s30], $0x2800  }
0x52: {  	[sflag:s30] =	ssyncset.done $0x0  }
0x53: {  	[sflag:s30] =	ssyncadd.s32 $0xFFFFD800  }
0x54: {  	[spmem:s24] =	stream.linear.scatter [tilespmem:s0], [sflag:$0x2], $0x2800, $0x38;
	[tilespmem:$0x1E980] =	vst v63  }
0x55: {  	_ =	swait.ge [sflag:s30], $0x2800  }
0x56: {  	[sflag:s30] =	ssyncset.done $0x0  }
0x57: {  	[sflag:s30] =	ssyncadd.s32 $0xFFFFD800  }
0x58: {  	[spmem:s25] =	stream.linear.scatter [tilespmem:s0], [sflag:$0x2], $0x2800, $0x38;
	[tilespmem:$0x1E980] =	vst v63  }
0x59: {  	_ =	swait.ge [sflag:s30], $0x2800  }
0x5a: {  	[sflag:s30] =	ssyncset.done $0x0  }
0x5b: {  	s13 =	simm.s32 @!p0 $0x8100;
	[sflag:s30] =	ssyncadd.s32 $0xFFFFD800  }
0x5c: {  	[spmem:s26] =	stream.linear.scatter @!p0 [tilespmem:s13], [sflag:$0x2], $0x2800, $0x38;
	[tilespmem:$0x1E980] =	vst v63  }
0x5d: {  	s13 =	simm.s32 @!p0 $0x2  }
0x5e: {  	_ =	swait.ge @!p0 [sflag:s13], $0x2800  }
0x5f: {  	[sflag:s13] =	ssyncset.done @!p0 $0x0  }
0x60: {  	[sflag:s13] =	ssyncadd.s32 @!p0 $0xFFFFD800  }
0x61: {  	s17 =	simm.s32 $0x0;
	s13 =	simm.s32 $0x0;
	[bflag:$0x0] =	sbarrier.arrive $0xFFFF  }
.LBB2_4:
0x62: {  	s18 =	smul.u32 $0x60, s17;
	_ =	sdelay $0x1  }
0x63: {  	s18 =	sadd.s32 s29, s18  }
0x64: {  	s28 =	sshrl.u32 s18, $0x3  }
0x65: {  	s19 =	sadd.s32 s5, s28  }
0x66: {  	[tilespmem:s4], [sflag:$0x2] =	stream.linear.gather [hbm4b:s19+s13], $0x60, $0x38;
	[tilespmem:$0x1E980] =	vst v63  }
0x67: {  	_ =	swait.ge [sflag:s30], $0x60  }
0x68: {  	[sflag:s30] =	ssyncset.done $0x0  }
0x69: {  	s19 =	sadd.s32 s14, s28;
	[sflag:s30] =	ssyncadd.s32 $0xFFFFFFA0  }
0x6a: {  	[tilespmem:s6], [sflag:$0x2] =	stream.linear.gather [hbm4b:s19+s13], $0x60, $0x38;
	[tilespmem:$0x1E980] =	vst v63  }
0x6b: {  	_ =	swait.ge [sflag:s30], $0x60  }
0x6c: {  	[sflag:s30] =	ssyncset.done $0x0  }
0x6d: {  	s28 =	sadd.s32 s15, s28;
	[sflag:s30] =	ssyncadd.s32 $0xFFFFFFA0  }
0x6e: {  	[tilespmem:s7], [sflag:$0x2] =	stream.linear.gather [hbm4b:s28+s13], $0x60, $0x38;
	[tilespmem:$0x1E980] =	vst v63  }
0x6f: {  	_ =	swait.ge [sflag:s30], $0x60  }
0x70: {  	[sflag:s30] =	ssyncset.done $0x0  }
0x71: {  	v6 =	vld [tilespmem:$0x1FFF0];
	[sflag:s30] =	ssyncadd.s32 $0xFFFFFFA0  }
0x72: {  	v0 =	vld [tilespmem:$0x4F00]  }
0x73: {  	v1 =	vld [tilespmem:$0x4F10]  }
0x74: {  	v2 =	vld [tilespmem:$0x4F20]  }
0x75: {  	v3 =	vld [tilespmem:$0x4F30]  }
0x76: {  	v4 =	vld [tilespmem:$0x4F40]  }
0x77: {  	v5 =	vld [tilespmem:$0x4F50];
	v0 =	vadd.s32 v6, v0  }
0x78: {  	v59 =	vadd.s32 v6, v1;
	[tilespmem:$0x5080] =	vst v0  }
0x79: {  	v60 =	vadd.s32 v6, v2;
	[tilespmem:$0x5090] =	vst v59  }
0x7a: {  	v61 =	vadd.s32 v6, v3;
	[tilespmem:$0x50A0] =	vst v60  }
0x7b: {  	v62 =	vadd.s32 v6, v4;
	[tilespmem:$0x50B0] =	vst v61  }
0x7c: {  	v63 =	vadd.s32 v6, v5;
	[tilespmem:$0x50C0] =	vst v62  }
0x7d: {  	s18 =	sshll.u32 s18, $0x4;
	[tilespmem:$0x50D0] =	vst v63  }
0x7e: {  	[tilespmem:s0], [sflag:$0x1] =	stream.indirect.gather [hbm4b:s1+s8], $0x80, s9, s8, $0xb8;
	[tilespmem:$0x1E980] =	vst v63  }
0x7f: {  	s18 =	sadd.s32 s16, s18  }
0x80: {  	[tilespmem:s10], [sflag:$0x2] =	stream.linear.gather [hbm4b:s18+s13], $0x3000, $0x38;
	[tilespmem:$0x1E980] =	vst v63  }
0x81: {  	_ =	swait.ge [sflag:s30], $0x3000  }
0x82: {  	[sflag:s30] =	ssyncset.done $0x0  }
0x83: {  	[sflag:s30] =	ssyncadd.s32 $0xFFFFD000  }
0x84: {  	_ =	swait.ge [sflag:s11], $0x3000  }
0x85: {  	[sflag:s11] =	ssyncset.done $0x0  }
0x86: {  	s18 =	simm.s32 $0x0;
	[sflag:s11] =	ssyncadd.s32 $0xFFFFD000  }
.LBB2_5:
0x87: {  	s19 =	sshll.u32 s18, $0x4  }
0x88: {  	v0 =	vld [tilespmem:s19+$0x4F00]  }
0x89: {  	s28 =	sshll.u32 s18, $0xB;
	v1 =	vld [tilespmem:s19+$0x4F80]  }
0x8a: {  	v3 =	vld [tilespmem:s28+$0x5100]  }
0x8b: {  	v5 =	vld [tilespmem:s28+$0x8100]  }
0x8c: {  	v6 =	vld [tilespmem:s28+$0x5110]  }
0x8d: {  	v9 =	vld [tilespmem:s28+$0x8110]  }
0x8e: {  	v7 =	vld [tilespmem:s28+$0x5120]  }
0x8f: {  	v13 =	vld [tilespmem:s28+$0x8120]  }
0x90: {  	v4 =	vld [tilespmem:s28+$0x5130]  }
0x91: {  	v10 =	vld [tilespmem:s28+$0x8130]  }
0x92: {  	v8 =	vld [tilespmem:s28+$0x5140]  }
0x93: {  	v11 =	vld [tilespmem:s28+$0x8140]  }
0x94: {  	v16 =	vld [tilespmem:s28+$0x5150]  }
0x95: {  	v24 =	vld [tilespmem:s28+$0x8150]  }
0x96: {  	v14 =	vld [tilespmem:s28+$0x5160]  }
0x97: {  	v21 =	vld [tilespmem:s28+$0x8160]  }
0x98: {  	v15 =	vld [tilespmem:s28+$0x5170]  }
0x99: {  	v22 =	vld [tilespmem:s28+$0x8170]  }
0x9a: {  	v12 =	vld [tilespmem:s28+$0x5180]  }
0x9b: {  	v19 =	vld [tilespmem:s28+$0x8180]  }
0x9c: {  	v23 =	vld [tilespmem:s28+$0x5190]  }
0x9d: {  	v27 =	vld [tilespmem:s28+$0x8190]  }
0x9e: {  	v17 =	vld [tilespmem:s28+$0x51A0]  }
0x9f: {  	v25 =	vld [tilespmem:s28+$0x81A0]  }
0xa0: {  	v20 =	vld [tilespmem:s28+$0x51B0]  }
0xa1: {  	v28 =	vld [tilespmem:s28+$0x81B0]  }
0xa2: {  	v18 =	vld [tilespmem:s28+$0x51C0]  }
0xa3: {  	v26 =	vld [tilespmem:s28+$0x81C0]  }
0xa4: {  	v29 =	vld [tilespmem:s28+$0x51D0]  }
0xa5: {  	v33 =	vld [tilespmem:s28+$0x81D0]  }
0xa6: {  	v31 =	vld [tilespmem:s28+$0x51E0]  }
0xa7: {  	v53 =	vld [tilespmem:s28+$0x81E0]  }
0xa8: {  	v30 =	vld [tilespmem:s28+$0x51F0]  }
0xa9: {  	v34 =	vld [tilespmem:s28+$0x81F0]  }
0xaa: {  	v32 =	vld [tilespmem:s28+$0x5200]  }
0xab: {  	v37 =	vld [tilespmem:s28+$0x8200]  }
0xac: {  	v35 =	vld [tilespmem:s28+$0x5210]  }
0xad: {  	v45 =	vld [tilespmem:s28+$0x8210]  }
0xae: {  	v50 =	vld [tilespmem:s28+$0x5220]  }
0xaf: {  	v62 =	vld [tilespmem:s28+$0x8220]  }
0xb0: {  	v36 =	vld [tilespmem:s28+$0x5230]  }
0xb1: {  	v39 =	vld [tilespmem:s28+$0x8230]  }
0xb2: {  	v38 =	vld [tilespmem:s28+$0x5240]  }
0xb3: {  	v63 =	vld [tilespmem:s28+$0x8240]  }
0xb4: {  	v41 =	vld [tilespmem:s28+$0x5250]  }
0xb5: {  	v46 =	vld [tilespmem:s28+$0x8250]  }
0xb6: {  	v54 =	vld [tilespmem:s28+$0x5260]  }
0xb7: {  	v44 =	vld [tilespmem:s28+$0x8260]  }
0xb8: {  	v42 =	vld [tilespmem:s28+$0x5270]  }
0xb9: {  	v47 =	vld [tilespmem:s28+$0x8270]  }
0xba: {  	v40 =	vld [tilespmem:s28+$0x5280]  }
0xbb: {  	v43 =	vld [tilespmem:s28+$0x8280]  }
0xbc: {  	v52 =	vld [tilespmem:s28+$0x5290]  }
0xbd: {  	v58 =	vld [tilespmem:s28+$0x8290]  }
0xbe: {  	v48 =	vld [tilespmem:s28+$0x52A0]  }
0xbf: {  	v55 =	vld [tilespmem:s28+$0x82A0]  }
0xc0: {  	v51 =	vld [tilespmem:s28+$0x52B0]  }
0xc1: {  	v57 =	vld [tilespmem:s28+$0x82B0]  }
0xc2: {  	v2 =	vld.idx.msk [tilespmem:v0+s3+$0x0], $0xffff  }
0xc3: {  	v0 =	vld.idx.msk [tilespmem:v1+s31+$0x0], $0xffff  }
0xc4: {  	v1 =	vld [tilespmem:s19+$0x5000]  }
0xc5: {  	v49 =	vld [tilespmem:s28+$0x52C0]  }
0xc6: {  	v61 =	vld [tilespmem:s28+$0x82F0];
	_ =	sdelay $0x4  }
0xc7: {  	[tilespmem:$0x1FAF0] =	vst v61;
	v61 =	vld [tilespmem:s28+$0x5300]  }
0xc8: {  	v0 =	vadd.f32 v0, v2;
	_ =	sdelay $0x1  }
0xc9: {  	v0 =	vadd.f32 v1, v0;
	_ =	sdelay $0x1  }
0xca: {  	v0 =	vsub.f32 $0.0e+00, v0;
	[tilespmem:$0x1FAD0] =	vst v61;
	v61 =	vld [tilespmem:s28+$0x8300];
	_ =	sdelay $0x1  }
0xcb: {  	v0 =	vmul.f32 $1.442695020e+00, v0;
	_ =	sdelay $0x1  }
0xcc: {  	(erf) = vpow2.f32 v0;
	v0 =	vld [tilespmem:s28+$0x8410]  }
0xcd: {  	[tilespmem:$0x1FB00] =	vst v61;
	v61 =	vld [tilespmem:s28+$0x5310];
	_ =	sdelay $0x3  }
0xce: {  	[tilespmem:$0x1FD30] =	vst v0;
	v0 =	vld [tilespmem:s28+$0x5420]  }
0xcf: {  	[tilespmem:$0x1FB10] =	vst v61;
	v61 =	vld [tilespmem:s28+$0x8310];
	_ =	sdelay $0x3  }
0xd0: {  	[tilespmem:$0x1FD10] =	vst v0;
	v0 =	vld [tilespmem:s28+$0x8420]  }
0xd1: {  	[tilespmem:$0x1FB40] =	vst v61;
	v61 =	vld [tilespmem:s28+$0x5320];
	_ =	sdelay $0x3  }
0xd2: {  	[tilespmem:$0x1FD50] =	vst v0;
	v0 =	vld [tilespmem:s28+$0x5430]  }
0xd3: {  	[tilespmem:$0x1FB20] =	vst v61;
	v61 =	vld [tilespmem:s28+$0x8320];
	_ =	sdelay $0x3  }
0xd4: {  	[tilespmem:$0x1FD20] =	vst v0;
	v0 =	vld [tilespmem:s28+$0x8430]  }
0xd5: {  	[tilespmem:$0x1FB60] =	vst v61;
	v61 =	vld [tilespmem:s28+$0x5330];
	_ =	sdelay $0x3  }
0xd6: {  	[tilespmem:$0x1FD60] =	vst v0;
	v0 =	vld [tilespmem:s28+$0x5440]  }
0xd7: {  	[tilespmem:$0x1FB30] =	vst v61;
	v61 =	vld [tilespmem:s28+$0x8330];
	_ =	sdelay $0x3  }
0xd8: {  	[tilespmem:$0x1FD40] =	vst v0;
	v0 =	vld [tilespmem:s28+$0x8440]  }
0xd9: {  	[tilespmem:$0x1FB70] =	vst v61;
	v61 =	vld [tilespmem:s28+$0x5340];
	_ =	sdelay $0x3  }
0xda: {  	[tilespmem:$0x1FD70] =	vst v0;
	v0 =	vld [tilespmem:s28+$0x5450]  }
0xdb: {  	[tilespmem:$0x1FB50] =	vst v61;
	v61 =	vld [tilespmem:s28+$0x8340];
	_ =	sdelay $0x3  }
0xdc: {  	[tilespmem:$0x1FD80] =	vst v0;
	v0 =	vld [tilespmem:s28+$0x8450]  }
0xdd: {  	[tilespmem:$0x1FB80] =	vst v61;
	v61 =	vld [tilespmem:s28+$0x5350];
	_ =	sdelay $0x3  }
0xde: {  	[tilespmem:$0x1FDC0] =	vst v0;
	v0 =	vpop (erf)  }
0xdf: {  	v0 =	vadd.f32 $1.000000000e+00, v0;
	[tilespmem:$0x1FB90] =	vst v61;
	v61 =	vld [tilespmem:s28+$0x8350];
	_ =	sdelay $0x1  }
0xe0: {  	(erf) = vrcp.f32 v0;
	v0 =	vld [tilespmem:s28+$0x8470];
	_ =	sdelay $0x2  }
0xe1: {  	[tilespmem:$0x1FBD0] =	vst v61;
	v61 =	vld [tilespmem:s28+$0x5360];
	_ =	sdelay $0x1  }
0xe2: {  	[tilespmem:$0x1FDE0] =	vst v0;
	v0 =	vld [tilespmem:s28+$0x5480];
	_ =	sdelay $0x2  }
0xe3: {  	[tilespmem:$0x1FBA0] =	vst v61;
	v61 =	vld [tilespmem:s28+$0x8360];
	_ =	sdelay $0x1  }
0xe4: {  	[tilespmem:$0x1FDB0] =	vst v0;
	v0 =	vld [tilespmem:s28+$0x8480];
	_ =	sdelay $0x2  }
0xe5: {  	[tilespmem:$0x1FBE0] =	vst v61;
	v61 =	vld [tilespmem:s28+$0x5370];
	_ =	sdelay $0x1  }
0xe6: {  	[tilespmem:$0x1FDF0] =	vst v0;
	v0 =	vld [tilespmem:s28+$0x5490];
	_ =	sdelay $0x1  }
0xe7: {  	v1 =	vld [tilespmem:s28+$0x8400]  }
0xe8: {  	[tilespmem:$0x1FBB0] =	vst v61;
	v61 =	vld [tilespmem:s28+$0x8370];
	_ =	sdelay $0x1  }
0xe9: {  	[tilespmem:$0x1FE00] =	vst v0;
	v0 =	vld [tilespmem:s28+$0x8490];
	_ =	sdelay $0x1  }
0xea: {  	[tilespmem:$0x1FCF0] =	vst v1;
	v1 =	vld [tilespmem:s28+$0x5410]  }
0xeb: {  	[tilespmem:$0x1FBF0] =	vst v61;
	v61 =	vld [tilespmem:s28+$0x5380];
	_ =	sdelay $0x1  }
0xec: {  	[tilespmem:$0x1FE40] =	vst v0;
	v0 =	vld [tilespmem:s28+$0x54A0];
	_ =	sdelay $0x1  }
0xed: {  	[tilespmem:$0x1FD00] =	vst v1;
	v1 =	vld [tilespmem:s28+$0x5460]  }
0xee: {  	[tilespmem:$0x1FBC0] =	vst v61;
	v61 =	vld [tilespmem:s28+$0x8380];
	_ =	sdelay $0x1  }
0xef: {  	[tilespmem:$0x1FE10] =	vst v0;
	v0 =	vld [tilespmem:s28+$0x84A0];
	_ =	sdelay $0x1  }
0xf0: {  	[tilespmem:$0x1FD90] =	vst v1;
	v1 =	vld [tilespmem:s28+$0x8460]  }
0xf1: {  	[tilespmem:$0x1FC00] =	vst v61;
	v61 =	vld [tilespmem:s28+$0x5390];
	_ =	sdelay $0x1  }
0xf2: {  	[tilespmem:$0x1FE50] =	vst v0;
	v0 =	vld [tilespmem:s28+$0x54B0];
	_ =	sdelay $0x1  }
0xf3: {  	[tilespmem:$0x1FDD0] =	vst v1;
	v1 =	vld [tilespmem:s28+$0x5470]  }
0xf4: {  	[tilespmem:$0x1FC10] =	vst v61;
	v61 =	vld [tilespmem:s28+$0x8390];
	_ =	sdelay $0x1  }
0xf5: {  	[tilespmem:$0x1FE20] =	vst v0;
	v0 =	vld [tilespmem:s28+$0x84B0];
	_ =	sdelay $0x1  }
0xf6: {  	[tilespmem:$0x1FDA0] =	vst v1;
	v1 =	vld [tilespmem:s28+$0x84C0]  }
0xf7: {  	[tilespmem:$0x1FC50] =	vst v61;
	v61 =	vld [tilespmem:s28+$0x53A0]  }
0xf8: {  	v60 =	vld [tilespmem:s28+$0x82D0]  }
0xf9: {  	[tilespmem:$0x1FE60] =	vst v0;
	v0 =	vld [tilespmem:s28+$0x54C0];
	_ =	sdelay $0x1  }
0xfa: {  	[tilespmem:$0x1FE70] =	vst v1;
	v1 =	vld [tilespmem:s28+$0x54D0]  }
0xfb: {  	[tilespmem:$0x1FC20] =	vst v61;
	v61 =	vld [tilespmem:s28+$0x83A0]  }
0xfc: {  	[tilespmem:$0x1FAC0] =	vst v60;
	v2 =	vpop (erf)  }
0xfd: {  	v60 =	vld [tilespmem:s28+$0x52E0];
	[tilespmem:$0x1FE30] =	vst v0;
	v0 =	vbroadcast v2, $0x0;
	_ =	sdelay $0x1  }
0xfe: {  	[tilespmem:$0x1FE80] =	vst v1;
	v1 =	vmul.f32 v0, v3;
	v3 =	vld [tilespmem:s28+$0x84D0]  }
0xff: {  	[tilespmem:$0x1FC60] =	vst v61;
	v61 =	vld [tilespmem:s28+$0x53B0]  }
0x100: {  	v1 =	vmul.f32 v1, v5;
	v5 =	vld [tilespmem:s28+$0x84E0]  }
0x101: {  	[tilespmem:$0x1FAB0] =	vst v60;
	v60 =	vld [tilespmem:s28+$0x82E0]  }
0x102: {  	v56 =	vld [tilespmem:s28+$0x82C0]  }
0x103: {  	[tilespmem:$0x1FEB0] =	vst v3;
	v3 =	vld [tilespmem:s28+$0x54E0]  }
0x104: {  	v59 =	vld [tilespmem:s28+$0x52D0];
	[tilespmem:$0x1FC30] =	vst v61  }
0x105: {  	v61 =	vld [tilespmem:s28+$0x83B0];
	[tilespmem:$0x1FED0] =	vst v5;
	v5 =	vmul.f32 v7, v0  }
0x106: {  	[tilespmem:$0x1FAE0] =	vst v60;
	v60 =	vld [tilespmem:s28+$0x52F0]  }
0x107: {  	v4 =	vmul.f32 v4, v0;
	v5 =	vmul.f32 v13, v5;
	v13 =	vld [tilespmem:s28+$0x8500]  }
0x108: {  	[tilespmem:$0x1FE90] =	vst v3;
	v3 =	vmul.f32 v0, v6;
	v6 =	vld [tilespmem:s28+$0x54F0]  }
0x109: {  	v4 =	vmul.f32 v10, v4;
	v10 =	vld [tilespmem:s28+$0x5500]  }
0x10a: {  	[tilespmem:$0x1FC70] =	vst v61;
	v61 =	vld [tilespmem:s28+$0x53C0]  }
0x10b: {  	v3 =	vmul.f32 v3, v9;
	v9 =	vld [tilespmem:s28+$0x84F0]  }
0x10c: {  	v7 =	vbroadcast v2, $0x1;
	[tilespmem:$0x1FEF0] =	vst v13;
	v13 =	vmul.f32 v14, v0;
	v14 =	vld [tilespmem:s28+$0x5510]  }
0x10d: {  	[tilespmem:$0x1FEA0] =	vst v6;
	v6 =	vmul.f32 v8, v0;
	v8 =	vmul.f32 v16, v0;
	v16 =	vld [tilespmem:s28+$0x8510]  }
0x10e: {  	v0 =	vmul.f32 v15, v0;
	v15 =	vmul.f32 v12, v7;
	v12 =	vld [tilespmem:s28+$0x55F0]  }
0x10f: {  	v23 =	vmul.f32 v23, v7;
	[tilespmem:$0x1FC40] =	vst v61;
	v61 =	vld [tilespmem:s28+$0x83C0]  }
0x110: {  	v18 =	vmul.f32 v18, v7;
	[tilespmem:$0x1FEE0] =	vst v9;
	v9 =	vmul.f32 v21, v13;
	v21 =	vld [tilespmem:s28+$0x5520]  }
0x111: {  	v8 =	vmul.f32 v24, v8;
	v0 =	vmul.f32 v22, v0;
	v22 =	vld [tilespmem:s28+$0x8520]  }
0x112: {  	[tilespmem:$0x1FEC0] =	vst v10;
	v10 =	vmul.f32 v19, v15;
	v24 =	vmul.f32 v17, v7;
	v19 =	vld [tilespmem:s28+$0x8530]  }
0x113: {  	v17 =	vmul.f32 v20, v7;
	v20 =	vmul.f32 v27, v23;
	v27 =	vld [tilespmem:s28+$0x8550]  }
0x114: {  	[tilespmem:s28+$0x8120] =	vst v5;
	v5 =	vmul.f32 v26, v18;
	v23 =	vmul.f32 v29, v7;
	v29 =	vld [tilespmem:s28+$0x5560]  }
0x115: {  	v26 =	vmul.f32 v31, v7;
	v7 =	vmul.f32 v30, v7;
	v30 =	vld [tilespmem:s28+$0x8560]  }
0x116: {  	v15 =	vld [tilespmem:s28+$0x55E0]  }
0x117: {  	v13 =	vld [tilespmem:s28+$0x5630]  }
0x118: {  	v6 =	vmul.f32 v11, v6;
	v11 =	vmul.f32 v25, v24;
	v25 =	vld [tilespmem:s28+$0x5550]  }
0x119: {  	[tilespmem:$0x1FF00] =	vst v14;
	v14 =	vld [tilespmem:s28+$0x85F0]  }
0x11a: {  	v24 =	vbroadcast v2, $0x2;
	[tilespmem:s28+$0x8150] =	vst v8;
	v8 =	vld [tilespmem:s28+$0x5620]  }
0x11b: {  	[tilespmem:$0x1FF30] =	vst v16;
	v16 =	vld [tilespmem:s28+$0x5530]  }
0x11c: {  	[tilespmem:s28+$0x8140] =	vst v6;
	v6 =	vmul.f32 v53, v26;
	v53 =	vmul.f32 v35, v24;
	v35 =	vld [tilespmem:s28+$0x8590]  }
0x11d: {  	[tilespmem:s28+$0x8100] =	vst v1;
	v1 =	vmul.f32 v28, v17;
	v17 =	vmul.f32 v50, v24;
	v50 =	vld [tilespmem:s28+$0x55A0]  }
0x11e: {  	v7 =	vmul.f32 v34, v7;
	v34 =	vmul.f32 v54, v24;
	v54 =	vld [tilespmem:s28+$0x85A0]  }
0x11f: {  	[tilespmem:s28+$0x8130] =	vst v4;
	v28 =	vmul.f32 v32, v24;
	v32 =	vld [tilespmem:$0x1FAD0]  }
0x120: {  	[tilespmem:s28+$0x81E0] =	vst v6;
	v6 =	vld [tilespmem:s28+$0x5610]  }
0x121: {  	[tilespmem:$0x1FC80] =	vst v61;
	v61 =	vld [tilespmem:s28+$0x53D0]  }
0x122: {  	[tilespmem:$0x1FF10] =	vst v21;
	v21 =	vld [tilespmem:s28+$0x5540]  }
0x123: {  	[tilespmem:$0x1FF50] =	vst v22;
	v22 =	vld [tilespmem:s28+$0x8540]  }
0x124: {  	[tilespmem:$0x1FF60] =	vst v19;
	v19 =	vld [tilespmem:s28+$0x8570]  }
0x125: {  	[tilespmem:$0x1FFC0] =	vst v30;
	v30 =	vld [tilespmem:$0x1FAC0]  }
0x126: {  	v4 =	vmul.f32 v33, v23;
	[tilespmem:$0x1FFB0] =	vst v27;
	v27 =	vld [tilespmem:s28+$0x85E0]  }
0x127: {  	[tilespmem:s28+$0x8190] =	vst v20;
	v33 =	vmul.f32 v41, v24;
	v20 =	vmul.f32 v45, v53;
	v53 =	vld [tilespmem:s28+$0x5580]  }
0x128: {  	[tilespmem:s28+$0x8160] =	vst v9;
	v9 =	vmul.f32 v62, v17;
	v62 =	vld [tilespmem:s28+$0x8580]  }
0x129: {  	[tilespmem:s28+$0x81C0] =	vst v5;
	v23 =	vbroadcast v2, $0x3;
	v5 =	vmul.f32 v46, v33;
	v33 =	vld [tilespmem:s28+$0x55B0]  }
0x12a: {  	[tilespmem:s28+$0x8110] =	vst v3;
	v18 =	vmul.f32 v36, v24;
	v36 =	vmul.f32 v42, v24;
	v45 =	vld [tilespmem:s28+$0x85B0]  }
0x12b: {  	[tilespmem:s28+$0x8170] =	vst v0;
	v42 =	vmul.f32 v52, v23;
	v31 =	vmul.f32 v37, v28;
	v28 =	vld [tilespmem:s28+$0x85C0]  }
0x12c: {  	[tilespmem:s28+$0x8180] =	vst v10;
	v37 =	vmul.f32 v40, v23;
	v40 =	vld [tilespmem:s28+$0x85D0]  }
0x12d: {  	[tilespmem:s28+$0x81A0] =	vst v11;
	v52 =	vmul.f32 v58, v42;
	v42 =	vld [tilespmem:$0x1FB00]  }
0x12e: {  	[tilespmem:s28+$0x81B0] =	vst v1;
	v46 =	vld [tilespmem:$0x1FB20]  }
0x12f: {  	[tilespmem:s28+$0x81D0] =	vst v4;
	v10 =	vmul.f32 v39, v18;
	v39 =	vld [tilespmem:$0x1FB80]  }
0x130: {  	[tilespmem:s28+$0x81F0] =	vst v7;
	v18 =	vld [tilespmem:s28+$0x5640]  }
0x131: {  	[tilespmem:$0x1FF20] =	vst v16;
	v16 =	vld [tilespmem:s28+$0x5570]  }
0x132: {  	v7 =	vmul.f32 v43, v37;
	[tilespmem:s28+$0x8200] =	vst v31;
	v37 =	vld [tilespmem:$0x1FAF0]  }
0x133: {  	v4 =	vmul.f32 v47, v36;
	[tilespmem:s28+$0x8250] =	vst v5;
	v5 =	vld [tilespmem:s28+$0x5600]  }
0x134: {  	[tilespmem:s28+$0x8220] =	vst v9;
	v9 =	vld [tilespmem:s28+$0x8600]  }
0x135: {  	[tilespmem:s28+$0x8270] =	vst v4;
	v4 =	vld [tilespmem:s28+$0x8610]  }
0x136: {  	[tilespmem:s28+$0x8230] =	vst v10;
	v10 =	vld [tilespmem:s28+$0x8630]  }
0x137: {  	[tilespmem:s28+$0x8210] =	vst v20;
	v20 =	vld [tilespmem:s28+$0x8660]  }
0x138: {  	[tilespmem:$0x1FFE0] =	vst v35;
	v35 =	vld [tilespmem:$0x1FAE0]  }
0x139: {  	v3 =	vld [tilespmem:s28+$0x5730]  }
0x13a: {  	[tilespmem:$0x1FC90] =	vst v61;
	v61 =	vld [tilespmem:s28+$0x83D0]  }
0x13b: {  	v43 =	vmul.f32 v48, v23;
	[tilespmem:$0x1FFD0] =	vst v19;
	v19 =	vld [tilespmem:s28+$0x55C0]  }
0x13c: {  	v48 =	vmul.f32 v51, v23;
	[tilespmem:$0x1FF40] =	vst v21;
	v21 =	vmul.f32 v38, v24;
	v24 =	vld [tilespmem:s28+$0x55D0]  }
0x13d: {  	v11 =	vmul.f32 v55, v43;
	v43 =	vld [tilespmem:$0x1FB10]  }
0x13e: {  	v58 =	vmul.f32 v57, v48;
	v48 =	vld [tilespmem:$0x1FB30]  }
0x13f: {  	v17 =	vbroadcast v2, $0x4;
	v55 =	vld [tilespmem:$0x1FB50]  }
0x140: {  	v57 =	vld [tilespmem:$0x1FB60]  }
0x141: {  	v38 =	vmul.f32 v44, v34;
	v34 =	vmul.f32 v32, v17;
	v32 =	vld [tilespmem:$0x1FBB0]  }
0x142: {  	[tilespmem:s28+$0x8280] =	vst v7;
	v7 =	vld [tilespmem:s28+$0x8620]  }
0x143: {  	v47 =	vmul.f32 v46, v17;
	v46 =	vld [tilespmem:$0x1FC10]  }
0x144: {  	[tilespmem:$0x1FF70] =	vst v22;
	v22 =	vmul.f32 v63, v21;
	v63 =	vld [tilespmem:s28+$0x5590]  }
0x145: {  	v51 =	vmul.f32 v49, v23;
	v21 =	vmul.f32 v59, v23;
	v59 =	vld [tilespmem:$0x1FB70]  }
0x146: {  	[tilespmem:s28+$0x82A0] =	vst v11;
	v11 =	vld [tilespmem:s28+$0x8650]  }
0x147: {  	[tilespmem:$0x1FFA0] =	vst v16;
	v16 =	vmul.f32 v56, v51;
	v51 =	vld [tilespmem:$0x1FB40]  }
0x148: {  	[tilespmem:s28+$0x8240] =	vst v22;
	v22 =	vld [tilespmem:$0x1FAB0]  }
0x149: {  	v31 =	vmul.f32 v30, v21;
	v30 =	vld [tilespmem:$0x1FBA0]  }
0x14a: {  	v21 =	vmul.f32 v42, v34;
	v42 =	vld [tilespmem:$0x1FBE0]  }
0x14b: {  	[tilespmem:$0x1FCC0] =	vst v61;
	v61 =	vld [tilespmem:s28+$0x53E0]  }
0x14c: {  	[tilespmem:s28+$0x82C0] =	vst v16;
	v16 =	vld [tilespmem:$0x1FB90]  }
0x14d: {  	v44 =	vmul.f32 v43, v17;
	v43 =	vld [tilespmem:$0x1FBF0]  }
0x14e: {  	v0 =	vbroadcast v2, $0x9;
	v49 =	vmul.f32 v48, v17;
	v48 =	vld [tilespmem:$0x1FC20]  }
0x14f: {  	v56 =	vmul.f32 v55, v17;
	v55 =	vld [tilespmem:$0x1FC40]  }
0x150: {  	v53 =	vmul.f32 v53, v0;
	[tilespmem:s28+$0x82B0] =	vst v58;
	v58 =	vmul.f32 v57, v47;
	v57 =	vld [tilespmem:$0x1FC50]  }
0x151: {  	v50 =	vmul.f32 v50, v0;
	[tilespmem:s28+$0x8260] =	vst v38;
	v34 =	vmul.f32 v32, v17;
	v32 =	vld [tilespmem:s28+$0x56A0]  }
0x152: {  	v53 =	vmul.f32 v62, v53;
	v62 =	vld [tilespmem:s28+$0x5750]  }
0x153: {  	v50 =	vmul.f32 v54, v50;
	v19 =	vmul.f32 v19, v0;
	v54 =	vld [tilespmem:s28+$0x5760]  }
0x154: {  	v24 =	vmul.f32 v24, v0;
	v41 =	vmul.f32 v39, v56;
	v39 =	vld [tilespmem:$0x1FC70]  }
0x155: {  	[tilespmem:s28+$0x8290] =	vst v52;
	v19 =	vmul.f32 v28, v19;
	v28 =	vld [tilespmem:s28+$0x8760]  }
0x156: {  	v24 =	vmul.f32 v40, v24;
	v40 =	vld [tilespmem:s28+$0x5780]  }
0x157: {  	v52 =	vmul.f32 v51, v44;
	v44 =	vld [tilespmem:$0x1FC00]  }
0x158: {  	[tilespmem:$0x1FCA0] =	vst v61;
	v61 =	vld [tilespmem:s28+$0x83E0]  }
0x159: {  	v51 =	vld [tilespmem:$0x1FC30];
	v1 =	vmul.f32 v22, v23  }
0x15a: {  	v23 =	vmul.f32 v60, v23;
	v60 =	vmul.f32 v59, v49;
	v59 =	vld [tilespmem:$0x1FC60]  }
0x15b: {  	v22 =	vld [tilespmem:s28+$0x8670]  }
0x15c: {  	[tilespmem:$0x1FF90] =	vst v29;
	v29 =	vmul.f32 v16, v17;
	v16 =	vld [tilespmem:s28+$0x8640]  }
0x15d: {  	v26 =	vbroadcast v2, $0x5;
	[tilespmem:$0x1FCD0] =	vst v61;
	v61 =	vld [tilespmem:s28+$0x53F0]  }
0x15e: {  	[tilespmem:s28+$0x82D0] =	vst v31;
	v31 =	vmul.f32 v30, v17;
	v17 =	vld [tilespmem:s28+$0x5650]  }
0x15f: {  	v49 =	vmul.f32 v48, v26;
	v48 =	vld [tilespmem:$0x1FCC0]  }
0x160: {  	v56 =	vmul.f32 v55, v26;
	v55 =	vld [tilespmem:$0x1FCF0]  }
0x161: {  	v30 =	vmul.f32 v43, v34;
	v34 =	vld [tilespmem:s28+$0x86B0]  }
0x162: {  	[tilespmem:$0x1FCB0] =	vst v61;
	v61 =	vld [tilespmem:s28+$0x83F0]  }
0x163: {  	v36 =	vmul.f32 v35, v1;
	v35 =	vld [tilespmem:$0x1FBC0]  }
0x164: {  	v38 =	vmul.f32 v37, v23;
	v37 =	vld [tilespmem:$0x1FBD0]  }
0x165: {  	v23 =	vld [tilespmem:s28+$0x5670]  }
0x166: {  	v1 =	vld [tilespmem:$0x1FF90];
	[tilespmem:s28+$0x82E0] =	vst v36  }
0x167: {  	[tilespmem:$0x1FCE0] =	vst v61;
	v61 =	vld [tilespmem:s28+$0x5400]  }
0x168: {  	v36 =	vmul.f32 v35, v26;
	[tilespmem:s28+$0x8340] =	vst v41;
	v41 =	vld [tilespmem:$0x1FC80]  }
0x169: {  	[tilespmem:s28+$0x82F0] =	vst v38;
	v38 =	vmul.f32 v37, v29;
	v29 =	vmul.f32 v42, v31;
	v42 =	vld [tilespmem:$0x1FC90]  }
0x16a: {  	v47 =	vmul.f32 v46, v26;
	[tilespmem:s28+$0x8300] =	vst v21;
	v21 =	vld [tilespmem:s28+$0x5660]  }
0x16b: {  	[tilespmem:$0x1FF80] =	vst v25;
	v31 =	vmul.f32 v44, v36;
	v44 =	vld [tilespmem:$0x1FCA0]  }
0x16c: {  	v15 =	vmul.f32 v15, v0;
	[tilespmem:s28+$0x8320] =	vst v58;
	v58 =	vmul.f32 v57, v47;
	v47 =	vld [tilespmem:$0x1FCB0]  }
0x16d: {  	[tilespmem:s28+$0x8310] =	vst v52;
	v52 =	vmul.f32 v51, v26;
	v51 =	vld [tilespmem:$0x1FCD0]  }
0x16e: {  	v15 =	vmul.f32 v27, v15;
	[tilespmem:s28+$0x8370] =	vst v30;
	v30 =	vld [tilespmem:s28+$0x5680]  }
0x16f: {  	[tilespmem:s28+$0x85C0] =	vst v19;
	v19 =	vld [tilespmem:s28+$0x57C0]  }
0x170: {  	[tilespmem:s28+$0x85E0] =	vst v15;
	v15 =	vld [tilespmem:s28+$0x57D0]  }
0x171: {  	[tilespmem:s28+$0x8330] =	vst v60;
	v60 =	vmul.f32 v59, v49;
	v25 =	vmul.f32 v39, v52;
	v52 =	vld [tilespmem:$0x1FCE0]  }
0x172: {  	[tilespmem:s28+$0x8390] =	vst v58;
	v58 =	vld [tilespmem:$0x1FD10]  }
0x173: {  	[tilespmem:s28+$0x83A0] =	vst v60;
	v60 =	vld [tilespmem:$0x1FD20]  }
0x174: {  	v36 =	vbroadcast v2, $0x6;
	[tilespmem:s28+$0x8360] =	vst v29;
	v29 =	vld [tilespmem:s28+$0x5690]  }
0x175: {  	[tilespmem:s28+$0x83B0] =	vst v25;
	v25 =	vld [tilespmem:s28+$0x8690];
	v35 =	vmul.f32 v41, v56;
	v43 =	vmul.f32 v42, v26  }
0x176: {  	v46 =	vmul.f32 v44, v26;
	v26 =	vmul.f32 v47, v26;
	v56 =	vld [tilespmem:$0x1FD00]  }
0x177: {  	v47 =	vld [tilespmem:$0x1FD40]  }
0x178: {  	[tilespmem:s28+$0x8350] =	vst v38;
	v49 =	vmul.f32 v61, v36;
	v38 =	vmul.f32 v52, v26;
	v26 =	vld [tilespmem:s28+$0x8680]  }
0x179: {  	[tilespmem:s28+$0x8380] =	vst v31;
	v31 =	vmul.f32 v51, v46;
	v46 =	vld [tilespmem:$0x1FD30]  }
0x17a: {  	v39 =	vmul.f32 v55, v49;
	v49 =	vld [tilespmem:$0x1FD50]  }
0x17b: {  	v51 =	vld [tilespmem:$0x1FD60]  }
0x17c: {  	v52 =	vld [tilespmem:$0x1FD70]  }
0x17d: {  	v55 =	vld [tilespmem:$0x1FD80]  }
0x17e: {  	v61 =	vmul.f32 v60, v36;
	v60 =	vld [tilespmem:$0x1FDB0]  }
0x17f: {  	v37 =	vmul.f32 v48, v43;
	[tilespmem:s28+$0x83C0] =	vst v35;
	v35 =	vld [tilespmem:s28+$0x56B0]  }
0x180: {  	[tilespmem:s28+$0x83E0] =	vst v31;
	v31 =	vld [tilespmem:s28+$0x86A0]  }
0x181: {  	[tilespmem:s28+$0x83D0] =	vst v37;
	v37 =	vld [tilespmem:s28+$0x86C0];
	v57 =	vmul.f32 v56, v36  }
0x182: {  	v59 =	vmul.f32 v58, v36;
	[tilespmem:s28+$0x83F0] =	vst v38;
	v38 =	vld [tilespmem:s28+$0x56D0]  }
0x183: {  	v48 =	vmul.f32 v47, v36;
	v41 =	vmul.f32 v46, v57;
	v57 =	vld [tilespmem:$0x1FD90]  }
0x184: {  	v43 =	vmul.f32 v49, v59;
	v59 =	vld [tilespmem:$0x1FDA0]  }
0x185: {  	v42 =	vmul.f32 v52, v48;
	v48 =	vld [tilespmem:$0x1FDC0]  }
0x186: {  	v49 =	vld [tilespmem:$0x1FDD0]  }
0x187: {  	v44 =	vmul.f32 v51, v61;
	v51 =	vld [tilespmem:$0x1FDE0]  }
0x188: {  	v52 =	vld [tilespmem:$0x1FDF0]  }
0x189: {  	v56 =	vmul.f32 v55, v36;
	v55 =	vld [tilespmem:$0x1FE00]  }
0x18a: {  	v46 =	vbroadcast v2, $0x7;
	[tilespmem:s28+$0x8410] =	vst v41;
	v41 =	vld [tilespmem:s28+$0x56C0]  }
0x18b: {  	[tilespmem:s28+$0x8400] =	vst v39;
	v39 =	vmul.f32 v48, v56;
	v56 =	vld [tilespmem:$0x1FE10]  }
0x18c: {  	v61 =	vmul.f32 v60, v46;
	v60 =	vld [tilespmem:$0x1FE30];
	v58 =	vmul.f32 v57, v36  }
0x18d: {  	[tilespmem:s28+$0x8440] =	vst v42;
	v42 =	vld [tilespmem:s28+$0x56E0];
	v36 =	vmul.f32 v59, v36  }
0x18e: {  	v47 =	vmul.f32 v49, v58;
	v58 =	vld [tilespmem:$0x1FE20]  }
0x18f: {  	v48 =	vmul.f32 v51, v36;
	v36 =	vmul.f32 v55, v46;
	v55 =	vld [tilespmem:$0x1FE40]  }
0x190: {  	v57 =	vmul.f32 v56, v46;
	v56 =	vld [tilespmem:$0x1FE50]  }
0x191: {  	[tilespmem:s28+$0x8430] =	vst v44;
	v44 =	vld [tilespmem:s28+$0x56F0]  }
0x192: {  	v49 =	vmul.f32 v52, v61;
	v61 =	vmul.f32 v60, v46;
	v60 =	vld [tilespmem:$0x1FE90]  }
0x193: {  	v59 =	vmul.f32 v58, v46;
	v58 =	vld [tilespmem:$0x1FE70]  }
0x194: {  	[tilespmem:s28+$0x8450] =	vst v39;
	v39 =	vld [tilespmem:s28+$0x86E0]  }
0x195: {  	v52 =	vmul.f32 v55, v36;
	v55 =	vmul.f32 v56, v57;
	v57 =	vld [tilespmem:$0x1FE60]  }
0x196: {  	[tilespmem:s28+$0x8470] =	vst v48;
	v48 =	vld [tilespmem:$0x1FEA0]  }
0x197: {  	[tilespmem:s28+$0x8460] =	vst v47;
	v47 =	vld [tilespmem:$0x1FEF0]  }
0x198: {  	v51 =	vmul.f32 v58, v61;
	v61 =	vmul.f32 v60, v46;
	v60 =	vld [tilespmem:$0x1FED0]  }
0x199: {  	v36 =	vld [tilespmem:s28+$0x86D0]  }
0x19a: {  	v56 =	vmul.f32 v57, v59;
	v59 =	vld [tilespmem:$0x1FE80]  }
0x19b: {  	[tilespmem:s28+$0x8420] =	vst v43;
	v58 =	vld [tilespmem:$0x1FEB0]  }
0x19c: {  	[tilespmem:s28+$0x84C0] =	vst v51;
	v51 =	vld [tilespmem:$0x1FF40]  }
0x19d: {  	[tilespmem:s28+$0x8490] =	vst v52;
	v52 =	vmul.f32 v60, v61;
	v61 =	vld [tilespmem:$0x1FEE0]  }
0x19e: {  	[tilespmem:s28+$0x84B0] =	vst v56;
	v56 =	vld [tilespmem:$0x1FF10]  }
0x19f: {  	[tilespmem:s28+$0x84E0] =	vst v52;
	v52 =	vld [tilespmem:$0x1FF70];
	v43 =	vmul.f32 v59, v46  }
0x1a0: {  	v59 =	vld [tilespmem:$0x1FEC0]  }
0x1a1: {  	v57 =	vbroadcast v2, $0x8;
	v60 =	vld [tilespmem:$0x1FF20];
	v58 =	vmul.f32 v58, v43  }
0x1a2: {  	v46 =	vmul.f32 v48, v46;
	v48 =	vld [tilespmem:s28+$0x5700]  }
0x1a3: {  	v51 =	vmul.f32 v51, v57;
	[tilespmem:s28+$0x84D0] =	vst v58;
	v58 =	vld [tilespmem:$0x1FF50]  }
0x1a4: {  	v43 =	vld [tilespmem:s28+$0x86F0]  }
0x1a5: {  	[tilespmem:s28+$0x8480] =	vst v49;
	v52 =	vmul.f32 v52, v51;
	v51 =	vld [tilespmem:s28+$0x8720];
	v49 =	vmul.f32 v59, v57  }
0x1a6: {  	v56 =	vmul.f32 v56, v57;
	v59 =	vmul.f32 v61, v46;
	v46 =	vld [tilespmem:s28+$0x8700]  }
0x1a7: {  	[tilespmem:s28+$0x84A0] =	vst v55;
	v55 =	vmul.f32 v47, v49;
	v49 =	vld [tilespmem:$0x1FF00]  }
0x1a8: {  	v56 =	vmul.f32 v58, v56;
	v58 =	vld [tilespmem:$0x1FF60]  }
0x1a9: {  	v61 =	vld [tilespmem:$0x1FF30]  }
0x1aa: {  	[tilespmem:s28+$0x8540] =	vst v52;
	v52 =	vld [tilespmem:s28+$0x8750]  }
0x1ab: {  	v60 =	vmul.f32 v60, v57;
	[tilespmem:s28+$0x84F0] =	vst v59;
	v59 =	vld [tilespmem:$0x1FF80]  }
0x1ac: {  	[tilespmem:s28+$0x8500] =	vst v55;
	v55 =	vld [tilespmem:$0x1FFA0]  }
0x1ad: {  	[tilespmem:s28+$0x8520] =	vst v56;
	v56 =	vld [tilespmem:$0x1FFD0];
	v47 =	vmul.f32 v49, v57;
	v58 =	vmul.f32 v58, v60  }
0x1ae: {  	v49 =	vld [tilespmem:s28+$0x5710]  }
0x1af: {  	v61 =	vmul.f32 v61, v47;
	[tilespmem:s28+$0x8530] =	vst v58;
	v58 =	vmul.f32 v63, v0;
	v63 =	vld [tilespmem:$0x1FFE0]  }
0x1b0: {  	v47 =	vld [tilespmem:s28+$0x8710]  }
0x1b1: {  	v55 =	vmul.f32 v55, v57;
	[tilespmem:s28+$0x8510] =	vst v61;
	v61 =	vld [tilespmem:$0x1FFB0]  }
0x1b2: {  	v33 =	vmul.f32 v33, v0;
	v1 =	vmul.f32 v1, v57;
	v60 =	vld [tilespmem:s28+$0x5720]  }
0x1b3: {  	v59 =	vmul.f32 v59, v57;
	v57 =	vld [tilespmem:s28+$0x8730];
	v55 =	vmul.f32 v56, v55  }
0x1b4: {  	[tilespmem:s28+$0x8580] =	vst v53;
	v56 =	vld [tilespmem:s28+$0x8740];
	v0 =	vmul.f32 v12, v0;
	v58 =	vmul.f32 v63, v58  }
0x1b5: {  	[tilespmem:s28+$0x85A0] =	vst v50;
	v12 =	vld [tilespmem:s28+$0x8770];
	v63 =	vmul.f32 v45, v33;
	v33 =	vbroadcast v2, $0xA  }
0x1b6: {  	[tilespmem:s28+$0x85D0] =	vst v24;
	v0 =	vmul.f32 v14, v0;
	v14 =	vld [tilespmem:s28+$0x8780];
	v59 =	vmul.f32 v61, v59  }
0x1b7: {  	v61 =	vld [tilespmem:$0x1FFC0];
	v5 =	vmul.f32 v5, v33;
	[tilespmem:s28+$0x85B0] =	vst v63;
	v63 =	vmul.f32 v6, v33  }
0x1b8: {  	[tilespmem:s28+$0x8570] =	vst v55;
	v45 =	vld [tilespmem:s28+$0x5770];
	v8 =	vmul.f32 v8, v33;
	v27 =	vmul.f32 v13, v33  }
0x1b9: {  	[tilespmem:s28+$0x8590] =	vst v58;
	v6 =	vld [tilespmem:s28+$0x5790];
	v50 =	vmul.f32 v18, v33;
	v58 =	vbroadcast v2, $0xB  }
0x1ba: {  	[tilespmem:s28+$0x8550] =	vst v59;
	v13 =	vld [tilespmem:s28+$0x8790];
	v59 =	vmul.f32 v9, v5;
	v4 =	vmul.f32 v4, v63  }
0x1bb: {  	[tilespmem:s28+$0x85F0] =	vst v0;
	v18 =	vld [tilespmem:s28+$0x57A0];
	v7 =	vmul.f32 v7, v8;
	v53 =	vmul.f32 v10, v27  }
0x1bc: {  	v9 =	vld [tilespmem:s28+$0x87A0];
	v55 =	vmul.f32 v16, v50;
	v63 =	vmul.f32 v21, v33;
	[tilespmem:s28+$0x8600] =	vst v59  }
0x1bd: {  	v10 =	vld [tilespmem:s28+$0x57B0];
	v21 =	vmul.f32 v23, v33;
	v23 =	vmul.f32 v30, v58;
	[tilespmem:s28+$0x8610] =	vst v4  }
0x1be: {  	v16 =	vld [tilespmem:s28+$0x87B0];
	v29 =	vmul.f32 v29, v58;
	v30 =	vmul.f32 v32, v58;
	[tilespmem:s28+$0x8620] =	vst v7  }
0x1bf: {  	v32 =	vmul.f32 v35, v58;
	v1 =	vmul.f32 v61, v1;
	v61 =	vld [tilespmem:s28+$0x5740];
	[tilespmem:s28+$0x8630] =	vst v53  }
0x1c0: {  	v38 =	vmul.f32 v38, v58;
	v24 =	vmul.f32 v20, v63;
	[tilespmem:s28+$0x8640] =	vst v55;
	v20 =	vld [tilespmem:s28+$0x87D0]  }
0x1c1: {  	v5 =	vmul.f32 v44, v58;
	v4 =	vmul.f32 v22, v21;
	v22 =	vld [tilespmem:s28+$0x57E0];
	[tilespmem:s28+$0x8560] =	vst v1  }
0x1c2: {  	v59 =	vmul.f32 v17, v33;
	v27 =	vmul.f32 v26, v23;
	v17 =	vld [tilespmem:s28+$0x87E0];
	[tilespmem:s28+$0x8660] =	vst v24  }
0x1c3: {  	v33 =	vmul.f32 v41, v58;
	v0 =	vmul.f32 v25, v29;
	v21 =	vld [tilespmem:s28+$0x57F0];
	[tilespmem:s28+$0x8670] =	vst v4  }
0x1c4: {  	v35 =	vmul.f32 v31, v30;
	v23 =	vbroadcast v2, $0xC;
	v25 =	vld [tilespmem:s28+$0x5800];
	[tilespmem:s28+$0x8680] =	vst v27  }
0x1c5: {  	v41 =	vmul.f32 v42, v58;
	v42 =	vmul.f32 v36, v38;
	v26 =	vld [tilespmem:s28+$0x8800];
	[tilespmem:s28+$0x8690] =	vst v0  }
0x1c6: {  	v29 =	vld [tilespmem:s28+$0x5820];
	v63 =	vbroadcast v2, $0xD;
	v1 =	vmul.f32 v11, v59;
	[tilespmem:s28+$0x86A0] =	vst v35  }
0x1c7: {  	v30 =	vld [tilespmem:s28+$0x8820];
	v37 =	vmul.f32 v37, v33;
	v44 =	vmul.f32 v48, v23;
	[tilespmem:s28+$0x86D0] =	vst v42  }
0x1c8: {  	v7 =	vld [tilespmem:s28+$0x5830];
	v0 =	vmul.f32 v39, v41;
	v48 =	vmul.f32 v43, v5;
	[tilespmem:s28+$0x8650] =	vst v1  }
0x1c9: {  	v31 =	vld [tilespmem:s28+$0x8830];
	v53 =	vmul.f32 v49, v23;
	v55 =	vmul.f32 v60, v23;
	[tilespmem:s28+$0x86C0] =	vst v37  }
0x1ca: {  	v38 =	vld [tilespmem:s28+$0x5840];
	v3 =	vmul.f32 v3, v23;
	v1 =	vmul.f32 v34, v32;
	[tilespmem:s28+$0x86E0] =	vst v0  }
0x1cb: {  	v11 =	vld [tilespmem:s28+$0x87C0];
	v36 =	vmul.f32 v62, v23;
	v50 =	vmul.f32 v46, v44;
	[tilespmem:s28+$0x86F0] =	vst v48  }
0x1cc: {  	v24 =	vld [tilespmem:s28+$0x87F0];
	v39 =	vmul.f32 v45, v23;
	v58 =	vmul.f32 v47, v53;
	[tilespmem:s28+$0x86B0] =	vst v1  }
0x1cd: {  	v5 =	vld [tilespmem:s28+$0x5810];
	v41 =	vmul.f32 v40, v63;
	v60 =	vmul.f32 v51, v55;
	[tilespmem:s28+$0x8700] =	vst v50  }
0x1ce: {  	v27 =	vld [tilespmem:s28+$0x8810];
	v59 =	vmul.f32 v61, v23;
	v3 =	vmul.f32 v57, v3;
	[tilespmem:s28+$0x8710] =	vst v58  }
0x1cf: {  	v42 =	vld [tilespmem:s28+$0x8840];
	v37 =	vmul.f32 v54, v23;
	v0 =	vmul.f32 v52, v36;
	[tilespmem:s28+$0x8720] =	vst v60  }
0x1d0: {  	v49 =	vld [tilespmem:s28+$0x5860];
	v45 =	vmul.f32 v14, v41;
	v47 =	vmul.f32 v6, v63;
	[tilespmem:s28+$0x8730] =	vst v3  }
0x1d1: {  	v33 =	vld [tilespmem:s28+$0x88B0];
	v48 =	vmul.f32 v18, v63;
	v61 =	vmul.f32 v56, v59;
	[tilespmem:s28+$0x8750] =	vst v0  }
0x1d2: {  	v44 =	vld [tilespmem:s28+$0x5850];
	v51 =	vmul.f32 v19, v63;
	v43 =	vmul.f32 v28, v37;
	[tilespmem:s28+$0x8780] =	vst v45  }
0x1d3: {  	v46 =	vld [tilespmem:s28+$0x8850];
	v57 =	vmul.f32 v15, v63;
	v1 =	vmul.f32 v12, v39;
	[tilespmem:s28+$0x8740] =	vst v61  }
0x1d4: {  	v52 =	vld [tilespmem:s28+$0x8860];
	v8 =	vmul.f32 v21, v63;
	v0 =	vmul.f32 v13, v47;
	[tilespmem:s28+$0x8760] =	vst v43  }
0x1d5: {  	v54 =	vld [tilespmem:s28+$0x5870];
	v50 =	vmul.f32 v10, v63;
	v53 =	vmul.f32 v9, v48;
	[tilespmem:s28+$0x8770] =	vst v1  }
0x1d6: {  	v21 =	vld [tilespmem:s28+$0x8890];
	v58 =	vbroadcast v2, $0xE;
	v55 =	vmul.f32 v11, v51;
	[tilespmem:s28+$0x8790] =	vst v0  }
0x1d7: {  	v56 =	vld [tilespmem:s28+$0x8870];
	v60 =	vmul.f32 v22, v63;
	v3 =	vmul.f32 v16, v50;
	[tilespmem:s28+$0x87A0] =	vst v53  }
0x1d8: {  	v59 =	vld [tilespmem:s28+$0x5880];
	v2 =	vbroadcast v2, $0xF;
	v0 =	vmul.f32 v20, v57;
	[tilespmem:s28+$0x87C0] =	vst v55  }
0x1d9: {  	v63 =	vld [tilespmem:s28+$0x5890];
	v62 =	vmul.f32 v25, v58;
	v1 =	vmul.f32 v17, v60;
	[tilespmem:s28+$0x87B0] =	vst v3  }
0x1da: {  	v37 =	vld [tilespmem:s28+$0x58C0];
	v20 =	vmul.f32 v24, v8;
	v23 =	vmul.f32 v5, v58;
	[tilespmem:s28+$0x87D0] =	vst v0  }
0x1db: {  	v39 =	vld [tilespmem:s28+$0x88C0];
	v25 =	vmul.f32 v29, v58;
	v22 =	vmul.f32 v26, v62;
	[tilespmem:s28+$0x87E0] =	vst v1  }
0x1dc: {  	v47 =	vld [tilespmem:s28+$0x58E0];
	v7 =	vmul.f32 v7, v58;
	[tilespmem:s28+$0x87F0] =	vst v20;
	v3 =	vmul.f32 v27, v23  }
0x1dd: {  	v61 =	vld [tilespmem:s28+$0x8880];
	v36 =	vmul.f32 v44, v58;
	v30 =	vmul.f32 v30, v25;
	[tilespmem:s28+$0x8800] =	vst v22  }
0x1de: {  	v24 =	vld [tilespmem:s28+$0x58A0];
	v41 =	vmul.f32 v54, v58;
	v32 =	vmul.f32 v31, v7;
	[tilespmem:s28+$0x8810] =	vst v3  }
0x1df: {  	v29 =	vld [tilespmem:s28+$0x58B0];
	v27 =	vmul.f32 v38, v58;
	v40 =	vmul.f32 v46, v36;
	[tilespmem:s28+$0x8820] =	vst v30  }
0x1e0: {  	v53 =	vld [tilespmem:s28+$0x88E0];
	v38 =	vmul.f32 v49, v58;
	v45 =	vmul.f32 v56, v41;
	[tilespmem:s28+$0x8830] =	vst v32  }
0x1e1: {  	v26 =	vld [tilespmem:s28+$0x88A0];
	v43 =	vmul.f32 v59, v2;
	v35 =	vmul.f32 v42, v27;
	[tilespmem:s28+$0x8850] =	vst v40  }
0x1e2: {  	v46 =	vmul.f32 v63, v2;
	v42 =	vld [tilespmem:s28+$0x58D0];
	v0 =	vmul.f32 v52, v38;
	[tilespmem:s28+$0x8870] =	vst v45  }
0x1e3: {  	v50 =	vld [tilespmem:s28+$0x58F0];
	v55 =	vmul.f32 v37, v2;
	v48 =	vmul.f32 v61, v43;
	[tilespmem:s28+$0x8840] =	vst v35  }
0x1e4: {  	v44 =	vld [tilespmem:s28+$0x88D0];
	v60 =	vmul.f32 v47, v2;
	v51 =	vmul.f32 v21, v46;
	[tilespmem:s28+$0x8860] =	vst v0  }
0x1e5: {  	v56 =	vld [tilespmem:s28+$0x88F0];
	v49 =	vmul.f32 v24, v2;
	v59 =	vmul.f32 v39, v55;
	[tilespmem:s28+$0x8880] =	vst v48  }
0x1e6: {  	v52 =	vmul.f32 v29, v2;
	v62 =	vmul.f32 v53, v60;
	[tilespmem:s28+$0x8890] =	vst v51  }
0x1e7: {  	p1 =	sne.s32 s18, $0x5;
	v54 =	vmul.f32 v26, v49;
	[tilespmem:s28+$0x88C0] =	vst v59;
	v58 =	vmul.f32 v42, v2  }
.Ltmp1:
0x1e8: {  	v57 =	vmul.f32 v33, v52;
	[tilespmem:s28+$0x88E0] =	vst v62;
	v2 =	vmul.f32 v50, v2;
	(pc) =	sbr.rel @p1 .LBB2_5-.Ltmp1, $4  }
0x1e9: {  	[tilespmem:s28+$0x88A0] =	vst v54;
	v61 =	vmul.f32 v44, v58  }
0x1ea: {  	[tilespmem:s28+$0x88B0] =	vst v57;
	v63 =	vmul.f32 v56, v2  }
0x1eb: {  	[tilespmem:s28+$0x88D0] =	vst v61  }
0x1ec: {  	s18 =	sadd.s32 $0x1, s18;
	[tilespmem:s28+$0x88F0] =	vst v63  }
0x1ed: {  	s17 =	sadd.s32 $0x1, s17  }
0x1ee: {  	p1 =	sne.s32 s17, $0x69  }
.Ltmp2:
0x1ef: {  	_ = 	snop;
	(pc) =	sbr.rel @p1 .LBB2_4-.Ltmp2, $4  }
0x1f0: {  	[spmem:s2] =	stream.indirect.scatter.add.f32 [tilespmem:s0], [sflag:$0x2], $0x80, s6, s8, $0xb8;
	[tilespmem:$0x1E980] =	vst v63  }
0x1f1: {  	_ =	swait.ge [sflag:s30], $0x3000  }
0x1f2: {  	[sflag:s30] =	ssyncset.done $0x0  }
0x1f3: {  	[sflag:s30] =	ssyncadd.s32 $0xFFFFD000  }
0x1f4: {  	[bflag:$0x0] =	sbarrier.arrive $0xFFFF  }
0x1f5: {  	s13 =	rddreg [dreg:$0xe]  }
0x1f6: {  	[tilespmem:s0], [sflag:$0x2] =	stream.linear.gather [spmem:s13], $0x2800, $0x38;
	[tilespmem:$0x1E980] =	vst v63  }
0x1f7: {  	_ =	swait.ge [sflag:s30], $0x2800  }
0x1f8: {  	[sflag:s30] =	ssyncset.done $0x0  }
0x1f9: {  	s17 =	rddreg [dreg:$0x4];
	[sflag:s30] =	ssyncadd.s32 $0xFFFFD800  }
0x1fa: {  	[hbm4b:s17+s3] =	stream.linear.scatter [tilespmem:s0], [sflag:$0x2], $0x2800, $0x38;
	[tilespmem:$0x1E980] =	vst v63  }
0x1fb: {  	_ =	swait.ge [sflag:s30], $0x2800  }
0x1fc: {  	[sflag:s30] =	ssyncset.done $0x0  }
0x1fd: {  	[sflag:s30] =	ssyncadd.s32 $0xFFFFD800  }
0x1fe: {  	[tilespmem:s0], [sflag:$0x2] =	stream.linear.gather [spmem:s20], $0x2800, $0x38;
	[tilespmem:$0x1E980] =	vst v63  }
0x1ff: {  	_ =	swait.ge [sflag:s30], $0x2800  }
0x200: {  	[sflag:s30] =	ssyncset.done $0x0  }
0x201: {  	s18 =	rddreg [dreg:$0x5];
	[sflag:s30] =	ssyncadd.s32 $0xFFFFD800  }
0x202: {  	[hbm4b:s18+s3] =	stream.linear.scatter [tilespmem:s0], [sflag:$0x2], $0x2800, $0x38;
	[tilespmem:$0x1E980] =	vst v63  }
0x203: {  	_ =	swait.ge [sflag:s30], $0x2800  }
0x204: {  	[sflag:s30] =	ssyncset.done $0x0  }
0x205: {  	[sflag:s30] =	ssyncadd.s32 $0xFFFFD800  }
0x206: {  	[tilespmem:s0], [sflag:$0x2] =	stream.linear.gather [spmem:s21], $0x2800, $0x38;
	[tilespmem:$0x1E980] =	vst v63  }
0x207: {  	_ =	swait.ge [sflag:s30], $0x2800  }
0x208: {  	[sflag:s30] =	ssyncset.done $0x0  }
0x209: {  	s19 =	rddreg [dreg:$0x6];
	[sflag:s30] =	ssyncadd.s32 $0xFFFFD800  }
0x20a: {  	[hbm4b:s19+s3] =	stream.linear.scatter [tilespmem:s0], [sflag:$0x2], $0x2800, $0x38;
	[tilespmem:$0x1E980] =	vst v63  }
0x20b: {  	_ =	swait.ge [sflag:s30], $0x2800  }
0x20c: {  	[sflag:s30] =	ssyncset.done $0x0  }
0x20d: {  	[sflag:s30] =	ssyncadd.s32 $0xFFFFD800  }
0x20e: {  	[tilespmem:s0], [sflag:$0x2] =	stream.linear.gather [spmem:s22], $0x2800, $0x38;
	[tilespmem:$0x1E980] =	vst v63  }
0x20f: {  	_ =	swait.ge [sflag:s30], $0x2800  }
0x210: {  	[sflag:s30] =	ssyncset.done $0x0  }
0x211: {  	s28 =	rddreg [dreg:$0x7];
	[sflag:s30] =	ssyncadd.s32 $0xFFFFD800  }
0x212: {  	[hbm4b:s28+s3] =	stream.linear.scatter [tilespmem:s0], [sflag:$0x2], $0x2800, $0x38;
	[tilespmem:$0x1E980] =	vst v63  }
0x213: {  	_ =	swait.ge [sflag:s30], $0x2800  }
0x214: {  	[sflag:s30] =	ssyncset.done $0x0  }
0x215: {  	[sflag:s30] =	ssyncadd.s32 $0xFFFFD800  }
0x216: {  	[tilespmem:s0], [sflag:$0x2] =	stream.linear.gather [spmem:s23], $0x2800, $0x38;
	[tilespmem:$0x1E980] =	vst v63  }
0x217: {  	_ =	swait.ge [sflag:s30], $0x2800  }
0x218: {  	[sflag:s30] =	ssyncset.done $0x0  }
0x219: {  	s17 =	rddreg [dreg:$0x8];
	[sflag:s30] =	ssyncadd.s32 $0xFFFFD800  }
0x21a: {  	[hbm4b:s17+s3] =	stream.linear.scatter [tilespmem:s0], [sflag:$0x2], $0x2800, $0x38;
	[tilespmem:$0x1E980] =	vst v63  }
0x21b: {  	_ =	swait.ge [sflag:s30], $0x2800  }
0x21c: {  	[sflag:s30] =	ssyncset.done $0x0  }
0x21d: {  	[sflag:s30] =	ssyncadd.s32 $0xFFFFD800  }
0x21e: {  	[tilespmem:s0], [sflag:$0x2] =	stream.linear.gather [spmem:s24], $0x2800, $0x38;
	[tilespmem:$0x1E980] =	vst v63  }
0x21f: {  	_ =	swait.ge [sflag:s30], $0x2800  }
0x220: {  	[sflag:s30] =	ssyncset.done $0x0  }
0x221: {  	s18 =	rddreg [dreg:$0x9];
	[sflag:s30] =	ssyncadd.s32 $0xFFFFD800  }
0x222: {  	[hbm4b:s18+s3] =	stream.linear.scatter [tilespmem:s0], [sflag:$0x2], $0x2800, $0x38;
	[tilespmem:$0x1E980] =	vst v63  }
0x223: {  	_ =	swait.ge [sflag:s30], $0x2800  }
0x224: {  	[sflag:s30] =	ssyncset.done $0x0  }
0x225: {  	[sflag:s30] =	ssyncadd.s32 $0xFFFFD800  }
0x226: {  	[tilespmem:s0], [sflag:$0x2] =	stream.linear.gather [spmem:s25], $0x2800, $0x38;
	[tilespmem:$0x1E980] =	vst v63  }
0x227: {  	_ =	swait.ge [sflag:s30], $0x2800  }
0x228: {  	[sflag:s30] =	ssyncset.done $0x0  }
0x229: {  	s19 =	rddreg [dreg:$0xa];
	[sflag:s30] =	ssyncadd.s32 $0xFFFFD800  }
0x22a: {  	[hbm4b:s19+s3] =	stream.linear.scatter [tilespmem:s0], [sflag:$0x2], $0x2800, $0x38;
	[tilespmem:$0x1E980] =	vst v63  }
0x22b: {  	_ =	swait.ge [sflag:s30], $0x2800  }
0x22c: {  	[sflag:s30] =	ssyncset.done $0x0  }
0x22d: {  	s13 =	simm.s32 @!p0 $0x8100;
	s17 =	simm.s32 @!p0 $0x2;
	[sflag:s30] =	ssyncadd.s32 $0xFFFFD800  }
0x22e: {  	[tilespmem:s13], [sflag:$0x2] =	stream.linear.gather @!p0 [spmem:s26], $0x2800, $0x38;
	[tilespmem:$0x1E980] =	vst v63  }
0x22f: {  	_ =	swait.ge @!p0 [sflag:s17], $0x2800  }
0x230: {  	[sflag:s17] =	ssyncset.done @!p0 $0x0  }
0x231: {  	s18 =	simm.s32 @!p0 $0x0;
	s19 =	rddreg [dreg:$0xb];
	[sflag:s17] =	ssyncadd.s32 @!p0 $0xFFFFD800  }
0x232: {  	[hbm4b:s19+s18] =	stream.linear.scatter @!p0 [tilespmem:s13], [sflag:$0x2], $0x2800, $0x38;
	[tilespmem:$0x1E980] =	vst v63  }
0x233: {  	_ =	swait.ge @!p0 [sflag:s17], $0x2800  }
0x234: {  	s12 =	sadd.s32 $0x1, s12;
	s28 =	rddreg [dreg:$0xf]  }
0x235: {  	p1 =	sne.s32 s12, s28  }
.Ltmp3:
0x236: {  	_ = 	snop;
	(pc) =	sbr.rel @p1 .LBB2_1-.Ltmp3, $3  }
0x237: {  	_ =	sdelay $0x1  }
0x238: {  	[sflag:s17] =	ssyncset.done @!p0 $0x0  }
0x239: {  	v0 =	vimm.f32 $0.0e+00;
	[sflag:s17] =	ssyncadd.s32 @!p0 $0xFFFFD800  }
0x23a: {  	_ =	sfence.sel $0x180000  }
0x23b: {  	[bflag:$0x0] =	sbarrier.arrive $0xFFFF  }
0x23c: {  	_ =	strace $0x90000047  }
0x23d: {  	s0 =	stileid.u32;
	[bflag:$0x2] =	sbarrier.arrive $0xFFFF  }
0x23e: {  	p0 =	sne.s32 s0, $0x0;
	s0 =	rddreg [dreg:$0x3]  }
0x23f: {  	s0 =	sadd.s32 @!p0 $0x100000, s0  }
0x240: {  	[sflag:s0] =	ssyncadd.tile.s32 @!p0 $0x1;
	_ =	shalt  }
.Lfunc_end2:
_tile_overlayer_lowered:
.L_overlay_start_2:
0x241: {  	(tag) =	ssettag $0x2  }
0x242: {  	s0 =	rddreg [dreg:$0x0];
	s2 =	stileid.u32  }
0x243: {  	s1 =	rddreg [dreg:$0x1];
	p0 =	sne.s32 s2, $0x0  }
0x244: {  	s3 =	rddreg [dreg:$0x2];
	[bflag:$0x3] =	sbarrier.arrive $0xFFFF;
	s2 =	simm.s32 @!p0 $0x1C02  }
0x245: {  	[timem:s3], [sflag:s2] =	dma.local @!p0 [hbm:s0], s1  }
0x246: {  	s0 =	simm.s32 @!p0 $0x2  }
0x247: {  	_ =	swait.ge @!p0 [sflag:s0], s1  }
0x248: {  	s1 =	ssub.s32 @!p0 $0x0, s1;
	[sflag:s0] =	ssyncset.done @!p0 $0x0  }
0x249: {  	[sflag:s0] =	ssyncadd.s32 @!p0 s1  }
0x24a: {  	[bflag:$0x3] =	sbarrier.arrive $0xFFFF  }
0x24b: {  	_ =	shalt  }

</sc_bundles>
